<compile_context>
chip_gen: v7x
topology: tpu7x:2x2x1
jax: 0.10.2.dev20260603
libtpu: 0.0.44.dev20260713+nightly
codegen_flags: <defaults>
</compile_context>

<pallas_src>
import functools

import jax
import jax.numpy as jnp
from jax import lax
from jax.experimental import pallas as pl
from jax.experimental.pallas import tpu as pltpu
from jax.experimental.pallas import tpu_sc as plsc

VOCAB = 100000
D = 128
B = 16384
NEG = 20
L = 16
NC = 2
NS = 16
NW = NC * NS
PW = B // NW
C = 16
NCHUNK = PW // C
SGRP = 24
SCOL = SGRP * L
NSPLIT = 4
NSUB = C * NEG // NSPLIT
TCBLK = 4096
NBLK = B // TCBLK


def _sc_scores_body(w_hbm, wp_hbm, cen_hbm, ctx_hbm, neg_hbm, out_hbm,
                    ixc, ixo, ixn, vc0, vc1, uo0, uo1, un0, un1,
                    so0, so1, semi, sem0, sem1, semo0, semo1):
    wid = lax.axis_index("s") * NC + lax.axis_index("c")
    base = wid * PW
    vcs, uos, uns = (vc0, vc1), (uo0, uo1), (un0, un1)
    sos, semos = (so0, so1), (semo0, semo1)
    sems = (sem0, sem1)

    pltpu.async_copy(cen_hbm.at[pl.ds(base, PW)], ixc, semi)
    pltpu.async_copy(ctx_hbm.at[pl.ds(base, PW)], ixo, semi)
    pltpu.async_copy(neg_hbm.at[pl.ds(base * NEG, PW * NEG)], ixn, semi)
    pltpu.make_async_copy(cen_hbm.at[pl.ds(0, PW)], ixc, semi).wait()
    pltpu.make_async_copy(ctx_hbm.at[pl.ds(0, PW)], ixo, semi).wait()
    pltpu.make_async_copy(neg_hbm.at[pl.ds(0, PW * NEG)], ixn, semi).wait()

    def issue(g, slot):
        off = g * C
        pltpu.async_copy(w_hbm.at[ixc.at[pl.ds(off, C)]], vcs[slot],
                         sems[slot])
        pltpu.async_copy(wp_hbm.at[ixo.at[pl.ds(off, C)]], uos[slot],
                         sems[slot])
        for j in range(NSPLIT):
            pltpu.async_copy(
                wp_hbm.at[ixn.at[pl.ds(off * NEG + j * NSUB, NSUB)]],
                uns[slot].at[pl.ds(j * NSUB, NSUB)], sems[slot])

    def drain(slot):
        pltpu.make_async_copy(w_hbm.at[pl.ds(0, C)], vcs[slot],
                              sems[slot]).wait()
        pltpu.make_async_copy(wp_hbm.at[pl.ds(0, C)], uos[slot],
                              sems[slot]).wait()
        pltpu.make_async_copy(wp_hbm.at[pl.ds(0, C * NEG)], uns[slot],
                              sems[slot]).wait()

    def drain_out(slot):
        pltpu.make_async_copy(sos[slot], out_hbm.at[pl.ds(0, C)],
                              semos[slot]).wait()

    def compute(g, slot):
        vc, uo, un = vcs[slot], uos[slot], uns[slot]
        so = sos[slot]

        @pl.when(g >= 2)
        def _():
            drain_out(slot)

        def item_body(i, _):
            v = [vc[i, pl.ds(c * L, L)] for c in range(D // L)]
            zero = jnp.zeros((L,), jnp.float32)
            accs = []
            for k in range(NEG):
                acc = un[i * NEG + k, pl.ds(0, L)] * v[0]
                for c in range(1, D // L):
                    acc = acc + un[i * NEG + k, pl.ds(c * L, L)] * v[c]
                accs.append(acc)
            acc = uo[i, pl.ds(0, L)] * v[0]
            for c in range(1, D // L):
                acc = acc + uo[i, pl.ds(c * L, L)] * v[c]
            accs.append(acc)
            while len(accs) < SGRP:
                accs.append(zero)
            for k in range(SGRP):
                so[i, pl.ds(k * L, L)] = accs[k]
            return 0

        lax.fori_loop(0, C, item_body, 0)
        pltpu.async_copy(so, out_hbm.at[pl.ds(base + g * C, C)],
                         semos[slot])

    issue(0, 0)

    def pair_body(h, _):
        g0 = 2 * h
        g1 = g0 + 1
        issue(g1, 1)
        drain(0)
        compute(g0, 0)

        @pl.when(g1 + 1 < NCHUNK)
        def _():
            issue(g1 + 1, 0)

        drain(1)
        compute(g1, 1)
        return 0

    lax.fori_loop(0, NCHUNK // 2, pair_body, 0)
    drain_out(0)
    drain_out(1)


@functools.lru_cache(maxsize=1)
def _sc_scores_fn():
    return pl.kernel(
        _sc_scores_body,
        out_type=jax.ShapeDtypeStruct((B, SCOL), jnp.float32),
        mesh=plsc.VectorSubcoreMesh(core_axis_name="c",
                                    subcore_axis_name="s"),
        scratch_types=[
            pltpu.VMEM((PW,), jnp.int32),
            pltpu.VMEM((PW,), jnp.int32),
            pltpu.VMEM((PW * NEG,), jnp.int32),
            pltpu.VMEM((C, D), jnp.float32),
            pltpu.VMEM((C, D), jnp.float32),
            pltpu.VMEM((C, D), jnp.float32),
            pltpu.VMEM((C, D), jnp.float32),
            pltpu.VMEM((C * NEG, D), jnp.float32),
            pltpu.VMEM((C * NEG, D), jnp.float32),
            pltpu.VMEM((C, SCOL), jnp.float32),
            pltpu.VMEM((C, SCOL), jnp.float32),
            pltpu.SemaphoreType.DMA,
            pltpu.SemaphoreType.DMA,
            pltpu.SemaphoreType.DMA,
            pltpu.SemaphoreType.DMA,
            pltpu.SemaphoreType.DMA,
        ],
    )


def _tc_loss_body(s_ref, o_ref, acc_ref):
    j = pl.program_id(0)

    @pl.when(j == 0)
    def _():
        acc_ref[0] = 0.0

    x = s_ref[...].astype(jnp.bfloat16)
    r = lax.broadcasted_iota(jnp.int32, (SCOL, 128), 0)
    c = lax.broadcasted_iota(jnp.int32, (SCOL, 128), 1)
    m = (r // L == c).astype(jnp.bfloat16)
    s = jnp.dot(x, m, preferred_element_type=jnp.float32)
    col = lax.broadcasted_iota(jnp.int32, s.shape, 1)
    t = jnp.where(col == NEG, s, -s)
    term = jnp.where(col <= NEG, jnp.log(jax.nn.sigmoid(t) + 1e-10), 0.0)
    acc_ref[0] += jnp.sum(term)

    @pl.when(j == NBLK - 1)
    def _():
        o_ref[0, 0] = -acc_ref[0] / B


def _tc_loss(scores):
    out = pl.pallas_call(
        _tc_loss_body,
        grid=(NBLK,),
        in_specs=[pl.BlockSpec((TCBLK, SCOL), lambda j: (j, 0))],
        out_specs=pl.BlockSpec(memory_space=pltpu.SMEM),
        out_shape=jax.ShapeDtypeStruct((1, 1), jnp.float32),
        scratch_shapes=[pltpu.SMEM((1,), jnp.float32)],
    )(scores)
    return out[0, 0]


def kernel(W, W_prime, centers, contexts, negatives):
    cen = centers.astype(jnp.int32)
    ctx = contexts.astype(jnp.int32)
    neg = negatives.astype(jnp.int32).reshape(-1)
    scores = _sc_scores_fn()(W, W_prime, cen, ctx, neg)
    return _tc_loss(scores)

# --- scband reference (transcript-rebuilt; emitter-appended) ---
"""Pipeline reference for scband-torch-sgns-33157147525273 (READ-ONLY COPY).

The authoritative reference and input builder live on the scoring server;
editing this copy changes nothing except your own understanding.
"""

import jax, jax.numpy as jnp
import numpy as np

VOCAB = 100000
DIM = 128
B = 16384
NEG = 20


def setup_inputs(seed: int = 0) -> dict:
    key = jax.random.key(seed)
    k1, k2, k3, k4, k5 = jax.random.split(key, 5)
    W = jax.random.normal(k1, (VOCAB, DIM), dtype=jnp.float32) * 0.01
    W_prime = jax.random.normal(k2, (VOCAB, DIM), dtype=jnp.float32) * 0.01
    centers = jax.random.randint(k3, (B,), 0, VOCAB)
    contexts = jax.random.randint(k4, (B,), 0, VOCAB)
    negatives = jax.random.randint(k5, (B, NEG), 0, VOCAB)
    return {"W": W, "W_prime": W_prime, "centers": centers, "contexts": contexts, "negatives": negatives}


def reference(W, W_prime, centers, contexts, negatives):
    # v_c = self.W(centers)
    v_c = jnp.take(W, centers, axis=0)                      # [B, D]
    # u_o = self.W_prime(contexts)
    u_o = jnp.take(W_prime, contexts, axis=0)               # [B, D]
    # u_neg = self.W_prime(negatives)
    u_neg = jnp.take(W_prime, negatives, axis=0)            # [B, NEG, D]
    # score_pos = (v_c * u_o).sum(dim=1)
    score_pos = jnp.sum(v_c * u_o, axis=1)                  # [B]
    # score_neg = torch.bmm(u_neg, v_c.unsqueeze(2)).squeeze(2)
    score_neg = jnp.einsum('bkd,bd->bk', u_neg, v_c)        # [B, NEG]
    # loss = -log(sigmoid(score_pos) + 1e-10).mean()
    loss = -jnp.mean(jnp.log(jax.nn.sigmoid(score_pos) + 1e-10))
    # loss -= log(sigmoid(-score_neg) + 1e-10).sum(dim=1).mean()
    loss = loss - jnp.mean(jnp.sum(jnp.log(jax.nn.sigmoid(-score_neg) + 1e-10), axis=1))
    return loss

if __name__ == "__main__":
    import jax
    _d = setup_inputs()
    print(jax.jit(kernel)(*tuple(_d.values())))

</pallas_src>

<mosaic_0001>
#map = affine_map<(d0, d1) -> (0, 0)>
#map1 = affine_map<(d0, d1) -> (0)>
module attributes {stable_mosaic.version = 14 : i64} {
  func.func @_sc_scores_body(%arg0: i32, %arg1: i32, %arg2: memref<100000x128xf32, #tpu.memory_space<hbm>>, %arg3: memref<100000x128xf32, #tpu.memory_space<hbm>>, %arg4: memref<16384xi32, #tpu.memory_space<hbm>>, %arg5: memref<16384xi32, #tpu.memory_space<hbm>>, %arg6: memref<327680xi32, #tpu.memory_space<hbm>>, %arg7: memref<16384x384xf32, #tpu.memory_space<hbm>>, %arg8: memref<512xi32, #tpu.memory_space<vmem>>, %arg9: memref<512xi32, #tpu.memory_space<vmem>>, %arg10: memref<10240xi32, #tpu.memory_space<vmem>>, %arg11: memref<16x128xf32, #tpu.memory_space<vmem>>, %arg12: memref<16x128xf32, #tpu.memory_space<vmem>>, %arg13: memref<16x128xf32, #tpu.memory_space<vmem>>, %arg14: memref<16x128xf32, #tpu.memory_space<vmem>>, %arg15: memref<320x128xf32, #tpu.memory_space<vmem>>, %arg16: memref<320x128xf32, #tpu.memory_space<vmem>>, %arg17: memref<16x384xf32, #tpu.memory_space<vmem>>, %arg18: memref<16x384xf32, #tpu.memory_space<vmem>>, %arg19: memref<!tpu.dma_semaphore, #tpu.memory_space<semaphore_mem>>, %arg20: memref<!tpu.dma_semaphore, #tpu.memory_space<semaphore_mem>>, %arg21: memref<!tpu.dma_semaphore, #tpu.memory_space<semaphore_mem>>, %arg22: memref<!tpu.dma_semaphore, #tpu.memory_space<semaphore_mem>>, %arg23: memref<!tpu.dma_semaphore, #tpu.memory_space<semaphore_mem>>) attributes {dimension_semantics = [#tpu.dimension_semantics<core_parallel>, #tpu.dimension_semantics<subcore_parallel>], iteration_bounds = array<i64: 2, 16>, scalar_prefetch = 0 : i64, scratch_operands = 16 : i64, tpu.core_type = #tpu.core_type<sc_vector_subcore>, window_params = [{transform_indices = #map}, {transform_indices = #map}, {transform_indices = #map1}, {transform_indices = #map1}, {transform_indices = #map1}, {transform_indices = #map}]} {
    %mul3A = arith.constant 2 : i32
    %mul3A_0 = arith.muli %arg1, %mul3A : i32
    %add3A = arith.addi %mul3A_0, %arg0 : i32
    %mul3A_1 = arith.constant 512 : i32
    %mul3A_2 = arith.muli %add3A, %mul3A_1 : i32
    %dma_start3A = tpu.memref_slice %arg4[%mul3A_2] : memref<16384xi32, #tpu.memory_space<hbm>> -> memref<512xi32, #tpu.memory_space<hbm>>
    %dma_start3A_3 = tpu.memref_slice %arg4[%mul3A_2] : memref<16384xi32, #tpu.memory_space<hbm>> -> memref<512xi32, #tpu.memory_space<hbm>>
    tpu.enqueue_dma source(%dma_start3A_3 : memref<512xi32, #tpu.memory_space<hbm>>) target(%arg8 : memref<512xi32, #tpu.memory_space<vmem>>) target_semaphore(%arg19 : memref<!tpu.dma_semaphore, #tpu.memory_space<semaphore_mem>>)
    %dma_start3A_4 = tpu.memref_slice %arg5[%mul3A_2] : memref<16384xi32, #tpu.memory_space<hbm>> -> memref<512xi32, #tpu.memory_space<hbm>>
    %dma_start3A_5 = tpu.memref_slice %arg5[%mul3A_2] : memref<16384xi32, #tpu.memory_space<hbm>> -> memref<512xi32, #tpu.memory_space<hbm>>
    tpu.enqueue_dma source(%dma_start3A_5 : memref<512xi32, #tpu.memory_space<hbm>>) target(%arg9 : memref<512xi32, #tpu.memory_space<vmem>>) target_semaphore(%arg19 : memref<!tpu.dma_semaphore, #tpu.memory_space<semaphore_mem>>)
    %mul3A_6 = arith.constant 20 : i32
    %mul3A_7 = arith.muli %mul3A_2, %mul3A_6 : i32
    %dma_start3A_8 = tpu.memref_slice %arg6[%mul3A_7] : memref<327680xi32, #tpu.memory_space<hbm>> -> memref<10240xi32, #tpu.memory_space<hbm>>
    %dma_start3A_9 = tpu.memref_slice %arg6[%mul3A_7] : memref<327680xi32, #tpu.memory_space<hbm>> -> memref<10240xi32, #tpu.memory_space<hbm>>
    tpu.enqueue_dma source(%dma_start3A_9 : memref<10240xi32, #tpu.memory_space<hbm>>) target(%arg10 : memref<10240xi32, #tpu.memory_space<vmem>>) target_semaphore(%arg19 : memref<!tpu.dma_semaphore, #tpu.memory_space<semaphore_mem>>)
    %dma_wait3A = arith.constant 0 : i32
    %dma_wait3A_10 = tpu.memref_slice %arg4[%dma_wait3A] : memref<16384xi32, #tpu.memory_space<hbm>> -> memref<512xi32, #tpu.memory_space<hbm>>
    %dma_wait3A_11 = arith.constant 0 : i32
    %dma_wait3A_12 = tpu.memref_slice %arg4[%dma_wait3A_11] : memref<16384xi32, #tpu.memory_space<hbm>> -> memref<512xi32, #tpu.memory_space<hbm>>
    tpu.wait_dma2 semaphore(%arg19 : memref<!tpu.dma_semaphore, #tpu.memory_space<semaphore_mem>>) src(%dma_wait3A_12 : memref<512xi32, #tpu.memory_space<hbm>>) dst(%arg8 : memref<512xi32, #tpu.memory_space<vmem>>)
    %dma_wait3A_13 = arith.constant 0 : i32
    %dma_wait3A_14 = tpu.memref_slice %arg5[%dma_wait3A_13] : memref<16384xi32, #tpu.memory_space<hbm>> -> memref<512xi32, #tpu.memory_space<hbm>>
    %dma_wait3A_15 = arith.constant 0 : i32
    %dma_wait3A_16 = tpu.memref_slice %arg5[%dma_wait3A_15] : memref<16384xi32, #tpu.memory_space<hbm>> -> memref<512xi32, #tpu.memory_space<hbm>>
    tpu.wait_dma2 semaphore(%arg19 : memref<!tpu.dma_semaphore, #tpu.memory_space<semaphore_mem>>) src(%dma_wait3A_16 : memref<512xi32, #tpu.memory_space<hbm>>) dst(%arg9 : memref<512xi32, #tpu.memory_space<vmem>>)
    %dma_wait3A_17 = arith.constant 0 : i32
    %dma_wait3A_18 = tpu.memref_slice %arg6[%dma_wait3A_17] : memref<327680xi32, #tpu.memory_space<hbm>> -> memref<10240xi32, #tpu.memory_space<hbm>>
    %dma_wait3A_19 = arith.constant 0 : i32
    %dma_wait3A_20 = tpu.memref_slice %arg6[%dma_wait3A_19] : memref<327680xi32, #tpu.memory_space<hbm>> -> memref<10240xi32, #tpu.memory_space<hbm>>
    tpu.wait_dma2 semaphore(%arg19 : memref<!tpu.dma_semaphore, #tpu.memory_space<semaphore_mem>>) src(%dma_wait3A_20 : memref<10240xi32, #tpu.memory_space<hbm>>) dst(%arg10 : memref<10240xi32, #tpu.memory_space<vmem>>)
    %dma_start3A_21 = arith.constant 0 : i32
    %dma_start3A_22 = tpu.memref_slice %arg8[%dma_start3A_21] : memref<512xi32, #tpu.memory_space<vmem>> -> memref<16xi32, #tpu.memory_space<vmem>>
    %dma_start3A_23 = arith.constant 0 : i32
    %dma_start3A_24 = arith.constant 0 : i32
    %dma_start3A_25 = tpu.memref_slice %arg2[%dma_start3A_23, %dma_start3A_24] : memref<100000x128xf32, #tpu.memory_space<hbm>> -> memref<100000x128xf32, #tpu.memory_space<hbm>>
    tpu.enqueue_indirect_dma source(%dma_start3A_25 : memref<100000x128xf32, #tpu.memory_space<hbm>>) target(%arg11 : memref<16x128xf32, #tpu.memory_space<vmem>>) offsets(%dma_start3A_22 : memref<16xi32, #tpu.memory_space<vmem>>) semaphore(%arg20 : memref<!tpu.dma_semaphore, #tpu.memory_space<semaphore_mem>>)
    %dma_start3A_26 = arith.constant 0 : i32
    %dma_start3A_27 = tpu.memref_slice %arg9[%dma_start3A_26] : memref<512xi32, #tpu.memory_space<vmem>> -> memref<16xi32, #tpu.memory_space<vmem>>
    %dma_start3A_28 = arith.constant 0 : i32
    %dma_start3A_29 = arith.constant 0 : i32
    %dma_start3A_30 = tpu.memref_slice %arg3[%dma_start3A_28, %dma_start3A_29] : memref<100000x128xf32, #tpu.memory_space<hbm>> -> memref<100000x128xf32, #tpu.memory_space<hbm>>
    tpu.enqueue_indirect_dma source(%dma_start3A_30 : memref<100000x128xf32, #tpu.memory_space<hbm>>) target(%arg13 : memref<16x128xf32, #tpu.memory_space<vmem>>) offsets(%dma_start3A_27 : memref<16xi32, #tpu.memory_space<vmem>>) semaphore(%arg20 : memref<!tpu.dma_semaphore, #tpu.memory_space<semaphore_mem>>)
    %dma_start3A_31 = arith.constant 0 : i32
    %dma_start3A_32 = arith.constant 0 : i32
    %dma_start3A_33 = tpu.memref_slice %arg15[%dma_start3A_31, %dma_start3A_32] : memref<320x128xf32, #tpu.memory_space<vmem>> -> memref<80x128xf32, #tpu.memory_space<vmem>>
    %dma_start3A_34 = arith.constant 0 : i32
    %dma_start3A_35 = tpu.memref_slice %arg10[%dma_start3A_34] : memref<10240xi32, #tpu.memory_space<vmem>> -> memref<80xi32, #tpu.memory_space<vmem>>
    %dma_start3A_36 = arith.constant 0 : i32
    %dma_start3A_37 = arith.constant 0 : i32
    %dma_start3A_38 = tpu.memref_slice %arg3[%dma_start3A_36, %dma_start3A_37] : memref<100000x128xf32, #tpu.memory_space<hbm>> -> memref<100000x128xf32, #tpu.memory_space<hbm>>
    tpu.enqueue_indirect_dma source(%dma_start3A_38 : memref<100000x128xf32, #tpu.memory_space<hbm>>) target(%dma_start3A_33 : memref<80x128xf32, #tpu.memory_space<vmem>>) offsets(%dma_start3A_35 : memref<80xi32, #tpu.memory_space<vmem>>) semaphore(%arg20 : memref<!tpu.dma_semaphore, #tpu.memory_space<semaphore_mem>>)
    %dma_start3A_39 = arith.constant 80 : i32
    %dma_start3A_40 = arith.constant 0 : i32
    %dma_start3A_41 = tpu.memref_slice %arg15[%dma_start3A_39, %dma_start3A_40] : memref<320x128xf32, #tpu.memory_space<vmem>> -> memref<80x128xf32, #tpu.memory_space<vmem>>
    %dma_start3A_42 = arith.constant 80 : i32
    %dma_start3A_43 = tpu.memref_slice %arg10[%dma_start3A_42] : memref<10240xi32, #tpu.memory_space<vmem>> -> memref<80xi32, #tpu.memory_space<vmem>>
    %dma_start3A_44 = arith.constant 0 : i32
    %dma_start3A_45 = arith.constant 0 : i32
    %dma_start3A_46 = tpu.memref_slice %arg3[%dma_start3A_44, %dma_start3A_45] : memref<100000x128xf32, #tpu.memory_space<hbm>> -> memref<100000x128xf32, #tpu.memory_space<hbm>>
    tpu.enqueue_indirect_dma source(%dma_start3A_46 : memref<100000x128xf32, #tpu.memory_space<hbm>>) target(%dma_start3A_41 : memref<80x128xf32, #tpu.memory_space<vmem>>) offsets(%dma_start3A_43 : memref<80xi32, #tpu.memory_space<vmem>>) semaphore(%arg20 : memref<!tpu.dma_semaphore, #tpu.memory_space<semaphore_mem>>)
    %dma_start3A_47 = arith.constant 160 : i32
    %dma_start3A_48 = arith.constant 0 : i32
    %dma_start3A_49 = tpu.memref_slice %arg15[%dma_start3A_47, %dma_start3A_48] : memref<320x128xf32, #tpu.memory_space<vmem>> -> memref<80x128xf32, #tpu.memory_space<vmem>>
    %dma_start3A_50 = arith.constant 160 : i32
    %dma_start3A_51 = tpu.memref_slice %arg10[%dma_start3A_50] : memref<10240xi32, #tpu.memory_space<vmem>> -> memref<80xi32, #tpu.memory_space<vmem>>
    %dma_start3A_52 = arith.constant 0 : i32
    %dma_start3A_53 = arith.constant 0 : i32
    %dma_start3A_54 = tpu.memref_slice %arg3[%dma_start3A_52, %dma_start3A_53] : memref<100000x128xf32, #tpu.memory_space<hbm>> -> memref<100000x128xf32, #tpu.memory_space<hbm>>
    tpu.enqueue_indirect_dma source(%dma_start3A_54 : memref<100000x128xf32, #tpu.memory_space<hbm>>) target(%dma_start3A_49 : memref<80x128xf32, #tpu.memory_space<vmem>>) offsets(%dma_start3A_51 : memref<80xi32, #tpu.memory_space<vmem>>) semaphore(%arg20 : memref<!tpu.dma_semaphore, #tpu.memory_space<semaphore_mem>>)
    %dma_start3A_55 = arith.constant 240 : i32
    %dma_start3A_56 = arith.constant 0 : i32
    %dma_start3A_57 = tpu.memref_slice %arg15[%dma_start3A_55, %dma_start3A_56] : memref<320x128xf32, #tpu.memory_space<vmem>> -> memref<80x128xf32, #tpu.memory_space<vmem>>
    %dma_start3A_58 = arith.constant 240 : i32
    %dma_start3A_59 = tpu.memref_slice %arg10[%dma_start3A_58] : memref<10240xi32, #tpu.memory_space<vmem>> -> memref<80xi32, #tpu.memory_space<vmem>>
    %dma_start3A_60 = arith.constant 0 : i32
    %dma_start3A_61 = arith.constant 0 : i32
    %dma_start3A_62 = tpu.memref_slice %arg3[%dma_start3A_60, %dma_start3A_61] : memref<100000x128xf32, #tpu.memory_space<hbm>> -> memref<100000x128xf32, #tpu.memory_space<hbm>>
    tpu.enqueue_indirect_dma source(%dma_start3A_62 : memref<100000x128xf32, #tpu.memory_space<hbm>>) target(%dma_start3A_57 : memref<80x128xf32, #tpu.memory_space<vmem>>) offsets(%dma_start3A_59 : memref<80xi32, #tpu.memory_space<vmem>>) semaphore(%arg20 : memref<!tpu.dma_semaphore, #tpu.memory_space<semaphore_mem>>)
    %scan3A = arith.constant 0 : i32
    %scan3A_63 = arith.constant 0 : i32
    %scan3A_64 = arith.constant 16 : i32
    %scan3A_65 = arith.addi %scan3A_63, %scan3A_64 : i32
    %scan3A_66 = arith.constant 1 : i32
    %scan3A_67 = scf.for %scan3A_81 = %scan3A_63 to %scan3A_65 step %scan3A_66 iter_args(%scan3A_82 = %scan3A) -> (i32)  : i32 {
      %mul3A_83 = arith.constant 2 : i32
      %mul3A_84 = arith.muli %mul3A_83, %scan3A_81 : i32
      %add3A_85 = arith.constant 1 : i32
      %add3A_86 = arith.addi %mul3A_84, %add3A_85 : i32
      %mul3A_87 = arith.constant 16 : i32
      %mul3A_88 = arith.muli %add3A_86, %mul3A_87 : i32
      %dma_start3A_89 = tpu.memref_slice %arg8[%mul3A_88] : memref<512xi32, #tpu.memory_space<vmem>> -> memref<16xi32, #tpu.memory_space<vmem>>
      %dma_start3A_90 = arith.constant 0 : i32
      %dma_start3A_91 = arith.constant 0 : i32
      %dma_start3A_92 = tpu.memref_slice %arg2[%dma_start3A_90, %dma_start3A_91] : memref<100000x128xf32, #tpu.memory_space<hbm>> -> memref<100000x128xf32, #tpu.memory_space<hbm>>
      tpu.enqueue_indirect_dma source(%dma_start3A_92 : memref<100000x128xf32, #tpu.memory_space<hbm>>) target(%arg12 : memref<16x128xf32, #tpu.memory_space<vmem>>) offsets(%dma_start3A_89 : memref<16xi32, #tpu.memory_space<vmem>>) semaphore(%arg21 : memref<!tpu.dma_semaphore, #tpu.memory_space<semaphore_mem>>)
      %dma_start3A_93 = tpu.memref_slice %arg9[%mul3A_88] : memref<512xi32, #tpu.memory_space<vmem>> -> memref<16xi32, #tpu.memory_space<vmem>>
      %dma_start3A_94 = arith.constant 0 : i32
      %dma_start3A_95 = arith.constant 0 : i32
      %dma_start3A_96 = tpu.memref_slice %arg3[%dma_start3A_94, %dma_start3A_95] : memref<100000x128xf32, #tpu.memory_space<hbm>> -> memref<100000x128xf32, #tpu.memory_space<hbm>>
      tpu.enqueue_indirect_dma source(%dma_start3A_96 : memref<100000x128xf32, #tpu.memory_space<hbm>>) target(%arg14 : memref<16x128xf32, #tpu.memory_space<vmem>>) offsets(%dma_start3A_93 : memref<16xi32, #tpu.memory_space<vmem>>) semaphore(%arg21 : memref<!tpu.dma_semaphore, #tpu.memory_space<semaphore_mem>>)
      %mul3A_97 = arith.constant 20 : i32
      %mul3A_98 = arith.muli %mul3A_88, %mul3A_97 : i32
      %add3A_99 = arith.constant 0 : i32
      %add3A_100 = arith.addi %mul3A_98, %add3A_99 : i32
      %dma_start3A_101 = arith.constant 0 : i32
      %dma_start3A_102 = arith.constant 0 : i32
      %dma_start3A_103 = tpu.memref_slice %arg16[%dma_start3A_101, %dma_start3A_102] : memref<320x128xf32, #tpu.memory_space<vmem>> -> memref<80x128xf32, #tpu.memory_space<vmem>>
      %dma_start3A_104 = tpu.memref_slice %arg10[%add3A_100] : memref<10240xi32, #tpu.memory_space<vmem>> -> memref<80xi32, #tpu.memory_space<vmem>>
      %dma_start3A_105 = arith.constant 0 : i32
      %dma_start3A_106 = arith.constant 0 : i32
      %dma_start3A_107 = tpu.memref_slice %arg3[%dma_start3A_105, %dma_start3A_106] : memref<100000x128xf32, #tpu.memory_space<hbm>> -> memref<100000x128xf32, #tpu.memory_space<hbm>>
      tpu.enqueue_indirect_dma source(%dma_start3A_107 : memref<100000x128xf32, #tpu.memory_space<hbm>>) target(%dma_start3A_103 : memref<80x128xf32, #tpu.memory_space<vmem>>) offsets(%dma_start3A_104 : memref<80xi32, #tpu.memory_space<vmem>>) semaphore(%arg21 : memref<!tpu.dma_semaphore, #tpu.memory_space<semaphore_mem>>)
      %mul3A_108 = arith.constant 20 : i32
      %mul3A_109 = arith.muli %mul3A_88, %mul3A_108 : i32
      %add3A_110 = arith.constant 80 : i32
      %add3A_111 = arith.addi %mul3A_109, %add3A_110 : i32
      %dma_start3A_112 = arith.constant 80 : i32
      %dma_start3A_113 = arith.constant 0 : i32
      %dma_start3A_114 = tpu.memref_slice %arg16[%dma_start3A_112, %dma_start3A_113] : memref<320x128xf32, #tpu.memory_space<vmem>> -> memref<80x128xf32, #tpu.memory_space<vmem>>
      %dma_start3A_115 = tpu.memref_slice %arg10[%add3A_111] : memref<10240xi32, #tpu.memory_space<vmem>> -> memref<80xi32, #tpu.memory_space<vmem>>
      %dma_start3A_116 = arith.constant 0 : i32
      %dma_start3A_117 = arith.constant 0 : i32
      %dma_start3A_118 = tpu.memref_slice %arg3[%dma_start3A_116, %dma_start3A_117] : memref<100000x128xf32, #tpu.memory_space<hbm>> -> memref<100000x128xf32, #tpu.memory_space<hbm>>
      tpu.enqueue_indirect_dma source(%dma_start3A_118 : memref<100000x128xf32, #tpu.memory_space<hbm>>) target(%dma_start3A_114 : memref<80x128xf32, #tpu.memory_space<vmem>>) offsets(%dma_start3A_115 : memref<80xi32, #tpu.memory_space<vmem>>) semaphore(%arg21 : memref<!tpu.dma_semaphore, #tpu.memory_space<semaphore_mem>>)
      %mul3A_119 = arith.constant 20 : i32
      %mul3A_120 = arith.muli %mul3A_88, %mul3A_119 : i32
      %add3A_121 = arith.constant 160 : i32
      %add3A_122 = arith.addi %mul3A_120, %add3A_121 : i32
      %dma_start3A_123 = arith.constant 160 : i32
      %dma_start3A_124 = arith.constant 0 : i32
      %dma_start3A_125 = tpu.memref_slice %arg16[%dma_start3A_123, %dma_start3A_124] : memref<320x128xf32, #tpu.memory_space<vmem>> -> memref<80x128xf32, #tpu.memory_space<vmem>>
      %dma_start3A_126 = tpu.memref_slice %arg10[%add3A_122] : memref<10240xi32, #tpu.memory_space<vmem>> -> memref<80xi32, #tpu.memory_space<vmem>>
      %dma_start3A_127 = arith.constant 0 : i32
      %dma_start3A_128 = arith.constant 0 : i32
      %dma_start3A_129 = tpu.memref_slice %arg3[%dma_start3A_127, %dma_start3A_128] : memref<100000x128xf32, #tpu.memory_space<hbm>> -> memref<100000x128xf32, #tpu.memory_space<hbm>>
      tpu.enqueue_indirect_dma source(%dma_start3A_129 : memref<100000x128xf32, #tpu.memory_space<hbm>>) target(%dma_start3A_125 : memref<80x128xf32, #tpu.memory_space<vmem>>) offsets(%dma_start3A_126 : memref<80xi32, #tpu.memory_space<vmem>>) semaphore(%arg21 : memref<!tpu.dma_semaphore, #tpu.memory_space<semaphore_mem>>)
      %mul3A_130 = arith.constant 20 : i32
      %mul3A_131 = arith.muli %mul3A_88, %mul3A_130 : i32
      %add3A_132 = arith.constant 240 : i32
      %add3A_133 = arith.addi %mul3A_131, %add3A_132 : i32
      %dma_start3A_134 = arith.constant 240 : i32
      %dma_start3A_135 = arith.constant 0 : i32
      %dma_start3A_136 = tpu.memref_slice %arg16[%dma_start3A_134, %dma_start3A_135] : memref<320x128xf32, #tpu.memory_space<vmem>> -> memref<80x128xf32, #tpu.memory_space<vmem>>
      %dma_start3A_137 = tpu.memref_slice %arg10[%add3A_133] : memref<10240xi32, #tpu.memory_space<vmem>> -> memref<80xi32, #tpu.memory_space<vmem>>
      %dma_start3A_138 = arith.constant 0 : i32
      %dma_start3A_139 = arith.constant 0 : i32
      %dma_start3A_140 = tpu.memref_slice %arg3[%dma_start3A_138, %dma_start3A_139] : memref<100000x128xf32, #tpu.memory_space<hbm>> -> memref<100000x128xf32, #tpu.memory_space<hbm>>
      tpu.enqueue_indirect_dma source(%dma_start3A_140 : memref<100000x128xf32, #tpu.memory_space<hbm>>) target(%dma_start3A_136 : memref<80x128xf32, #tpu.memory_space<vmem>>) offsets(%dma_start3A_137 : memref<80xi32, #tpu.memory_space<vmem>>) semaphore(%arg21 : memref<!tpu.dma_semaphore, #tpu.memory_space<semaphore_mem>>)
      %dma_wait3A_141 = arith.constant 0 : i32
      %dma_wait3A_142 = arith.constant 0 : i32
      %dma_wait3A_143 = tpu.memref_slice %arg2[%dma_wait3A_141, %dma_wait3A_142] : memref<100000x128xf32, #tpu.memory_space<hbm>> -> memref<16x128xf32, #tpu.memory_space<hbm>>
      %dma_wait3A_144 = arith.constant 0 : i32
      %dma_wait3A_145 = arith.constant 0 : i32
      %dma_wait3A_146 = tpu.memref_slice %arg2[%dma_wait3A_144, %dma_wait3A_145] : memref<100000x128xf32, #tpu.memory_space<hbm>> -> memref<16x128xf32, #tpu.memory_space<hbm>>
      tpu.wait_dma2 semaphore(%arg20 : memref<!tpu.dma_semaphore, #tpu.memory_space<semaphore_mem>>) src(%dma_wait3A_146 : memref<16x128xf32, #tpu.memory_space<hbm>>) dst(%arg11 : memref<16x128xf32, #tpu.memory_space<vmem>>)
      %dma_wait3A_147 = arith.constant 0 : i32
      %dma_wait3A_148 = arith.constant 0 : i32
      %dma_wait3A_149 = tpu.memref_slice %arg3[%dma_wait3A_147, %dma_wait3A_148] : memref<100000x128xf32, #tpu.memory_space<hbm>> -> memref<16x128xf32, #tpu.memory_space<hbm>>
      %dma_wait3A_150 = arith.constant 0 : i32
      %dma_wait3A_151 = arith.constant 0 : i32
      %dma_wait3A_152 = tpu.memref_slice %arg3[%dma_wait3A_150, %dma_wait3A_151] : memref<100000x128xf32, #tpu.memory_space<hbm>> -> memref<16x128xf32, #tpu.memory_space<hbm>>
      tpu.wait_dma2 semaphore(%arg20 : memref<!tpu.dma_semaphore, #tpu.memory_space<semaphore_mem>>) src(%dma_wait3A_152 : memref<16x128xf32, #tpu.memory_space<hbm>>) dst(%arg13 : memref<16x128xf32, #tpu.memory_space<vmem>>)
      %dma_wait3A_153 = arith.constant 0 : i32
      %dma_wait3A_154 = arith.constant 0 : i32
      %dma_wait3A_155 = tpu.memref_slice %arg3[%dma_wait3A_153, %dma_wait3A_154] : memref<100000x128xf32, #tpu.memory_space<hbm>> -> memref<320x128xf32, #tpu.memory_space<hbm>>
      %dma_wait3A_156 = arith.constant 0 : i32
      %dma_wait3A_157 = arith.constant 0 : i32
      %dma_wait3A_158 = tpu.memref_slice %arg3[%dma_wait3A_156, %dma_wait3A_157] : memref<100000x128xf32, #tpu.memory_space<hbm>> -> memref<320x128xf32, #tpu.memory_space<hbm>>
      tpu.wait_dma2 semaphore(%arg20 : memref<!tpu.dma_semaphore, #tpu.memory_space<semaphore_mem>>) src(%dma_wait3A_158 : memref<320x128xf32, #tpu.memory_space<hbm>>) dst(%arg15 : memref<320x128xf32, #tpu.memory_space<vmem>>)
      %ge3A = arith.constant 2 : i32
      %ge3A_159 = arith.cmpi sge, %mul3A_84, %ge3A : i32
      %convert_element_type3A = arith.extui %ge3A_159 : i1 to i32
      %cond3A = arith.constant 0 : i32
      %cond3A_160 = arith.cmpi ne, %convert_element_type3A, %cond3A : i32
      scf.if %cond3A_160 {
        %dma_wait3A_219 = arith.constant 0 : i32
        %dma_wait3A_220 = arith.constant 0 : i32
        %dma_wait3A_221 = tpu.memref_slice %arg7[%dma_wait3A_219, %dma_wait3A_220] : memref<16384x384xf32, #tpu.memory_space<hbm>> -> memref<16x384xf32, #tpu.memory_space<hbm>>
        %dma_wait3A_222 = arith.constant 0 : i32
        %dma_wait3A_223 = arith.constant 0 : i32
        %dma_wait3A_224 = tpu.memref_slice %arg7[%dma_wait3A_222, %dma_wait3A_223] : memref<16384x384xf32, #tpu.memory_space<hbm>> -> memref<16x384xf32, #tpu.memory_space<hbm>>
        tpu.wait_dma2 semaphore(%arg22 : memref<!tpu.dma_semaphore, #tpu.memory_space<semaphore_mem>>) src(%arg17 : memref<16x384xf32, #tpu.memory_space<vmem>>) dst(%dma_wait3A_224 : memref<16x384xf32, #tpu.memory_space<hbm>>)
      } else {
      }
      %scan3A_161 = arith.constant 0 : i32
      %scan3A_162 = arith.constant 0 : i32
      %scan3A_163 = arith.constant 16 : i32
      %scan3A_164 = arith.addi %scan3A_162, %scan3A_163 : i32
      %scan3A_165 = arith.constant 1 : i32
      %scan3A_166 = scf.for %scan3A_219 = %scan3A_162 to %scan3A_164 step %scan3A_165 iter_args(%scan3A_220 = %scan3A_161) -> (i32)  : i32 {
        %get3A = arith.index_cast %scan3A_219 : i32 to index
        %get3A_221 = arith.constant 0 : index
        %get3A_222 = tpu.vector_load %arg11[%get3A, %get3A_221] {strides = array<i32>} : memref<16x128xf32, #tpu.memory_space<vmem>>, vector<1x16xf32>,
        %get3A_223 = vector.shape_cast %get3A_222 : vector<1x16xf32> to vector<16xf32>
        %get3A_224 = arith.index_cast %scan3A_219 : i32 to index
        %get3A_225 = arith.constant 16 : index
        %get3A_226 = tpu.vector_load %arg11[%get3A_224, %get3A_225] {strides = array<i32>} : memref<16x128xf32, #tpu.memory_space<vmem>>, vector<1x16xf32>,
        %get3A_227 = vector.shape_cast %get3A_226 : vector<1x16xf32> to vector<16xf32>
        %get3A_228 = arith.index_cast %scan3A_219 : i32 to index
        %get3A_229 = arith.constant 32 : index
        %get3A_230 = tpu.vector_load %arg11[%get3A_228, %get3A_229] {strides = array<i32>} : memref<16x128xf32, #tpu.memory_space<vmem>>, vector<1x16xf32>,
        %get3A_231 = vector.shape_cast %get3A_230 : vector<1x16xf32> to vector<16xf32>
        %get3A_232 = arith.index_cast %scan3A_219 : i32 to index
        %get3A_233 = arith.constant 48 : index
        %get3A_234 = tpu.vector_load %arg11[%get3A_232, %get3A_233] {strides = array<i32>} : memref<16x128xf32, #tpu.memory_space<vmem>>, vector<1x16xf32>,
        %get3A_235 = vector.shape_cast %get3A_234 : vector<1x16xf32> to vector<16xf32>
        %get3A_236 = arith.index_cast %scan3A_219 : i32 to index
        %get3A_237 = arith.constant 64 : index
        %get3A_238 = tpu.vector_load %arg11[%get3A_236, %get3A_237] {strides = array<i32>} : memref<16x128xf32, #tpu.memory_space<vmem>>, vector<1x16xf32>,
        %get3A_239 = vector.shape_cast %get3A_238 : vector<1x16xf32> to vector<16xf32>
        %get3A_240 = arith.index_cast %scan3A_219 : i32 to index
        %get3A_241 = arith.constant 80 : index
        %get3A_242 = tpu.vector_load %arg11[%get3A_240, %get3A_241] {strides = array<i32>} : memref<16x128xf32, #tpu.memory_space<vmem>>, vector<1x16xf32>,
        %get3A_243 = vector.shape_cast %get3A_242 : vector<1x16xf32> to vector<16xf32>
        %get3A_244 = arith.index_cast %scan3A_219 : i32 to index
        %get3A_245 = arith.constant 96 : index
        %get3A_246 = tpu.vector_load %arg11[%get3A_244, %get3A_245] {strides = array<i32>} : memref<16x128xf32, #tpu.memory_space<vmem>>, vector<1x16xf32>,
        %get3A_247 = vector.shape_cast %get3A_246 : vector<1x16xf32> to vector<16xf32>
        %get3A_248 = arith.index_cast %scan3A_219 : i32 to index
        %get3A_249 = arith.constant 112 : index
        %get3A_250 = tpu.vector_load %arg11[%get3A_248, %get3A_249] {strides = array<i32>} : memref<16x128xf32, #tpu.memory_space<vmem>>, vector<1x16xf32>,
        %get3A_251 = vector.shape_cast %get3A_250 : vector<1x16xf32> to vector<16xf32>
        %broadcast_in_dim3A = arith.constant 0.000000e+00 : f32
        %broadcast_in_dim3A_252 = vector.broadcast %broadcast_in_dim3A : f32 to vector<16xf32>
        %mul3A_253 = arith.constant 20 : i32
        %mul3A_254 = arith.muli %scan3A_219, %mul3A_253 : i32
        %add3A_255 = arith.constant 0 : i32
        %add3A_256 = arith.addi %mul3A_254, %add3A_255 : i32
        %get3A_257 = arith.index_cast %add3A_256 : i32 to index
        %get3A_258 = arith.constant 0 : index
        %get3A_259 = tpu.vector_load %arg15[%get3A_257, %get3A_258] {strides = array<i32>} : memref<320x128xf32, #tpu.memory_space<vmem>>, vector<1x16xf32>,
        %get3A_260 = vector.shape_cast %get3A_259 : vector<1x16xf32> to vector<16xf32>
        %mul3A_261 = arith.mulf %get3A_260, %get3A_223 : vector<16xf32>
        %mul3A_262 = arith.constant 20 : i32
        %mul3A_263 = arith.muli %scan3A_219, %mul3A_262 : i32
        %add3A_264 = arith.constant 0 : i32
        %add3A_265 = arith.addi %mul3A_263, %add3A_264 : i32
        %get3A_266 = arith.index_cast %add3A_265 : i32 to index
        %get3A_267 = arith.constant 16 : index
        %get3A_268 = tpu.vector_load %arg15[%get3A_266, %get3A_267] {strides = array<i32>} : memref<320x128xf32, #tpu.memory_space<vmem>>, vector<1x16xf32>,
        %get3A_269 = vector.shape_cast %get3A_268 : vector<1x16xf32> to vector<16xf32>
        %mul3A_270 = arith.mulf %get3A_269, %get3A_227 : vector<16xf32>
        %add3A_271 = arith.addf %mul3A_261, %mul3A_270 : vector<16xf32>
        %mul3A_272 = arith.constant 20 : i32
        %mul3A_273 = arith.muli %scan3A_219, %mul3A_272 : i32
        %add3A_274 = arith.constant 0 : i32
        %add3A_275 = arith.addi %mul3A_273, %add3A_274 : i32
        %get3A_276 = arith.index_cast %add3A_275 : i32 to index
        %get3A_277 = arith.constant 32 : index
        %get3A_278 = tpu.vector_load %arg15[%get3A_276, %get3A_277] {strides = array<i32>} : memref<320x128xf32, #tpu.memory_space<vmem>>, vector<1x16xf32>,
        %get3A_279 = vector.shape_cast %get3A_278 : vector<1x16xf32> to vector<16xf32>
        %mul3A_280 = arith.mulf %get3A_279, %get3A_231 : vector<16xf32>
        %add3A_281 = arith.addf %add3A_271, %mul3A_280 : vector<16xf32>
        %mul3A_282 = arith.constant 20 : i32
        %mul3A_283 = arith.muli %scan3A_219, %mul3A_282 : i32
        %add3A_284 = arith.constant 0 : i32
        %add3A_285 = arith.addi %mul3A_283, %add3A_284 : i32
        %get3A_286 = arith.index_cast %add3A_285 : i32 to index
        %get3A_287 = arith.constant 48 : index
        %get3A_288 = tpu.vector_load %arg15[%get3A_286, %get3A_287] {strides = array<i32>} : memref<320x128xf32, #tpu.memory_space<vmem>>, vector<1x16xf32>,
        %get3A_289 = vector.shape_cast %get3A_288 : vector<1x16xf32> to vector<16xf32>
        %mul3A_290 = arith.mulf %get3A_289, %get3A_235 : vector<16xf32>
        %add3A_291 = arith.addf %add3A_281, %mul3A_290 : vector<16xf32>
        %mul3A_292 = arith.constant 20 : i32
        %mul3A_293 = arith.muli %scan3A_219, %mul3A_292 : i32
        %add3A_294 = arith.constant 0 : i32
        %add3A_295 = arith.addi %mul3A_293, %add3A_294 : i32
        %get3A_296 = arith.index_cast %add3A_295 : i32 to index
        %get3A_297 = arith.constant 64 : index
        %get3A_298 = tpu.vector_load %arg15[%get3A_296, %get3A_297] {strides = array<i32>} : memref<320x128xf32, #tpu.memory_space<vmem>>, vector<1x16xf32>,
        %get3A_299 = vector.shape_cast %get3A_298 : vector<1x16xf32> to vector<16xf32>
        %mul3A_300 = arith.mulf %get3A_299, %get3A_239 : vector<16xf32>
        %add3A_301 = arith.addf %add3A_291, %mul3A_300 : vector<16xf32>
        %mul3A_302 = arith.constant 20 : i32
        %mul3A_303 = arith.muli %scan3A_219, %mul3A_302 : i32
        %add3A_304 = arith.constant 0 : i32
        %add3A_305 = arith.addi %mul3A_303, %add3A_304 : i32
        %get3A_306 = arith.index_cast %add3A_305 : i32 to index
        %get3A_307 = arith.constant 80 : index
        %get3A_308 = tpu.vector_load %arg15[%get3A_306, %get3A_307] {strides = array<i32>} : memref<320x128xf32, #tpu.memory_space<vmem>>, vector<1x16xf32>,
        %get3A_309 = vector.shape_cast %get3A_308 : vector<1x16xf32> to vector<16xf32>
        %mul3A_310 = arith.mulf %get3A_309, %get3A_243 : vector<16xf32>
        %add3A_311 = arith.addf %add3A_301, %mul3A_310 : vector<16xf32>
        %mul3A_312 = arith.constant 20 : i32
        %mul3A_313 = arith.muli %scan3A_219, %mul3A_312 : i32
        %add3A_314 = arith.constant 0 : i32
        %add3A_315 = arith.addi %mul3A_313, %add3A_314 : i32
        %get3A_316 = arith.index_cast %add3A_315 : i32 to index
        %get3A_317 = arith.constant 96 : index
        %get3A_318 = tpu.vector_load %arg15[%get3A_316, %get3A_317] {strides = array<i32>} : memref<320x128xf32, #tpu.memory_space<vmem>>, vector<1x16xf32>,
        %get3A_319 = vector.shape_cast %get3A_318 : vector<1x16xf32> to vector<16xf32>
        %mul3A_320 = arith.mulf %get3A_319, %get3A_247 : vector<16xf32>
        %add3A_321 = arith.addf %add3A_311, %mul3A_320 : vector<16xf32>
        %mul3A_322 = arith.constant 20 : i32
        %mul3A_323 = arith.muli %scan3A_219, %mul3A_322 : i32
        %add3A_324 = arith.constant 0 : i32
        %add3A_325 = arith.addi %mul3A_323, %add3A_324 : i32
        %get3A_326 = arith.index_cast %add3A_325 : i32 to index
        %get3A_327 = arith.constant 112 : index
        %get3A_328 = tpu.vector_load %arg15[%get3A_326, %get3A_327] {strides = array<i32>} : memref<320x128xf32, #tpu.memory_space<vmem>>, vector<1x16xf32>,
        %get3A_329 = vector.shape_cast %get3A_328 : vector<1x16xf32> to vector<16xf32>
        %mul3A_330 = arith.mulf %get3A_329, %get3A_251 : vector<16xf32>
        %add3A_331 = arith.addf %add3A_321, %mul3A_330 : vector<16xf32>
        %mul3A_332 = arith.constant 20 : i32
        %mul3A_333 = arith.muli %scan3A_219, %mul3A_332 : i32
        %add3A_334 = arith.constant 1 : i32
        %add3A_335 = arith.addi %mul3A_333, %add3A_334 : i32
        %get3A_336 = arith.index_cast %add3A_335 : i32 to index
        %get3A_337 = arith.constant 0 : index
        %get3A_338 = tpu.vector_load %arg15[%get3A_336, %get3A_337] {strides = array<i32>} : memref<320x128xf32, #tpu.memory_space<vmem>>, vector<1x16xf32>,
        %get3A_339 = vector.shape_cast %get3A_338 : vector<1x16xf32> to vector<16xf32>
        %mul3A_340 = arith.mulf %get3A_339, %get3A_223 : vector<16xf32>
        %mul3A_341 = arith.constant 20 : i32
        %mul3A_342 = arith.muli %scan3A_219, %mul3A_341 : i32
        %add3A_343 = arith.constant 1 : i32
        %add3A_344 = arith.addi %mul3A_342, %add3A_343 : i32
        %get3A_345 = arith.index_cast %add3A_344 : i32 to index
        %get3A_346 = arith.constant 16 : index
        %get3A_347 = tpu.vector_load %arg15[%get3A_345, %get3A_346] {strides = array<i32>} : memref<320x128xf32, #tpu.memory_space<vmem>>, vector<1x16xf32>,
        %get3A_348 = vector.shape_cast %get3A_347 : vector<1x16xf32> to vector<16xf32>
        %mul3A_349 = arith.mulf %get3A_348, %get3A_227 : vector<16xf32>
        %add3A_350 = arith.addf %mul3A_340, %mul3A_349 : vector<16xf32>
        %mul3A_351 = arith.constant 20 : i32
        %mul3A_352 = arith.muli %scan3A_219, %mul3A_351 : i32
        %add3A_353 = arith.constant 1 : i32
        %add3A_354 = arith.addi %mul3A_352, %add3A_353 : i32
        %get3A_355 = arith.index_cast %add3A_354 : i32 to index
        %get3A_356 = arith.constant 32 : index
        %get3A_357 = tpu.vector_load %arg15[%get3A_355, %get3A_356] {strides = array<i32>} : memref<320x128xf32, #tpu.memory_space<vmem>>, vector<1x16xf32>,
        %get3A_358 = vector.shape_cast %get3A_357 : vector<1x16xf32> to vector<16xf32>
        %mul3A_359 = arith.mulf %get3A_358, %get3A_231 : vector<16xf32>
        %add3A_360 = arith.addf %add3A_350, %mul3A_359 : vector<16xf32>
        %mul3A_361 = arith.constant 20 : i32
        %mul3A_362 = arith.muli %scan3A_219, %mul3A_361 : i32
        %add3A_363 = arith.constant 1 : i32
        %add3A_364 = arith.addi %mul3A_362, %add3A_363 : i32
        %get3A_365 = arith.index_cast %add3A_364 : i32 to index
        %get3A_366 = arith.constant 48 : index
        %get3A_367 = tpu.vector_load %arg15[%get3A_365, %get3A_366] {strides = array<i32>} : memref<320x128xf32, #tpu.memory_space<vmem>>, vector<1x16xf32>,
        %get3A_368 = vector.shape_cast %get3A_367 : vector<1x16xf32> to vector<16xf32>
        %mul3A_369 = arith.mulf %get3A_368, %get3A_235 : vector<16xf32>
        %add3A_370 = arith.addf %add3A_360, %mul3A_369 : vector<16xf32>
        %mul3A_371 = arith.constant 20 : i32
        %mul3A_372 = arith.muli %scan3A_219, %mul3A_371 : i32
        %add3A_373 = arith.constant 1 : i32
        %add3A_374 = arith.addi %mul3A_372, %add3A_373 : i32
        %get3A_375 = arith.index_cast %add3A_374 : i32 to index
        %get3A_376 = arith.constant 64 : index
        %get3A_377 = tpu.vector_load %arg15[%get3A_375, %get3A_376] {strides = array<i32>} : memref<320x128xf32, #tpu.memory_space<vmem>>, vector<1x16xf32>,
        %get3A_378 = vector.shape_cast %get3A_377 : vector<1x16xf32> to vector<16xf32>
        %mul3A_379 = arith.mulf %get3A_378, %get3A_239 : vector<16xf32>
        %add3A_380 = arith.addf %add3A_370, %mul3A_379 : vector<16xf32>
        %mul3A_381 = arith.constant 20 : i32
        %mul3A_382 = arith.muli %scan3A_219, %mul3A_381 : i32
        %add3A_383 = arith.constant 1 : i32
        %add3A_384 = arith.addi %mul3A_382, %add3A_383 : i32
        %get3A_385 = arith.index_cast %add3A_384 : i32 to index
        %get3A_386 = arith.constant 80 : index
        %get3A_387 = tpu.vector_load %arg15[%get3A_385, %get3A_386] {strides = array<i32>} : memref<320x128xf32, #tpu.memory_space<vmem>>, vector<1x16xf32>,
        %get3A_388 = vector.shape_cast %get3A_387 : vector<1x16xf32> to vector<16xf32>
        %mul3A_389 = arith.mulf %get3A_388, %get3A_243 : vector<16xf32>
        %add3A_390 = arith.addf %add3A_380, %mul3A_389 : vector<16xf32>
        %mul3A_391 = arith.constant 20 : i32
        %mul3A_392 = arith.muli %scan3A_219, %mul3A_391 : i32
        %add3A_393 = arith.constant 1 : i32
        %add3A_394 = arith.addi %mul3A_392, %add3A_393 : i32
        %get3A_395 = arith.index_cast %add3A_394 : i32 to index
        %get3A_396 = arith.constant 96 : index
        %get3A_397 = tpu.vector_load %arg15[%get3A_395, %get3A_396] {strides = array<i32>} : memref<320x128xf32, #tpu.memory_space<vmem>>, vector<1x16xf32>,
        %get3A_398 = vector.shape_cast %get3A_397 : vector<1x16xf32> to vector<16xf32>
        %mul3A_399 = arith.mulf %get3A_398, %get3A_247 : vector<16xf32>
        %add3A_400 = arith.addf %add3A_390, %mul3A_399 : vector<16xf32>
        %mul3A_401 = arith.constant 20 : i32
        %mul3A_402 = arith.muli %scan3A_219, %mul3A_401 : i32
        %add3A_403 = arith.constant 1 : i32
        %add3A_404 = arith.addi %mul3A_402, %add3A_403 : i32
        %get3A_405 = arith.index_cast %add3A_404 : i32 to index
        %get3A_406 = arith.constant 112 : index
        %get3A_407 = tpu.vector_load %arg15[%get3A_405, %get3A_406] {strides = array<i32>} : memref<320x128xf32, #tpu.memory_space<vmem>>, vector<1x16xf32>,
        %get3A_408 = vector.shape_cast %get3A_407 : vector<1x16xf32> to vector<16xf32>
        %mul3A_409 = arith.mulf %get3A_408, %get3A_251 : vector<16xf32>
        %add3A_410 = arith.addf %add3A_400, %mul3A_409 : vector<16xf32>
        %mul3A_411 = arith.constant 20 : i32
        %mul3A_412 = arith.muli %scan3A_219, %mul3A_411 : i32
        %add3A_413 = arith.constant 2 : i32
        %add3A_414 = arith.addi %mul3A_412, %add3A_413 : i32
        %get3A_415 = arith.index_cast %add3A_414 : i32 to index
        %get3A_416 = arith.constant 0 : index
        %get3A_417 = tpu.vector_load %arg15[%get3A_415, %get3A_416] {strides = array<i32>} : memref<320x128xf32, #tpu.memory_space<vmem>>, vector<1x16xf32>,
        %get3A_418 = vector.shape_cast %get3A_417 : vector<1x16xf32> to vector<16xf32>
        %mul3A_419 = arith.mulf %get3A_418, %get3A_223 : vector<16xf32>
        %mul3A_420 = arith.constant 20 : i32
        %mul3A_421 = arith.muli %scan3A_219, %mul3A_420 : i32
        %add3A_422 = arith.constant 2 : i32
        %add3A_423 = arith.addi %mul3A_421, %add3A_422 : i32
        %get3A_424 = arith.index_cast %add3A_423 : i32 to index
        %get3A_425 = arith.constant 16 : index
        %get3A_426 = tpu.vector_load %arg15[%get3A_424, %get3A_425] {strides = array<i32>} : memref<320x128xf32, #tpu.memory_space<vmem>>, vector<1x16xf32>,
        %get3A_427 = vector.shape_cast %get3A_426 : vector<1x16xf32> to vector<16xf32>
        %mul3A_428 = arith.mulf %get3A_427, %get3A_227 : vector<16xf32>
        %add3A_429 = arith.addf %mul3A_419, %mul3A_428 : vector<16xf32>
        %mul3A_430 = arith.constant 20 : i32
        %mul3A_431 = arith.muli %scan3A_219, %mul3A_430 : i32
        %add3A_432 = arith.constant 2 : i32
        %add3A_433 = arith.addi %mul3A_431, %add3A_432 : i32
        %get3A_434 = arith.index_cast %add3A_433 : i32 to index
        %get3A_435 = arith.constant 32 : index
        %get3A_436 = tpu.vector_load %arg15[%get3A_434, %get3A_435] {strides = array<i32>} : memref<320x128xf32, #tpu.memory_space<vmem>>, vector<1x16xf32>,
        %get3A_437 = vector.shape_cast %get3A_436 : vector<1x16xf32> to vector<16xf32>
        %mul3A_438 = arith.mulf %get3A_437, %get3A_231 : vector<16xf32>
        %add3A_439 = arith.addf %add3A_429, %mul3A_438 : vector<16xf32>
        %mul3A_440 = arith.constant 20 : i32
        %mul3A_441 = arith.muli %scan3A_219, %mul3A_440 : i32
        %add3A_442 = arith.constant 2 : i32
        %add3A_443 = arith.addi %mul3A_441, %add3A_442 : i32
        %get3A_444 = arith.index_cast %add3A_443 : i32 to index
        %get3A_445 = arith.constant 48 : index
        %get3A_446 = tpu.vector_load %arg15[%get3A_444, %get3A_445] {strides = array<i32>} : memref<320x128xf32, #tpu.memory_space<vmem>>, vector<1x16xf32>,
        %get3A_447 = vector.shape_cast %get3A_446 : vector<1x16xf32> to vector<16xf32>
        %mul3A_448 = arith.mulf %get3A_447, %get3A_235 : vector<16xf32>
        %add3A_449 = arith.addf %add3A_439, %mul3A_448 : vector<16xf32>
        %mul3A_450 = arith.constant 20 : i32
        %mul3A_451 = arith.muli %scan3A_219, %mul3A_450 : i32
        %add3A_452 = arith.constant 2 : i32
        %add3A_453 = arith.addi %mul3A_451, %add3A_452 : i32
        %get3A_454 = arith.index_cast %add3A_453 : i32 to index
        %get3A_455 = arith.constant 64 : index
        %get3A_456 = tpu.vector_load %arg15[%get3A_454, %get3A_455] {strides = array<i32>} : memref<320x128xf32, #tpu.memory_space<vmem>>, vector<1x16xf32>,
        %get3A_457 = vector.shape_cast %get3A_456 : vector<1x16xf32> to vector<16xf32>
        %mul3A_458 = arith.mulf %get3A_457, %get3A_239 : vector<16xf32>
        %add3A_459 = arith.addf %add3A_449, %mul3A_458 : vector<16xf32>
        %mul3A_460 = arith.constant 20 : i32
        %mul3A_461 = arith.muli %scan3A_219, %mul3A_460 : i32
        %add3A_462 = arith.constant 2 : i32
        %add3A_463 = arith.addi %mul3A_461, %add3A_462 : i32
        %get3A_464 = arith.index_cast %add3A_463 : i32 to index
        %get3A_465 = arith.constant 80 : index
        %get3A_466 = tpu.vector_load %arg15[%get3A_464, %get3A_465] {strides = array<i32>} : memref<320x128xf32, #tpu.memory_space<vmem>>, vector<1x16xf32>,
        %get3A_467 = vector.shape_cast %get3A_466 : vector<1x16xf32> to vector<16xf32>
        %mul3A_468 = arith.mulf %get3A_467, %get3A_243 : vector<16xf32>
        %add3A_469 = arith.addf %add3A_459, %mul3A_468 : vector<16xf32>
        %mul3A_470 = arith.constant 20 : i32
        %mul3A_471 = arith.muli %scan3A_219, %mul3A_470 : i32
        %add3A_472 = arith.constant 2 : i32
        %add3A_473 = arith.addi %mul3A_471, %add3A_472 : i32
        %get3A_474 = arith.index_cast %add3A_473 : i32 to index
        %get3A_475 = arith.constant 96 : index
        %get3A_476 = tpu.vector_load %arg15[%get3A_474, %get3A_475] {strides = array<i32>} : memref<320x128xf32, #tpu.memory_space<vmem>>, vector<1x16xf32>,
        %get3A_477 = vector.shape_cast %get3A_476 : vector<1x16xf32> to vector<16xf32>
        %mul3A_478 = arith.mulf %get3A_477, %get3A_247 : vector<16xf32>
        %add3A_479 = arith.addf %add3A_469, %mul3A_478 : vector<16xf32>
        %mul3A_480 = arith.constant 20 : i32
        %mul3A_481 = arith.muli %scan3A_219, %mul3A_480 : i32
        %add3A_482 = arith.constant 2 : i32
        %add3A_483 = arith.addi %mul3A_481, %add3A_482 : i32
        %get3A_484 = arith.index_cast %add3A_483 : i32 to index
        %get3A_485 = arith.constant 112 : index
        %get3A_486 = tpu.vector_load %arg15[%get3A_484, %get3A_485] {strides = array<i32>} : memref<320x128xf32, #tpu.memory_space<vmem>>, vector<1x16xf32>,
        %get3A_487 = vector.shape_cast %get3A_486 : vector<1x16xf32> to vector<16xf32>
        %mul3A_488 = arith.mulf %get3A_487, %get3A_251 : vector<16xf32>
        %add3A_489 = arith.addf %add3A_479, %mul3A_488 : vector<16xf32>
        %mul3A_490 = arith.constant 20 : i32
        %mul3A_491 = arith.muli %scan3A_219, %mul3A_490 : i32
        %add3A_492 = arith.constant 3 : i32
        %add3A_493 = arith.addi %mul3A_491, %add3A_492 : i32
        %get3A_494 = arith.index_cast %add3A_493 : i32 to index
        %get3A_495 = arith.constant 0 : index
        %get3A_496 = tpu.vector_load %arg15[%get3A_494, %get3A_495] {strides = array<i32>} : memref<320x128xf32, #tpu.memory_space<vmem>>, vector<1x16xf32>,
        %get3A_497 = vector.shape_cast %get3A_496 : vector<1x16xf32> to vector<16xf32>
        %mul3A_498 = arith.mulf %get3A_497, %get3A_223 : vector<16xf32>
        %mul3A_499 = arith.constant 20 : i32
        %mul3A_500 = arith.muli %scan3A_219, %mul3A_499 : i32
        %add3A_501 = arith.constant 3 : i32
        %add3A_502 = arith.addi %mul3A_500, %add3A_501 : i32
        %get3A_503 = arith.index_cast %add3A_502 : i32 to index
        %get3A_504 = arith.constant 16 : index
        %get3A_505 = tpu.vector_load %arg15[%get3A_503, %get3A_504] {strides = array<i32>} : memref<320x128xf32, #tpu.memory_space<vmem>>, vector<1x16xf32>,
        %get3A_506 = vector.shape_cast %get3A_505 : vector<1x16xf32> to vector<16xf32>
        %mul3A_507 = arith.mulf %get3A_506, %get3A_227 : vector<16xf32>
        %add3A_508 = arith.addf %mul3A_498, %mul3A_507 : vector<16xf32>
        %mul3A_509 = arith.constant 20 : i32
        %mul3A_510 = arith.muli %scan3A_219, %mul3A_509 : i32
        %add3A_511 = arith.constant 3 : i32
        %add3A_512 = arith.addi %mul3A_510, %add3A_511 : i32
        %get3A_513 = arith.index_cast %add3A_512 : i32 to index
        %get3A_514 = arith.constant 32 : index
        %get3A_515 = tpu.vector_load %arg15[%get3A_513, %get3A_514] {strides = array<i32>} : memref<320x128xf32, #tpu.memory_space<vmem>>, vector<1x16xf32>,
        %get3A_516 = vector.shape_cast %get3A_515 : vector<1x16xf32> to vector<16xf32>
        %mul3A_517 = arith.mulf %get3A_516, %get3A_231 : vector<16xf32>
        %add3A_518 = arith.addf %add3A_508, %mul3A_517 : vector<16xf32>
        %mul3A_519 = arith.constant 20 : i32
        %mul3A_520 = arith.muli %scan3A_219, %mul3A_519 : i32
        %add3A_521 = arith.constant 3 : i32
        %add3A_522 = arith.addi %mul3A_520, %add3A_521 : i32
        %get3A_523 = arith.index_cast %add3A_522 : i32 to index
        %get3A_524 = arith.constant 48 : index
        %get3A_525 = tpu.vector_load %arg15[%get3A_523, %get3A_524] {strides = array<i32>} : memref<320x128xf32, #tpu.memory_space<vmem>>, vector<1x16xf32>,
        %get3A_526 = vector.shape_cast %get3A_525 : vector<1x16xf32> to vector<16xf32>
        %mul3A_527 = arith.mulf %get3A_526, %get3A_235 : vector<16xf32>
        %add3A_528 = arith.addf %add3A_518, %mul3A_527 : vector<16xf32>
        %mul3A_529 = arith.constant 20 : i32
        %mul3A_530 = arith.muli %scan3A_219, %mul3A_529 : i32
        %add3A_531 = arith.constant 3 : i32
        %add3A_532 = arith.addi %mul3A_530, %add3A_531 : i32
        %get3A_533 = arith.index_cast %add3A_532 : i32 to index
        %get3A_534 = arith.constant 64 : index
        %get3A_535 = tpu.vector_load %arg15[%get3A_533, %get3A_534] {strides = array<i32>} : memref<320x128xf32, #tpu.memory_space<vmem>>, vector<1x16xf32>,
        %get3A_536 = vector.shape_cast %get3A_535 : vector<1x16xf32> to vector<16xf32>
        %mul3A_537 = arith.mulf %get3A_536, %get3A_239 : vector<16xf32>
        %add3A_538 = arith.addf %add3A_528, %mul3A_537 : vector<16xf32>
        %mul3A_539 = arith.constant 20 : i32
        %mul3A_540 = arith.muli %scan3A_219, %mul3A_539 : i32
        %add3A_541 = arith.constant 3 : i32
        %add3A_542 = arith.addi %mul3A_540, %add3A_541 : i32
        %get3A_543 = arith.index_cast %add3A_542 : i32 to index
        %get3A_544 = arith.constant 80 : index
        %get3A_545 = tpu.vector_load %arg15[%get3A_543, %get3A_544] {strides = array<i32>} : memref<320x128xf32, #tpu.memory_space<vmem>>, vector<1x16xf32>,
        %get3A_546 = vector.shape_cast %get3A_545 : vector<1x16xf32> to vector<16xf32>
        %mul3A_547 = arith.mulf %get3A_546, %get3A_243 : vector<16xf32>
        %add3A_548 = arith.addf %add3A_538, %mul3A_547 : vector<16xf32>
        %mul3A_549 = arith.constant 20 : i32
        %mul3A_550 = arith.muli %scan3A_219, %mul3A_549 : i32
        %add3A_551 = arith.constant 3 : i32
        %add3A_552 = arith.addi %mul3A_550, %add3A_551 : i32
        %get3A_553 = arith.index_cast %add3A_552 : i32 to index
        %get3A_554 = arith.constant 96 : index
        %get3A_555 = tpu.vector_load %arg15[%get3A_553, %get3A_554] {strides = array<i32>} : memref<320x128xf32, #tpu.memory_space<vmem>>, vector<1x16xf32>,
        %get3A_556 = vector.shape_cast %get3A_555 : vector<1x16xf32> to vector<16xf32>
        %mul3A_557 = arith.mulf %get3A_556, %get3A_247 : vector<16xf32>
        %add3A_558 = arith.addf %add3A_548, %mul3A_557 : vector<16xf32>
        %mul3A_559 = arith.constant 20 : i32
        %mul3A_560 = arith.muli %scan3A_219, %mul3A_559 : i32
        %add3A_561 = arith.constant 3 : i32
        %add3A_562 = arith.addi %mul3A_560, %add3A_561 : i32
        %get3A_563 = arith.index_cast %add3A_562 : i32 to index
        %get3A_564 = arith.constant 112 : index
        %get3A_565 = tpu.vector_load %arg15[%get3A_563, %get3A_564] {strides = array<i32>} : memref<320x128xf32, #tpu.memory_space<vmem>>, vector<1x16xf32>,
        %get3A_566 = vector.shape_cast %get3A_565 : vector<1x16xf32> to vector<16xf32>
        %mul3A_567 = arith.mulf %get3A_566, %get3A_251 : vector<16xf32>
        %add3A_568 = arith.addf %add3A_558, %mul3A_567 : vector<16xf32>
        %mul3A_569 = arith.constant 20 : i32
        %mul3A_570 = arith.muli %scan3A_219, %mul3A_569 : i32
        %add3A_571 = arith.constant 4 : i32
        %add3A_572 = arith.addi %mul3A_570, %add3A_571 : i32
        %get3A_573 = arith.index_cast %add3A_572 : i32 to index
        %get3A_574 = arith.constant 0 : index
        %get3A_575 = tpu.vector_load %arg15[%get3A_573, %get3A_574] {strides = array<i32>} : memref<320x128xf32, #tpu.memory_space<vmem>>, vector<1x16xf32>,
        %get3A_576 = vector.shape_cast %get3A_575 : vector<1x16xf32> to vector<16xf32>
        %mul3A_577 = arith.mulf %get3A_576, %get3A_223 : vector<16xf32>
        %mul3A_578 = arith.constant 20 : i32
        %mul3A_579 = arith.muli %scan3A_219, %mul3A_578 : i32
        %add3A_580 = arith.constant 4 : i32
        %add3A_581 = arith.addi %mul3A_579, %add3A_580 : i32
        %get3A_582 = arith.index_cast %add3A_581 : i32 to index
        %get3A_583 = arith.constant 16 : index
        %get3A_584 = tpu.vector_load %arg15[%get3A_582, %get3A_583] {strides = array<i32>} : memref<320x128xf32, #tpu.memory_space<vmem>>, vector<1x16xf32>,
        %get3A_585 = vector.shape_cast %get3A_584 : vector<1x16xf32> to vector<16xf32>
        %mul3A_586 = arith.mulf %get3A_585, %get3A_227 : vector<16xf32>
        %add3A_587 = arith.addf %mul3A_577, %mul3A_586 : vector<16xf32>
        %mul3A_588 = arith.constant 20 : i32
        %mul3A_589 = arith.muli %scan3A_219, %mul3A_588 : i32
        %add3A_590 = arith.constant 4 : i32
        %add3A_591 = arith.addi %mul3A_589, %add3A_590 : i32
        %get3A_592 = arith.index_cast %add3A_591 : i32 to index
        %get3A_593 = arith.constant 32 : index
        %get3A_594 = tpu.vector_load %arg15[%get3A_592, %get3A_593] {strides = array<i32>} : memref<320x128xf32, #tpu.memory_space<vmem>>, vector<1x16xf32>,
        %get3A_595 = vector.shape_cast %get3A_594 : vector<1x16xf32> to vector<16xf32>
        %mul3A_596 = arith.mulf %get3A_595, %get3A_231 : vector<16xf32>
        %add3A_597 = arith.addf %add3A_587, %mul3A_596 : vector<16xf32>
        %mul3A_598 = arith.constant 20 : i32
        %mul3A_599 = arith.muli %scan3A_219, %mul3A_598 : i32
        %add3A_600 = arith.constant 4 : i32
        %add3A_601 = arith.addi %mul3A_599, %add3A_600 : i32
        %get3A_602 = arith.index_cast %add3A_601 : i32 to index
        %get3A_603 = arith.constant 48 : index
        %get3A_604 = tpu.vector_load %arg15[%get3A_602, %get3A_603] {strides = array<i32>} : memref<320x128xf32, #tpu.memory_space<vmem>>, vector<1x16xf32>,
        %get3A_605 = vector.shape_cast %get3A_604 : vector<1x16xf32> to vector<16xf32>
        %mul3A_606 = arith.mulf %get3A_605, %get3A_235 : vector<16xf32>
        %add3A_607 = arith.addf %add3A_597, %mul3A_606 : vector<16xf32>
        %mul3A_608 = arith.constant 20 : i32
        %mul3A_609 = arith.muli %scan3A_219, %mul3A_608 : i32
        %add3A_610 = arith.constant 4 : i32
        %add3A_611 = arith.addi %mul3A_609, %add3A_610 : i32
        %get3A_612 = arith.index_cast %add3A_611 : i32 to index
        %get3A_613 = arith.constant 64 : index
        %get3A_614 = tpu.vector_load %arg15[%get3A_612, %get3A_613] {strides = array<i32>} : memref<320x128xf32, #tpu.memory_space<vmem>>, vector<1x16xf32>,
        %get3A_615 = vector.shape_cast %get3A_614 : vector<1x16xf32> to vector<16xf32>
        %mul3A_616 = arith.mulf %get3A_615, %get3A_239 : vector<16xf32>
        %add3A_617 = arith.addf %add3A_607, %mul3A_616 : vector<16xf32>
        %mul3A_618 = arith.constant 20 : i32
        %mul3A_619 = arith.muli %scan3A_219, %mul3A_618 : i32
        %add3A_620 = arith.constant 4 : i32
        %add3A_621 = arith.addi %mul3A_619, %add3A_620 : i32
        %get3A_622 = arith.index_cast %add3A_621 : i32 to index
        %get3A_623 = arith.constant 80 : index
        %get3A_624 = tpu.vector_load %arg15[%get3A_622, %get3A_623] {strides = array<i32>} : memref<320x128xf32, #tpu.memory_space<vmem>>, vector<1x16xf32>,
        %get3A_625 = vector.shape_cast %get3A_624 : vector<1x16xf32> to vector<16xf32>
        %mul3A_626 = arith.mulf %get3A_625, %get3A_243 : vector<16xf32>
        %add3A_627 = arith.addf %add3A_617, %mul3A_626 : vector<16xf32>
        %mul3A_628 = arith.constant 20 : i32
        %mul3A_629 = arith.muli %scan3A_219, %mul3A_628 : i32
        %add3A_630 = arith.constant 4 : i32
        %add3A_631 = arith.addi %mul3A_629, %add3A_630 : i32
        %get3A_632 = arith.index_cast %add3A_631 : i32 to index
        %get3A_633 = arith.constant 96 : index
        %get3A_634 = tpu.vector_load %arg15[%get3A_632, %get3A_633] {strides = array<i32>} : memref<320x128xf32, #tpu.memory_space<vmem>>, vector<1x16xf32>,
        %get3A_635 = vector.shape_cast %get3A_634 : vector<1x16xf32> to vector<16xf32>
        %mul3A_636 = arith.mulf %get3A_635, %get3A_247 : vector<16xf32>
        %add3A_637 = arith.addf %add3A_627, %mul3A_636 : vector<16xf32>
        %mul3A_638 = arith.constant 20 : i32
        %mul3A_639 = arith.muli %scan3A_219, %mul3A_638 : i32
        %add3A_640 = arith.constant 4 : i32
        %add3A_641 = arith.addi %mul3A_639, %add3A_640 : i32
        %get3A_642 = arith.index_cast %add3A_641 : i32 to index
        %get3A_643 = arith.constant 112 : index
        %get3A_644 = tpu.vector_load %arg15[%get3A_642, %get3A_643] {strides = array<i32>} : memref<320x128xf32, #tpu.memory_space<vmem>>, vector<1x16xf32>,
        %get3A_645 = vector.shape_cast %get3A_644 : vector<1x16xf32> to vector<16xf32>
        %mul3A_646 = arith.mulf %get3A_645, %get3A_251 : vector<16xf32>
        %add3A_647 = arith.addf %add3A_637, %mul3A_646 : vector<16xf32>
        %mul3A_648 = arith.constant 20 : i32
        %mul3A_649 = arith.muli %scan3A_219, %mul3A_648 : i32
        %add3A_650 = arith.constant 5 : i32
        %add3A_651 = arith.addi %mul3A_649, %add3A_650 : i32
        %get3A_652 = arith.index_cast %add3A_651 : i32 to index
        %get3A_653 = arith.constant 0 : index
        %get3A_654 = tpu.vector_load %arg15[%get3A_652, %get3A_653] {strides = array<i32>} : memref<320x128xf32, #tpu.memory_space<vmem>>, vector<1x16xf32>,
        %get3A_655 = vector.shape_cast %get3A_654 : vector<1x16xf32> to vector<16xf32>
        %mul3A_656 = arith.mulf %get3A_655, %get3A_223 : vector<16xf32>
        %mul3A_657 = arith.constant 20 : i32
        %mul3A_658 = arith.muli %scan3A_219, %mul3A_657 : i32
        %add3A_659 = arith.constant 5 : i32
        %add3A_660 = arith.addi %mul3A_658, %add3A_659 : i32
        %get3A_661 = arith.index_cast %add3A_660 : i32 to index
        %get3A_662 = arith.constant 16 : index
        %get3A_663 = tpu.vector_load %arg15[%get3A_661, %get3A_662] {strides = array<i32>} : memref<320x128xf32, #tpu.memory_space<vmem>>, vector<1x16xf32>,
        %get3A_664 = vector.shape_cast %get3A_663 : vector<1x16xf32> to vector<16xf32>
        %mul3A_665 = arith.mulf %get3A_664, %get3A_227 : vector<16xf32>
        %add3A_666 = arith.addf %mul3A_656, %mul3A_665 : vector<16xf32>
        %mul3A_667 = arith.constant 20 : i32
        %mul3A_668 = arith.muli %scan3A_219, %mul3A_667 : i32
        %add3A_669 = arith.constant 5 : i32
        %add3A_670 = arith.addi %mul3A_668, %add3A_669 : i32
        %get3A_671 = arith.index_cast %add3A_670 : i32 to index
        %get3A_672 = arith.constant 32 : index
        %get3A_673 = tpu.vector_load %arg15[%get3A_671, %get3A_672] {strides = array<i32>} : memref<320x128xf32, #tpu.memory_space<vmem>>, vector<1x16xf32>,
        %get3A_674 = vector.shape_cast %get3A_673 : vector<1x16xf32> to vector<16xf32>
        %mul3A_675 = arith.mulf %get3A_674, %get3A_231 : vector<16xf32>
        %add3A_676 = arith.addf %add3A_666, %mul3A_675 : vector<16xf32>
        %mul3A_677 = arith.constant 20 : i32
        %mul3A_678 = arith.muli %scan3A_219, %mul3A_677 : i32
        %add3A_679 = arith.constant 5 : i32
        %add3A_680 = arith.addi %mul3A_678, %add3A_679 : i32
        %get3A_681 = arith.index_cast %add3A_680 : i32 to index
        %get3A_682 = arith.constant 48 : index
        %get3A_683 = tpu.vector_load %arg15[%get3A_681, %get3A_682] {strides = array<i32>} : memref<320x128xf32, #tpu.memory_space<vmem>>, vector<1x16xf32>,
        %get3A_684 = vector.shape_cast %get3A_683 : vector<1x16xf32> to vector<16xf32>
        %mul3A_685 = arith.mulf %get3A_684, %get3A_235 : vector<16xf32>
        %add3A_686 = arith.addf %add3A_676, %mul3A_685 : vector<16xf32>
        %mul3A_687 = arith.constant 20 : i32
        %mul3A_688 = arith.muli %scan3A_219, %mul3A_687 : i32
        %add3A_689 = arith.constant 5 : i32
        %add3A_690 = arith.addi %mul3A_688, %add3A_689 : i32
        %get3A_691 = arith.index_cast %add3A_690 : i32 to index
        %get3A_692 = arith.constant 64 : index
        %get3A_693 = tpu.vector_load %arg15[%get3A_691, %get3A_692] {strides = array<i32>} : memref<320x128xf32, #tpu.memory_space<vmem>>, vector<1x16xf32>,
        %get3A_694 = vector.shape_cast %get3A_693 : vector<1x16xf32> to vector<16xf32>
        %mul3A_695 = arith.mulf %get3A_694, %get3A_239 : vector<16xf32>
        %add3A_696 = arith.addf %add3A_686, %mul3A_695 : vector<16xf32>
        %mul3A_697 = arith.constant 20 : i32
        %mul3A_698 = arith.muli %scan3A_219, %mul3A_697 : i32
        %add3A_699 = arith.constant 5 : i32
        %add3A_700 = arith.addi %mul3A_698, %add3A_699 : i32
        %get3A_701 = arith.index_cast %add3A_700 : i32 to index
        %get3A_702 = arith.constant 80 : index
        %get3A_703 = tpu.vector_load %arg15[%get3A_701, %get3A_702] {strides = array<i32>} : memref<320x128xf32, #tpu.memory_space<vmem>>, vector<1x16xf32>,
        %get3A_704 = vector.shape_cast %get3A_703 : vector<1x16xf32> to vector<16xf32>
        %mul3A_705 = arith.mulf %get3A_704, %get3A_243 : vector<16xf32>
        %add3A_706 = arith.addf %add3A_696, %mul3A_705 : vector<16xf32>
        %mul3A_707 = arith.constant 20 : i32
        %mul3A_708 = arith.muli %scan3A_219, %mul3A_707 : i32
        %add3A_709 = arith.constant 5 : i32
        %add3A_710 = arith.addi %mul3A_708, %add3A_709 : i32
        %get3A_711 = arith.index_cast %add3A_710 : i32 to index
        %get3A_712 = arith.constant 96 : index
        %get3A_713 = tpu.vector_load %arg15[%get3A_711, %get3A_712] {strides = array<i32>} : memref<320x128xf32, #tpu.memory_space<vmem>>, vector<1x16xf32>,
        %get3A_714 = vector.shape_cast %get3A_713 : vector<1x16xf32> to vector<16xf32>
        %mul3A_715 = arith.mulf %get3A_714, %get3A_247 : vector<16xf32>
        %add3A_716 = arith.addf %add3A_706, %mul3A_715 : vector<16xf32>
        %mul3A_717 = arith.constant 20 : i32
        %mul3A_718 = arith.muli %scan3A_219, %mul3A_717 : i32
        %add3A_719 = arith.constant 5 : i32
        %add3A_720 = arith.addi %mul3A_718, %add3A_719 : i32
        %get3A_721 = arith.index_cast %add3A_720 : i32 to index
        %get3A_722 = arith.constant 112 : index
        %get3A_723 = tpu.vector_load %arg15[%get3A_721, %get3A_722] {strides = array<i32>} : memref<320x128xf32, #tpu.memory_space<vmem>>, vector<1x16xf32>,
        %get3A_724 = vector.shape_cast %get3A_723 : vector<1x16xf32> to vector<16xf32>
        %mul3A_725 = arith.mulf %get3A_724, %get3A_251 : vector<16xf32>
        %add3A_726 = arith.addf %add3A_716, %mul3A_725 : vector<16xf32>
        %mul3A_727 = arith.constant 20 : i32
        %mul3A_728 = arith.muli %scan3A_219, %mul3A_727 : i32
        %add3A_729 = arith.constant 6 : i32
        %add3A_730 = arith.addi %mul3A_728, %add3A_729 : i32
        %get3A_731 = arith.index_cast %add3A_730 : i32 to index
        %get3A_732 = arith.constant 0 : index
        %get3A_733 = tpu.vector_load %arg15[%get3A_731, %get3A_732] {strides = array<i32>} : memref<320x128xf32, #tpu.memory_space<vmem>>, vector<1x16xf32>,
        %get3A_734 = vector.shape_cast %get3A_733 : vector<1x16xf32> to vector<16xf32>
        %mul3A_735 = arith.mulf %get3A_734, %get3A_223 : vector<16xf32>
        %mul3A_736 = arith.constant 20 : i32
        %mul3A_737 = arith.muli %scan3A_219, %mul3A_736 : i32
        %add3A_738 = arith.constant 6 : i32
        %add3A_739 = arith.addi %mul3A_737, %add3A_738 : i32
        %get3A_740 = arith.index_cast %add3A_739 : i32 to index
        %get3A_741 = arith.constant 16 : index
        %get3A_742 = tpu.vector_load %arg15[%get3A_740, %get3A_741] {strides = array<i32>} : memref<320x128xf32, #tpu.memory_space<vmem>>, vector<1x16xf32>,
        %get3A_743 = vector.shape_cast %get3A_742 : vector<1x16xf32> to vector<16xf32>
        %mul3A_744 = arith.mulf %get3A_743, %get3A_227 : vector<16xf32>
        %add3A_745 = arith.addf %mul3A_735, %mul3A_744 : vector<16xf32>
        %mul3A_746 = arith.constant 20 : i32
        %mul3A_747 = arith.muli %scan3A_219, %mul3A_746 : i32
        %add3A_748 = arith.constant 6 : i32
        %add3A_749 = arith.addi %mul3A_747, %add3A_748 : i32
        %get3A_750 = arith.index_cast %add3A_749 : i32 to index
        %get3A_751 = arith.constant 32 : index
        %get3A_752 = tpu.vector_load %arg15[%get3A_750, %get3A_751] {strides = array<i32>} : memref<320x128xf32, #tpu.memory_space<vmem>>, vector<1x16xf32>,
        %get3A_753 = vector.shape_cast %get3A_752 : vector<1x16xf32> to vector<16xf32>
        %mul3A_754 = arith.mulf %get3A_753, %get3A_231 : vector<16xf32>
        %add3A_755 = arith.addf %add3A_745, %mul3A_754 : vector<16xf32>
        %mul3A_756 = arith.constant 20 : i32
        %mul3A_757 = arith.muli %scan3A_219, %mul3A_756 : i32
        %add3A_758 = arith.constant 6 : i32
        %add3A_759 = arith.addi %mul3A_757, %add3A_758 : i32
        %get3A_760 = arith.index_cast %add3A_759 : i32 to index
        %get3A_761 = arith.constant 48 : index
        %get3A_762 = tpu.vector_load %arg15[%get3A_760, %get3A_761] {strides = array<i32>} : memref<320x128xf32, #tpu.memory_space<vmem>>, vector<1x16xf32>,
        %get3A_763 = vector.shape_cast %get3A_762 : vector<1x16xf32> to vector<16xf32>
        %mul3A_764 = arith.mulf %get3A_763, %get3A_235 : vector<16xf32>
        %add3A_765 = arith.addf %add3A_755, %mul3A_764 : vector<16xf32>
        %mul3A_766 = arith.constant 20 : i32
        %mul3A_767 = arith.muli %scan3A_219, %mul3A_766 : i32
        %add3A_768 = arith.constant 6 : i32
        %add3A_769 = arith.addi %mul3A_767, %add3A_768 : i32
        %get3A_770 = arith.index_cast %add3A_769 : i32 to index
        %get3A_771 = arith.constant 64 : index
        %get3A_772 = tpu.vector_load %arg15[%get3A_770, %get3A_771] {strides = array<i32>} : memref<320x128xf32, #tpu.memory_space<vmem>>, vector<1x16xf32>,
        %get3A_773 = vector.shape_cast %get3A_772 : vector<1x16xf32> to vector<16xf32>
        %mul3A_774 = arith.mulf %get3A_773, %get3A_239 : vector<16xf32>
        %add3A_775 = arith.addf %add3A_765, %mul3A_774 : vector<16xf32>
        %mul3A_776 = arith.constant 20 : i32
        %mul3A_777 = arith.muli %scan3A_219, %mul3A_776 : i32
        %add3A_778 = arith.constant 6 : i32
        %add3A_779 = arith.addi %mul3A_777, %add3A_778 : i32
        %get3A_780 = arith.index_cast %add3A_779 : i32 to index
        %get3A_781 = arith.constant 80 : index
        %get3A_782 = tpu.vector_load %arg15[%get3A_780, %get3A_781] {strides = array<i32>} : memref<320x128xf32, #tpu.memory_space<vmem>>, vector<1x16xf32>,
        %get3A_783 = vector.shape_cast %get3A_782 : vector<1x16xf32> to vector<16xf32>
        %mul3A_784 = arith.mulf %get3A_783, %get3A_243 : vector<16xf32>
        %add3A_785 = arith.addf %add3A_775, %mul3A_784 : vector<16xf32>
        %mul3A_786 = arith.constant 20 : i32
        %mul3A_787 = arith.muli %scan3A_219, %mul3A_786 : i32
        %add3A_788 = arith.constant 6 : i32
        %add3A_789 = arith.addi %mul3A_787, %add3A_788 : i32
        %get3A_790 = arith.index_cast %add3A_789 : i32 to index
        %get3A_791 = arith.constant 96 : index
        %get3A_792 = tpu.vector_load %arg15[%get3A_790, %get3A_791] {strides = array<i32>} : memref<320x128xf32, #tpu.memory_space<vmem>>, vector<1x16xf32>,
        %get3A_793 = vector.shape_cast %get3A_792 : vector<1x16xf32> to vector<16xf32>
        %mul3A_794 = arith.mulf %get3A_793, %get3A_247 : vector<16xf32>
        %add3A_795 = arith.addf %add3A_785, %mul3A_794 : vector<16xf32>
        %mul3A_796 = arith.constant 20 : i32
        %mul3A_797 = arith.muli %scan3A_219, %mul3A_796 : i32
        %add3A_798 = arith.constant 6 : i32
        %add3A_799 = arith.addi %mul3A_797, %add3A_798 : i32
        %get3A_800 = arith.index_cast %add3A_799 : i32 to index
        %get3A_801 = arith.constant 112 : index
        %get3A_802 = tpu.vector_load %arg15[%get3A_800, %get3A_801] {strides = array<i32>} : memref<320x128xf32, #tpu.memory_space<vmem>>, vector<1x16xf32>,
        %get3A_803 = vector.shape_cast %get3A_802 : vector<1x16xf32> to vector<16xf32>
        %mul3A_804 = arith.mulf %get3A_803, %get3A_251 : vector<16xf32>
        %add3A_805 = arith.addf %add3A_795, %mul3A_804 : vector<16xf32>
        %mul3A_806 = arith.constant 20 : i32
        %mul3A_807 = arith.muli %scan3A_219, %mul3A_806 : i32
        %add3A_808 = arith.constant 7 : i32
        %add3A_809 = arith.addi %mul3A_807, %add3A_808 : i32
        %get3A_810 = arith.index_cast %add3A_809 : i32 to index
        %get3A_811 = arith.constant 0 : index
        %get3A_812 = tpu.vector_load %arg15[%get3A_810, %get3A_811] {strides = array<i32>} : memref<320x128xf32, #tpu.memory_space<vmem>>, vector<1x16xf32>,
        %get3A_813 = vector.shape_cast %get3A_812 : vector<1x16xf32> to vector<16xf32>
        %mul3A_814 = arith.mulf %get3A_813, %get3A_223 : vector<16xf32>
        %mul3A_815 = arith.constant 20 : i32
        %mul3A_816 = arith.muli %scan3A_219, %mul3A_815 : i32
        %add3A_817 = arith.constant 7 : i32
        %add3A_818 = arith.addi %mul3A_816, %add3A_817 : i32
        %get3A_819 = arith.index_cast %add3A_818 : i32 to index
        %get3A_820 = arith.constant 16 : index
        %get3A_821 = tpu.vector_load %arg15[%get3A_819, %get3A_820] {strides = array<i32>} : memref<320x128xf32, #tpu.memory_space<vmem>>, vector<1x16xf32>,
        %get3A_822 = vector.shape_cast %get3A_821 : vector<1x16xf32> to vector<16xf32>
        %mul3A_823 = arith.mulf %get3A_822, %get3A_227 : vector<16xf32>
        %add3A_824 = arith.addf %mul3A_814, %mul3A_823 : vector<16xf32>
        %mul3A_825 = arith.constant 20 : i32
        %mul3A_826 = arith.muli %scan3A_219, %mul3A_825 : i32
        %add3A_827 = arith.constant 7 : i32
        %add3A_828 = arith.addi %mul3A_826, %add3A_827 : i32
        %get3A_829 = arith.index_cast %add3A_828 : i32 to index
        %get3A_830 = arith.constant 32 : index
        %get3A_831 = tpu.vector_load %arg15[%get3A_829, %get3A_830] {strides = array<i32>} : memref<320x128xf32, #tpu.memory_space<vmem>>, vector<1x16xf32>,
        %get3A_832 = vector.shape_cast %get3A_831 : vector<1x16xf32> to vector<16xf32>
        %mul3A_833 = arith.mulf %get3A_832, %get3A_231 : vector<16xf32>
        %add3A_834 = arith.addf %add3A_824, %mul3A_833 : vector<16xf32>
        %mul3A_835 = arith.constant 20 : i32
        %mul3A_836 = arith.muli %scan3A_219, %mul3A_835 : i32
        %add3A_837 = arith.constant 7 : i32
        %add3A_838 = arith.addi %mul3A_836, %add3A_837 : i32
        %get3A_839 = arith.index_cast %add3A_838 : i32 to index
        %get3A_840 = arith.constant 48 : index
        %get3A_841 = tpu.vector_load %arg15[%get3A_839, %get3A_840] {strides = array<i32>} : memref<320x128xf32, #tpu.memory_space<vmem>>, vector<1x16xf32>,
        %get3A_842 = vector.shape_cast %get3A_841 : vector<1x16xf32> to vector<16xf32>
        %mul3A_843 = arith.mulf %get3A_842, %get3A_235 : vector<16xf32>
        %add3A_844 = arith.addf %add3A_834, %mul3A_843 : vector<16xf32>
        %mul3A_845 = arith.constant 20 : i32
        %mul3A_846 = arith.muli %scan3A_219, %mul3A_845 : i32
        %add3A_847 = arith.constant 7 : i32
        %add3A_848 = arith.addi %mul3A_846, %add3A_847 : i32
        %get3A_849 = arith.index_cast %add3A_848 : i32 to index
        %get3A_850 = arith.constant 64 : index
        %get3A_851 = tpu.vector_load %arg15[%get3A_849, %get3A_850] {strides = array<i32>} : memref<320x128xf32, #tpu.memory_space<vmem>>, vector<1x16xf32>,
        %get3A_852 = vector.shape_cast %get3A_851 : vector<1x16xf32> to vector<16xf32>
        %mul3A_853 = arith.mulf %get3A_852, %get3A_239 : vector<16xf32>
        %add3A_854 = arith.addf %add3A_844, %mul3A_853 : vector<16xf32>
        %mul3A_855 = arith.constant 20 : i32
        %mul3A_856 = arith.muli %scan3A_219, %mul3A_855 : i32
        %add3A_857 = arith.constant 7 : i32
        %add3A_858 = arith.addi %mul3A_856, %add3A_857 : i32
        %get3A_859 = arith.index_cast %add3A_858 : i32 to index
        %get3A_860 = arith.constant 80 : index
        %get3A_861 = tpu.vector_load %arg15[%get3A_859, %get3A_860] {strides = array<i32>} : memref<320x128xf32, #tpu.memory_space<vmem>>, vector<1x16xf32>,
        %get3A_862 = vector.shape_cast %get3A_861 : vector<1x16xf32> to vector<16xf32>
        %mul3A_863 = arith.mulf %get3A_862, %get3A_243 : vector<16xf32>
        %add3A_864 = arith.addf %add3A_854, %mul3A_863 : vector<16xf32>
        %mul3A_865 = arith.constant 20 : i32
        %mul3A_866 = arith.muli %scan3A_219, %mul3A_865 : i32
        %add3A_867 = arith.constant 7 : i32
        %add3A_868 = arith.addi %mul3A_866, %add3A_867 : i32
        %get3A_869 = arith.index_cast %add3A_868 : i32 to index
        %get3A_870 = arith.constant 96 : index
        %get3A_871 = tpu.vector_load %arg15[%get3A_869, %get3A_870] {strides = array<i32>} : memref<320x128xf32, #tpu.memory_space<vmem>>, vector<1x16xf32>,
        %get3A_872 = vector.shape_cast %get3A_871 : vector<1x16xf32> to vector<16xf32>
        %mul3A_873 = arith.mulf %get3A_872, %get3A_247 : vector<16xf32>
        %add3A_874 = arith.addf %add3A_864, %mul3A_873 : vector<16xf32>
        %mul3A_875 = arith.constant 20 : i32
        %mul3A_876 = arith.muli %scan3A_219, %mul3A_875 : i32
        %add3A_877 = arith.constant 7 : i32
        %add3A_878 = arith.addi %mul3A_876, %add3A_877 : i32
        %get3A_879 = arith.index_cast %add3A_878 : i32 to index
        %get3A_880 = arith.constant 112 : index
        %get3A_881 = tpu.vector_load %arg15[%get3A_879, %get3A_880] {strides = array<i32>} : memref<320x128xf32, #tpu.memory_space<vmem>>, vector<1x16xf32>,
        %get3A_882 = vector.shape_cast %get3A_881 : vector<1x16xf32> to vector<16xf32>
        %mul3A_883 = arith.mulf %get3A_882, %get3A_251 : vector<16xf32>
        %add3A_884 = arith.addf %add3A_874, %mul3A_883 : vector<16xf32>
        %mul3A_885 = arith.constant 20 : i32
        %mul3A_886 = arith.muli %scan3A_219, %mul3A_885 : i32
        %add3A_887 = arith.constant 8 : i32
        %add3A_888 = arith.addi %mul3A_886, %add3A_887 : i32
        %get3A_889 = arith.index_cast %add3A_888 : i32 to index
        %get3A_890 = arith.constant 0 : index
        %get3A_891 = tpu.vector_load %arg15[%get3A_889, %get3A_890] {strides = array<i32>} : memref<320x128xf32, #tpu.memory_space<vmem>>, vector<1x16xf32>,
        %get3A_892 = vector.shape_cast %get3A_891 : vector<1x16xf32> to vector<16xf32>
        %mul3A_893 = arith.mulf %get3A_892, %get3A_223 : vector<16xf32>
        %mul3A_894 = arith.constant 20 : i32
        %mul3A_895 = arith.muli %scan3A_219, %mul3A_894 : i32
        %add3A_896 = arith.constant 8 : i32
        %add3A_897 = arith.addi %mul3A_895, %add3A_896 : i32
        %get3A_898 = arith.index_cast %add3A_897 : i32 to index
        %get3A_899 = arith.constant 16 : index
        %get3A_900 = tpu.vector_load %arg15[%get3A_898, %get3A_899] {strides = array<i32>} : memref<320x128xf32, #tpu.memory_space<vmem>>, vector<1x16xf32>,
        %get3A_901 = vector.shape_cast %get3A_900 : vector<1x16xf32> to vector<16xf32>
        %mul3A_902 = arith.mulf %get3A_901, %get3A_227 : vector<16xf32>
        %add3A_903 = arith.addf %mul3A_893, %mul3A_902 : vector<16xf32>
        %mul3A_904 = arith.constant 20 : i32
        %mul3A_905 = arith.muli %scan3A_219, %mul3A_904 : i32
        %add3A_906 = arith.constant 8 : i32
        %add3A_907 = arith.addi %mul3A_905, %add3A_906 : i32
        %get3A_908 = arith.index_cast %add3A_907 : i32 to index
        %get3A_909 = arith.constant 32 : index
        %get3A_910 = tpu.vector_load %arg15[%get3A_908, %get3A_909] {strides = array<i32>} : memref<320x128xf32, #tpu.memory_space<vmem>>, vector<1x16xf32>,
        %get3A_911 = vector.shape_cast %get3A_910 : vector<1x16xf32> to vector<16xf32>
        %mul3A_912 = arith.mulf %get3A_911, %get3A_231 : vector<16xf32>
        %add3A_913 = arith.addf %add3A_903, %mul3A_912 : vector<16xf32>
        %mul3A_914 = arith.constant 20 : i32
        %mul3A_915 = arith.muli %scan3A_219, %mul3A_914 : i32
        %add3A_916 = arith.constant 8 : i32
        %add3A_917 = arith.addi %mul3A_915, %add3A_916 : i32
        %get3A_918 = arith.index_cast %add3A_917 : i32 to index
        %get3A_919 = arith.constant 48 : index
        %get3A_920 = tpu.vector_load %arg15[%get3A_918, %get3A_919] {strides = array<i32>} : memref<320x128xf32, #tpu.memory_space<vmem>>, vector<1x16xf32>,
        %get3A_921 = vector.shape_cast %get3A_920 : vector<1x16xf32> to vector<16xf32>
        %mul3A_922 = arith.mulf %get3A_921, %get3A_235 : vector<16xf32>
        %add3A_923 = arith.addf %add3A_913, %mul3A_922 : vector<16xf32>
        %mul3A_924 = arith.constant 20 : i32
        %mul3A_925 = arith.muli %scan3A_219, %mul3A_924 : i32
        %add3A_926 = arith.constant 8 : i32
        %add3A_927 = arith.addi %mul3A_925, %add3A_926 : i32
        %get3A_928 = arith.index_cast %add3A_927 : i32 to index
        %get3A_929 = arith.constant 64 : index
        %get3A_930 = tpu.vector_load %arg15[%get3A_928, %get3A_929] {strides = array<i32>} : memref<320x128xf32, #tpu.memory_space<vmem>>, vector<1x16xf32>,
        %get3A_931 = vector.shape_cast %get3A_930 : vector<1x16xf32> to vector<16xf32>
        %mul3A_932 = arith.mulf %get3A_931, %get3A_239 : vector<16xf32>
        %add3A_933 = arith.addf %add3A_923, %mul3A_932 : vector<16xf32>
        %mul3A_934 = arith.constant 20 : i32
        %mul3A_935 = arith.muli %scan3A_219, %mul3A_934 : i32
        %add3A_936 = arith.constant 8 : i32
        %add3A_937 = arith.addi %mul3A_935, %add3A_936 : i32
        %get3A_938 = arith.index_cast %add3A_937 : i32 to index
        %get3A_939 = arith.constant 80 : index
        %get3A_940 = tpu.vector_load %arg15[%get3A_938, %get3A_939] {strides = array<i32>} : memref<320x128xf32, #tpu.memory_space<vmem>>, vector<1x16xf32>,
        %get3A_941 = vector.shape_cast %get3A_940 : vector<1x16xf32> to vector<16xf32>
        %mul3A_942 = arith.mulf %get3A_941, %get3A_243 : vector<16xf32>
        %add3A_943 = arith.addf %add3A_933, %mul3A_942 : vector<16xf32>
        %mul3A_944 = arith.constant 20 : i32
        %mul3A_945 = arith.muli %scan3A_219, %mul3A_944 : i32
        %add3A_946 = arith.constant 8 : i32
        %add3A_947 = arith.addi %mul3A_945, %add3A_946 : i32
        %get3A_948 = arith.index_cast %add3A_947 : i32 to index
        %get3A_949 = arith.constant 96 : index
        %get3A_950 = tpu.vector_load %arg15[%get3A_948, %get3A_949] {strides = array<i32>} : memref<320x128xf32, #tpu.memory_space<vmem>>, vector<1x16xf32>,
        %get3A_951 = vector.shape_cast %get3A_950 : vector<1x16xf32> to vector<16xf32>
        %mul3A_952 = arith.mulf %get3A_951, %get3A_247 : vector<16xf32>
        %add3A_953 = arith.addf %add3A_943, %mul3A_952 : vector<16xf32>
        %mul3A_954 = arith.constant 20 : i32
        %mul3A_955 = arith.muli %scan3A_219, %mul3A_954 : i32
        %add3A_956 = arith.constant 8 : i32
        %add3A_957 = arith.addi %mul3A_955, %add3A_956 : i32
        %get3A_958 = arith.index_cast %add3A_957 : i32 to index
        %get3A_959 = arith.constant 112 : index
        %get3A_960 = tpu.vector_load %arg15[%get3A_958, %get3A_959] {strides = array<i32>} : memref<320x128xf32, #tpu.memory_space<vmem>>, vector<1x16xf32>,
        %get3A_961 = vector.shape_cast %get3A_960 : vector<1x16xf32> to vector<16xf32>
        %mul3A_962 = arith.mulf %get3A_961, %get3A_251 : vector<16xf32>
        %add3A_963 = arith.addf %add3A_953, %mul3A_962 : vector<16xf32>
        %mul3A_964 = arith.constant 20 : i32
        %mul3A_965 = arith.muli %scan3A_219, %mul3A_964 : i32
        %add3A_966 = arith.constant 9 : i32
        %add3A_967 = arith.addi %mul3A_965, %add3A_966 : i32
        %get3A_968 = arith.index_cast %add3A_967 : i32 to index
        %get3A_969 = arith.constant 0 : index
        %get3A_970 = tpu.vector_load %arg15[%get3A_968, %get3A_969] {strides = array<i32>} : memref<320x128xf32, #tpu.memory_space<vmem>>, vector<1x16xf32>,
        %get3A_971 = vector.shape_cast %get3A_970 : vector<1x16xf32> to vector<16xf32>
        %mul3A_972 = arith.mulf %get3A_971, %get3A_223 : vector<16xf32>
        %mul3A_973 = arith.constant 20 : i32
        %mul3A_974 = arith.muli %scan3A_219, %mul3A_973 : i32
        %add3A_975 = arith.constant 9 : i32
        %add3A_976 = arith.addi %mul3A_974, %add3A_975 : i32
        %get3A_977 = arith.index_cast %add3A_976 : i32 to index
        %get3A_978 = arith.constant 16 : index
        %get3A_979 = tpu.vector_load %arg15[%get3A_977, %get3A_978] {strides = array<i32>} : memref<320x128xf32, #tpu.memory_space<vmem>>, vector<1x16xf32>,
        %get3A_980 = vector.shape_cast %get3A_979 : vector<1x16xf32> to vector<16xf32>
        %mul3A_981 = arith.mulf %get3A_980, %get3A_227 : vector<16xf32>
        %add3A_982 = arith.addf %mul3A_972, %mul3A_981 : vector<16xf32>
        %mul3A_983 = arith.constant 20 : i32
        %mul3A_984 = arith.muli %scan3A_219, %mul3A_983 : i32
        %add3A_985 = arith.constant 9 : i32
        %add3A_986 = arith.addi %mul3A_984, %add3A_985 : i32
        %get3A_987 = arith.index_cast %add3A_986 : i32 to index
        %get3A_988 = arith.constant 32 : index
        %get3A_989 = tpu.vector_load %arg15[%get3A_987, %get3A_988] {strides = array<i32>} : memref<320x128xf32, #tpu.memory_space<vmem>>, vector<1x16xf32>,
        %get3A_990 = vector.shape_cast %get3A_989 : vector<1x16xf32> to vector<16xf32>
        %mul3A_991 = arith.mulf %get3A_990, %get3A_231 : vector<16xf32>
        %add3A_992 = arith.addf %add3A_982, %mul3A_991 : vector<16xf32>
        %mul3A_993 = arith.constant 20 : i32
        %mul3A_994 = arith.muli %scan3A_219, %mul3A_993 : i32
        %add3A_995 = arith.constant 9 : i32
        %add3A_996 = arith.addi %mul3A_994, %add3A_995 : i32
        %get3A_997 = arith.index_cast %add3A_996 : i32 to index
        %get3A_998 = arith.constant 48 : index
        %get3A_999 = tpu.vector_load %arg15[%get3A_997, %get3A_998] {strides = array<i32>} : memref<320x128xf32, #tpu.memory_space<vmem>>, vector<1x16xf32>,
        %get3A_1000 = vector.shape_cast %get3A_999 : vector<1x16xf32> to vector<16xf32>
        %mul3A_1001 = arith.mulf %get3A_1000, %get3A_235 : vector<16xf32>
        %add3A_1002 = arith.addf %add3A_992, %mul3A_1001 : vector<16xf32>
        %mul3A_1003 = arith.constant 20 : i32
        %mul3A_1004 = arith.muli %scan3A_219, %mul3A_1003 : i32
        %add3A_1005 = arith.constant 9 : i32
        %add3A_1006 = arith.addi %mul3A_1004, %add3A_1005 : i32
        %get3A_1007 = arith.index_cast %add3A_1006 : i32 to index
        %get3A_1008 = arith.constant 64 : index
        %get3A_1009 = tpu.vector_load %arg15[%get3A_1007, %get3A_1008] {strides = array<i32>} : memref<320x128xf32, #tpu.memory_space<vmem>>, vector<1x16xf32>,
        %get3A_1010 = vector.shape_cast %get3A_1009 : vector<1x16xf32> to vector<16xf32>
        %mul3A_1011 = arith.mulf %get3A_1010, %get3A_239 : vector<16xf32>
        %add3A_1012 = arith.addf %add3A_1002, %mul3A_1011 : vector<16xf32>
        %mul3A_1013 = arith.constant 20 : i32
        %mul3A_1014 = arith.muli %scan3A_219, %mul3A_1013 : i32
        %add3A_1015 = arith.constant 9 : i32
        %add3A_1016 = arith.addi %mul3A_1014, %add3A_1015 : i32
        %get3A_1017 = arith.index_cast %add3A_1016 : i32 to index
        %get3A_1018 = arith.constant 80 : index
        %get3A_1019 = tpu.vector_load %arg15[%get3A_1017, %get3A_1018] {strides = array<i32>} : memref<320x128xf32, #tpu.memory_space<vmem>>, vector<1x16xf32>,
        %get3A_1020 = vector.shape_cast %get3A_1019 : vector<1x16xf32> to vector<16xf32>
        %mul3A_1021 = arith.mulf %get3A_1020, %get3A_243 : vector<16xf32>
        %add3A_1022 = arith.addf %add3A_1012, %mul3A_1021 : vector<16xf32>
        %mul3A_1023 = arith.constant 20 : i32
        %mul3A_1024 = arith.muli %scan3A_219, %mul3A_1023 : i32
        %add3A_1025 = arith.constant 9 : i32
        %add3A_1026 = arith.addi %mul3A_1024, %add3A_1025 : i32
        %get3A_1027 = arith.index_cast %add3A_1026 : i32 to index
        %get3A_1028 = arith.constant 96 : index
        %get3A_1029 = tpu.vector_load %arg15[%get3A_1027, %get3A_1028] {strides = array<i32>} : memref<320x128xf32, #tpu.memory_space<vmem>>, vector<1x16xf32>,
        %get3A_1030 = vector.shape_cast %get3A_1029 : vector<1x16xf32> to vector<16xf32>
        %mul3A_1031 = arith.mulf %get3A_1030, %get3A_247 : vector<16xf32>
        %add3A_1032 = arith.addf %add3A_1022, %mul3A_1031 : vector<16xf32>
        %mul3A_1033 = arith.constant 20 : i32
        %mul3A_1034 = arith.muli %scan3A_219, %mul3A_1033 : i32
        %add3A_1035 = arith.constant 9 : i32
        %add3A_1036 = arith.addi %mul3A_1034, %add3A_1035 : i32
        %get3A_1037 = arith.index_cast %add3A_1036 : i32 to index
        %get3A_1038 = arith.constant 112 : index
        %get3A_1039 = tpu.vector_load %arg15[%get3A_1037, %get3A_1038] {strides = array<i32>} : memref<320x128xf32, #tpu.memory_space<vmem>>, vector<1x16xf32>,
        %get3A_1040 = vector.shape_cast %get3A_1039 : vector<1x16xf32> to vector<16xf32>
        %mul3A_1041 = arith.mulf %get3A_1040, %get3A_251 : vector<16xf32>
        %add3A_1042 = arith.addf %add3A_1032, %mul3A_1041 : vector<16xf32>
        %mul3A_1043 = arith.constant 20 : i32
        %mul3A_1044 = arith.muli %scan3A_219, %mul3A_1043 : i32
        %add3A_1045 = arith.constant 10 : i32
        %add3A_1046 = arith.addi %mul3A_1044, %add3A_1045 : i32
        %get3A_1047 = arith.index_cast %add3A_1046 : i32 to index
        %get3A_1048 = arith.constant 0 : index
        %get3A_1049 = tpu.vector_load %arg15[%get3A_1047, %get3A_1048] {strides = array<i32>} : memref<320x128xf32, #tpu.memory_space<vmem>>, vector<1x16xf32>,
        %get3A_1050 = vector.shape_cast %get3A_1049 : vector<1x16xf32> to vector<16xf32>
        %mul3A_1051 = arith.mulf %get3A_1050, %get3A_223 : vector<16xf32>
        %mul3A_1052 = arith.constant 20 : i32
        %mul3A_1053 = arith.muli %scan3A_219, %mul3A_1052 : i32
        %add3A_1054 = arith.constant 10 : i32
        %add3A_1055 = arith.addi %mul3A_1053, %add3A_1054 : i32
        %get3A_1056 = arith.index_cast %add3A_1055 : i32 to index
        %get3A_1057 = arith.constant 16 : index
        %get3A_1058 = tpu.vector_load %arg15[%get3A_1056, %get3A_1057] {strides = array<i32>} : memref<320x128xf32, #tpu.memory_space<vmem>>, vector<1x16xf32>,
        %get3A_1059 = vector.shape_cast %get3A_1058 : vector<1x16xf32> to vector<16xf32>
        %mul3A_1060 = arith.mulf %get3A_1059, %get3A_227 : vector<16xf32>
        %add3A_1061 = arith.addf %mul3A_1051, %mul3A_1060 : vector<16xf32>
        %mul3A_1062 = arith.constant 20 : i32
        %mul3A_1063 = arith.muli %scan3A_219, %mul3A_1062 : i32
        %add3A_1064 = arith.constant 10 : i32
        %add3A_1065 = arith.addi %mul3A_1063, %add3A_1064 : i32
        %get3A_1066 = arith.index_cast %add3A_1065 : i32 to index
        %get3A_1067 = arith.constant 32 : index
        %get3A_1068 = tpu.vector_load %arg15[%get3A_1066, %get3A_1067] {strides = array<i32>} : memref<320x128xf32, #tpu.memory_space<vmem>>, vector<1x16xf32>,
        %get3A_1069 = vector.shape_cast %get3A_1068 : vector<1x16xf32> to vector<16xf32>
        %mul3A_1070 = arith.mulf %get3A_1069, %get3A_231 : vector<16xf32>
        %add3A_1071 = arith.addf %add3A_1061, %mul3A_1070 : vector<16xf32>
        %mul3A_1072 = arith.constant 20 : i32
        %mul3A_1073 = arith.muli %scan3A_219, %mul3A_1072 : i32
        %add3A_1074 = arith.constant 10 : i32
        %add3A_1075 = arith.addi %mul3A_1073, %add3A_1074 : i32
        %get3A_1076 = arith.index_cast %add3A_1075 : i32 to index
        %get3A_1077 = arith.constant 48 : index
        %get3A_1078 = tpu.vector_load %arg15[%get3A_1076, %get3A_1077] {strides = array<i32>} : memref<320x128xf32, #tpu.memory_space<vmem>>, vector<1x16xf32>,
        %get3A_1079 = vector.shape_cast %get3A_1078 : vector<1x16xf32> to vector<16xf32>
        %mul3A_1080 = arith.mulf %get3A_1079, %get3A_235 : vector<16xf32>
        %add3A_1081 = arith.addf %add3A_1071, %mul3A_1080 : vector<16xf32>
        %mul3A_1082 = arith.constant 20 : i32
        %mul3A_1083 = arith.muli %scan3A_219, %mul3A_1082 : i32
        %add3A_1084 = arith.constant 10 : i32
        %add3A_1085 = arith.addi %mul3A_1083, %add3A_1084 : i32
        %get3A_1086 = arith.index_cast %add3A_1085 : i32 to index
        %get3A_1087 = arith.constant 64 : index
        %get3A_1088 = tpu.vector_load %arg15[%get3A_1086, %get3A_1087] {strides = array<i32>} : memref<320x128xf32, #tpu.memory_space<vmem>>, vector<1x16xf32>,
        %get3A_1089 = vector.shape_cast %get3A_1088 : vector<1x16xf32> to vector<16xf32>
        %mul3A_1090 = arith.mulf %get3A_1089, %get3A_239 : vector<16xf32>
        %add3A_1091 = arith.addf %add3A_1081, %mul3A_1090 : vector<16xf32>
        %mul3A_1092 = arith.constant 20 : i32
        %mul3A_1093 = arith.muli %scan3A_219, %mul3A_1092 : i32
        %add3A_1094 = arith.constant 10 : i32
        %add3A_1095 = arith.addi %mul3A_1093, %add3A_1094 : i32
        %get3A_1096 = arith.index_cast %add3A_1095 : i32 to index
        %get3A_1097 = arith.constant 80 : index
        %get3A_1098 = tpu.vector_load %arg15[%get3A_1096, %get3A_1097] {strides = array<i32>} : memref<320x128xf32, #tpu.memory_space<vmem>>, vector<1x16xf32>,
        %get3A_1099 = vector.shape_cast %get3A_1098 : vector<1x16xf32> to vector<16xf32>
        %mul3A_1100 = arith.mulf %get3A_1099, %get3A_243 : vector<16xf32>
        %add3A_1101 = arith.addf %add3A_1091, %mul3A_1100 : vector<16xf32>
        %mul3A_1102 = arith.constant 20 : i32
        %mul3A_1103 = arith.muli %scan3A_219, %mul3A_1102 : i32
        %add3A_1104 = arith.constant 10 : i32
        %add3A_1105 = arith.addi %mul3A_1103, %add3A_1104 : i32
        %get3A_1106 = arith.index_cast %add3A_1105 : i32 to index
        %get3A_1107 = arith.constant 96 : index
        %get3A_1108 = tpu.vector_load %arg15[%get3A_1106, %get3A_1107] {strides = array<i32>} : memref<320x128xf32, #tpu.memory_space<vmem>>, vector<1x16xf32>,
        %get3A_1109 = vector.shape_cast %get3A_1108 : vector<1x16xf32> to vector<16xf32>
        %mul3A_1110 = arith.mulf %get3A_1109, %get3A_247 : vector<16xf32>
        %add3A_1111 = arith.addf %add3A_1101, %mul3A_1110 : vector<16xf32>
        %mul3A_1112 = arith.constant 20 : i32
        %mul3A_1113 = arith.muli %scan3A_219, %mul3A_1112 : i32
        %add3A_1114 = arith.constant 10 : i32
        %add3A_1115 = arith.addi %mul3A_1113, %add3A_1114 : i32
        %get3A_1116 = arith.index_cast %add3A_1115 : i32 to index
        %get3A_1117 = arith.constant 112 : index
        %get3A_1118 = tpu.vector_load %arg15[%get3A_1116, %get3A_1117] {strides = array<i32>} : memref<320x128xf32, #tpu.memory_space<vmem>>, vector<1x16xf32>,
        %get3A_1119 = vector.shape_cast %get3A_1118 : vector<1x16xf32> to vector<16xf32>
        %mul3A_1120 = arith.mulf %get3A_1119, %get3A_251 : vector<16xf32>
        %add3A_1121 = arith.addf %add3A_1111, %mul3A_1120 : vector<16xf32>
        %mul3A_1122 = arith.constant 20 : i32
        %mul3A_1123 = arith.muli %scan3A_219, %mul3A_1122 : i32
        %add3A_1124 = arith.constant 11 : i32
        %add3A_1125 = arith.addi %mul3A_1123, %add3A_1124 : i32
        %get3A_1126 = arith.index_cast %add3A_1125 : i32 to index
        %get3A_1127 = arith.constant 0 : index
        %get3A_1128 = tpu.vector_load %arg15[%get3A_1126, %get3A_1127] {strides = array<i32>} : memref<320x128xf32, #tpu.memory_space<vmem>>, vector<1x16xf32>,
        %get3A_1129 = vector.shape_cast %get3A_1128 : vector<1x16xf32> to vector<16xf32>
        %mul3A_1130 = arith.mulf %get3A_1129, %get3A_223 : vector<16xf32>
        %mul3A_1131 = arith.constant 20 : i32
        %mul3A_1132 = arith.muli %scan3A_219, %mul3A_1131 : i32
        %add3A_1133 = arith.constant 11 : i32
        %add3A_1134 = arith.addi %mul3A_1132, %add3A_1133 : i32
        %get3A_1135 = arith.index_cast %add3A_1134 : i32 to index
        %get3A_1136 = arith.constant 16 : index
        %get3A_1137 = tpu.vector_load %arg15[%get3A_1135, %get3A_1136] {strides = array<i32>} : memref<320x128xf32, #tpu.memory_space<vmem>>, vector<1x16xf32>,
        %get3A_1138 = vector.shape_cast %get3A_1137 : vector<1x16xf32> to vector<16xf32>
        %mul3A_1139 = arith.mulf %get3A_1138, %get3A_227 : vector<16xf32>
        %add3A_1140 = arith.addf %mul3A_1130, %mul3A_1139 : vector<16xf32>
        %mul3A_1141 = arith.constant 20 : i32
        %mul3A_1142 = arith.muli %scan3A_219, %mul3A_1141 : i32
        %add3A_1143 = arith.constant 11 : i32
        %add3A_1144 = arith.addi %mul3A_1142, %add3A_1143 : i32
        %get3A_1145 = arith.index_cast %add3A_1144 : i32 to index
        %get3A_1146 = arith.constant 32 : index
        %get3A_1147 = tpu.vector_load %arg15[%get3A_1145, %get3A_1146] {strides = array<i32>} : memref<320x128xf32, #tpu.memory_space<vmem>>, vector<1x16xf32>,
        %get3A_1148 = vector.shape_cast %get3A_1147 : vector<1x16xf32> to vector<16xf32>
        %mul3A_1149 = arith.mulf %get3A_1148, %get3A_231 : vector<16xf32>
        %add3A_1150 = arith.addf %add3A_1140, %mul3A_1149 : vector<16xf32>
        %mul3A_1151 = arith.constant 20 : i32
        %mul3A_1152 = arith.muli %scan3A_219, %mul3A_1151 : i32
        %add3A_1153 = arith.constant 11 : i32
        %add3A_1154 = arith.addi %mul3A_1152, %add3A_1153 : i32
        %get3A_1155 = arith.index_cast %add3A_1154 : i32 to index
        %get3A_1156 = arith.constant 48 : index
        %get3A_1157 = tpu.vector_load %arg15[%get3A_1155, %get3A_1156] {strides = array<i32>} : memref<320x128xf32, #tpu.memory_space<vmem>>, vector<1x16xf32>,
        %get3A_1158 = vector.shape_cast %get3A_1157 : vector<1x16xf32> to vector<16xf32>
        %mul3A_1159 = arith.mulf %get3A_1158, %get3A_235 : vector<16xf32>
        %add3A_1160 = arith.addf %add3A_1150, %mul3A_1159 : vector<16xf32>
        %mul3A_1161 = arith.constant 20 : i32
        %mul3A_1162 = arith.muli %scan3A_219, %mul3A_1161 : i32
        %add3A_1163 = arith.constant 11 : i32
        %add3A_1164 = arith.addi %mul3A_1162, %add3A_1163 : i32
        %get3A_1165 = arith.index_cast %add3A_1164 : i32 to index
        %get3A_1166 = arith.constant 64 : index
        %get3A_1167 = tpu.vector_load %arg15[%get3A_1165, %get3A_1166] {strides = array<i32>} : memref<320x128xf32, #tpu.memory_space<vmem>>, vector<1x16xf32>,
        %get3A_1168 = vector.shape_cast %get3A_1167 : vector<1x16xf32> to vector<16xf32>
        %mul3A_1169 = arith.mulf %get3A_1168, %get3A_239 : vector<16xf32>
        %add3A_1170 = arith.addf %add3A_1160, %mul3A_1169 : vector<16xf32>
        %mul3A_1171 = arith.constant 20 : i32
        %mul3A_1172 = arith.muli %scan3A_219, %mul3A_1171 : i32
        %add3A_1173 = arith.constant 11 : i32
        %add3A_1174 = arith.addi %mul3A_1172, %add3A_1173 : i32
        %get3A_1175 = arith.index_cast %add3A_1174 : i32 to index
        %get3A_1176 = arith.constant 80 : index
        %get3A_1177 = tpu.vector_load %arg15[%get3A_1175, %get3A_1176] {strides = array<i32>} : memref<320x128xf32, #tpu.memory_space<vmem>>, vector<1x16xf32>,
        %get3A_1178 = vector.shape_cast %get3A_1177 : vector<1x16xf32> to vector<16xf32>
        %mul3A_1179 = arith.mulf %get3A_1178, %get3A_243 : vector<16xf32>
        %add3A_1180 = arith.addf %add3A_1170, %mul3A_1179 : vector<16xf32>
        %mul3A_1181 = arith.constant 20 : i32
        %mul3A_1182 = arith.muli %scan3A_219, %mul3A_1181 : i32
        %add3A_1183 = arith.constant 11 : i32
        %add3A_1184 = arith.addi %mul3A_1182, %add3A_1183 : i32
        %get3A_1185 = arith.index_cast %add3A_1184 : i32 to index
        %get3A_1186 = arith.constant 96 : index
        %get3A_1187 = tpu.vector_load %arg15[%get3A_1185, %get3A_1186] {strides = array<i32>} : memref<320x128xf32, #tpu.memory_space<vmem>>, vector<1x16xf32>,
        %get3A_1188 = vector.shape_cast %get3A_1187 : vector<1x16xf32> to vector<16xf32>
        %mul3A_1189 = arith.mulf %get3A_1188, %get3A_247 : vector<16xf32>
        %add3A_1190 = arith.addf %add3A_1180, %mul3A_1189 : vector<16xf32>
        %mul3A_1191 = arith.constant 20 : i32
        %mul3A_1192 = arith.muli %scan3A_219, %mul3A_1191 : i32
        %add3A_1193 = arith.constant 11 : i32
        %add3A_1194 = arith.addi %mul3A_1192, %add3A_1193 : i32
        %get3A_1195 = arith.index_cast %add3A_1194 : i32 to index
        %get3A_1196 = arith.constant 112 : index
        %get3A_1197 = tpu.vector_load %arg15[%get3A_1195, %get3A_1196] {strides = array<i32>} : memref<320x128xf32, #tpu.memory_space<vmem>>, vector<1x16xf32>,
        %get3A_1198 = vector.shape_cast %get3A_1197 : vector<1x16xf32> to vector<16xf32>
        %mul3A_1199 = arith.mulf %get3A_1198, %get3A_251 : vector<16xf32>
        %add3A_1200 = arith.addf %add3A_1190, %mul3A_1199 : vector<16xf32>
        %mul3A_1201 = arith.constant 20 : i32
        %mul3A_1202 = arith.muli %scan3A_219, %mul3A_1201 : i32
        %add3A_1203 = arith.constant 12 : i32
        %add3A_1204 = arith.addi %mul3A_1202, %add3A_1203 : i32
        %get3A_1205 = arith.index_cast %add3A_1204 : i32 to index
        %get3A_1206 = arith.constant 0 : index
        %get3A_1207 = tpu.vector_load %arg15[%get3A_1205, %get3A_1206] {strides = array<i32>} : memref<320x128xf32, #tpu.memory_space<vmem>>, vector<1x16xf32>,
        %get3A_1208 = vector.shape_cast %get3A_1207 : vector<1x16xf32> to vector<16xf32>
        %mul3A_1209 = arith.mulf %get3A_1208, %get3A_223 : vector<16xf32>
        %mul3A_1210 = arith.constant 20 : i32
        %mul3A_1211 = arith.muli %scan3A_219, %mul3A_1210 : i32
        %add3A_1212 = arith.constant 12 : i32
        %add3A_1213 = arith.addi %mul3A_1211, %add3A_1212 : i32
        %get3A_1214 = arith.index_cast %add3A_1213 : i32 to index
        %get3A_1215 = arith.constant 16 : index
        %get3A_1216 = tpu.vector_load %arg15[%get3A_1214, %get3A_1215] {strides = array<i32>} : memref<320x128xf32, #tpu.memory_space<vmem>>, vector<1x16xf32>,
        %get3A_1217 = vector.shape_cast %get3A_1216 : vector<1x16xf32> to vector<16xf32>
        %mul3A_1218 = arith.mulf %get3A_1217, %get3A_227 : vector<16xf32>
        %add3A_1219 = arith.addf %mul3A_1209, %mul3A_1218 : vector<16xf32>
        %mul3A_1220 = arith.constant 20 : i32
        %mul3A_1221 = arith.muli %scan3A_219, %mul3A_1220 : i32
        %add3A_1222 = arith.constant 12 : i32
        %add3A_1223 = arith.addi %mul3A_1221, %add3A_1222 : i32
        %get3A_1224 = arith.index_cast %add3A_1223 : i32 to index
        %get3A_1225 = arith.constant 32 : index
        %get3A_1226 = tpu.vector_load %arg15[%get3A_1224, %get3A_1225] {strides = array<i32>} : memref<320x128xf32, #tpu.memory_space<vmem>>, vector<1x16xf32>,
        %get3A_1227 = vector.shape_cast %get3A_1226 : vector<1x16xf32> to vector<16xf32>
        %mul3A_1228 = arith.mulf %get3A_1227, %get3A_231 : vector<16xf32>
        %add3A_1229 = arith.addf %add3A_1219, %mul3A_1228 : vector<16xf32>
        %mul3A_1230 = arith.constant 20 : i32
        %mul3A_1231 = arith.muli %scan3A_219, %mul3A_1230 : i32
        %add3A_1232 = arith.constant 12 : i32
        %add3A_1233 = arith.addi %mul3A_1231, %add3A_1232 : i32
        %get3A_1234 = arith.index_cast %add3A_1233 : i32 to index
        %get3A_1235 = arith.constant 48 : index
        %get3A_1236 = tpu.vector_load %arg15[%get3A_1234, %get3A_1235] {strides = array<i32>} : memref<320x128xf32, #tpu.memory_space<vmem>>, vector<1x16xf32>,
        %get3A_1237 = vector.shape_cast %get3A_1236 : vector<1x16xf32> to vector<16xf32>
        %mul3A_1238 = arith.mulf %get3A_1237, %get3A_235 : vector<16xf32>
        %add3A_1239 = arith.addf %add3A_1229, %mul3A_1238 : vector<16xf32>
        %mul3A_1240 = arith.constant 20 : i32
        %mul3A_1241 = arith.muli %scan3A_219, %mul3A_1240 : i32
        %add3A_1242 = arith.constant 12 : i32
        %add3A_1243 = arith.addi %mul3A_1241, %add3A_1242 : i32
        %get3A_1244 = arith.index_cast %add3A_1243 : i32 to index
        %get3A_1245 = arith.constant 64 : index
        %get3A_1246 = tpu.vector_load %arg15[%get3A_1244, %get3A_1245] {strides = array<i32>} : memref<320x128xf32, #tpu.memory_space<vmem>>, vector<1x16xf32>,
        %get3A_1247 = vector.shape_cast %get3A_1246 : vector<1x16xf32> to vector<16xf32>
        %mul3A_1248 = arith.mulf %get3A_1247, %get3A_239 : vector<16xf32>
        %add3A_1249 = arith.addf %add3A_1239, %mul3A_1248 : vector<16xf32>
        %mul3A_1250 = arith.constant 20 : i32
        %mul3A_1251 = arith.muli %scan3A_219, %mul3A_1250 : i32
        %add3A_1252 = arith.constant 12 : i32
        %add3A_1253 = arith.addi %mul3A_1251, %add3A_1252 : i32
        %get3A_1254 = arith.index_cast %add3A_1253 : i32 to index
        %get3A_1255 = arith.constant 80 : index
        %get3A_1256 = tpu.vector_load %arg15[%get3A_1254, %get3A_1255] {strides = array<i32>} : memref<320x128xf32, #tpu.memory_space<vmem>>, vector<1x16xf32>,
        %get3A_1257 = vector.shape_cast %get3A_1256 : vector<1x16xf32> to vector<16xf32>
        %mul3A_1258 = arith.mulf %get3A_1257, %get3A_243 : vector<16xf32>
        %add3A_1259 = arith.addf %add3A_1249, %mul3A_1258 : vector<16xf32>
        %mul3A_1260 = arith.constant 20 : i32
        %mul3A_1261 = arith.muli %scan3A_219, %mul3A_1260 : i32
        %add3A_1262 = arith.constant 12 : i32
        %add3A_1263 = arith.addi %mul3A_1261, %add3A_1262 : i32
        %get3A_1264 = arith.index_cast %add3A_1263 : i32 to index
        %get3A_1265 = arith.constant 96 : index
        %get3A_1266 = tpu.vector_load %arg15[%get3A_1264, %get3A_1265] {strides = array<i32>} : memref<320x128xf32, #tpu.memory_space<vmem>>, vector<1x16xf32>,
        %get3A_1267 = vector.shape_cast %get3A_1266 : vector<1x16xf32> to vector<16xf32>
        %mul3A_1268 = arith.mulf %get3A_1267, %get3A_247 : vector<16xf32>
        %add3A_1269 = arith.addf %add3A_1259, %mul3A_1268 : vector<16xf32>
        %mul3A_1270 = arith.constant 20 : i32
        %mul3A_1271 = arith.muli %scan3A_219, %mul3A_1270 : i32
        %add3A_1272 = arith.constant 12 : i32
        %add3A_1273 = arith.addi %mul3A_1271, %add3A_1272 : i32
        %get3A_1274 = arith.index_cast %add3A_1273 : i32 to index
        %get3A_1275 = arith.constant 112 : index
        %get3A_1276 = tpu.vector_load %arg15[%get3A_1274, %get3A_1275] {strides = array<i32>} : memref<320x128xf32, #tpu.memory_space<vmem>>, vector<1x16xf32>,
        %get3A_1277 = vector.shape_cast %get3A_1276 : vector<1x16xf32> to vector<16xf32>
        %mul3A_1278 = arith.mulf %get3A_1277, %get3A_251 : vector<16xf32>
        %add3A_1279 = arith.addf %add3A_1269, %mul3A_1278 : vector<16xf32>
        %mul3A_1280 = arith.constant 20 : i32
        %mul3A_1281 = arith.muli %scan3A_219, %mul3A_1280 : i32
        %add3A_1282 = arith.constant 13 : i32
        %add3A_1283 = arith.addi %mul3A_1281, %add3A_1282 : i32
        %get3A_1284 = arith.index_cast %add3A_1283 : i32 to index
        %get3A_1285 = arith.constant 0 : index
        %get3A_1286 = tpu.vector_load %arg15[%get3A_1284, %get3A_1285] {strides = array<i32>} : memref<320x128xf32, #tpu.memory_space<vmem>>, vector<1x16xf32>,
        %get3A_1287 = vector.shape_cast %get3A_1286 : vector<1x16xf32> to vector<16xf32>
        %mul3A_1288 = arith.mulf %get3A_1287, %get3A_223 : vector<16xf32>
        %mul3A_1289 = arith.constant 20 : i32
        %mul3A_1290 = arith.muli %scan3A_219, %mul3A_1289 : i32
        %add3A_1291 = arith.constant 13 : i32
        %add3A_1292 = arith.addi %mul3A_1290, %add3A_1291 : i32
        %get3A_1293 = arith.index_cast %add3A_1292 : i32 to index
        %get3A_1294 = arith.constant 16 : index
        %get3A_1295 = tpu.vector_load %arg15[%get3A_1293, %get3A_1294] {strides = array<i32>} : memref<320x128xf32, #tpu.memory_space<vmem>>, vector<1x16xf32>,
        %get3A_1296 = vector.shape_cast %get3A_1295 : vector<1x16xf32> to vector<16xf32>
        %mul3A_1297 = arith.mulf %get3A_1296, %get3A_227 : vector<16xf32>
        %add3A_1298 = arith.addf %mul3A_1288, %mul3A_1297 : vector<16xf32>
        %mul3A_1299 = arith.constant 20 : i32
        %mul3A_1300 = arith.muli %scan3A_219, %mul3A_1299 : i32
        %add3A_1301 = arith.constant 13 : i32
        %add3A_1302 = arith.addi %mul3A_1300, %add3A_1301 : i32
        %get3A_1303 = arith.index_cast %add3A_1302 : i32 to index
        %get3A_1304 = arith.constant 32 : index
        %get3A_1305 = tpu.vector_load %arg15[%get3A_1303, %get3A_1304] {strides = array<i32>} : memref<320x128xf32, #tpu.memory_space<vmem>>, vector<1x16xf32>,
        %get3A_1306 = vector.shape_cast %get3A_1305 : vector<1x16xf32> to vector<16xf32>
        %mul3A_1307 = arith.mulf %get3A_1306, %get3A_231 : vector<16xf32>
        %add3A_1308 = arith.addf %add3A_1298, %mul3A_1307 : vector<16xf32>
        %mul3A_1309 = arith.constant 20 : i32
        %mul3A_1310 = arith.muli %scan3A_219, %mul3A_1309 : i32
        %add3A_1311 = arith.constant 13 : i32
        %add3A_1312 = arith.addi %mul3A_1310, %add3A_1311 : i32
        %get3A_1313 = arith.index_cast %add3A_1312 : i32 to index
        %get3A_1314 = arith.constant 48 : index
        %get3A_1315 = tpu.vector_load %arg15[%get3A_1313, %get3A_1314] {strides = array<i32>} : memref<320x128xf32, #tpu.memory_space<vmem>>, vector<1x16xf32>,
        %get3A_1316 = vector.shape_cast %get3A_1315 : vector<1x16xf32> to vector<16xf32>
        %mul3A_1317 = arith.mulf %get3A_1316, %get3A_235 : vector<16xf32>
        %add3A_1318 = arith.addf %add3A_1308, %mul3A_1317 : vector<16xf32>
        %mul3A_1319 = arith.constant 20 : i32
        %mul3A_1320 = arith.muli %scan3A_219, %mul3A_1319 : i32
        %add3A_1321 = arith.constant 13 : i32
        %add3A_1322 = arith.addi %mul3A_1320, %add3A_1321 : i32
        %get3A_1323 = arith.index_cast %add3A_1322 : i32 to index
        %get3A_1324 = arith.constant 64 : index
        %get3A_1325 = tpu.vector_load %arg15[%get3A_1323, %get3A_1324] {strides = array<i32>} : memref<320x128xf32, #tpu.memory_space<vmem>>, vector<1x16xf32>,
        %get3A_1326 = vector.shape_cast %get3A_1325 : vector<1x16xf32> to vector<16xf32>
        %mul3A_1327 = arith.mulf %get3A_1326, %get3A_239 : vector<16xf32>
        %add3A_1328 = arith.addf %add3A_1318, %mul3A_1327 : vector<16xf32>
        %mul3A_1329 = arith.constant 20 : i32
        %mul3A_1330 = arith.muli %scan3A_219, %mul3A_1329 : i32
        %add3A_1331 = arith.constant 13 : i32
        %add3A_1332 = arith.addi %mul3A_1330, %add3A_1331 : i32
        %get3A_1333 = arith.index_cast %add3A_1332 : i32 to index
        %get3A_1334 = arith.constant 80 : index
        %get3A_1335 = tpu.vector_load %arg15[%get3A_1333, %get3A_1334] {strides = array<i32>} : memref<320x128xf32, #tpu.memory_space<vmem>>, vector<1x16xf32>,
        %get3A_1336 = vector.shape_cast %get3A_1335 : vector<1x16xf32> to vector<16xf32>
        %mul3A_1337 = arith.mulf %get3A_1336, %get3A_243 : vector<16xf32>
        %add3A_1338 = arith.addf %add3A_1328, %mul3A_1337 : vector<16xf32>
        %mul3A_1339 = arith.constant 20 : i32
        %mul3A_1340 = arith.muli %scan3A_219, %mul3A_1339 : i32
        %add3A_1341 = arith.constant 13 : i32
        %add3A_1342 = arith.addi %mul3A_1340, %add3A_1341 : i32
        %get3A_1343 = arith.index_cast %add3A_1342 : i32 to index
        %get3A_1344 = arith.constant 96 : index
        %get3A_1345 = tpu.vector_load %arg15[%get3A_1343, %get3A_1344] {strides = array<i32>} : memref<320x128xf32, #tpu.memory_space<vmem>>, vector<1x16xf32>,
        %get3A_1346 = vector.shape_cast %get3A_1345 : vector<1x16xf32> to vector<16xf32>
        %mul3A_1347 = arith.mulf %get3A_1346, %get3A_247 : vector<16xf32>
        %add3A_1348 = arith.addf %add3A_1338, %mul3A_1347 : vector<16xf32>
        %mul3A_1349 = arith.constant 20 : i32
        %mul3A_1350 = arith.muli %scan3A_219, %mul3A_1349 : i32
        %add3A_1351 = arith.constant 13 : i32
        %add3A_1352 = arith.addi %mul3A_1350, %add3A_1351 : i32
        %get3A_1353 = arith.index_cast %add3A_1352 : i32 to index
        %get3A_1354 = arith.constant 112 : index
        %get3A_1355 = tpu.vector_load %arg15[%get3A_1353, %get3A_1354] {strides = array<i32>} : memref<320x128xf32, #tpu.memory_space<vmem>>, vector<1x16xf32>,
        %get3A_1356 = vector.shape_cast %get3A_1355 : vector<1x16xf32> to vector<16xf32>
        %mul3A_1357 = arith.mulf %get3A_1356, %get3A_251 : vector<16xf32>
        %add3A_1358 = arith.addf %add3A_1348, %mul3A_1357 : vector<16xf32>
        %mul3A_1359 = arith.constant 20 : i32
        %mul3A_1360 = arith.muli %scan3A_219, %mul3A_1359 : i32
        %add3A_1361 = arith.constant 14 : i32
        %add3A_1362 = arith.addi %mul3A_1360, %add3A_1361 : i32
        %get3A_1363 = arith.index_cast %add3A_1362 : i32 to index
        %get3A_1364 = arith.constant 0 : index
        %get3A_1365 = tpu.vector_load %arg15[%get3A_1363, %get3A_1364] {strides = array<i32>} : memref<320x128xf32, #tpu.memory_space<vmem>>, vector<1x16xf32>,
        %get3A_1366 = vector.shape_cast %get3A_1365 : vector<1x16xf32> to vector<16xf32>
        %mul3A_1367 = arith.mulf %get3A_1366, %get3A_223 : vector<16xf32>
        %mul3A_1368 = arith.constant 20 : i32
        %mul3A_1369 = arith.muli %scan3A_219, %mul3A_1368 : i32
        %add3A_1370 = arith.constant 14 : i32
        %add3A_1371 = arith.addi %mul3A_1369, %add3A_1370 : i32
        %get3A_1372 = arith.index_cast %add3A_1371 : i32 to index
        %get3A_1373 = arith.constant 16 : index
        %get3A_1374 = tpu.vector_load %arg15[%get3A_1372, %get3A_1373] {strides = array<i32>} : memref<320x128xf32, #tpu.memory_space<vmem>>, vector<1x16xf32>,
        %get3A_1375 = vector.shape_cast %get3A_1374 : vector<1x16xf32> to vector<16xf32>
        %mul3A_1376 = arith.mulf %get3A_1375, %get3A_227 : vector<16xf32>
        %add3A_1377 = arith.addf %mul3A_1367, %mul3A_1376 : vector<16xf32>
        %mul3A_1378 = arith.constant 20 : i32
        %mul3A_1379 = arith.muli %scan3A_219, %mul3A_1378 : i32
        %add3A_1380 = arith.constant 14 : i32
        %add3A_1381 = arith.addi %mul3A_1379, %add3A_1380 : i32
        %get3A_1382 = arith.index_cast %add3A_1381 : i32 to index
        %get3A_1383 = arith.constant 32 : index
        %get3A_1384 = tpu.vector_load %arg15[%get3A_1382, %get3A_1383] {strides = array<i32>} : memref<320x128xf32, #tpu.memory_space<vmem>>, vector<1x16xf32>,
        %get3A_1385 = vector.shape_cast %get3A_1384 : vector<1x16xf32> to vector<16xf32>
        %mul3A_1386 = arith.mulf %get3A_1385, %get3A_231 : vector<16xf32>
        %add3A_1387 = arith.addf %add3A_1377, %mul3A_1386 : vector<16xf32>
        %mul3A_1388 = arith.constant 20 : i32
        %mul3A_1389 = arith.muli %scan3A_219, %mul3A_1388 : i32
        %add3A_1390 = arith.constant 14 : i32
        %add3A_1391 = arith.addi %mul3A_1389, %add3A_1390 : i32
        %get3A_1392 = arith.index_cast %add3A_1391 : i32 to index
        %get3A_1393 = arith.constant 48 : index
        %get3A_1394 = tpu.vector_load %arg15[%get3A_1392, %get3A_1393] {strides = array<i32>} : memref<320x128xf32, #tpu.memory_space<vmem>>, vector<1x16xf32>,
        %get3A_1395 = vector.shape_cast %get3A_1394 : vector<1x16xf32> to vector<16xf32>
        %mul3A_1396 = arith.mulf %get3A_1395, %get3A_235 : vector<16xf32>
        %add3A_1397 = arith.addf %add3A_1387, %mul3A_1396 : vector<16xf32>
        %mul3A_1398 = arith.constant 20 : i32
        %mul3A_1399 = arith.muli %scan3A_219, %mul3A_1398 : i32
        %add3A_1400 = arith.constant 14 : i32
        %add3A_1401 = arith.addi %mul3A_1399, %add3A_1400 : i32
        %get3A_1402 = arith.index_cast %add3A_1401 : i32 to index
        %get3A_1403 = arith.constant 64 : index
        %get3A_1404 = tpu.vector_load %arg15[%get3A_1402, %get3A_1403] {strides = array<i32>} : memref<320x128xf32, #tpu.memory_space<vmem>>, vector<1x16xf32>,
        %get3A_1405 = vector.shape_cast %get3A_1404 : vector<1x16xf32> to vector<16xf32>
        %mul3A_1406 = arith.mulf %get3A_1405, %get3A_239 : vector<16xf32>
        %add3A_1407 = arith.addf %add3A_1397, %mul3A_1406 : vector<16xf32>
        %mul3A_1408 = arith.constant 20 : i32
        %mul3A_1409 = arith.muli %scan3A_219, %mul3A_1408 : i32
        %add3A_1410 = arith.constant 14 : i32
        %add3A_1411 = arith.addi %mul3A_1409, %add3A_1410 : i32
        %get3A_1412 = arith.index_cast %add3A_1411 : i32 to index
        %get3A_1413 = arith.constant 80 : index
        %get3A_1414 = tpu.vector_load %arg15[%get3A_1412, %get3A_1413] {strides = array<i32>} : memref<320x128xf32, #tpu.memory_space<vmem>>, vector<1x16xf32>,
        %get3A_1415 = vector.shape_cast %get3A_1414 : vector<1x16xf32> to vector<16xf32>
        %mul3A_1416 = arith.mulf %get3A_1415, %get3A_243 : vector<16xf32>
        %add3A_1417 = arith.addf %add3A_1407, %mul3A_1416 : vector<16xf32>
        %mul3A_1418 = arith.constant 20 : i32
        %mul3A_1419 = arith.muli %scan3A_219, %mul3A_1418 : i32
        %add3A_1420 = arith.constant 14 : i32
        %add3A_1421 = arith.addi %mul3A_1419, %add3A_1420 : i32
        %get3A_1422 = arith.index_cast %add3A_1421 : i32 to index
        %get3A_1423 = arith.constant 96 : index
        %get3A_1424 = tpu.vector_load %arg15[%get3A_1422, %get3A_1423] {strides = array<i32>} : memref<320x128xf32, #tpu.memory_space<vmem>>, vector<1x16xf32>,
        %get3A_1425 = vector.shape_cast %get3A_1424 : vector<1x16xf32> to vector<16xf32>
        %mul3A_1426 = arith.mulf %get3A_1425, %get3A_247 : vector<16xf32>
        %add3A_1427 = arith.addf %add3A_1417, %mul3A_1426 : vector<16xf32>
        %mul3A_1428 = arith.constant 20 : i32
        %mul3A_1429 = arith.muli %scan3A_219, %mul3A_1428 : i32
        %add3A_1430 = arith.constant 14 : i32
        %add3A_1431 = arith.addi %mul3A_1429, %add3A_1430 : i32
        %get3A_1432 = arith.index_cast %add3A_1431 : i32 to index
        %get3A_1433 = arith.constant 112 : index
        %get3A_1434 = tpu.vector_load %arg15[%get3A_1432, %get3A_1433] {strides = array<i32>} : memref<320x128xf32, #tpu.memory_space<vmem>>, vector<1x16xf32>,
        %get3A_1435 = vector.shape_cast %get3A_1434 : vector<1x16xf32> to vector<16xf32>
        %mul3A_1436 = arith.mulf %get3A_1435, %get3A_251 : vector<16xf32>
        %add3A_1437 = arith.addf %add3A_1427, %mul3A_1436 : vector<16xf32>
        %mul3A_1438 = arith.constant 20 : i32
        %mul3A_1439 = arith.muli %scan3A_219, %mul3A_1438 : i32
        %add3A_1440 = arith.constant 15 : i32
        %add3A_1441 = arith.addi %mul3A_1439, %add3A_1440 : i32
        %get3A_1442 = arith.index_cast %add3A_1441 : i32 to index
        %get3A_1443 = arith.constant 0 : index
        %get3A_1444 = tpu.vector_load %arg15[%get3A_1442, %get3A_1443] {strides = array<i32>} : memref<320x128xf32, #tpu.memory_space<vmem>>, vector<1x16xf32>,
        %get3A_1445 = vector.shape_cast %get3A_1444 : vector<1x16xf32> to vector<16xf32>
        %mul3A_1446 = arith.mulf %get3A_1445, %get3A_223 : vector<16xf32>
        %mul3A_1447 = arith.constant 20 : i32
        %mul3A_1448 = arith.muli %scan3A_219, %mul3A_1447 : i32
        %add3A_1449 = arith.constant 15 : i32
        %add3A_1450 = arith.addi %mul3A_1448, %add3A_1449 : i32
        %get3A_1451 = arith.index_cast %add3A_1450 : i32 to index
        %get3A_1452 = arith.constant 16 : index
        %get3A_1453 = tpu.vector_load %arg15[%get3A_1451, %get3A_1452] {strides = array<i32>} : memref<320x128xf32, #tpu.memory_space<vmem>>, vector<1x16xf32>,
        %get3A_1454 = vector.shape_cast %get3A_1453 : vector<1x16xf32> to vector<16xf32>
        %mul3A_1455 = arith.mulf %get3A_1454, %get3A_227 : vector<16xf32>
        %add3A_1456 = arith.addf %mul3A_1446, %mul3A_1455 : vector<16xf32>
        %mul3A_1457 = arith.constant 20 : i32
        %mul3A_1458 = arith.muli %scan3A_219, %mul3A_1457 : i32
        %add3A_1459 = arith.constant 15 : i32
        %add3A_1460 = arith.addi %mul3A_1458, %add3A_1459 : i32
        %get3A_1461 = arith.index_cast %add3A_1460 : i32 to index
        %get3A_1462 = arith.constant 32 : index
        %get3A_1463 = tpu.vector_load %arg15[%get3A_1461, %get3A_1462] {strides = array<i32>} : memref<320x128xf32, #tpu.memory_space<vmem>>, vector<1x16xf32>,
        %get3A_1464 = vector.shape_cast %get3A_1463 : vector<1x16xf32> to vector<16xf32>
        %mul3A_1465 = arith.mulf %get3A_1464, %get3A_231 : vector<16xf32>
        %add3A_1466 = arith.addf %add3A_1456, %mul3A_1465 : vector<16xf32>
        %mul3A_1467 = arith.constant 20 : i32
        %mul3A_1468 = arith.muli %scan3A_219, %mul3A_1467 : i32
        %add3A_1469 = arith.constant 15 : i32
        %add3A_1470 = arith.addi %mul3A_1468, %add3A_1469 : i32
        %get3A_1471 = arith.index_cast %add3A_1470 : i32 to index
        %get3A_1472 = arith.constant 48 : index
        %get3A_1473 = tpu.vector_load %arg15[%get3A_1471, %get3A_1472] {strides = array<i32>} : memref<320x128xf32, #tpu.memory_space<vmem>>, vector<1x16xf32>,
        %get3A_1474 = vector.shape_cast %get3A_1473 : vector<1x16xf32> to vector<16xf32>
        %mul3A_1475 = arith.mulf %get3A_1474, %get3A_235 : vector<16xf32>
        %add3A_1476 = arith.addf %add3A_1466, %mul3A_1475 : vector<16xf32>
        %mul3A_1477 = arith.constant 20 : i32
        %mul3A_1478 = arith.muli %scan3A_219, %mul3A_1477 : i32
        %add3A_1479 = arith.constant 15 : i32
        %add3A_1480 = arith.addi %mul3A_1478, %add3A_1479 : i32
        %get3A_1481 = arith.index_cast %add3A_1480 : i32 to index
        %get3A_1482 = arith.constant 64 : index
        %get3A_1483 = tpu.vector_load %arg15[%get3A_1481, %get3A_1482] {strides = array<i32>} : memref<320x128xf32, #tpu.memory_space<vmem>>, vector<1x16xf32>,
        %get3A_1484 = vector.shape_cast %get3A_1483 : vector<1x16xf32> to vector<16xf32>
        %mul3A_1485 = arith.mulf %get3A_1484, %get3A_239 : vector<16xf32>
        %add3A_1486 = arith.addf %add3A_1476, %mul3A_1485 : vector<16xf32>
        %mul3A_1487 = arith.constant 20 : i32
        %mul3A_1488 = arith.muli %scan3A_219, %mul3A_1487 : i32
        %add3A_1489 = arith.constant 15 : i32
        %add3A_1490 = arith.addi %mul3A_1488, %add3A_1489 : i32
        %get3A_1491 = arith.index_cast %add3A_1490 : i32 to index
        %get3A_1492 = arith.constant 80 : index
        %get3A_1493 = tpu.vector_load %arg15[%get3A_1491, %get3A_1492] {strides = array<i32>} : memref<320x128xf32, #tpu.memory_space<vmem>>, vector<1x16xf32>,
        %get3A_1494 = vector.shape_cast %get3A_1493 : vector<1x16xf32> to vector<16xf32>
        %mul3A_1495 = arith.mulf %get3A_1494, %get3A_243 : vector<16xf32>
        %add3A_1496 = arith.addf %add3A_1486, %mul3A_1495 : vector<16xf32>
        %mul3A_1497 = arith.constant 20 : i32
        %mul3A_1498 = arith.muli %scan3A_219, %mul3A_1497 : i32
        %add3A_1499 = arith.constant 15 : i32
        %add3A_1500 = arith.addi %mul3A_1498, %add3A_1499 : i32
        %get3A_1501 = arith.index_cast %add3A_1500 : i32 to index
        %get3A_1502 = arith.constant 96 : index
        %get3A_1503 = tpu.vector_load %arg15[%get3A_1501, %get3A_1502] {strides = array<i32>} : memref<320x128xf32, #tpu.memory_space<vmem>>, vector<1x16xf32>,
        %get3A_1504 = vector.shape_cast %get3A_1503 : vector<1x16xf32> to vector<16xf32>
        %mul3A_1505 = arith.mulf %get3A_1504, %get3A_247 : vector<16xf32>
        %add3A_1506 = arith.addf %add3A_1496, %mul3A_1505 : vector<16xf32>
        %mul3A_1507 = arith.constant 20 : i32
        %mul3A_1508 = arith.muli %scan3A_219, %mul3A_1507 : i32
        %add3A_1509 = arith.constant 15 : i32
        %add3A_1510 = arith.addi %mul3A_1508, %add3A_1509 : i32
        %get3A_1511 = arith.index_cast %add3A_1510 : i32 to index
        %get3A_1512 = arith.constant 112 : index
        %get3A_1513 = tpu.vector_load %arg15[%get3A_1511, %get3A_1512] {strides = array<i32>} : memref<320x128xf32, #tpu.memory_space<vmem>>, vector<1x16xf32>,
        %get3A_1514 = vector.shape_cast %get3A_1513 : vector<1x16xf32> to vector<16xf32>
        %mul3A_1515 = arith.mulf %get3A_1514, %get3A_251 : vector<16xf32>
        %add3A_1516 = arith.addf %add3A_1506, %mul3A_1515 : vector<16xf32>
        %mul3A_1517 = arith.constant 20 : i32
        %mul3A_1518 = arith.muli %scan3A_219, %mul3A_1517 : i32
        %add3A_1519 = arith.constant 16 : i32
        %add3A_1520 = arith.addi %mul3A_1518, %add3A_1519 : i32
        %get3A_1521 = arith.index_cast %add3A_1520 : i32 to index
        %get3A_1522 = arith.constant 0 : index
        %get3A_1523 = tpu.vector_load %arg15[%get3A_1521, %get3A_1522] {strides = array<i32>} : memref<320x128xf32, #tpu.memory_space<vmem>>, vector<1x16xf32>,
        %get3A_1524 = vector.shape_cast %get3A_1523 : vector<1x16xf32> to vector<16xf32>
        %mul3A_1525 = arith.mulf %get3A_1524, %get3A_223 : vector<16xf32>
        %mul3A_1526 = arith.constant 20 : i32
        %mul3A_1527 = arith.muli %scan3A_219, %mul3A_1526 : i32
        %add3A_1528 = arith.constant 16 : i32
        %add3A_1529 = arith.addi %mul3A_1527, %add3A_1528 : i32
        %get3A_1530 = arith.index_cast %add3A_1529 : i32 to index
        %get3A_1531 = arith.constant 16 : index
        %get3A_1532 = tpu.vector_load %arg15[%get3A_1530, %get3A_1531] {strides = array<i32>} : memref<320x128xf32, #tpu.memory_space<vmem>>, vector<1x16xf32>,
        %get3A_1533 = vector.shape_cast %get3A_1532 : vector<1x16xf32> to vector<16xf32>
        %mul3A_1534 = arith.mulf %get3A_1533, %get3A_227 : vector<16xf32>
        %add3A_1535 = arith.addf %mul3A_1525, %mul3A_1534 : vector<16xf32>
        %mul3A_1536 = arith.constant 20 : i32
        %mul3A_1537 = arith.muli %scan3A_219, %mul3A_1536 : i32
        %add3A_1538 = arith.constant 16 : i32
        %add3A_1539 = arith.addi %mul3A_1537, %add3A_1538 : i32
        %get3A_1540 = arith.index_cast %add3A_1539 : i32 to index
        %get3A_1541 = arith.constant 32 : index
        %get3A_1542 = tpu.vector_load %arg15[%get3A_1540, %get3A_1541] {strides = array<i32>} : memref<320x128xf32, #tpu.memory_space<vmem>>, vector<1x16xf32>,
        %get3A_1543 = vector.shape_cast %get3A_1542 : vector<1x16xf32> to vector<16xf32>
        %mul3A_1544 = arith.mulf %get3A_1543, %get3A_231 : vector<16xf32>
        %add3A_1545 = arith.addf %add3A_1535, %mul3A_1544 : vector<16xf32>
        %mul3A_1546 = arith.constant 20 : i32
        %mul3A_1547 = arith.muli %scan3A_219, %mul3A_1546 : i32
        %add3A_1548 = arith.constant 16 : i32
        %add3A_1549 = arith.addi %mul3A_1547, %add3A_1548 : i32
        %get3A_1550 = arith.index_cast %add3A_1549 : i32 to index
        %get3A_1551 = arith.constant 48 : index
        %get3A_1552 = tpu.vector_load %arg15[%get3A_1550, %get3A_1551] {strides = array<i32>} : memref<320x128xf32, #tpu.memory_space<vmem>>, vector<1x16xf32>,
        %get3A_1553 = vector.shape_cast %get3A_1552 : vector<1x16xf32> to vector<16xf32>
        %mul3A_1554 = arith.mulf %get3A_1553, %get3A_235 : vector<16xf32>
        %add3A_1555 = arith.addf %add3A_1545, %mul3A_1554 : vector<16xf32>
        %mul3A_1556 = arith.constant 20 : i32
        %mul3A_1557 = arith.muli %scan3A_219, %mul3A_1556 : i32
        %add3A_1558 = arith.constant 16 : i32
        %add3A_1559 = arith.addi %mul3A_1557, %add3A_1558 : i32
        %get3A_1560 = arith.index_cast %add3A_1559 : i32 to index
        %get3A_1561 = arith.constant 64 : index
        %get3A_1562 = tpu.vector_load %arg15[%get3A_1560, %get3A_1561] {strides = array<i32>} : memref<320x128xf32, #tpu.memory_space<vmem>>, vector<1x16xf32>,
        %get3A_1563 = vector.shape_cast %get3A_1562 : vector<1x16xf32> to vector<16xf32>
        %mul3A_1564 = arith.mulf %get3A_1563, %get3A_239 : vector<16xf32>
        %add3A_1565 = arith.addf %add3A_1555, %mul3A_1564 : vector<16xf32>
        %mul3A_1566 = arith.constant 20 : i32
        %mul3A_1567 = arith.muli %scan3A_219, %mul3A_1566 : i32
        %add3A_1568 = arith.constant 16 : i32
        %add3A_1569 = arith.addi %mul3A_1567, %add3A_1568 : i32
        %get3A_1570 = arith.index_cast %add3A_1569 : i32 to index
        %get3A_1571 = arith.constant 80 : index
        %get3A_1572 = tpu.vector_load %arg15[%get3A_1570, %get3A_1571] {strides = array<i32>} : memref<320x128xf32, #tpu.memory_space<vmem>>, vector<1x16xf32>,
        %get3A_1573 = vector.shape_cast %get3A_1572 : vector<1x16xf32> to vector<16xf32>
        %mul3A_1574 = arith.mulf %get3A_1573, %get3A_243 : vector<16xf32>
        %add3A_1575 = arith.addf %add3A_1565, %mul3A_1574 : vector<16xf32>
        %mul3A_1576 = arith.constant 20 : i32
        %mul3A_1577 = arith.muli %scan3A_219, %mul3A_1576 : i32
        %add3A_1578 = arith.constant 16 : i32
        %add3A_1579 = arith.addi %mul3A_1577, %add3A_1578 : i32
        %get3A_1580 = arith.index_cast %add3A_1579 : i32 to index
        %get3A_1581 = arith.constant 96 : index
        %get3A_1582 = tpu.vector_load %arg15[%get3A_1580, %get3A_1581] {strides = array<i32>} : memref<320x128xf32, #tpu.memory_space<vmem>>, vector<1x16xf32>,
        %get3A_1583 = vector.shape_cast %get3A_1582 : vector<1x16xf32> to vector<16xf32>
        %mul3A_1584 = arith.mulf %get3A_1583, %get3A_247 : vector<16xf32>
        %add3A_1585 = arith.addf %add3A_1575, %mul3A_1584 : vector<16xf32>
        %mul3A_1586 = arith.constant 20 : i32
        %mul3A_1587 = arith.muli %scan3A_219, %mul3A_1586 : i32
        %add3A_1588 = arith.constant 16 : i32
        %add3A_1589 = arith.addi %mul3A_1587, %add3A_1588 : i32
        %get3A_1590 = arith.index_cast %add3A_1589 : i32 to index
        %get3A_1591 = arith.constant 112 : index
        %get3A_1592 = tpu.vector_load %arg15[%get3A_1590, %get3A_1591] {strides = array<i32>} : memref<320x128xf32, #tpu.memory_space<vmem>>, vector<1x16xf32>,
        %get3A_1593 = vector.shape_cast %get3A_1592 : vector<1x16xf32> to vector<16xf32>
        %mul3A_1594 = arith.mulf %get3A_1593, %get3A_251 : vector<16xf32>
        %add3A_1595 = arith.addf %add3A_1585, %mul3A_1594 : vector<16xf32>
        %mul3A_1596 = arith.constant 20 : i32
        %mul3A_1597 = arith.muli %scan3A_219, %mul3A_1596 : i32
        %add3A_1598 = arith.constant 17 : i32
        %add3A_1599 = arith.addi %mul3A_1597, %add3A_1598 : i32
        %get3A_1600 = arith.index_cast %add3A_1599 : i32 to index
        %get3A_1601 = arith.constant 0 : index
        %get3A_1602 = tpu.vector_load %arg15[%get3A_1600, %get3A_1601] {strides = array<i32>} : memref<320x128xf32, #tpu.memory_space<vmem>>, vector<1x16xf32>,
        %get3A_1603 = vector.shape_cast %get3A_1602 : vector<1x16xf32> to vector<16xf32>
        %mul3A_1604 = arith.mulf %get3A_1603, %get3A_223 : vector<16xf32>
        %mul3A_1605 = arith.constant 20 : i32
        %mul3A_1606 = arith.muli %scan3A_219, %mul3A_1605 : i32
        %add3A_1607 = arith.constant 17 : i32
        %add3A_1608 = arith.addi %mul3A_1606, %add3A_1607 : i32
        %get3A_1609 = arith.index_cast %add3A_1608 : i32 to index
        %get3A_1610 = arith.constant 16 : index
        %get3A_1611 = tpu.vector_load %arg15[%get3A_1609, %get3A_1610] {strides = array<i32>} : memref<320x128xf32, #tpu.memory_space<vmem>>, vector<1x16xf32>,
        %get3A_1612 = vector.shape_cast %get3A_1611 : vector<1x16xf32> to vector<16xf32>
        %mul3A_1613 = arith.mulf %get3A_1612, %get3A_227 : vector<16xf32>
        %add3A_1614 = arith.addf %mul3A_1604, %mul3A_1613 : vector<16xf32>
        %mul3A_1615 = arith.constant 20 : i32
        %mul3A_1616 = arith.muli %scan3A_219, %mul3A_1615 : i32
        %add3A_1617 = arith.constant 17 : i32
        %add3A_1618 = arith.addi %mul3A_1616, %add3A_1617 : i32
        %get3A_1619 = arith.index_cast %add3A_1618 : i32 to index
        %get3A_1620 = arith.constant 32 : index
        %get3A_1621 = tpu.vector_load %arg15[%get3A_1619, %get3A_1620] {strides = array<i32>} : memref<320x128xf32, #tpu.memory_space<vmem>>, vector<1x16xf32>,
        %get3A_1622 = vector.shape_cast %get3A_1621 : vector<1x16xf32> to vector<16xf32>
        %mul3A_1623 = arith.mulf %get3A_1622, %get3A_231 : vector<16xf32>
        %add3A_1624 = arith.addf %add3A_1614, %mul3A_1623 : vector<16xf32>
        %mul3A_1625 = arith.constant 20 : i32
        %mul3A_1626 = arith.muli %scan3A_219, %mul3A_1625 : i32
        %add3A_1627 = arith.constant 17 : i32
        %add3A_1628 = arith.addi %mul3A_1626, %add3A_1627 : i32
        %get3A_1629 = arith.index_cast %add3A_1628 : i32 to index
        %get3A_1630 = arith.constant 48 : index
        %get3A_1631 = tpu.vector_load %arg15[%get3A_1629, %get3A_1630] {strides = array<i32>} : memref<320x128xf32, #tpu.memory_space<vmem>>, vector<1x16xf32>,
        %get3A_1632 = vector.shape_cast %get3A_1631 : vector<1x16xf32> to vector<16xf32>
        %mul3A_1633 = arith.mulf %get3A_1632, %get3A_235 : vector<16xf32>
        %add3A_1634 = arith.addf %add3A_1624, %mul3A_1633 : vector<16xf32>
        %mul3A_1635 = arith.constant 20 : i32
        %mul3A_1636 = arith.muli %scan3A_219, %mul3A_1635 : i32
        %add3A_1637 = arith.constant 17 : i32
        %add3A_1638 = arith.addi %mul3A_1636, %add3A_1637 : i32
        %get3A_1639 = arith.index_cast %add3A_1638 : i32 to index
        %get3A_1640 = arith.constant 64 : index
        %get3A_1641 = tpu.vector_load %arg15[%get3A_1639, %get3A_1640] {strides = array<i32>} : memref<320x128xf32, #tpu.memory_space<vmem>>, vector<1x16xf32>,
        %get3A_1642 = vector.shape_cast %get3A_1641 : vector<1x16xf32> to vector<16xf32>
        %mul3A_1643 = arith.mulf %get3A_1642, %get3A_239 : vector<16xf32>
        %add3A_1644 = arith.addf %add3A_1634, %mul3A_1643 : vector<16xf32>
        %mul3A_1645 = arith.constant 20 : i32
        %mul3A_1646 = arith.muli %scan3A_219, %mul3A_1645 : i32
        %add3A_1647 = arith.constant 17 : i32
        %add3A_1648 = arith.addi %mul3A_1646, %add3A_1647 : i32
        %get3A_1649 = arith.index_cast %add3A_1648 : i32 to index
        %get3A_1650 = arith.constant 80 : index
        %get3A_1651 = tpu.vector_load %arg15[%get3A_1649, %get3A_1650] {strides = array<i32>} : memref<320x128xf32, #tpu.memory_space<vmem>>, vector<1x16xf32>,
        %get3A_1652 = vector.shape_cast %get3A_1651 : vector<1x16xf32> to vector<16xf32>
        %mul3A_1653 = arith.mulf %get3A_1652, %get3A_243 : vector<16xf32>
        %add3A_1654 = arith.addf %add3A_1644, %mul3A_1653 : vector<16xf32>
        %mul3A_1655 = arith.constant 20 : i32
        %mul3A_1656 = arith.muli %scan3A_219, %mul3A_1655 : i32
        %add3A_1657 = arith.constant 17 : i32
        %add3A_1658 = arith.addi %mul3A_1656, %add3A_1657 : i32
        %get3A_1659 = arith.index_cast %add3A_1658 : i32 to index
        %get3A_1660 = arith.constant 96 : index
        %get3A_1661 = tpu.vector_load %arg15[%get3A_1659, %get3A_1660] {strides = array<i32>} : memref<320x128xf32, #tpu.memory_space<vmem>>, vector<1x16xf32>,
        %get3A_1662 = vector.shape_cast %get3A_1661 : vector<1x16xf32> to vector<16xf32>
        %mul3A_1663 = arith.mulf %get3A_1662, %get3A_247 : vector<16xf32>
        %add3A_1664 = arith.addf %add3A_1654, %mul3A_1663 : vector<16xf32>
        %mul3A_1665 = arith.constant 20 : i32
        %mul3A_1666 = arith.muli %scan3A_219, %mul3A_1665 : i32
        %add3A_1667 = arith.constant 17 : i32
        %add3A_1668 = arith.addi %mul3A_1666, %add3A_1667 : i32
        %get3A_1669 = arith.index_cast %add3A_1668 : i32 to index
        %get3A_1670 = arith.constant 112 : index
        %get3A_1671 = tpu.vector_load %arg15[%get3A_1669, %get3A_1670] {strides = array<i32>} : memref<320x128xf32, #tpu.memory_space<vmem>>, vector<1x16xf32>,
        %get3A_1672 = vector.shape_cast %get3A_1671 : vector<1x16xf32> to vector<16xf32>
        %mul3A_1673 = arith.mulf %get3A_1672, %get3A_251 : vector<16xf32>
        %add3A_1674 = arith.addf %add3A_1664, %mul3A_1673 : vector<16xf32>
        %mul3A_1675 = arith.constant 20 : i32
        %mul3A_1676 = arith.muli %scan3A_219, %mul3A_1675 : i32
        %add3A_1677 = arith.constant 18 : i32
        %add3A_1678 = arith.addi %mul3A_1676, %add3A_1677 : i32
        %get3A_1679 = arith.index_cast %add3A_1678 : i32 to index
        %get3A_1680 = arith.constant 0 : index
        %get3A_1681 = tpu.vector_load %arg15[%get3A_1679, %get3A_1680] {strides = array<i32>} : memref<320x128xf32, #tpu.memory_space<vmem>>, vector<1x16xf32>,
        %get3A_1682 = vector.shape_cast %get3A_1681 : vector<1x16xf32> to vector<16xf32>
        %mul3A_1683 = arith.mulf %get3A_1682, %get3A_223 : vector<16xf32>
        %mul3A_1684 = arith.constant 20 : i32
        %mul3A_1685 = arith.muli %scan3A_219, %mul3A_1684 : i32
        %add3A_1686 = arith.constant 18 : i32
        %add3A_1687 = arith.addi %mul3A_1685, %add3A_1686 : i32
        %get3A_1688 = arith.index_cast %add3A_1687 : i32 to index
        %get3A_1689 = arith.constant 16 : index
        %get3A_1690 = tpu.vector_load %arg15[%get3A_1688, %get3A_1689] {strides = array<i32>} : memref<320x128xf32, #tpu.memory_space<vmem>>, vector<1x16xf32>,
        %get3A_1691 = vector.shape_cast %get3A_1690 : vector<1x16xf32> to vector<16xf32>
        %mul3A_1692 = arith.mulf %get3A_1691, %get3A_227 : vector<16xf32>
        %add3A_1693 = arith.addf %mul3A_1683, %mul3A_1692 : vector<16xf32>
        %mul3A_1694 = arith.constant 20 : i32
        %mul3A_1695 = arith.muli %scan3A_219, %mul3A_1694 : i32
        %add3A_1696 = arith.constant 18 : i32
        %add3A_1697 = arith.addi %mul3A_1695, %add3A_1696 : i32
        %get3A_1698 = arith.index_cast %add3A_1697 : i32 to index
        %get3A_1699 = arith.constant 32 : index
        %get3A_1700 = tpu.vector_load %arg15[%get3A_1698, %get3A_1699] {strides = array<i32>} : memref<320x128xf32, #tpu.memory_space<vmem>>, vector<1x16xf32>,
        %get3A_1701 = vector.shape_cast %get3A_1700 : vector<1x16xf32> to vector<16xf32>
        %mul3A_1702 = arith.mulf %get3A_1701, %get3A_231 : vector<16xf32>
        %add3A_1703 = arith.addf %add3A_1693, %mul3A_1702 : vector<16xf32>
        %mul3A_1704 = arith.constant 20 : i32
        %mul3A_1705 = arith.muli %scan3A_219, %mul3A_1704 : i32
        %add3A_1706 = arith.constant 18 : i32
        %add3A_1707 = arith.addi %mul3A_1705, %add3A_1706 : i32
        %get3A_1708 = arith.index_cast %add3A_1707 : i32 to index
        %get3A_1709 = arith.constant 48 : index
        %get3A_1710 = tpu.vector_load %arg15[%get3A_1708, %get3A_1709] {strides = array<i32>} : memref<320x128xf32, #tpu.memory_space<vmem>>, vector<1x16xf32>,
        %get3A_1711 = vector.shape_cast %get3A_1710 : vector<1x16xf32> to vector<16xf32>
        %mul3A_1712 = arith.mulf %get3A_1711, %get3A_235 : vector<16xf32>
        %add3A_1713 = arith.addf %add3A_1703, %mul3A_1712 : vector<16xf32>
        %mul3A_1714 = arith.constant 20 : i32
        %mul3A_1715 = arith.muli %scan3A_219, %mul3A_1714 : i32
        %add3A_1716 = arith.constant 18 : i32
        %add3A_1717 = arith.addi %mul3A_1715, %add3A_1716 : i32
        %get3A_1718 = arith.index_cast %add3A_1717 : i32 to index
        %get3A_1719 = arith.constant 64 : index
        %get3A_1720 = tpu.vector_load %arg15[%get3A_1718, %get3A_1719] {strides = array<i32>} : memref<320x128xf32, #tpu.memory_space<vmem>>, vector<1x16xf32>,
        %get3A_1721 = vector.shape_cast %get3A_1720 : vector<1x16xf32> to vector<16xf32>
        %mul3A_1722 = arith.mulf %get3A_1721, %get3A_239 : vector<16xf32>
        %add3A_1723 = arith.addf %add3A_1713, %mul3A_1722 : vector<16xf32>
        %mul3A_1724 = arith.constant 20 : i32
        %mul3A_1725 = arith.muli %scan3A_219, %mul3A_1724 : i32
        %add3A_1726 = arith.constant 18 : i32
        %add3A_1727 = arith.addi %mul3A_1725, %add3A_1726 : i32
        %get3A_1728 = arith.index_cast %add3A_1727 : i32 to index
        %get3A_1729 = arith.constant 80 : index
        %get3A_1730 = tpu.vector_load %arg15[%get3A_1728, %get3A_1729] {strides = array<i32>} : memref<320x128xf32, #tpu.memory_space<vmem>>, vector<1x16xf32>,
        %get3A_1731 = vector.shape_cast %get3A_1730 : vector<1x16xf32> to vector<16xf32>
        %mul3A_1732 = arith.mulf %get3A_1731, %get3A_243 : vector<16xf32>
        %add3A_1733 = arith.addf %add3A_1723, %mul3A_1732 : vector<16xf32>
        %mul3A_1734 = arith.constant 20 : i32
        %mul3A_1735 = arith.muli %scan3A_219, %mul3A_1734 : i32
        %add3A_1736 = arith.constant 18 : i32
        %add3A_1737 = arith.addi %mul3A_1735, %add3A_1736 : i32
        %get3A_1738 = arith.index_cast %add3A_1737 : i32 to index
        %get3A_1739 = arith.constant 96 : index
        %get3A_1740 = tpu.vector_load %arg15[%get3A_1738, %get3A_1739] {strides = array<i32>} : memref<320x128xf32, #tpu.memory_space<vmem>>, vector<1x16xf32>,
        %get3A_1741 = vector.shape_cast %get3A_1740 : vector<1x16xf32> to vector<16xf32>
        %mul3A_1742 = arith.mulf %get3A_1741, %get3A_247 : vector<16xf32>
        %add3A_1743 = arith.addf %add3A_1733, %mul3A_1742 : vector<16xf32>
        %mul3A_1744 = arith.constant 20 : i32
        %mul3A_1745 = arith.muli %scan3A_219, %mul3A_1744 : i32
        %add3A_1746 = arith.constant 18 : i32
        %add3A_1747 = arith.addi %mul3A_1745, %add3A_1746 : i32
        %get3A_1748 = arith.index_cast %add3A_1747 : i32 to index
        %get3A_1749 = arith.constant 112 : index
        %get3A_1750 = tpu.vector_load %arg15[%get3A_1748, %get3A_1749] {strides = array<i32>} : memref<320x128xf32, #tpu.memory_space<vmem>>, vector<1x16xf32>,
        %get3A_1751 = vector.shape_cast %get3A_1750 : vector<1x16xf32> to vector<16xf32>
        %mul3A_1752 = arith.mulf %get3A_1751, %get3A_251 : vector<16xf32>
        %add3A_1753 = arith.addf %add3A_1743, %mul3A_1752 : vector<16xf32>
        %mul3A_1754 = arith.constant 20 : i32
        %mul3A_1755 = arith.muli %scan3A_219, %mul3A_1754 : i32
        %add3A_1756 = arith.constant 19 : i32
        %add3A_1757 = arith.addi %mul3A_1755, %add3A_1756 : i32
        %get3A_1758 = arith.index_cast %add3A_1757 : i32 to index
        %get3A_1759 = arith.constant 0 : index
        %get3A_1760 = tpu.vector_load %arg15[%get3A_1758, %get3A_1759] {strides = array<i32>} : memref<320x128xf32, #tpu.memory_space<vmem>>, vector<1x16xf32>,
        %get3A_1761 = vector.shape_cast %get3A_1760 : vector<1x16xf32> to vector<16xf32>
        %mul3A_1762 = arith.mulf %get3A_1761, %get3A_223 : vector<16xf32>
        %mul3A_1763 = arith.constant 20 : i32
        %mul3A_1764 = arith.muli %scan3A_219, %mul3A_1763 : i32
        %add3A_1765 = arith.constant 19 : i32
        %add3A_1766 = arith.addi %mul3A_1764, %add3A_1765 : i32
        %get3A_1767 = arith.index_cast %add3A_1766 : i32 to index
        %get3A_1768 = arith.constant 16 : index
        %get3A_1769 = tpu.vector_load %arg15[%get3A_1767, %get3A_1768] {strides = array<i32>} : memref<320x128xf32, #tpu.memory_space<vmem>>, vector<1x16xf32>,
        %get3A_1770 = vector.shape_cast %get3A_1769 : vector<1x16xf32> to vector<16xf32>
        %mul3A_1771 = arith.mulf %get3A_1770, %get3A_227 : vector<16xf32>
        %add3A_1772 = arith.addf %mul3A_1762, %mul3A_1771 : vector<16xf32>
        %mul3A_1773 = arith.constant 20 : i32
        %mul3A_1774 = arith.muli %scan3A_219, %mul3A_1773 : i32
        %add3A_1775 = arith.constant 19 : i32
        %add3A_1776 = arith.addi %mul3A_1774, %add3A_1775 : i32
        %get3A_1777 = arith.index_cast %add3A_1776 : i32 to index
        %get3A_1778 = arith.constant 32 : index
        %get3A_1779 = tpu.vector_load %arg15[%get3A_1777, %get3A_1778] {strides = array<i32>} : memref<320x128xf32, #tpu.memory_space<vmem>>, vector<1x16xf32>,
        %get3A_1780 = vector.shape_cast %get3A_1779 : vector<1x16xf32> to vector<16xf32>
        %mul3A_1781 = arith.mulf %get3A_1780, %get3A_231 : vector<16xf32>
        %add3A_1782 = arith.addf %add3A_1772, %mul3A_1781 : vector<16xf32>
        %mul3A_1783 = arith.constant 20 : i32
        %mul3A_1784 = arith.muli %scan3A_219, %mul3A_1783 : i32
        %add3A_1785 = arith.constant 19 : i32
        %add3A_1786 = arith.addi %mul3A_1784, %add3A_1785 : i32
        %get3A_1787 = arith.index_cast %add3A_1786 : i32 to index
        %get3A_1788 = arith.constant 48 : index
        %get3A_1789 = tpu.vector_load %arg15[%get3A_1787, %get3A_1788] {strides = array<i32>} : memref<320x128xf32, #tpu.memory_space<vmem>>, vector<1x16xf32>,
        %get3A_1790 = vector.shape_cast %get3A_1789 : vector<1x16xf32> to vector<16xf32>
        %mul3A_1791 = arith.mulf %get3A_1790, %get3A_235 : vector<16xf32>
        %add3A_1792 = arith.addf %add3A_1782, %mul3A_1791 : vector<16xf32>
        %mul3A_1793 = arith.constant 20 : i32
        %mul3A_1794 = arith.muli %scan3A_219, %mul3A_1793 : i32
        %add3A_1795 = arith.constant 19 : i32
        %add3A_1796 = arith.addi %mul3A_1794, %add3A_1795 : i32
        %get3A_1797 = arith.index_cast %add3A_1796 : i32 to index
        %get3A_1798 = arith.constant 64 : index
        %get3A_1799 = tpu.vector_load %arg15[%get3A_1797, %get3A_1798] {strides = array<i32>} : memref<320x128xf32, #tpu.memory_space<vmem>>, vector<1x16xf32>,
        %get3A_1800 = vector.shape_cast %get3A_1799 : vector<1x16xf32> to vector<16xf32>
        %mul3A_1801 = arith.mulf %get3A_1800, %get3A_239 : vector<16xf32>
        %add3A_1802 = arith.addf %add3A_1792, %mul3A_1801 : vector<16xf32>
        %mul3A_1803 = arith.constant 20 : i32
        %mul3A_1804 = arith.muli %scan3A_219, %mul3A_1803 : i32
        %add3A_1805 = arith.constant 19 : i32
        %add3A_1806 = arith.addi %mul3A_1804, %add3A_1805 : i32
        %get3A_1807 = arith.index_cast %add3A_1806 : i32 to index
        %get3A_1808 = arith.constant 80 : index
        %get3A_1809 = tpu.vector_load %arg15[%get3A_1807, %get3A_1808] {strides = array<i32>} : memref<320x128xf32, #tpu.memory_space<vmem>>, vector<1x16xf32>,
        %get3A_1810 = vector.shape_cast %get3A_1809 : vector<1x16xf32> to vector<16xf32>
        %mul3A_1811 = arith.mulf %get3A_1810, %get3A_243 : vector<16xf32>
        %add3A_1812 = arith.addf %add3A_1802, %mul3A_1811 : vector<16xf32>
        %mul3A_1813 = arith.constant 20 : i32
        %mul3A_1814 = arith.muli %scan3A_219, %mul3A_1813 : i32
        %add3A_1815 = arith.constant 19 : i32
        %add3A_1816 = arith.addi %mul3A_1814, %add3A_1815 : i32
        %get3A_1817 = arith.index_cast %add3A_1816 : i32 to index
        %get3A_1818 = arith.constant 96 : index
        %get3A_1819 = tpu.vector_load %arg15[%get3A_1817, %get3A_1818] {strides = array<i32>} : memref<320x128xf32, #tpu.memory_space<vmem>>, vector<1x16xf32>,
        %get3A_1820 = vector.shape_cast %get3A_1819 : vector<1x16xf32> to vector<16xf32>
        %mul3A_1821 = arith.mulf %get3A_1820, %get3A_247 : vector<16xf32>
        %add3A_1822 = arith.addf %add3A_1812, %mul3A_1821 : vector<16xf32>
        %mul3A_1823 = arith.constant 20 : i32
        %mul3A_1824 = arith.muli %scan3A_219, %mul3A_1823 : i32
        %add3A_1825 = arith.constant 19 : i32
        %add3A_1826 = arith.addi %mul3A_1824, %add3A_1825 : i32
        %get3A_1827 = arith.index_cast %add3A_1826 : i32 to index
        %get3A_1828 = arith.constant 112 : index
        %get3A_1829 = tpu.vector_load %arg15[%get3A_1827, %get3A_1828] {strides = array<i32>} : memref<320x128xf32, #tpu.memory_space<vmem>>, vector<1x16xf32>,
        %get3A_1830 = vector.shape_cast %get3A_1829 : vector<1x16xf32> to vector<16xf32>
        %mul3A_1831 = arith.mulf %get3A_1830, %get3A_251 : vector<16xf32>
        %add3A_1832 = arith.addf %add3A_1822, %mul3A_1831 : vector<16xf32>
        %get3A_1833 = arith.index_cast %scan3A_219 : i32 to index
        %get3A_1834 = arith.constant 0 : index
        %get3A_1835 = tpu.vector_load %arg13[%get3A_1833, %get3A_1834] {strides = array<i32>} : memref<16x128xf32, #tpu.memory_space<vmem>>, vector<1x16xf32>,
        %get3A_1836 = vector.shape_cast %get3A_1835 : vector<1x16xf32> to vector<16xf32>
        %mul3A_1837 = arith.mulf %get3A_1836, %get3A_223 : vector<16xf32>
        %get3A_1838 = arith.index_cast %scan3A_219 : i32 to index
        %get3A_1839 = arith.constant 16 : index
        %get3A_1840 = tpu.vector_load %arg13[%get3A_1838, %get3A_1839] {strides = array<i32>} : memref<16x128xf32, #tpu.memory_space<vmem>>, vector<1x16xf32>,
        %get3A_1841 = vector.shape_cast %get3A_1840 : vector<1x16xf32> to vector<16xf32>
        %mul3A_1842 = arith.mulf %get3A_1841, %get3A_227 : vector<16xf32>
        %add3A_1843 = arith.addf %mul3A_1837, %mul3A_1842 : vector<16xf32>
        %get3A_1844 = arith.index_cast %scan3A_219 : i32 to index
        %get3A_1845 = arith.constant 32 : index
        %get3A_1846 = tpu.vector_load %arg13[%get3A_1844, %get3A_1845] {strides = array<i32>} : memref<16x128xf32, #tpu.memory_space<vmem>>, vector<1x16xf32>,
        %get3A_1847 = vector.shape_cast %get3A_1846 : vector<1x16xf32> to vector<16xf32>
        %mul3A_1848 = arith.mulf %get3A_1847, %get3A_231 : vector<16xf32>
        %add3A_1849 = arith.addf %add3A_1843, %mul3A_1848 : vector<16xf32>
        %get3A_1850 = arith.index_cast %scan3A_219 : i32 to index
        %get3A_1851 = arith.constant 48 : index
        %get3A_1852 = tpu.vector_load %arg13[%get3A_1850, %get3A_1851] {strides = array<i32>} : memref<16x128xf32, #tpu.memory_space<vmem>>, vector<1x16xf32>,
        %get3A_1853 = vector.shape_cast %get3A_1852 : vector<1x16xf32> to vector<16xf32>
        %mul3A_1854 = arith.mulf %get3A_1853, %get3A_235 : vector<16xf32>
        %add3A_1855 = arith.addf %add3A_1849, %mul3A_1854 : vector<16xf32>
        %get3A_1856 = arith.index_cast %scan3A_219 : i32 to index
        %get3A_1857 = arith.constant 64 : index
        %get3A_1858 = tpu.vector_load %arg13[%get3A_1856, %get3A_1857] {strides = array<i32>} : memref<16x128xf32, #tpu.memory_space<vmem>>, vector<1x16xf32>,
        %get3A_1859 = vector.shape_cast %get3A_1858 : vector<1x16xf32> to vector<16xf32>
        %mul3A_1860 = arith.mulf %get3A_1859, %get3A_239 : vector<16xf32>
        %add3A_1861 = arith.addf %add3A_1855, %mul3A_1860 : vector<16xf32>
        %get3A_1862 = arith.index_cast %scan3A_219 : i32 to index
        %get3A_1863 = arith.constant 80 : index
        %get3A_1864 = tpu.vector_load %arg13[%get3A_1862, %get3A_1863] {strides = array<i32>} : memref<16x128xf32, #tpu.memory_space<vmem>>, vector<1x16xf32>,
        %get3A_1865 = vector.shape_cast %get3A_1864 : vector<1x16xf32> to vector<16xf32>
        %mul3A_1866 = arith.mulf %get3A_1865, %get3A_243 : vector<16xf32>
        %add3A_1867 = arith.addf %add3A_1861, %mul3A_1866 : vector<16xf32>
        %get3A_1868 = arith.index_cast %scan3A_219 : i32 to index
        %get3A_1869 = arith.constant 96 : index
        %get3A_1870 = tpu.vector_load %arg13[%get3A_1868, %get3A_1869] {strides = array<i32>} : memref<16x128xf32, #tpu.memory_space<vmem>>, vector<1x16xf32>,
        %get3A_1871 = vector.shape_cast %get3A_1870 : vector<1x16xf32> to vector<16xf32>
        %mul3A_1872 = arith.mulf %get3A_1871, %get3A_247 : vector<16xf32>
        %add3A_1873 = arith.addf %add3A_1867, %mul3A_1872 : vector<16xf32>
        %get3A_1874 = arith.index_cast %scan3A_219 : i32 to index
        %get3A_1875 = arith.constant 112 : index
        %get3A_1876 = tpu.vector_load %arg13[%get3A_1874, %get3A_1875] {strides = array<i32>} : memref<16x128xf32, #tpu.memory_space<vmem>>, vector<1x16xf32>,
        %get3A_1877 = vector.shape_cast %get3A_1876 : vector<1x16xf32> to vector<16xf32>
        %mul3A_1878 = arith.mulf %get3A_1877, %get3A_251 : vector<16xf32>
        %add3A_1879 = arith.addf %add3A_1873, %mul3A_1878 : vector<16xf32>
        %swap3A = arith.index_cast %scan3A_219 : i32 to index
        %swap3A_1880 = arith.constant 0 : index
        %swap3A_1881 = tpu.vector_load %arg17[%swap3A, %swap3A_1880] {strides = array<i32>} : memref<16x384xf32, #tpu.memory_space<vmem>>, vector<1x16xf32>,
        %swap3A_1882 = vector.shape_cast %swap3A_1881 : vector<1x16xf32> to vector<16xf32>
        %swap3A_1883 = vector.shape_cast %add3A_331 : vector<16xf32> to vector<1x16xf32>
        tpu.vector_store %arg17[%swap3A, %swap3A_1880], %swap3A_1883 {strides = array<i32>} : memref<16x384xf32, #tpu.memory_space<vmem>>, vector<1x16xf32>,
        %swap3A_1884 = arith.index_cast %scan3A_219 : i32 to index
        %swap3A_1885 = arith.constant 16 : index
        %swap3A_1886 = tpu.vector_load %arg17[%swap3A_1884, %swap3A_1885] {strides = array<i32>} : memref<16x384xf32, #tpu.memory_space<vmem>>, vector<1x16xf32>,
        %swap3A_1887 = vector.shape_cast %swap3A_1886 : vector<1x16xf32> to vector<16xf32>
        %swap3A_1888 = vector.shape_cast %add3A_410 : vector<16xf32> to vector<1x16xf32>
        tpu.vector_store %arg17[%swap3A_1884, %swap3A_1885], %swap3A_1888 {strides = array<i32>} : memref<16x384xf32, #tpu.memory_space<vmem>>, vector<1x16xf32>,
        %swap3A_1889 = arith.index_cast %scan3A_219 : i32 to index
        %swap3A_1890 = arith.constant 32 : index
        %swap3A_1891 = tpu.vector_load %arg17[%swap3A_1889, %swap3A_1890] {strides = array<i32>} : memref<16x384xf32, #tpu.memory_space<vmem>>, vector<1x16xf32>,
        %swap3A_1892 = vector.shape_cast %swap3A_1891 : vector<1x16xf32> to vector<16xf32>
        %swap3A_1893 = vector.shape_cast %add3A_489 : vector<16xf32> to vector<1x16xf32>
        tpu.vector_store %arg17[%swap3A_1889, %swap3A_1890], %swap3A_1893 {strides = array<i32>} : memref<16x384xf32, #tpu.memory_space<vmem>>, vector<1x16xf32>,
        %swap3A_1894 = arith.index_cast %scan3A_219 : i32 to index
        %swap3A_1895 = arith.constant 48 : index
        %swap3A_1896 = tpu.vector_load %arg17[%swap3A_1894, %swap3A_1895] {strides = array<i32>} : memref<16x384xf32, #tpu.memory_space<vmem>>, vector<1x16xf32>,
        %swap3A_1897 = vector.shape_cast %swap3A_1896 : vector<1x16xf32> to vector<16xf32>
        %swap3A_1898 = vector.shape_cast %add3A_568 : vector<16xf32> to vector<1x16xf32>
        tpu.vector_store %arg17[%swap3A_1894, %swap3A_1895], %swap3A_1898 {strides = array<i32>} : memref<16x384xf32, #tpu.memory_space<vmem>>, vector<1x16xf32>,
        %swap3A_1899 = arith.index_cast %scan3A_219 : i32 to index
        %swap3A_1900 = arith.constant 64 : index
        %swap3A_1901 = tpu.vector_load %arg17[%swap3A_1899, %swap3A_1900] {strides = array<i32>} : memref<16x384xf32, #tpu.memory_space<vmem>>, vector<1x16xf32>,
        %swap3A_1902 = vector.shape_cast %swap3A_1901 : vector<1x16xf32> to vector<16xf32>
        %swap3A_1903 = vector.shape_cast %add3A_647 : vector<16xf32> to vector<1x16xf32>
        tpu.vector_store %arg17[%swap3A_1899, %swap3A_1900], %swap3A_1903 {strides = array<i32>} : memref<16x384xf32, #tpu.memory_space<vmem>>, vector<1x16xf32>,
        %swap3A_1904 = arith.index_cast %scan3A_219 : i32 to index
        %swap3A_1905 = arith.constant 80 : index
        %swap3A_1906 = tpu.vector_load %arg17[%swap3A_1904, %swap3A_1905] {strides = array<i32>} : memref<16x384xf32, #tpu.memory_space<vmem>>, vector<1x16xf32>,
        %swap3A_1907 = vector.shape_cast %swap3A_1906 : vector<1x16xf32> to vector<16xf32>
        %swap3A_1908 = vector.shape_cast %add3A_726 : vector<16xf32> to vector<1x16xf32>
        tpu.vector_store %arg17[%swap3A_1904, %swap3A_1905], %swap3A_1908 {strides = array<i32>} : memref<16x384xf32, #tpu.memory_space<vmem>>, vector<1x16xf32>,
        %swap3A_1909 = arith.index_cast %scan3A_219 : i32 to index
        %swap3A_1910 = arith.constant 96 : index
        %swap3A_1911 = tpu.vector_load %arg17[%swap3A_1909, %swap3A_1910] {strides = array<i32>} : memref<16x384xf32, #tpu.memory_space<vmem>>, vector<1x16xf32>,
        %swap3A_1912 = vector.shape_cast %swap3A_1911 : vector<1x16xf32> to vector<16xf32>
        %swap3A_1913 = vector.shape_cast %add3A_805 : vector<16xf32> to vector<1x16xf32>
        tpu.vector_store %arg17[%swap3A_1909, %swap3A_1910], %swap3A_1913 {strides = array<i32>} : memref<16x384xf32, #tpu.memory_space<vmem>>, vector<1x16xf32>,
        %swap3A_1914 = arith.index_cast %scan3A_219 : i32 to index
        %swap3A_1915 = arith.constant 112 : index
        %swap3A_1916 = tpu.vector_load %arg17[%swap3A_1914, %swap3A_1915] {strides = array<i32>} : memref<16x384xf32, #tpu.memory_space<vmem>>, vector<1x16xf32>,
        %swap3A_1917 = vector.shape_cast %swap3A_1916 : vector<1x16xf32> to vector<16xf32>
        %swap3A_1918 = vector.shape_cast %add3A_884 : vector<16xf32> to vector<1x16xf32>
        tpu.vector_store %arg17[%swap3A_1914, %swap3A_1915], %swap3A_1918 {strides = array<i32>} : memref<16x384xf32, #tpu.memory_space<vmem>>, vector<1x16xf32>,
        %swap3A_1919 = arith.index_cast %scan3A_219 : i32 to index
        %swap3A_1920 = arith.constant 128 : index
        %swap3A_1921 = tpu.vector_load %arg17[%swap3A_1919, %swap3A_1920] {strides = array<i32>} : memref<16x384xf32, #tpu.memory_space<vmem>>, vector<1x16xf32>,
        %swap3A_1922 = vector.shape_cast %swap3A_1921 : vector<1x16xf32> to vector<16xf32>
        %swap3A_1923 = vector.shape_cast %add3A_963 : vector<16xf32> to vector<1x16xf32>
        tpu.vector_store %arg17[%swap3A_1919, %swap3A_1920], %swap3A_1923 {strides = array<i32>} : memref<16x384xf32, #tpu.memory_space<vmem>>, vector<1x16xf32>,
        %swap3A_1924 = arith.index_cast %scan3A_219 : i32 to index
        %swap3A_1925 = arith.constant 144 : index
        %swap3A_1926 = tpu.vector_load %arg17[%swap3A_1924, %swap3A_1925] {strides = array<i32>} : memref<16x384xf32, #tpu.memory_space<vmem>>, vector<1x16xf32>,
        %swap3A_1927 = vector.shape_cast %swap3A_1926 : vector<1x16xf32> to vector<16xf32>
        %swap3A_1928 = vector.shape_cast %add3A_1042 : vector<16xf32> to vector<1x16xf32>
        tpu.vector_store %arg17[%swap3A_1924, %swap3A_1925], %swap3A_1928 {strides = array<i32>} : memref<16x384xf32, #tpu.memory_space<vmem>>, vector<1x16xf32>,
        %swap3A_1929 = arith.index_cast %scan3A_219 : i32 to index
        %swap3A_1930 = arith.constant 160 : index
        %swap3A_1931 = tpu.vector_load %arg17[%swap3A_1929, %swap3A_1930] {strides = array<i32>} : memref<16x384xf32, #tpu.memory_space<vmem>>, vector<1x16xf32>,
        %swap3A_1932 = vector.shape_cast %swap3A_1931 : vector<1x16xf32> to vector<16xf32>
        %swap3A_1933 = vector.shape_cast %add3A_1121 : vector<16xf32> to vector<1x16xf32>
        tpu.vector_store %arg17[%swap3A_1929, %swap3A_1930], %swap3A_1933 {strides = array<i32>} : memref<16x384xf32, #tpu.memory_space<vmem>>, vector<1x16xf32>,
        %swap3A_1934 = arith.index_cast %scan3A_219 : i32 to index
        %swap3A_1935 = arith.constant 176 : index
        %swap3A_1936 = tpu.vector_load %arg17[%swap3A_1934, %swap3A_1935] {strides = array<i32>} : memref<16x384xf32, #tpu.memory_space<vmem>>, vector<1x16xf32>,
        %swap3A_1937 = vector.shape_cast %swap3A_1936 : vector<1x16xf32> to vector<16xf32>
        %swap3A_1938 = vector.shape_cast %add3A_1200 : vector<16xf32> to vector<1x16xf32>
        tpu.vector_store %arg17[%swap3A_1934, %swap3A_1935], %swap3A_1938 {strides = array<i32>} : memref<16x384xf32, #tpu.memory_space<vmem>>, vector<1x16xf32>,
        %swap3A_1939 = arith.index_cast %scan3A_219 : i32 to index
        %swap3A_1940 = arith.constant 192 : index
        %swap3A_1941 = tpu.vector_load %arg17[%swap3A_1939, %swap3A_1940] {strides = array<i32>} : memref<16x384xf32, #tpu.memory_space<vmem>>, vector<1x16xf32>,
        %swap3A_1942 = vector.shape_cast %swap3A_1941 : vector<1x16xf32> to vector<16xf32>
        %swap3A_1943 = vector.shape_cast %add3A_1279 : vector<16xf32> to vector<1x16xf32>
        tpu.vector_store %arg17[%swap3A_1939, %swap3A_1940], %swap3A_1943 {strides = array<i32>} : memref<16x384xf32, #tpu.memory_space<vmem>>, vector<1x16xf32>,
        %swap3A_1944 = arith.index_cast %scan3A_219 : i32 to index
        %swap3A_1945 = arith.constant 208 : index
        %swap3A_1946 = tpu.vector_load %arg17[%swap3A_1944, %swap3A_1945] {strides = array<i32>} : memref<16x384xf32, #tpu.memory_space<vmem>>, vector<1x16xf32>,
        %swap3A_1947 = vector.shape_cast %swap3A_1946 : vector<1x16xf32> to vector<16xf32>
        %swap3A_1948 = vector.shape_cast %add3A_1358 : vector<16xf32> to vector<1x16xf32>
        tpu.vector_store %arg17[%swap3A_1944, %swap3A_1945], %swap3A_1948 {strides = array<i32>} : memref<16x384xf32, #tpu.memory_space<vmem>>, vector<1x16xf32>,
        %swap3A_1949 = arith.index_cast %scan3A_219 : i32 to index
        %swap3A_1950 = arith.constant 224 : index
        %swap3A_1951 = tpu.vector_load %arg17[%swap3A_1949, %swap3A_1950] {strides = array<i32>} : memref<16x384xf32, #tpu.memory_space<vmem>>, vector<1x16xf32>,
        %swap3A_1952 = vector.shape_cast %swap3A_1951 : vector<1x16xf32> to vector<16xf32>
        %swap3A_1953 = vector.shape_cast %add3A_1437 : vector<16xf32> to vector<1x16xf32>
        tpu.vector_store %arg17[%swap3A_1949, %swap3A_1950], %swap3A_1953 {strides = array<i32>} : memref<16x384xf32, #tpu.memory_space<vmem>>, vector<1x16xf32>,
        %swap3A_1954 = arith.index_cast %scan3A_219 : i32 to index
        %swap3A_1955 = arith.constant 240 : index
        %swap3A_1956 = tpu.vector_load %arg17[%swap3A_1954, %swap3A_1955] {strides = array<i32>} : memref<16x384xf32, #tpu.memory_space<vmem>>, vector<1x16xf32>,
        %swap3A_1957 = vector.shape_cast %swap3A_1956 : vector<1x16xf32> to vector<16xf32>
        %swap3A_1958 = vector.shape_cast %add3A_1516 : vector<16xf32> to vector<1x16xf32>
        tpu.vector_store %arg17[%swap3A_1954, %swap3A_1955], %swap3A_1958 {strides = array<i32>} : memref<16x384xf32, #tpu.memory_space<vmem>>, vector<1x16xf32>,
        %swap3A_1959 = arith.index_cast %scan3A_219 : i32 to index
        %swap3A_1960 = arith.constant 256 : index
        %swap3A_1961 = tpu.vector_load %arg17[%swap3A_1959, %swap3A_1960] {strides = array<i32>} : memref<16x384xf32, #tpu.memory_space<vmem>>, vector<1x16xf32>,
        %swap3A_1962 = vector.shape_cast %swap3A_1961 : vector<1x16xf32> to vector<16xf32>
        %swap3A_1963 = vector.shape_cast %add3A_1595 : vector<16xf32> to vector<1x16xf32>
        tpu.vector_store %arg17[%swap3A_1959, %swap3A_1960], %swap3A_1963 {strides = array<i32>} : memref<16x384xf32, #tpu.memory_space<vmem>>, vector<1x16xf32>,
        %swap3A_1964 = arith.index_cast %scan3A_219 : i32 to index
        %swap3A_1965 = arith.constant 272 : index
        %swap3A_1966 = tpu.vector_load %arg17[%swap3A_1964, %swap3A_1965] {strides = array<i32>} : memref<16x384xf32, #tpu.memory_space<vmem>>, vector<1x16xf32>,
        %swap3A_1967 = vector.shape_cast %swap3A_1966 : vector<1x16xf32> to vector<16xf32>
        %swap3A_1968 = vector.shape_cast %add3A_1674 : vector<16xf32> to vector<1x16xf32>
        tpu.vector_store %arg17[%swap3A_1964, %swap3A_1965], %swap3A_1968 {strides = array<i32>} : memref<16x384xf32, #tpu.memory_space<vmem>>, vector<1x16xf32>,
        %swap3A_1969 = arith.index_cast %scan3A_219 : i32 to index
        %swap3A_1970 = arith.constant 288 : index
        %swap3A_1971 = tpu.vector_load %arg17[%swap3A_1969, %swap3A_1970] {strides = array<i32>} : memref<16x384xf32, #tpu.memory_space<vmem>>, vector<1x16xf32>,
        %swap3A_1972 = vector.shape_cast %swap3A_1971 : vector<1x16xf32> to vector<16xf32>
        %swap3A_1973 = vector.shape_cast %add3A_1753 : vector<16xf32> to vector<1x16xf32>
        tpu.vector_store %arg17[%swap3A_1969, %swap3A_1970], %swap3A_1973 {strides = array<i32>} : memref<16x384xf32, #tpu.memory_space<vmem>>, vector<1x16xf32>,
        %swap3A_1974 = arith.index_cast %scan3A_219 : i32 to index
        %swap3A_1975 = arith.constant 304 : index
        %swap3A_1976 = tpu.vector_load %arg17[%swap3A_1974, %swap3A_1975] {strides = array<i32>} : memref<16x384xf32, #tpu.memory_space<vmem>>, vector<1x16xf32>,
        %swap3A_1977 = vector.shape_cast %swap3A_1976 : vector<1x16xf32> to vector<16xf32>
        %swap3A_1978 = vector.shape_cast %add3A_1832 : vector<16xf32> to vector<1x16xf32>
        tpu.vector_store %arg17[%swap3A_1974, %swap3A_1975], %swap3A_1978 {strides = array<i32>} : memref<16x384xf32, #tpu.memory_space<vmem>>, vector<1x16xf32>,
        %swap3A_1979 = arith.index_cast %scan3A_219 : i32 to index
        %swap3A_1980 = arith.constant 320 : index
        %swap3A_1981 = tpu.vector_load %arg17[%swap3A_1979, %swap3A_1980] {strides = array<i32>} : memref<16x384xf32, #tpu.memory_space<vmem>>, vector<1x16xf32>,
        %swap3A_1982 = vector.shape_cast %swap3A_1981 : vector<1x16xf32> to vector<16xf32>
        %swap3A_1983 = vector.shape_cast %add3A_1879 : vector<16xf32> to vector<1x16xf32>
        tpu.vector_store %arg17[%swap3A_1979, %swap3A_1980], %swap3A_1983 {strides = array<i32>} : memref<16x384xf32, #tpu.memory_space<vmem>>, vector<1x16xf32>,
        %swap3A_1984 = arith.index_cast %scan3A_219 : i32 to index
        %swap3A_1985 = arith.constant 336 : index
        %swap3A_1986 = tpu.vector_load %arg17[%swap3A_1984, %swap3A_1985] {strides = array<i32>} : memref<16x384xf32, #tpu.memory_space<vmem>>, vector<1x16xf32>,
        %swap3A_1987 = vector.shape_cast %swap3A_1986 : vector<1x16xf32> to vector<16xf32>
        %swap3A_1988 = vector.shape_cast %broadcast_in_dim3A_252 : vector<16xf32> to vector<1x16xf32>
        tpu.vector_store %arg17[%swap3A_1984, %swap3A_1985], %swap3A_1988 {strides = array<i32>} : memref<16x384xf32, #tpu.memory_space<vmem>>, vector<1x16xf32>,
        %swap3A_1989 = arith.index_cast %scan3A_219 : i32 to index
        %swap3A_1990 = arith.constant 352 : index
        %swap3A_1991 = tpu.vector_load %arg17[%swap3A_1989, %swap3A_1990] {strides = array<i32>} : memref<16x384xf32, #tpu.memory_space<vmem>>, vector<1x16xf32>,
        %swap3A_1992 = vector.shape_cast %swap3A_1991 : vector<1x16xf32> to vector<16xf32>
        %swap3A_1993 = vector.shape_cast %broadcast_in_dim3A_252 : vector<16xf32> to vector<1x16xf32>
        tpu.vector_store %arg17[%swap3A_1989, %swap3A_1990], %swap3A_1993 {strides = array<i32>} : memref<16x384xf32, #tpu.memory_space<vmem>>, vector<1x16xf32>,
        %swap3A_1994 = arith.index_cast %scan3A_219 : i32 to index
        %swap3A_1995 = arith.constant 368 : index
        %swap3A_1996 = tpu.vector_load %arg17[%swap3A_1994, %swap3A_1995] {strides = array<i32>} : memref<16x384xf32, #tpu.memory_space<vmem>>, vector<1x16xf32>,
        %swap3A_1997 = vector.shape_cast %swap3A_1996 : vector<1x16xf32> to vector<16xf32>
        %swap3A_1998 = vector.shape_cast %broadcast_in_dim3A_252 : vector<16xf32> to vector<1x16xf32>
        tpu.vector_store %arg17[%swap3A_1994, %swap3A_1995], %swap3A_1998 {strides = array<i32>} : memref<16x384xf32, #tpu.memory_space<vmem>>, vector<1x16xf32>,
        %scan3A_1999 = arith.constant 0 : i32
        scf.yield %scan3A_1999 : i32
      }
      %scan3A_167 = arith.constant 16 : i32
      %mul3A_168 = arith.constant 16 : i32
      %mul3A_169 = arith.muli %mul3A_84, %mul3A_168 : i32
      %add3A_170 = arith.addi %mul3A_2, %mul3A_169 : i32
      %dma_start3A_171 = arith.constant 0 : i32
      %dma_start3A_172 = tpu.memref_slice %arg7[%add3A_170, %dma_start3A_171] : memref<16384x384xf32, #tpu.memory_space<hbm>> -> memref<16x384xf32, #tpu.memory_space<hbm>>
      %dma_start3A_173 = arith.constant 0 : i32
      %dma_start3A_174 = tpu.memref_slice %arg7[%add3A_170, %dma_start3A_173] : memref<16384x384xf32, #tpu.memory_space<hbm>> -> memref<16x384xf32, #tpu.memory_space<hbm>>
      tpu.enqueue_dma source(%arg17 : memref<16x384xf32, #tpu.memory_space<vmem>>) target(%dma_start3A_174 : memref<16x384xf32, #tpu.memory_space<hbm>>) target_semaphore(%arg22 : memref<!tpu.dma_semaphore, #tpu.memory_space<semaphore_mem>>)
      %add3A_175 = arith.constant 1 : i32
      %add3A_176 = arith.addi %add3A_86, %add3A_175 : i32
      %lt3A = arith.constant 32 : i32
      %lt3A_177 = arith.cmpi slt, %add3A_176, %lt3A : i32
      %convert_element_type3A_178 = arith.extui %lt3A_177 : i1 to i32
      %cond3A_179 = arith.constant 0 : i32
      %cond3A_180 = arith.cmpi ne, %convert_element_type3A_178, %cond3A_179 : i32
      scf.if %cond3A_180 {
        %add3A_219 = arith.constant 1 : i32
        %add3A_220 = arith.addi %add3A_86, %add3A_219 : i32
        %mul3A_221 = arith.constant 16 : i32
        %mul3A_222 = arith.muli %add3A_220, %mul3A_221 : i32
        %dma_start3A_223 = tpu.memref_slice %arg8[%mul3A_222] : memref<512xi32, #tpu.memory_space<vmem>> -> memref<16xi32, #tpu.memory_space<vmem>>
        %dma_start3A_224 = arith.constant 0 : i32
        %dma_start3A_225 = arith.constant 0 : i32
        %dma_start3A_226 = tpu.memref_slice %arg2[%dma_start3A_224, %dma_start3A_225] : memref<100000x128xf32, #tpu.memory_space<hbm>> -> memref<100000x128xf32, #tpu.memory_space<hbm>>
        tpu.enqueue_indirect_dma source(%dma_start3A_226 : memref<100000x128xf32, #tpu.memory_space<hbm>>) target(%arg11 : memref<16x128xf32, #tpu.memory_space<vmem>>) offsets(%dma_start3A_223 : memref<16xi32, #tpu.memory_space<vmem>>) semaphore(%arg20 : memref<!tpu.dma_semaphore, #tpu.memory_space<semaphore_mem>>)
        %dma_start3A_227 = tpu.memref_slice %arg9[%mul3A_222] : memref<512xi32, #tpu.memory_space<vmem>> -> memref<16xi32, #tpu.memory_space<vmem>>
        %dma_start3A_228 = arith.constant 0 : i32
        %dma_start3A_229 = arith.constant 0 : i32
        %dma_start3A_230 = tpu.memref_slice %arg3[%dma_start3A_228, %dma_start3A_229] : memref<100000x128xf32, #tpu.memory_space<hbm>> -> memref<100000x128xf32, #tpu.memory_space<hbm>>
        tpu.enqueue_indirect_dma source(%dma_start3A_230 : memref<100000x128xf32, #tpu.memory_space<hbm>>) target(%arg13 : memref<16x128xf32, #tpu.memory_space<vmem>>) offsets(%dma_start3A_227 : memref<16xi32, #tpu.memory_space<vmem>>) semaphore(%arg20 : memref<!tpu.dma_semaphore, #tpu.memory_space<semaphore_mem>>)
        %mul3A_231 = arith.constant 20 : i32
        %mul3A_232 = arith.muli %mul3A_222, %mul3A_231 : i32
        %add3A_233 = arith.constant 0 : i32
        %add3A_234 = arith.addi %mul3A_232, %add3A_233 : i32
        %dma_start3A_235 = arith.constant 0 : i32
        %dma_start3A_236 = arith.constant 0 : i32
        %dma_start3A_237 = tpu.memref_slice %arg15[%dma_start3A_235, %dma_start3A_236] : memref<320x128xf32, #tpu.memory_space<vmem>> -> memref<80x128xf32, #tpu.memory_space<vmem>>
        %dma_start3A_238 = tpu.memref_slice %arg10[%add3A_234] : memref<10240xi32, #tpu.memory_space<vmem>> -> memref<80xi32, #tpu.memory_space<vmem>>
        %dma_start3A_239 = arith.constant 0 : i32
        %dma_start3A_240 = arith.constant 0 : i32
        %dma_start3A_241 = tpu.memref_slice %arg3[%dma_start3A_239, %dma_start3A_240] : memref<100000x128xf32, #tpu.memory_space<hbm>> -> memref<100000x128xf32, #tpu.memory_space<hbm>>
        tpu.enqueue_indirect_dma source(%dma_start3A_241 : memref<100000x128xf32, #tpu.memory_space<hbm>>) target(%dma_start3A_237 : memref<80x128xf32, #tpu.memory_space<vmem>>) offsets(%dma_start3A_238 : memref<80xi32, #tpu.memory_space<vmem>>) semaphore(%arg20 : memref<!tpu.dma_semaphore, #tpu.memory_space<semaphore_mem>>)
        %mul3A_242 = arith.constant 20 : i32
        %mul3A_243 = arith.muli %mul3A_222, %mul3A_242 : i32
        %add3A_244 = arith.constant 80 : i32
        %add3A_245 = arith.addi %mul3A_243, %add3A_244 : i32
        %dma_start3A_246 = arith.constant 80 : i32
        %dma_start3A_247 = arith.constant 0 : i32
        %dma_start3A_248 = tpu.memref_slice %arg15[%dma_start3A_246, %dma_start3A_247] : memref<320x128xf32, #tpu.memory_space<vmem>> -> memref<80x128xf32, #tpu.memory_space<vmem>>
        %dma_start3A_249 = tpu.memref_slice %arg10[%add3A_245] : memref<10240xi32, #tpu.memory_space<vmem>> -> memref<80xi32, #tpu.memory_space<vmem>>
        %dma_start3A_250 = arith.constant 0 : i32
        %dma_start3A_251 = arith.constant 0 : i32
        %dma_start3A_252 = tpu.memref_slice %arg3[%dma_start3A_250, %dma_start3A_251] : memref<100000x128xf32, #tpu.memory_space<hbm>> -> memref<100000x128xf32, #tpu.memory_space<hbm>>
        tpu.enqueue_indirect_dma source(%dma_start3A_252 : memref<100000x128xf32, #tpu.memory_space<hbm>>) target(%dma_start3A_248 : memref<80x128xf32, #tpu.memory_space<vmem>>) offsets(%dma_start3A_249 : memref<80xi32, #tpu.memory_space<vmem>>) semaphore(%arg20 : memref<!tpu.dma_semaphore, #tpu.memory_space<semaphore_mem>>)
        %mul3A_253 = arith.constant 20 : i32
        %mul3A_254 = arith.muli %mul3A_222, %mul3A_253 : i32
        %add3A_255 = arith.constant 160 : i32
        %add3A_256 = arith.addi %mul3A_254, %add3A_255 : i32
        %dma_start3A_257 = arith.constant 160 : i32
        %dma_start3A_258 = arith.constant 0 : i32
        %dma_start3A_259 = tpu.memref_slice %arg15[%dma_start3A_257, %dma_start3A_258] : memref<320x128xf32, #tpu.memory_space<vmem>> -> memref<80x128xf32, #tpu.memory_space<vmem>>
        %dma_start3A_260 = tpu.memref_slice %arg10[%add3A_256] : memref<10240xi32, #tpu.memory_space<vmem>> -> memref<80xi32, #tpu.memory_space<vmem>>
        %dma_start3A_261 = arith.constant 0 : i32
        %dma_start3A_262 = arith.constant 0 : i32
        %dma_start3A_263 = tpu.memref_slice %arg3[%dma_start3A_261, %dma_start3A_262] : memref<100000x128xf32, #tpu.memory_space<hbm>> -> memref<100000x128xf32, #tpu.memory_space<hbm>>
        tpu.enqueue_indirect_dma source(%dma_start3A_263 : memref<100000x128xf32, #tpu.memory_space<hbm>>) target(%dma_start3A_259 : memref<80x128xf32, #tpu.memory_space<vmem>>) offsets(%dma_start3A_260 : memref<80xi32, #tpu.memory_space<vmem>>) semaphore(%arg20 : memref<!tpu.dma_semaphore, #tpu.memory_space<semaphore_mem>>)
        %mul3A_264 = arith.constant 20 : i32
        %mul3A_265 = arith.muli %mul3A_222, %mul3A_264 : i32
        %add3A_266 = arith.constant 240 : i32
        %add3A_267 = arith.addi %mul3A_265, %add3A_266 : i32
        %dma_start3A_268 = arith.constant 240 : i32
        %dma_start3A_269 = arith.constant 0 : i32
        %dma_start3A_270 = tpu.memref_slice %arg15[%dma_start3A_268, %dma_start3A_269] : memref<320x128xf32, #tpu.memory_space<vmem>> -> memref<80x128xf32, #tpu.memory_space<vmem>>
        %dma_start3A_271 = tpu.memref_slice %arg10[%add3A_267] : memref<10240xi32, #tpu.memory_space<vmem>> -> memref<80xi32, #tpu.memory_space<vmem>>
        %dma_start3A_272 = arith.constant 0 : i32
        %dma_start3A_273 = arith.constant 0 : i32
        %dma_start3A_274 = tpu.memref_slice %arg3[%dma_start3A_272, %dma_start3A_273] : memref<100000x128xf32, #tpu.memory_space<hbm>> -> memref<100000x128xf32, #tpu.memory_space<hbm>>
        tpu.enqueue_indirect_dma source(%dma_start3A_274 : memref<100000x128xf32, #tpu.memory_space<hbm>>) target(%dma_start3A_270 : memref<80x128xf32, #tpu.memory_space<vmem>>) offsets(%dma_start3A_271 : memref<80xi32, #tpu.memory_space<vmem>>) semaphore(%arg20 : memref<!tpu.dma_semaphore, #tpu.memory_space<semaphore_mem>>)
      } else {
      }
      %dma_wait3A_181 = arith.constant 0 : i32
      %dma_wait3A_182 = arith.constant 0 : i32
      %dma_wait3A_183 = tpu.memref_slice %arg2[%dma_wait3A_181, %dma_wait3A_182] : memref<100000x128xf32, #tpu.memory_space<hbm>> -> memref<16x128xf32, #tpu.memory_space<hbm>>
      %dma_wait3A_184 = arith.constant 0 : i32
      %dma_wait3A_185 = arith.constant 0 : i32
      %dma_wait3A_186 = tpu.memref_slice %arg2[%dma_wait3A_184, %dma_wait3A_185] : memref<100000x128xf32, #tpu.memory_space<hbm>> -> memref<16x128xf32, #tpu.memory_space<hbm>>
      tpu.wait_dma2 semaphore(%arg21 : memref<!tpu.dma_semaphore, #tpu.memory_space<semaphore_mem>>) src(%dma_wait3A_186 : memref<16x128xf32, #tpu.memory_space<hbm>>) dst(%arg12 : memref<16x128xf32, #tpu.memory_space<vmem>>)
      %dma_wait3A_187 = arith.constant 0 : i32
      %dma_wait3A_188 = arith.constant 0 : i32
      %dma_wait3A_189 = tpu.memref_slice %arg3[%dma_wait3A_187, %dma_wait3A_188] : memref<100000x128xf32, #tpu.memory_space<hbm>> -> memref<16x128xf32, #tpu.memory_space<hbm>>
      %dma_wait3A_190 = arith.constant 0 : i32
      %dma_wait3A_191 = arith.constant 0 : i32
      %dma_wait3A_192 = tpu.memref_slice %arg3[%dma_wait3A_190, %dma_wait3A_191] : memref<100000x128xf32, #tpu.memory_space<hbm>> -> memref<16x128xf32, #tpu.memory_space<hbm>>
      tpu.wait_dma2 semaphore(%arg21 : memref<!tpu.dma_semaphore, #tpu.memory_space<semaphore_mem>>) src(%dma_wait3A_192 : memref<16x128xf32, #tpu.memory_space<hbm>>) dst(%arg14 : memref<16x128xf32, #tpu.memory_space<vmem>>)
      %dma_wait3A_193 = arith.constant 0 : i32
      %dma_wait3A_194 = arith.constant 0 : i32
      %dma_wait3A_195 = tpu.memref_slice %arg3[%dma_wait3A_193, %dma_wait3A_194] : memref<100000x128xf32, #tpu.memory_space<hbm>> -> memref<320x128xf32, #tpu.memory_space<hbm>>
      %dma_wait3A_196 = arith.constant 0 : i32
      %dma_wait3A_197 = arith.constant 0 : i32
      %dma_wait3A_198 = tpu.memref_slice %arg3[%dma_wait3A_196, %dma_wait3A_197] : memref<100000x128xf32, #tpu.memory_space<hbm>> -> memref<320x128xf32, #tpu.memory_space<hbm>>
      tpu.wait_dma2 semaphore(%arg21 : memref<!tpu.dma_semaphore, #tpu.memory_space<semaphore_mem>>) src(%dma_wait3A_198 : memref<320x128xf32, #tpu.memory_space<hbm>>) dst(%arg16 : memref<320x128xf32, #tpu.memory_space<vmem>>)
      %ge3A_199 = arith.constant 2 : i32
      %ge3A_200 = arith.cmpi sge, %add3A_86, %ge3A_199 : i32
      %convert_element_type3A_201 = arith.extui %ge3A_200 : i1 to i32
      %cond3A_202 = arith.constant 0 : i32
      %cond3A_203 = arith.cmpi ne, %convert_element_type3A_201, %cond3A_202 : i32
      scf.if %cond3A_203 {
        %dma_wait3A_219 = arith.constant 0 : i32
        %dma_wait3A_220 = arith.constant 0 : i32
        %dma_wait3A_221 = tpu.memref_slice %arg7[%dma_wait3A_219, %dma_wait3A_220] : memref<16384x384xf32, #tpu.memory_space<hbm>> -> memref<16x384xf32, #tpu.memory_space<hbm>>
        %dma_wait3A_222 = arith.constant 0 : i32
        %dma_wait3A_223 = arith.constant 0 : i32
        %dma_wait3A_224 = tpu.memref_slice %arg7[%dma_wait3A_222, %dma_wait3A_223] : memref<16384x384xf32, #tpu.memory_space<hbm>> -> memref<16x384xf32, #tpu.memory_space<hbm>>
        tpu.wait_dma2 semaphore(%arg23 : memref<!tpu.dma_semaphore, #tpu.memory_space<semaphore_mem>>) src(%arg18 : memref<16x384xf32, #tpu.memory_space<vmem>>) dst(%dma_wait3A_224 : memref<16x384xf32, #tpu.memory_space<hbm>>)
      } else {
      }
      %scan3A_204 = arith.constant 0 : i32
      %scan3A_205 = arith.constant 0 : i32
      %scan3A_206 = arith.constant 16 : i32
      %scan3A_207 = arith.addi %scan3A_205, %scan3A_206 : i32
      %scan3A_208 = arith.constant 1 : i32
      %scan3A_209 = scf.for %scan3A_219 = %scan3A_205 to %scan3A_207 step %scan3A_208 iter_args(%scan3A_220 = %scan3A_204) -> (i32)  : i32 {
        %get3A = arith.index_cast %scan3A_219 : i32 to index
        %get3A_221 = arith.constant 0 : index
        %get3A_222 = tpu.vector_load %arg12[%get3A, %get3A_221] {strides = array<i32>} : memref<16x128xf32, #tpu.memory_space<vmem>>, vector<1x16xf32>,
        %get3A_223 = vector.shape_cast %get3A_222 : vector<1x16xf32> to vector<16xf32>
        %get3A_224 = arith.index_cast %scan3A_219 : i32 to index
        %get3A_225 = arith.constant 16 : index
        %get3A_226 = tpu.vector_load %arg12[%get3A_224, %get3A_225] {strides = array<i32>} : memref<16x128xf32, #tpu.memory_space<vmem>>, vector<1x16xf32>,
        %get3A_227 = vector.shape_cast %get3A_226 : vector<1x16xf32> to vector<16xf32>
        %get3A_228 = arith.index_cast %scan3A_219 : i32 to index
        %get3A_229 = arith.constant 32 : index
        %get3A_230 = tpu.vector_load %arg12[%get3A_228, %get3A_229] {strides = array<i32>} : memref<16x128xf32, #tpu.memory_space<vmem>>, vector<1x16xf32>,
        %get3A_231 = vector.shape_cast %get3A_230 : vector<1x16xf32> to vector<16xf32>
        %get3A_232 = arith.index_cast %scan3A_219 : i32 to index
        %get3A_233 = arith.constant 48 : index
        %get3A_234 = tpu.vector_load %arg12[%get3A_232, %get3A_233] {strides = array<i32>} : memref<16x128xf32, #tpu.memory_space<vmem>>, vector<1x16xf32>,
        %get3A_235 = vector.shape_cast %get3A_234 : vector<1x16xf32> to vector<16xf32>
        %get3A_236 = arith.index_cast %scan3A_219 : i32 to index
        %get3A_237 = arith.constant 64 : index
        %get3A_238 = tpu.vector_load %arg12[%get3A_236, %get3A_237] {strides = array<i32>} : memref<16x128xf32, #tpu.memory_space<vmem>>, vector<1x16xf32>,
        %get3A_239 = vector.shape_cast %get3A_238 : vector<1x16xf32> to vector<16xf32>
        %get3A_240 = arith.index_cast %scan3A_219 : i32 to index
        %get3A_241 = arith.constant 80 : index
        %get3A_242 = tpu.vector_load %arg12[%get3A_240, %get3A_241] {strides = array<i32>} : memref<16x128xf32, #tpu.memory_space<vmem>>, vector<1x16xf32>,
        %get3A_243 = vector.shape_cast %get3A_242 : vector<1x16xf32> to vector<16xf32>
        %get3A_244 = arith.index_cast %scan3A_219 : i32 to index
        %get3A_245 = arith.constant 96 : index
        %get3A_246 = tpu.vector_load %arg12[%get3A_244, %get3A_245] {strides = array<i32>} : memref<16x128xf32, #tpu.memory_space<vmem>>, vector<1x16xf32>,
        %get3A_247 = vector.shape_cast %get3A_246 : vector<1x16xf32> to vector<16xf32>
        %get3A_248 = arith.index_cast %scan3A_219 : i32 to index
        %get3A_249 = arith.constant 112 : index
        %get3A_250 = tpu.vector_load %arg12[%get3A_248, %get3A_249] {strides = array<i32>} : memref<16x128xf32, #tpu.memory_space<vmem>>, vector<1x16xf32>,
        %get3A_251 = vector.shape_cast %get3A_250 : vector<1x16xf32> to vector<16xf32>
        %broadcast_in_dim3A = arith.constant 0.000000e+00 : f32
        %broadcast_in_dim3A_252 = vector.broadcast %broadcast_in_dim3A : f32 to vector<16xf32>
        %mul3A_253 = arith.constant 20 : i32
        %mul3A_254 = arith.muli %scan3A_219, %mul3A_253 : i32
        %add3A_255 = arith.constant 0 : i32
        %add3A_256 = arith.addi %mul3A_254, %add3A_255 : i32
        %get3A_257 = arith.index_cast %add3A_256 : i32 to index
        %get3A_258 = arith.constant 0 : index
        %get3A_259 = tpu.vector_load %arg16[%get3A_257, %get3A_258] {strides = array<i32>} : memref<320x128xf32, #tpu.memory_space<vmem>>, vector<1x16xf32>,
        %get3A_260 = vector.shape_cast %get3A_259 : vector<1x16xf32> to vector<16xf32>
        %mul3A_261 = arith.mulf %get3A_260, %get3A_223 : vector<16xf32>
        %mul3A_262 = arith.constant 20 : i32
        %mul3A_263 = arith.muli %scan3A_219, %mul3A_262 : i32
        %add3A_264 = arith.constant 0 : i32
        %add3A_265 = arith.addi %mul3A_263, %add3A_264 : i32
        %get3A_266 = arith.index_cast %add3A_265 : i32 to index
        %get3A_267 = arith.constant 16 : index
        %get3A_268 = tpu.vector_load %arg16[%get3A_266, %get3A_267] {strides = array<i32>} : memref<320x128xf32, #tpu.memory_space<vmem>>, vector<1x16xf32>,
        %get3A_269 = vector.shape_cast %get3A_268 : vector<1x16xf32> to vector<16xf32>
        %mul3A_270 = arith.mulf %get3A_269, %get3A_227 : vector<16xf32>
        %add3A_271 = arith.addf %mul3A_261, %mul3A_270 : vector<16xf32>
        %mul3A_272 = arith.constant 20 : i32
        %mul3A_273 = arith.muli %scan3A_219, %mul3A_272 : i32
        %add3A_274 = arith.constant 0 : i32
        %add3A_275 = arith.addi %mul3A_273, %add3A_274 : i32
        %get3A_276 = arith.index_cast %add3A_275 : i32 to index
        %get3A_277 = arith.constant 32 : index
        %get3A_278 = tpu.vector_load %arg16[%get3A_276, %get3A_277] {strides = array<i32>} : memref<320x128xf32, #tpu.memory_space<vmem>>, vector<1x16xf32>,
        %get3A_279 = vector.shape_cast %get3A_278 : vector<1x16xf32> to vector<16xf32>
        %mul3A_280 = arith.mulf %get3A_279, %get3A_231 : vector<16xf32>
        %add3A_281 = arith.addf %add3A_271, %mul3A_280 : vector<16xf32>
        %mul3A_282 = arith.constant 20 : i32
        %mul3A_283 = arith.muli %scan3A_219, %mul3A_282 : i32
        %add3A_284 = arith.constant 0 : i32
        %add3A_285 = arith.addi %mul3A_283, %add3A_284 : i32
        %get3A_286 = arith.index_cast %add3A_285 : i32 to index
        %get3A_287 = arith.constant 48 : index
        %get3A_288 = tpu.vector_load %arg16[%get3A_286, %get3A_287] {strides = array<i32>} : memref<320x128xf32, #tpu.memory_space<vmem>>, vector<1x16xf32>,
        %get3A_289 = vector.shape_cast %get3A_288 : vector<1x16xf32> to vector<16xf32>
        %mul3A_290 = arith.mulf %get3A_289, %get3A_235 : vector<16xf32>
        %add3A_291 = arith.addf %add3A_281, %mul3A_290 : vector<16xf32>
        %mul3A_292 = arith.constant 20 : i32
        %mul3A_293 = arith.muli %scan3A_219, %mul3A_292 : i32
        %add3A_294 = arith.constant 0 : i32
        %add3A_295 = arith.addi %mul3A_293, %add3A_294 : i32
        %get3A_296 = arith.index_cast %add3A_295 : i32 to index
        %get3A_297 = arith.constant 64 : index
        %get3A_298 = tpu.vector_load %arg16[%get3A_296, %get3A_297] {strides = array<i32>} : memref<320x128xf32, #tpu.memory_space<vmem>>, vector<1x16xf32>,
        %get3A_299 = vector.shape_cast %get3A_298 : vector<1x16xf32> to vector<16xf32>
        %mul3A_300 = arith.mulf %get3A_299, %get3A_239 : vector<16xf32>
        %add3A_301 = arith.addf %add3A_291, %mul3A_300 : vector<16xf32>
        %mul3A_302 = arith.constant 20 : i32
        %mul3A_303 = arith.muli %scan3A_219, %mul3A_302 : i32
        %add3A_304 = arith.constant 0 : i32
        %add3A_305 = arith.addi %mul3A_303, %add3A_304 : i32
        %get3A_306 = arith.index_cast %add3A_305 : i32 to index
        %get3A_307 = arith.constant 80 : index
        %get3A_308 = tpu.vector_load %arg16[%get3A_306, %get3A_307] {strides = array<i32>} : memref<320x128xf32, #tpu.memory_space<vmem>>, vector<1x16xf32>,
        %get3A_309 = vector.shape_cast %get3A_308 : vector<1x16xf32> to vector<16xf32>
        %mul3A_310 = arith.mulf %get3A_309, %get3A_243 : vector<16xf32>
        %add3A_311 = arith.addf %add3A_301, %mul3A_310 : vector<16xf32>
        %mul3A_312 = arith.constant 20 : i32
        %mul3A_313 = arith.muli %scan3A_219, %mul3A_312 : i32
        %add3A_314 = arith.constant 0 : i32
        %add3A_315 = arith.addi %mul3A_313, %add3A_314 : i32
        %get3A_316 = arith.index_cast %add3A_315 : i32 to index
        %get3A_317 = arith.constant 96 : index
        %get3A_318 = tpu.vector_load %arg16[%get3A_316, %get3A_317] {strides = array<i32>} : memref<320x128xf32, #tpu.memory_space<vmem>>, vector<1x16xf32>,
        %get3A_319 = vector.shape_cast %get3A_318 : vector<1x16xf32> to vector<16xf32>
        %mul3A_320 = arith.mulf %get3A_319, %get3A_247 : vector<16xf32>
        %add3A_321 = arith.addf %add3A_311, %mul3A_320 : vector<16xf32>
        %mul3A_322 = arith.constant 20 : i32
        %mul3A_323 = arith.muli %scan3A_219, %mul3A_322 : i32
        %add3A_324 = arith.constant 0 : i32
        %add3A_325 = arith.addi %mul3A_323, %add3A_324 : i32
        %get3A_326 = arith.index_cast %add3A_325 : i32 to index
        %get3A_327 = arith.constant 112 : index
        %get3A_328 = tpu.vector_load %arg16[%get3A_326, %get3A_327] {strides = array<i32>} : memref<320x128xf32, #tpu.memory_space<vmem>>, vector<1x16xf32>,
        %get3A_329 = vector.shape_cast %get3A_328 : vector<1x16xf32> to vector<16xf32>
        %mul3A_330 = arith.mulf %get3A_329, %get3A_251 : vector<16xf32>
        %add3A_331 = arith.addf %add3A_321, %mul3A_330 : vector<16xf32>
        %mul3A_332 = arith.constant 20 : i32
        %mul3A_333 = arith.muli %scan3A_219, %mul3A_332 : i32
        %add3A_334 = arith.constant 1 : i32
        %add3A_335 = arith.addi %mul3A_333, %add3A_334 : i32
        %get3A_336 = arith.index_cast %add3A_335 : i32 to index
        %get3A_337 = arith.constant 0 : index
        %get3A_338 = tpu.vector_load %arg16[%get3A_336, %get3A_337] {strides = array<i32>} : memref<320x128xf32, #tpu.memory_space<vmem>>, vector<1x16xf32>,
        %get3A_339 = vector.shape_cast %get3A_338 : vector<1x16xf32> to vector<16xf32>
        %mul3A_340 = arith.mulf %get3A_339, %get3A_223 : vector<16xf32>
        %mul3A_341 = arith.constant 20 : i32
        %mul3A_342 = arith.muli %scan3A_219, %mul3A_341 : i32
        %add3A_343 = arith.constant 1 : i32
        %add3A_344 = arith.addi %mul3A_342, %add3A_343 : i32
        %get3A_345 = arith.index_cast %add3A_344 : i32 to index
        %get3A_346 = arith.constant 16 : index
        %get3A_347 = tpu.vector_load %arg16[%get3A_345, %get3A_346] {strides = array<i32>} : memref<320x128xf32, #tpu.memory_space<vmem>>, vector<1x16xf32>,
        %get3A_348 = vector.shape_cast %get3A_347 : vector<1x16xf32> to vector<16xf32>
        %mul3A_349 = arith.mulf %get3A_348, %get3A_227 : vector<16xf32>
        %add3A_350 = arith.addf %mul3A_340, %mul3A_349 : vector<16xf32>
        %mul3A_351 = arith.constant 20 : i32
        %mul3A_352 = arith.muli %scan3A_219, %mul3A_351 : i32
        %add3A_353 = arith.constant 1 : i32
        %add3A_354 = arith.addi %mul3A_352, %add3A_353 : i32
        %get3A_355 = arith.index_cast %add3A_354 : i32 to index
        %get3A_356 = arith.constant 32 : index
        %get3A_357 = tpu.vector_load %arg16[%get3A_355, %get3A_356] {strides = array<i32>} : memref<320x128xf32, #tpu.memory_space<vmem>>, vector<1x16xf32>,
        %get3A_358 = vector.shape_cast %get3A_357 : vector<1x16xf32> to vector<16xf32>
        %mul3A_359 = arith.mulf %get3A_358, %get3A_231 : vector<16xf32>
        %add3A_360 = arith.addf %add3A_350, %mul3A_359 : vector<16xf32>
        %mul3A_361 = arith.constant 20 : i32
        %mul3A_362 = arith.muli %scan3A_219, %mul3A_361 : i32
        %add3A_363 = arith.constant 1 : i32
        %add3A_364 = arith.addi %mul3A_362, %add3A_363 : i32
        %get3A_365 = arith.index_cast %add3A_364 : i32 to index
        %get3A_366 = arith.constant 48 : index
        %get3A_367 = tpu.vector_load %arg16[%get3A_365, %get3A_366] {strides = array<i32>} : memref<320x128xf32, #tpu.memory_space<vmem>>, vector<1x16xf32>,
        %get3A_368 = vector.shape_cast %get3A_367 : vector<1x16xf32> to vector<16xf32>
        %mul3A_369 = arith.mulf %get3A_368, %get3A_235 : vector<16xf32>
        %add3A_370 = arith.addf %add3A_360, %mul3A_369 : vector<16xf32>
        %mul3A_371 = arith.constant 20 : i32
        %mul3A_372 = arith.muli %scan3A_219, %mul3A_371 : i32
        %add3A_373 = arith.constant 1 : i32
        %add3A_374 = arith.addi %mul3A_372, %add3A_373 : i32
        %get3A_375 = arith.index_cast %add3A_374 : i32 to index
        %get3A_376 = arith.constant 64 : index
        %get3A_377 = tpu.vector_load %arg16[%get3A_375, %get3A_376] {strides = array<i32>} : memref<320x128xf32, #tpu.memory_space<vmem>>, vector<1x16xf32>,
        %get3A_378 = vector.shape_cast %get3A_377 : vector<1x16xf32> to vector<16xf32>
        %mul3A_379 = arith.mulf %get3A_378, %get3A_239 : vector<16xf32>
        %add3A_380 = arith.addf %add3A_370, %mul3A_379 : vector<16xf32>
        %mul3A_381 = arith.constant 20 : i32
        %mul3A_382 = arith.muli %scan3A_219, %mul3A_381 : i32
        %add3A_383 = arith.constant 1 : i32
        %add3A_384 = arith.addi %mul3A_382, %add3A_383 : i32
        %get3A_385 = arith.index_cast %add3A_384 : i32 to index
        %get3A_386 = arith.constant 80 : index
        %get3A_387 = tpu.vector_load %arg16[%get3A_385, %get3A_386] {strides = array<i32>} : memref<320x128xf32, #tpu.memory_space<vmem>>, vector<1x16xf32>,
        %get3A_388 = vector.shape_cast %get3A_387 : vector<1x16xf32> to vector<16xf32>
        %mul3A_389 = arith.mulf %get3A_388, %get3A_243 : vector<16xf32>
        %add3A_390 = arith.addf %add3A_380, %mul3A_389 : vector<16xf32>
        %mul3A_391 = arith.constant 20 : i32
        %mul3A_392 = arith.muli %scan3A_219, %mul3A_391 : i32
        %add3A_393 = arith.constant 1 : i32
        %add3A_394 = arith.addi %mul3A_392, %add3A_393 : i32
        %get3A_395 = arith.index_cast %add3A_394 : i32 to index
        %get3A_396 = arith.constant 96 : index
        %get3A_397 = tpu.vector_load %arg16[%get3A_395, %get3A_396] {strides = array<i32>} : memref<320x128xf32, #tpu.memory_space<vmem>>, vector<1x16xf32>,
        %get3A_398 = vector.shape_cast %get3A_397 : vector<1x16xf32> to vector<16xf32>
        %mul3A_399 = arith.mulf %get3A_398, %get3A_247 : vector<16xf32>
        %add3A_400 = arith.addf %add3A_390, %mul3A_399 : vector<16xf32>
        %mul3A_401 = arith.constant 20 : i32
        %mul3A_402 = arith.muli %scan3A_219, %mul3A_401 : i32
        %add3A_403 = arith.constant 1 : i32
        %add3A_404 = arith.addi %mul3A_402, %add3A_403 : i32
        %get3A_405 = arith.index_cast %add3A_404 : i32 to index
        %get3A_406 = arith.constant 112 : index
        %get3A_407 = tpu.vector_load %arg16[%get3A_405, %get3A_406] {strides = array<i32>} : memref<320x128xf32, #tpu.memory_space<vmem>>, vector<1x16xf32>,
        %get3A_408 = vector.shape_cast %get3A_407 : vector<1x16xf32> to vector<16xf32>
        %mul3A_409 = arith.mulf %get3A_408, %get3A_251 : vector<16xf32>
        %add3A_410 = arith.addf %add3A_400, %mul3A_409 : vector<16xf32>
        %mul3A_411 = arith.constant 20 : i32
        %mul3A_412 = arith.muli %scan3A_219, %mul3A_411 : i32
        %add3A_413 = arith.constant 2 : i32
        %add3A_414 = arith.addi %mul3A_412, %add3A_413 : i32
        %get3A_415 = arith.index_cast %add3A_414 : i32 to index
        %get3A_416 = arith.constant 0 : index
        %get3A_417 = tpu.vector_load %arg16[%get3A_415, %get3A_416] {strides = array<i32>} : memref<320x128xf32, #tpu.memory_space<vmem>>, vector<1x16xf32>,
        %get3A_418 = vector.shape_cast %get3A_417 : vector<1x16xf32> to vector<16xf32>
        %mul3A_419 = arith.mulf %get3A_418, %get3A_223 : vector<16xf32>
        %mul3A_420 = arith.constant 20 : i32
        %mul3A_421 = arith.muli %scan3A_219, %mul3A_420 : i32
        %add3A_422 = arith.constant 2 : i32
        %add3A_423 = arith.addi %mul3A_421, %add3A_422 : i32
        %get3A_424 = arith.index_cast %add3A_423 : i32 to index
        %get3A_425 = arith.constant 16 : index
        %get3A_426 = tpu.vector_load %arg16[%get3A_424, %get3A_425] {strides = array<i32>} : memref<320x128xf32, #tpu.memory_space<vmem>>, vector<1x16xf32>,
        %get3A_427 = vector.shape_cast %get3A_426 : vector<1x16xf32> to vector<16xf32>
        %mul3A_428 = arith.mulf %get3A_427, %get3A_227 : vector<16xf32>
        %add3A_429 = arith.addf %mul3A_419, %mul3A_428 : vector<16xf32>
        %mul3A_430 = arith.constant 20 : i32
        %mul3A_431 = arith.muli %scan3A_219, %mul3A_430 : i32
        %add3A_432 = arith.constant 2 : i32
        %add3A_433 = arith.addi %mul3A_431, %add3A_432 : i32
        %get3A_434 = arith.index_cast %add3A_433 : i32 to index
        %get3A_435 = arith.constant 32 : index
        %get3A_436 = tpu.vector_load %arg16[%get3A_434, %get3A_435] {strides = array<i32>} : memref<320x128xf32, #tpu.memory_space<vmem>>, vector<1x16xf32>,
        %get3A_437 = vector.shape_cast %get3A_436 : vector<1x16xf32> to vector<16xf32>
        %mul3A_438 = arith.mulf %get3A_437, %get3A_231 : vector<16xf32>
        %add3A_439 = arith.addf %add3A_429, %mul3A_438 : vector<16xf32>
        %mul3A_440 = arith.constant 20 : i32
        %mul3A_441 = arith.muli %scan3A_219, %mul3A_440 : i32
        %add3A_442 = arith.constant 2 : i32
        %add3A_443 = arith.addi %mul3A_441, %add3A_442 : i32
        %get3A_444 = arith.index_cast %add3A_443 : i32 to index
        %get3A_445 = arith.constant 48 : index
        %get3A_446 = tpu.vector_load %arg16[%get3A_444, %get3A_445] {strides = array<i32>} : memref<320x128xf32, #tpu.memory_space<vmem>>, vector<1x16xf32>,
        %get3A_447 = vector.shape_cast %get3A_446 : vector<1x16xf32> to vector<16xf32>
        %mul3A_448 = arith.mulf %get3A_447, %get3A_235 : vector<16xf32>
        %add3A_449 = arith.addf %add3A_439, %mul3A_448 : vector<16xf32>
        %mul3A_450 = arith.constant 20 : i32
        %mul3A_451 = arith.muli %scan3A_219, %mul3A_450 : i32
        %add3A_452 = arith.constant 2 : i32
        %add3A_453 = arith.addi %mul3A_451, %add3A_452 : i32
        %get3A_454 = arith.index_cast %add3A_453 : i32 to index
        %get3A_455 = arith.constant 64 : index
        %get3A_456 = tpu.vector_load %arg16[%get3A_454, %get3A_455] {strides = array<i32>} : memref<320x128xf32, #tpu.memory_space<vmem>>, vector<1x16xf32>,
        %get3A_457 = vector.shape_cast %get3A_456 : vector<1x16xf32> to vector<16xf32>
        %mul3A_458 = arith.mulf %get3A_457, %get3A_239 : vector<16xf32>
        %add3A_459 = arith.addf %add3A_449, %mul3A_458 : vector<16xf32>
        %mul3A_460 = arith.constant 20 : i32
        %mul3A_461 = arith.muli %scan3A_219, %mul3A_460 : i32
        %add3A_462 = arith.constant 2 : i32
        %add3A_463 = arith.addi %mul3A_461, %add3A_462 : i32
        %get3A_464 = arith.index_cast %add3A_463 : i32 to index
        %get3A_465 = arith.constant 80 : index
        %get3A_466 = tpu.vector_load %arg16[%get3A_464, %get3A_465] {strides = array<i32>} : memref<320x128xf32, #tpu.memory_space<vmem>>, vector<1x16xf32>,
        %get3A_467 = vector.shape_cast %get3A_466 : vector<1x16xf32> to vector<16xf32>
        %mul3A_468 = arith.mulf %get3A_467, %get3A_243 : vector<16xf32>
        %add3A_469 = arith.addf %add3A_459, %mul3A_468 : vector<16xf32>
        %mul3A_470 = arith.constant 20 : i32
        %mul3A_471 = arith.muli %scan3A_219, %mul3A_470 : i32
        %add3A_472 = arith.constant 2 : i32
        %add3A_473 = arith.addi %mul3A_471, %add3A_472 : i32
        %get3A_474 = arith.index_cast %add3A_473 : i32 to index
        %get3A_475 = arith.constant 96 : index
        %get3A_476 = tpu.vector_load %arg16[%get3A_474, %get3A_475] {strides = array<i32>} : memref<320x128xf32, #tpu.memory_space<vmem>>, vector<1x16xf32>,
        %get3A_477 = vector.shape_cast %get3A_476 : vector<1x16xf32> to vector<16xf32>
        %mul3A_478 = arith.mulf %get3A_477, %get3A_247 : vector<16xf32>
        %add3A_479 = arith.addf %add3A_469, %mul3A_478 : vector<16xf32>
        %mul3A_480 = arith.constant 20 : i32
        %mul3A_481 = arith.muli %scan3A_219, %mul3A_480 : i32
        %add3A_482 = arith.constant 2 : i32
        %add3A_483 = arith.addi %mul3A_481, %add3A_482 : i32
        %get3A_484 = arith.index_cast %add3A_483 : i32 to index
        %get3A_485 = arith.constant 112 : index
        %get3A_486 = tpu.vector_load %arg16[%get3A_484, %get3A_485] {strides = array<i32>} : memref<320x128xf32, #tpu.memory_space<vmem>>, vector<1x16xf32>,
        %get3A_487 = vector.shape_cast %get3A_486 : vector<1x16xf32> to vector<16xf32>
        %mul3A_488 = arith.mulf %get3A_487, %get3A_251 : vector<16xf32>
        %add3A_489 = arith.addf %add3A_479, %mul3A_488 : vector<16xf32>
        %mul3A_490 = arith.constant 20 : i32
        %mul3A_491 = arith.muli %scan3A_219, %mul3A_490 : i32
        %add3A_492 = arith.constant 3 : i32
        %add3A_493 = arith.addi %mul3A_491, %add3A_492 : i32
        %get3A_494 = arith.index_cast %add3A_493 : i32 to index
        %get3A_495 = arith.constant 0 : index
        %get3A_496 = tpu.vector_load %arg16[%get3A_494, %get3A_495] {strides = array<i32>} : memref<320x128xf32, #tpu.memory_space<vmem>>, vector<1x16xf32>,
        %get3A_497 = vector.shape_cast %get3A_496 : vector<1x16xf32> to vector<16xf32>
        %mul3A_498 = arith.mulf %get3A_497, %get3A_223 : vector<16xf32>
        %mul3A_499 = arith.constant 20 : i32
        %mul3A_500 = arith.muli %scan3A_219, %mul3A_499 : i32
        %add3A_501 = arith.constant 3 : i32
        %add3A_502 = arith.addi %mul3A_500, %add3A_501 : i32
        %get3A_503 = arith.index_cast %add3A_502 : i32 to index
        %get3A_504 = arith.constant 16 : index
        %get3A_505 = tpu.vector_load %arg16[%get3A_503, %get3A_504] {strides = array<i32>} : memref<320x128xf32, #tpu.memory_space<vmem>>, vector<1x16xf32>,
        %get3A_506 = vector.shape_cast %get3A_505 : vector<1x16xf32> to vector<16xf32>
        %mul3A_507 = arith.mulf %get3A_506, %get3A_227 : vector<16xf32>
        %add3A_508 = arith.addf %mul3A_498, %mul3A_507 : vector<16xf32>
        %mul3A_509 = arith.constant 20 : i32
        %mul3A_510 = arith.muli %scan3A_219, %mul3A_509 : i32
        %add3A_511 = arith.constant 3 : i32
        %add3A_512 = arith.addi %mul3A_510, %add3A_511 : i32
        %get3A_513 = arith.index_cast %add3A_512 : i32 to index
        %get3A_514 = arith.constant 32 : index
        %get3A_515 = tpu.vector_load %arg16[%get3A_513, %get3A_514] {strides = array<i32>} : memref<320x128xf32, #tpu.memory_space<vmem>>, vector<1x16xf32>,
        %get3A_516 = vector.shape_cast %get3A_515 : vector<1x16xf32> to vector<16xf32>
        %mul3A_517 = arith.mulf %get3A_516, %get3A_231 : vector<16xf32>
        %add3A_518 = arith.addf %add3A_508, %mul3A_517 : vector<16xf32>
        %mul3A_519 = arith.constant 20 : i32
        %mul3A_520 = arith.muli %scan3A_219, %mul3A_519 : i32
        %add3A_521 = arith.constant 3 : i32
        %add3A_522 = arith.addi %mul3A_520, %add3A_521 : i32
        %get3A_523 = arith.index_cast %add3A_522 : i32 to index
        %get3A_524 = arith.constant 48 : index
        %get3A_525 = tpu.vector_load %arg16[%get3A_523, %get3A_524] {strides = array<i32>} : memref<320x128xf32, #tpu.memory_space<vmem>>, vector<1x16xf32>,
        %get3A_526 = vector.shape_cast %get3A_525 : vector<1x16xf32> to vector<16xf32>
        %mul3A_527 = arith.mulf %get3A_526, %get3A_235 : vector<16xf32>
        %add3A_528 = arith.addf %add3A_518, %mul3A_527 : vector<16xf32>
        %mul3A_529 = arith.constant 20 : i32
        %mul3A_530 = arith.muli %scan3A_219, %mul3A_529 : i32
        %add3A_531 = arith.constant 3 : i32
        %add3A_532 = arith.addi %mul3A_530, %add3A_531 : i32
        %get3A_533 = arith.index_cast %add3A_532 : i32 to index
        %get3A_534 = arith.constant 64 : index
        %get3A_535 = tpu.vector_load %arg16[%get3A_533, %get3A_534] {strides = array<i32>} : memref<320x128xf32, #tpu.memory_space<vmem>>, vector<1x16xf32>,
        %get3A_536 = vector.shape_cast %get3A_535 : vector<1x16xf32> to vector<16xf32>
        %mul3A_537 = arith.mulf %get3A_536, %get3A_239 : vector<16xf32>
        %add3A_538 = arith.addf %add3A_528, %mul3A_537 : vector<16xf32>
        %mul3A_539 = arith.constant 20 : i32
        %mul3A_540 = arith.muli %scan3A_219, %mul3A_539 : i32
        %add3A_541 = arith.constant 3 : i32
        %add3A_542 = arith.addi %mul3A_540, %add3A_541 : i32
        %get3A_543 = arith.index_cast %add3A_542 : i32 to index
        %get3A_544 = arith.constant 80 : index
        %get3A_545 = tpu.vector_load %arg16[%get3A_543, %get3A_544] {strides = array<i32>} : memref<320x128xf32, #tpu.memory_space<vmem>>, vector<1x16xf32>,
        %get3A_546 = vector.shape_cast %get3A_545 : vector<1x16xf32> to vector<16xf32>
        %mul3A_547 = arith.mulf %get3A_546, %get3A_243 : vector<16xf32>
        %add3A_548 = arith.addf %add3A_538, %mul3A_547 : vector<16xf32>
        %mul3A_549 = arith.constant 20 : i32
        %mul3A_550 = arith.muli %scan3A_219, %mul3A_549 : i32
        %add3A_551 = arith.constant 3 : i32
        %add3A_552 = arith.addi %mul3A_550, %add3A_551 : i32
        %get3A_553 = arith.index_cast %add3A_552 : i32 to index
        %get3A_554 = arith.constant 96 : index
        %get3A_555 = tpu.vector_load %arg16[%get3A_553, %get3A_554] {strides = array<i32>} : memref<320x128xf32, #tpu.memory_space<vmem>>, vector<1x16xf32>,
        %get3A_556 = vector.shape_cast %get3A_555 : vector<1x16xf32> to vector<16xf32>
        %mul3A_557 = arith.mulf %get3A_556, %get3A_247 : vector<16xf32>
        %add3A_558 = arith.addf %add3A_548, %mul3A_557 : vector<16xf32>
        %mul3A_559 = arith.constant 20 : i32
        %mul3A_560 = arith.muli %scan3A_219, %mul3A_559 : i32
        %add3A_561 = arith.constant 3 : i32
        %add3A_562 = arith.addi %mul3A_560, %add3A_561 : i32
        %get3A_563 = arith.index_cast %add3A_562 : i32 to index
        %get3A_564 = arith.constant 112 : index
        %get3A_565 = tpu.vector_load %arg16[%get3A_563, %get3A_564] {strides = array<i32>} : memref<320x128xf32, #tpu.memory_space<vmem>>, vector<1x16xf32>,
        %get3A_566 = vector.shape_cast %get3A_565 : vector<1x16xf32> to vector<16xf32>
        %mul3A_567 = arith.mulf %get3A_566, %get3A_251 : vector<16xf32>
        %add3A_568 = arith.addf %add3A_558, %mul3A_567 : vector<16xf32>
        %mul3A_569 = arith.constant 20 : i32
        %mul3A_570 = arith.muli %scan3A_219, %mul3A_569 : i32
        %add3A_571 = arith.constant 4 : i32
        %add3A_572 = arith.addi %mul3A_570, %add3A_571 : i32
        %get3A_573 = arith.index_cast %add3A_572 : i32 to index
        %get3A_574 = arith.constant 0 : index
        %get3A_575 = tpu.vector_load %arg16[%get3A_573, %get3A_574] {strides = array<i32>} : memref<320x128xf32, #tpu.memory_space<vmem>>, vector<1x16xf32>,
        %get3A_576 = vector.shape_cast %get3A_575 : vector<1x16xf32> to vector<16xf32>
        %mul3A_577 = arith.mulf %get3A_576, %get3A_223 : vector<16xf32>
        %mul3A_578 = arith.constant 20 : i32
        %mul3A_579 = arith.muli %scan3A_219, %mul3A_578 : i32
        %add3A_580 = arith.constant 4 : i32
        %add3A_581 = arith.addi %mul3A_579, %add3A_580 : i32
        %get3A_582 = arith.index_cast %add3A_581 : i32 to index
        %get3A_583 = arith.constant 16 : index
        %get3A_584 = tpu.vector_load %arg16[%get3A_582, %get3A_583] {strides = array<i32>} : memref<320x128xf32, #tpu.memory_space<vmem>>, vector<1x16xf32>,
        %get3A_585 = vector.shape_cast %get3A_584 : vector<1x16xf32> to vector<16xf32>
        %mul3A_586 = arith.mulf %get3A_585, %get3A_227 : vector<16xf32>
        %add3A_587 = arith.addf %mul3A_577, %mul3A_586 : vector<16xf32>
        %mul3A_588 = arith.constant 20 : i32
        %mul3A_589 = arith.muli %scan3A_219, %mul3A_588 : i32
        %add3A_590 = arith.constant 4 : i32
        %add3A_591 = arith.addi %mul3A_589, %add3A_590 : i32
        %get3A_592 = arith.index_cast %add3A_591 : i32 to index
        %get3A_593 = arith.constant 32 : index
        %get3A_594 = tpu.vector_load %arg16[%get3A_592, %get3A_593] {strides = array<i32>} : memref<320x128xf32, #tpu.memory_space<vmem>>, vector<1x16xf32>,
        %get3A_595 = vector.shape_cast %get3A_594 : vector<1x16xf32> to vector<16xf32>
        %mul3A_596 = arith.mulf %get3A_595, %get3A_231 : vector<16xf32>
        %add3A_597 = arith.addf %add3A_587, %mul3A_596 : vector<16xf32>
        %mul3A_598 = arith.constant 20 : i32
        %mul3A_599 = arith.muli %scan3A_219, %mul3A_598 : i32
        %add3A_600 = arith.constant 4 : i32
        %add3A_601 = arith.addi %mul3A_599, %add3A_600 : i32
        %get3A_602 = arith.index_cast %add3A_601 : i32 to index
        %get3A_603 = arith.constant 48 : index
        %get3A_604 = tpu.vector_load %arg16[%get3A_602, %get3A_603] {strides = array<i32>} : memref<320x128xf32, #tpu.memory_space<vmem>>, vector<1x16xf32>,
        %get3A_605 = vector.shape_cast %get3A_604 : vector<1x16xf32> to vector<16xf32>
        %mul3A_606 = arith.mulf %get3A_605, %get3A_235 : vector<16xf32>
        %add3A_607 = arith.addf %add3A_597, %mul3A_606 : vector<16xf32>
        %mul3A_608 = arith.constant 20 : i32
        %mul3A_609 = arith.muli %scan3A_219, %mul3A_608 : i32
        %add3A_610 = arith.constant 4 : i32
        %add3A_611 = arith.addi %mul3A_609, %add3A_610 : i32
        %get3A_612 = arith.index_cast %add3A_611 : i32 to index
        %get3A_613 = arith.constant 64 : index
        %get3A_614 = tpu.vector_load %arg16[%get3A_612, %get3A_613] {strides = array<i32>} : memref<320x128xf32, #tpu.memory_space<vmem>>, vector<1x16xf32>,
        %get3A_615 = vector.shape_cast %get3A_614 : vector<1x16xf32> to vector<16xf32>
        %mul3A_616 = arith.mulf %get3A_615, %get3A_239 : vector<16xf32>
        %add3A_617 = arith.addf %add3A_607, %mul3A_616 : vector<16xf32>
        %mul3A_618 = arith.constant 20 : i32
        %mul3A_619 = arith.muli %scan3A_219, %mul3A_618 : i32
        %add3A_620 = arith.constant 4 : i32
        %add3A_621 = arith.addi %mul3A_619, %add3A_620 : i32
        %get3A_622 = arith.index_cast %add3A_621 : i32 to index
        %get3A_623 = arith.constant 80 : index
        %get3A_624 = tpu.vector_load %arg16[%get3A_622, %get3A_623] {strides = array<i32>} : memref<320x128xf32, #tpu.memory_space<vmem>>, vector<1x16xf32>,
        %get3A_625 = vector.shape_cast %get3A_624 : vector<1x16xf32> to vector<16xf32>
        %mul3A_626 = arith.mulf %get3A_625, %get3A_243 : vector<16xf32>
        %add3A_627 = arith.addf %add3A_617, %mul3A_626 : vector<16xf32>
        %mul3A_628 = arith.constant 20 : i32
        %mul3A_629 = arith.muli %scan3A_219, %mul3A_628 : i32
        %add3A_630 = arith.constant 4 : i32
        %add3A_631 = arith.addi %mul3A_629, %add3A_630 : i32
        %get3A_632 = arith.index_cast %add3A_631 : i32 to index
        %get3A_633 = arith.constant 96 : index
        %get3A_634 = tpu.vector_load %arg16[%get3A_632, %get3A_633] {strides = array<i32>} : memref<320x128xf32, #tpu.memory_space<vmem>>, vector<1x16xf32>,
        %get3A_635 = vector.shape_cast %get3A_634 : vector<1x16xf32> to vector<16xf32>
        %mul3A_636 = arith.mulf %get3A_635, %get3A_247 : vector<16xf32>
        %add3A_637 = arith.addf %add3A_627, %mul3A_636 : vector<16xf32>
        %mul3A_638 = arith.constant 20 : i32
        %mul3A_639 = arith.muli %scan3A_219, %mul3A_638 : i32
        %add3A_640 = arith.constant 4 : i32
        %add3A_641 = arith.addi %mul3A_639, %add3A_640 : i32
        %get3A_642 = arith.index_cast %add3A_641 : i32 to index
        %get3A_643 = arith.constant 112 : index
        %get3A_644 = tpu.vector_load %arg16[%get3A_642, %get3A_643] {strides = array<i32>} : memref<320x128xf32, #tpu.memory_space<vmem>>, vector<1x16xf32>,
        %get3A_645 = vector.shape_cast %get3A_644 : vector<1x16xf32> to vector<16xf32>
        %mul3A_646 = arith.mulf %get3A_645, %get3A_251 : vector<16xf32>
        %add3A_647 = arith.addf %add3A_637, %mul3A_646 : vector<16xf32>
        %mul3A_648 = arith.constant 20 : i32
        %mul3A_649 = arith.muli %scan3A_219, %mul3A_648 : i32
        %add3A_650 = arith.constant 5 : i32
        %add3A_651 = arith.addi %mul3A_649, %add3A_650 : i32
        %get3A_652 = arith.index_cast %add3A_651 : i32 to index
        %get3A_653 = arith.constant 0 : index
        %get3A_654 = tpu.vector_load %arg16[%get3A_652, %get3A_653] {strides = array<i32>} : memref<320x128xf32, #tpu.memory_space<vmem>>, vector<1x16xf32>,
        %get3A_655 = vector.shape_cast %get3A_654 : vector<1x16xf32> to vector<16xf32>
        %mul3A_656 = arith.mulf %get3A_655, %get3A_223 : vector<16xf32>
        %mul3A_657 = arith.constant 20 : i32
        %mul3A_658 = arith.muli %scan3A_219, %mul3A_657 : i32
        %add3A_659 = arith.constant 5 : i32
        %add3A_660 = arith.addi %mul3A_658, %add3A_659 : i32
        %get3A_661 = arith.index_cast %add3A_660 : i32 to index
        %get3A_662 = arith.constant 16 : index
        %get3A_663 = tpu.vector_load %arg16[%get3A_661, %get3A_662] {strides = array<i32>} : memref<320x128xf32, #tpu.memory_space<vmem>>, vector<1x16xf32>,
        %get3A_664 = vector.shape_cast %get3A_663 : vector<1x16xf32> to vector<16xf32>
        %mul3A_665 = arith.mulf %get3A_664, %get3A_227 : vector<16xf32>
        %add3A_666 = arith.addf %mul3A_656, %mul3A_665 : vector<16xf32>
        %mul3A_667 = arith.constant 20 : i32
        %mul3A_668 = arith.muli %scan3A_219, %mul3A_667 : i32
        %add3A_669 = arith.constant 5 : i32
        %add3A_670 = arith.addi %mul3A_668, %add3A_669 : i32
        %get3A_671 = arith.index_cast %add3A_670 : i32 to index
        %get3A_672 = arith.constant 32 : index
        %get3A_673 = tpu.vector_load %arg16[%get3A_671, %get3A_672] {strides = array<i32>} : memref<320x128xf32, #tpu.memory_space<vmem>>, vector<1x16xf32>,
        %get3A_674 = vector.shape_cast %get3A_673 : vector<1x16xf32> to vector<16xf32>
        %mul3A_675 = arith.mulf %get3A_674, %get3A_231 : vector<16xf32>
        %add3A_676 = arith.addf %add3A_666, %mul3A_675 : vector<16xf32>
        %mul3A_677 = arith.constant 20 : i32
        %mul3A_678 = arith.muli %scan3A_219, %mul3A_677 : i32
        %add3A_679 = arith.constant 5 : i32
        %add3A_680 = arith.addi %mul3A_678, %add3A_679 : i32
        %get3A_681 = arith.index_cast %add3A_680 : i32 to index
        %get3A_682 = arith.constant 48 : index
        %get3A_683 = tpu.vector_load %arg16[%get3A_681, %get3A_682] {strides = array<i32>} : memref<320x128xf32, #tpu.memory_space<vmem>>, vector<1x16xf32>,
        %get3A_684 = vector.shape_cast %get3A_683 : vector<1x16xf32> to vector<16xf32>
        %mul3A_685 = arith.mulf %get3A_684, %get3A_235 : vector<16xf32>
        %add3A_686 = arith.addf %add3A_676, %mul3A_685 : vector<16xf32>
        %mul3A_687 = arith.constant 20 : i32
        %mul3A_688 = arith.muli %scan3A_219, %mul3A_687 : i32
        %add3A_689 = arith.constant 5 : i32
        %add3A_690 = arith.addi %mul3A_688, %add3A_689 : i32
        %get3A_691 = arith.index_cast %add3A_690 : i32 to index
        %get3A_692 = arith.constant 64 : index
        %get3A_693 = tpu.vector_load %arg16[%get3A_691, %get3A_692] {strides = array<i32>} : memref<320x128xf32, #tpu.memory_space<vmem>>, vector<1x16xf32>,
        %get3A_694 = vector.shape_cast %get3A_693 : vector<1x16xf32> to vector<16xf32>
        %mul3A_695 = arith.mulf %get3A_694, %get3A_239 : vector<16xf32>
        %add3A_696 = arith.addf %add3A_686, %mul3A_695 : vector<16xf32>
        %mul3A_697 = arith.constant 20 : i32
        %mul3A_698 = arith.muli %scan3A_219, %mul3A_697 : i32
        %add3A_699 = arith.constant 5 : i32
        %add3A_700 = arith.addi %mul3A_698, %add3A_699 : i32
        %get3A_701 = arith.index_cast %add3A_700 : i32 to index
        %get3A_702 = arith.constant 80 : index
        %get3A_703 = tpu.vector_load %arg16[%get3A_701, %get3A_702] {strides = array<i32>} : memref<320x128xf32, #tpu.memory_space<vmem>>, vector<1x16xf32>,
        %get3A_704 = vector.shape_cast %get3A_703 : vector<1x16xf32> to vector<16xf32>
        %mul3A_705 = arith.mulf %get3A_704, %get3A_243 : vector<16xf32>
        %add3A_706 = arith.addf %add3A_696, %mul3A_705 : vector<16xf32>
        %mul3A_707 = arith.constant 20 : i32
        %mul3A_708 = arith.muli %scan3A_219, %mul3A_707 : i32
        %add3A_709 = arith.constant 5 : i32
        %add3A_710 = arith.addi %mul3A_708, %add3A_709 : i32
        %get3A_711 = arith.index_cast %add3A_710 : i32 to index
        %get3A_712 = arith.constant 96 : index
        %get3A_713 = tpu.vector_load %arg16[%get3A_711, %get3A_712] {strides = array<i32>} : memref<320x128xf32, #tpu.memory_space<vmem>>, vector<1x16xf32>,
        %get3A_714 = vector.shape_cast %get3A_713 : vector<1x16xf32> to vector<16xf32>
        %mul3A_715 = arith.mulf %get3A_714, %get3A_247 : vector<16xf32>
        %add3A_716 = arith.addf %add3A_706, %mul3A_715 : vector<16xf32>
        %mul3A_717 = arith.constant 20 : i32
        %mul3A_718 = arith.muli %scan3A_219, %mul3A_717 : i32
        %add3A_719 = arith.constant 5 : i32
        %add3A_720 = arith.addi %mul3A_718, %add3A_719 : i32
        %get3A_721 = arith.index_cast %add3A_720 : i32 to index
        %get3A_722 = arith.constant 112 : index
        %get3A_723 = tpu.vector_load %arg16[%get3A_721, %get3A_722] {strides = array<i32>} : memref<320x128xf32, #tpu.memory_space<vmem>>, vector<1x16xf32>,
        %get3A_724 = vector.shape_cast %get3A_723 : vector<1x16xf32> to vector<16xf32>
        %mul3A_725 = arith.mulf %get3A_724, %get3A_251 : vector<16xf32>
        %add3A_726 = arith.addf %add3A_716, %mul3A_725 : vector<16xf32>
        %mul3A_727 = arith.constant 20 : i32
        %mul3A_728 = arith.muli %scan3A_219, %mul3A_727 : i32
        %add3A_729 = arith.constant 6 : i32
        %add3A_730 = arith.addi %mul3A_728, %add3A_729 : i32
        %get3A_731 = arith.index_cast %add3A_730 : i32 to index
        %get3A_732 = arith.constant 0 : index
        %get3A_733 = tpu.vector_load %arg16[%get3A_731, %get3A_732] {strides = array<i32>} : memref<320x128xf32, #tpu.memory_space<vmem>>, vector<1x16xf32>,
        %get3A_734 = vector.shape_cast %get3A_733 : vector<1x16xf32> to vector<16xf32>
        %mul3A_735 = arith.mulf %get3A_734, %get3A_223 : vector<16xf32>
        %mul3A_736 = arith.constant 20 : i32
        %mul3A_737 = arith.muli %scan3A_219, %mul3A_736 : i32
        %add3A_738 = arith.constant 6 : i32
        %add3A_739 = arith.addi %mul3A_737, %add3A_738 : i32
        %get3A_740 = arith.index_cast %add3A_739 : i32 to index
        %get3A_741 = arith.constant 16 : index
        %get3A_742 = tpu.vector_load %arg16[%get3A_740, %get3A_741] {strides = array<i32>} : memref<320x128xf32, #tpu.memory_space<vmem>>, vector<1x16xf32>,
        %get3A_743 = vector.shape_cast %get3A_742 : vector<1x16xf32> to vector<16xf32>
        %mul3A_744 = arith.mulf %get3A_743, %get3A_227 : vector<16xf32>
        %add3A_745 = arith.addf %mul3A_735, %mul3A_744 : vector<16xf32>
        %mul3A_746 = arith.constant 20 : i32
        %mul3A_747 = arith.muli %scan3A_219, %mul3A_746 : i32
        %add3A_748 = arith.constant 6 : i32
        %add3A_749 = arith.addi %mul3A_747, %add3A_748 : i32
        %get3A_750 = arith.index_cast %add3A_749 : i32 to index
        %get3A_751 = arith.constant 32 : index
        %get3A_752 = tpu.vector_load %arg16[%get3A_750, %get3A_751] {strides = array<i32>} : memref<320x128xf32, #tpu.memory_space<vmem>>, vector<1x16xf32>,
        %get3A_753 = vector.shape_cast %get3A_752 : vector<1x16xf32> to vector<16xf32>
        %mul3A_754 = arith.mulf %get3A_753, %get3A_231 : vector<16xf32>
        %add3A_755 = arith.addf %add3A_745, %mul3A_754 : vector<16xf32>
        %mul3A_756 = arith.constant 20 : i32
        %mul3A_757 = arith.muli %scan3A_219, %mul3A_756 : i32
        %add3A_758 = arith.constant 6 : i32
        %add3A_759 = arith.addi %mul3A_757, %add3A_758 : i32
        %get3A_760 = arith.index_cast %add3A_759 : i32 to index
        %get3A_761 = arith.constant 48 : index
        %get3A_762 = tpu.vector_load %arg16[%get3A_760, %get3A_761] {strides = array<i32>} : memref<320x128xf32, #tpu.memory_space<vmem>>, vector<1x16xf32>,
        %get3A_763 = vector.shape_cast %get3A_762 : vector<1x16xf32> to vector<16xf32>
        %mul3A_764 = arith.mulf %get3A_763, %get3A_235 : vector<16xf32>
        %add3A_765 = arith.addf %add3A_755, %mul3A_764 : vector<16xf32>
        %mul3A_766 = arith.constant 20 : i32
        %mul3A_767 = arith.muli %scan3A_219, %mul3A_766 : i32
        %add3A_768 = arith.constant 6 : i32
        %add3A_769 = arith.addi %mul3A_767, %add3A_768 : i32
        %get3A_770 = arith.index_cast %add3A_769 : i32 to index
        %get3A_771 = arith.constant 64 : index
        %get3A_772 = tpu.vector_load %arg16[%get3A_770, %get3A_771] {strides = array<i32>} : memref<320x128xf32, #tpu.memory_space<vmem>>, vector<1x16xf32>,
        %get3A_773 = vector.shape_cast %get3A_772 : vector<1x16xf32> to vector<16xf32>
        %mul3A_774 = arith.mulf %get3A_773, %get3A_239 : vector<16xf32>
        %add3A_775 = arith.addf %add3A_765, %mul3A_774 : vector<16xf32>
        %mul3A_776 = arith.constant 20 : i32
        %mul3A_777 = arith.muli %scan3A_219, %mul3A_776 : i32
        %add3A_778 = arith.constant 6 : i32
        %add3A_779 = arith.addi %mul3A_777, %add3A_778 : i32
        %get3A_780 = arith.index_cast %add3A_779 : i32 to index
        %get3A_781 = arith.constant 80 : index
        %get3A_782 = tpu.vector_load %arg16[%get3A_780, %get3A_781] {strides = array<i32>} : memref<320x128xf32, #tpu.memory_space<vmem>>, vector<1x16xf32>,
        %get3A_783 = vector.shape_cast %get3A_782 : vector<1x16xf32> to vector<16xf32>
        %mul3A_784 = arith.mulf %get3A_783, %get3A_243 : vector<16xf32>
        %add3A_785 = arith.addf %add3A_775, %mul3A_784 : vector<16xf32>
        %mul3A_786 = arith.constant 20 : i32
        %mul3A_787 = arith.muli %scan3A_219, %mul3A_786 : i32
        %add3A_788 = arith.constant 6 : i32
        %add3A_789 = arith.addi %mul3A_787, %add3A_788 : i32
        %get3A_790 = arith.index_cast %add3A_789 : i32 to index
        %get3A_791 = arith.constant 96 : index
        %get3A_792 = tpu.vector_load %arg16[%get3A_790, %get3A_791] {strides = array<i32>} : memref<320x128xf32, #tpu.memory_space<vmem>>, vector<1x16xf32>,
        %get3A_793 = vector.shape_cast %get3A_792 : vector<1x16xf32> to vector<16xf32>
        %mul3A_794 = arith.mulf %get3A_793, %get3A_247 : vector<16xf32>
        %add3A_795 = arith.addf %add3A_785, %mul3A_794 : vector<16xf32>
        %mul3A_796 = arith.constant 20 : i32
        %mul3A_797 = arith.muli %scan3A_219, %mul3A_796 : i32
        %add3A_798 = arith.constant 6 : i32
        %add3A_799 = arith.addi %mul3A_797, %add3A_798 : i32
        %get3A_800 = arith.index_cast %add3A_799 : i32 to index
        %get3A_801 = arith.constant 112 : index
        %get3A_802 = tpu.vector_load %arg16[%get3A_800, %get3A_801] {strides = array<i32>} : memref<320x128xf32, #tpu.memory_space<vmem>>, vector<1x16xf32>,
        %get3A_803 = vector.shape_cast %get3A_802 : vector<1x16xf32> to vector<16xf32>
        %mul3A_804 = arith.mulf %get3A_803, %get3A_251 : vector<16xf32>
        %add3A_805 = arith.addf %add3A_795, %mul3A_804 : vector<16xf32>
        %mul3A_806 = arith.constant 20 : i32
        %mul3A_807 = arith.muli %scan3A_219, %mul3A_806 : i32
        %add3A_808 = arith.constant 7 : i32
        %add3A_809 = arith.addi %mul3A_807, %add3A_808 : i32
        %get3A_810 = arith.index_cast %add3A_809 : i32 to index
        %get3A_811 = arith.constant 0 : index
        %get3A_812 = tpu.vector_load %arg16[%get3A_810, %get3A_811] {strides = array<i32>} : memref<320x128xf32, #tpu.memory_space<vmem>>, vector<1x16xf32>,
        %get3A_813 = vector.shape_cast %get3A_812 : vector<1x16xf32> to vector<16xf32>
        %mul3A_814 = arith.mulf %get3A_813, %get3A_223 : vector<16xf32>
        %mul3A_815 = arith.constant 20 : i32
        %mul3A_816 = arith.muli %scan3A_219, %mul3A_815 : i32
        %add3A_817 = arith.constant 7 : i32
        %add3A_818 = arith.addi %mul3A_816, %add3A_817 : i32
        %get3A_819 = arith.index_cast %add3A_818 : i32 to index
        %get3A_820 = arith.constant 16 : index
        %get3A_821 = tpu.vector_load %arg16[%get3A_819, %get3A_820] {strides = array<i32>} : memref<320x128xf32, #tpu.memory_space<vmem>>, vector<1x16xf32>,
        %get3A_822 = vector.shape_cast %get3A_821 : vector<1x16xf32> to vector<16xf32>
        %mul3A_823 = arith.mulf %get3A_822, %get3A_227 : vector<16xf32>
        %add3A_824 = arith.addf %mul3A_814, %mul3A_823 : vector<16xf32>
        %mul3A_825 = arith.constant 20 : i32
        %mul3A_826 = arith.muli %scan3A_219, %mul3A_825 : i32
        %add3A_827 = arith.constant 7 : i32
        %add3A_828 = arith.addi %mul3A_826, %add3A_827 : i32
        %get3A_829 = arith.index_cast %add3A_828 : i32 to index
        %get3A_830 = arith.constant 32 : index
        %get3A_831 = tpu.vector_load %arg16[%get3A_829, %get3A_830] {strides = array<i32>} : memref<320x128xf32, #tpu.memory_space<vmem>>, vector<1x16xf32>,
        %get3A_832 = vector.shape_cast %get3A_831 : vector<1x16xf32> to vector<16xf32>
        %mul3A_833 = arith.mulf %get3A_832, %get3A_231 : vector<16xf32>
        %add3A_834 = arith.addf %add3A_824, %mul3A_833 : vector<16xf32>
        %mul3A_835 = arith.constant 20 : i32
        %mul3A_836 = arith.muli %scan3A_219, %mul3A_835 : i32
        %add3A_837 = arith.constant 7 : i32
        %add3A_838 = arith.addi %mul3A_836, %add3A_837 : i32
        %get3A_839 = arith.index_cast %add3A_838 : i32 to index
        %get3A_840 = arith.constant 48 : index
        %get3A_841 = tpu.vector_load %arg16[%get3A_839, %get3A_840] {strides = array<i32>} : memref<320x128xf32, #tpu.memory_space<vmem>>, vector<1x16xf32>,
        %get3A_842 = vector.shape_cast %get3A_841 : vector<1x16xf32> to vector<16xf32>
        %mul3A_843 = arith.mulf %get3A_842, %get3A_235 : vector<16xf32>
        %add3A_844 = arith.addf %add3A_834, %mul3A_843 : vector<16xf32>
        %mul3A_845 = arith.constant 20 : i32
        %mul3A_846 = arith.muli %scan3A_219, %mul3A_845 : i32
        %add3A_847 = arith.constant 7 : i32
        %add3A_848 = arith.addi %mul3A_846, %add3A_847 : i32
        %get3A_849 = arith.index_cast %add3A_848 : i32 to index
        %get3A_850 = arith.constant 64 : index
        %get3A_851 = tpu.vector_load %arg16[%get3A_849, %get3A_850] {strides = array<i32>} : memref<320x128xf32, #tpu.memory_space<vmem>>, vector<1x16xf32>,
        %get3A_852 = vector.shape_cast %get3A_851 : vector<1x16xf32> to vector<16xf32>
        %mul3A_853 = arith.mulf %get3A_852, %get3A_239 : vector<16xf32>
        %add3A_854 = arith.addf %add3A_844, %mul3A_853 : vector<16xf32>
        %mul3A_855 = arith.constant 20 : i32
        %mul3A_856 = arith.muli %scan3A_219, %mul3A_855 : i32
        %add3A_857 = arith.constant 7 : i32
        %add3A_858 = arith.addi %mul3A_856, %add3A_857 : i32
        %get3A_859 = arith.index_cast %add3A_858 : i32 to index
        %get3A_860 = arith.constant 80 : index
        %get3A_861 = tpu.vector_load %arg16[%get3A_859, %get3A_860] {strides = array<i32>} : memref<320x128xf32, #tpu.memory_space<vmem>>, vector<1x16xf32>,
        %get3A_862 = vector.shape_cast %get3A_861 : vector<1x16xf32> to vector<16xf32>
        %mul3A_863 = arith.mulf %get3A_862, %get3A_243 : vector<16xf32>
        %add3A_864 = arith.addf %add3A_854, %mul3A_863 : vector<16xf32>
        %mul3A_865 = arith.constant 20 : i32
        %mul3A_866 = arith.muli %scan3A_219, %mul3A_865 : i32
        %add3A_867 = arith.constant 7 : i32
        %add3A_868 = arith.addi %mul3A_866, %add3A_867 : i32
        %get3A_869 = arith.index_cast %add3A_868 : i32 to index
        %get3A_870 = arith.constant 96 : index
        %get3A_871 = tpu.vector_load %arg16[%get3A_869, %get3A_870] {strides = array<i32>} : memref<320x128xf32, #tpu.memory_space<vmem>>, vector<1x16xf32>,
        %get3A_872 = vector.shape_cast %get3A_871 : vector<1x16xf32> to vector<16xf32>
        %mul3A_873 = arith.mulf %get3A_872, %get3A_247 : vector<16xf32>
        %add3A_874 = arith.addf %add3A_864, %mul3A_873 : vector<16xf32>
        %mul3A_875 = arith.constant 20 : i32
        %mul3A_876 = arith.muli %scan3A_219, %mul3A_875 : i32
        %add3A_877 = arith.constant 7 : i32
        %add3A_878 = arith.addi %mul3A_876, %add3A_877 : i32
        %get3A_879 = arith.index_cast %add3A_878 : i32 to index
        %get3A_880 = arith.constant 112 : index
        %get3A_881 = tpu.vector_load %arg16[%get3A_879, %get3A_880] {strides = array<i32>} : memref<320x128xf32, #tpu.memory_space<vmem>>, vector<1x16xf32>,
        %get3A_882 = vector.shape_cast %get3A_881 : vector<1x16xf32> to vector<16xf32>
        %mul3A_883 = arith.mulf %get3A_882, %get3A_251 : vector<16xf32>
        %add3A_884 = arith.addf %add3A_874, %mul3A_883 : vector<16xf32>
        %mul3A_885 = arith.constant 20 : i32
        %mul3A_886 = arith.muli %scan3A_219, %mul3A_885 : i32
        %add3A_887 = arith.constant 8 : i32
        %add3A_888 = arith.addi %mul3A_886, %add3A_887 : i32
        %get3A_889 = arith.index_cast %add3A_888 : i32 to index
        %get3A_890 = arith.constant 0 : index
        %get3A_891 = tpu.vector_load %arg16[%get3A_889, %get3A_890] {strides = array<i32>} : memref<320x128xf32, #tpu.memory_space<vmem>>, vector<1x16xf32>,
        %get3A_892 = vector.shape_cast %get3A_891 : vector<1x16xf32> to vector<16xf32>
        %mul3A_893 = arith.mulf %get3A_892, %get3A_223 : vector<16xf32>
        %mul3A_894 = arith.constant 20 : i32
        %mul3A_895 = arith.muli %scan3A_219, %mul3A_894 : i32
        %add3A_896 = arith.constant 8 : i32
        %add3A_897 = arith.addi %mul3A_895, %add3A_896 : i32
        %get3A_898 = arith.index_cast %add3A_897 : i32 to index
        %get3A_899 = arith.constant 16 : index
        %get3A_900 = tpu.vector_load %arg16[%get3A_898, %get3A_899] {strides = array<i32>} : memref<320x128xf32, #tpu.memory_space<vmem>>, vector<1x16xf32>,
        %get3A_901 = vector.shape_cast %get3A_900 : vector<1x16xf32> to vector<16xf32>
        %mul3A_902 = arith.mulf %get3A_901, %get3A_227 : vector<16xf32>
        %add3A_903 = arith.addf %mul3A_893, %mul3A_902 : vector<16xf32>
        %mul3A_904 = arith.constant 20 : i32
        %mul3A_905 = arith.muli %scan3A_219, %mul3A_904 : i32
        %add3A_906 = arith.constant 8 : i32
        %add3A_907 = arith.addi %mul3A_905, %add3A_906 : i32
        %get3A_908 = arith.index_cast %add3A_907 : i32 to index
        %get3A_909 = arith.constant 32 : index
        %get3A_910 = tpu.vector_load %arg16[%get3A_908, %get3A_909] {strides = array<i32>} : memref<320x128xf32, #tpu.memory_space<vmem>>, vector<1x16xf32>,
        %get3A_911 = vector.shape_cast %get3A_910 : vector<1x16xf32> to vector<16xf32>
        %mul3A_912 = arith.mulf %get3A_911, %get3A_231 : vector<16xf32>
        %add3A_913 = arith.addf %add3A_903, %mul3A_912 : vector<16xf32>
        %mul3A_914 = arith.constant 20 : i32
        %mul3A_915 = arith.muli %scan3A_219, %mul3A_914 : i32
        %add3A_916 = arith.constant 8 : i32
        %add3A_917 = arith.addi %mul3A_915, %add3A_916 : i32
        %get3A_918 = arith.index_cast %add3A_917 : i32 to index
        %get3A_919 = arith.constant 48 : index
        %get3A_920 = tpu.vector_load %arg16[%get3A_918, %get3A_919] {strides = array<i32>} : memref<320x128xf32, #tpu.memory_space<vmem>>, vector<1x16xf32>,
        %get3A_921 = vector.shape_cast %get3A_920 : vector<1x16xf32> to vector<16xf32>
        %mul3A_922 = arith.mulf %get3A_921, %get3A_235 : vector<16xf32>
        %add3A_923 = arith.addf %add3A_913, %mul3A_922 : vector<16xf32>
        %mul3A_924 = arith.constant 20 : i32
        %mul3A_925 = arith.muli %scan3A_219, %mul3A_924 : i32
        %add3A_926 = arith.constant 8 : i32
        %add3A_927 = arith.addi %mul3A_925, %add3A_926 : i32
        %get3A_928 = arith.index_cast %add3A_927 : i32 to index
        %get3A_929 = arith.constant 64 : index
        %get3A_930 = tpu.vector_load %arg16[%get3A_928, %get3A_929] {strides = array<i32>} : memref<320x128xf32, #tpu.memory_space<vmem>>, vector<1x16xf32>,
        %get3A_931 = vector.shape_cast %get3A_930 : vector<1x16xf32> to vector<16xf32>
        %mul3A_932 = arith.mulf %get3A_931, %get3A_239 : vector<16xf32>
        %add3A_933 = arith.addf %add3A_923, %mul3A_932 : vector<16xf32>
        %mul3A_934 = arith.constant 20 : i32
        %mul3A_935 = arith.muli %scan3A_219, %mul3A_934 : i32
        %add3A_936 = arith.constant 8 : i32
        %add3A_937 = arith.addi %mul3A_935, %add3A_936 : i32
        %get3A_938 = arith.index_cast %add3A_937 : i32 to index
        %get3A_939 = arith.constant 80 : index
        %get3A_940 = tpu.vector_load %arg16[%get3A_938, %get3A_939] {strides = array<i32>} : memref<320x128xf32, #tpu.memory_space<vmem>>, vector<1x16xf32>,
        %get3A_941 = vector.shape_cast %get3A_940 : vector<1x16xf32> to vector<16xf32>
        %mul3A_942 = arith.mulf %get3A_941, %get3A_243 : vector<16xf32>
        %add3A_943 = arith.addf %add3A_933, %mul3A_942 : vector<16xf32>
        %mul3A_944 = arith.constant 20 : i32
        %mul3A_945 = arith.muli %scan3A_219, %mul3A_944 : i32
        %add3A_946 = arith.constant 8 : i32
        %add3A_947 = arith.addi %mul3A_945, %add3A_946 : i32
        %get3A_948 = arith.index_cast %add3A_947 : i32 to index
        %get3A_949 = arith.constant 96 : index
        %get3A_950 = tpu.vector_load %arg16[%get3A_948, %get3A_949] {strides = array<i32>} : memref<320x128xf32, #tpu.memory_space<vmem>>, vector<1x16xf32>,
        %get3A_951 = vector.shape_cast %get3A_950 : vector<1x16xf32> to vector<16xf32>
        %mul3A_952 = arith.mulf %get3A_951, %get3A_247 : vector<16xf32>
        %add3A_953 = arith.addf %add3A_943, %mul3A_952 : vector<16xf32>
        %mul3A_954 = arith.constant 20 : i32
        %mul3A_955 = arith.muli %scan3A_219, %mul3A_954 : i32
        %add3A_956 = arith.constant 8 : i32
        %add3A_957 = arith.addi %mul3A_955, %add3A_956 : i32
        %get3A_958 = arith.index_cast %add3A_957 : i32 to index
        %get3A_959 = arith.constant 112 : index
        %get3A_960 = tpu.vector_load %arg16[%get3A_958, %get3A_959] {strides = array<i32>} : memref<320x128xf32, #tpu.memory_space<vmem>>, vector<1x16xf32>,
        %get3A_961 = vector.shape_cast %get3A_960 : vector<1x16xf32> to vector<16xf32>
        %mul3A_962 = arith.mulf %get3A_961, %get3A_251 : vector<16xf32>
        %add3A_963 = arith.addf %add3A_953, %mul3A_962 : vector<16xf32>
        %mul3A_964 = arith.constant 20 : i32
        %mul3A_965 = arith.muli %scan3A_219, %mul3A_964 : i32
        %add3A_966 = arith.constant 9 : i32
        %add3A_967 = arith.addi %mul3A_965, %add3A_966 : i32
        %get3A_968 = arith.index_cast %add3A_967 : i32 to index
        %get3A_969 = arith.constant 0 : index
        %get3A_970 = tpu.vector_load %arg16[%get3A_968, %get3A_969] {strides = array<i32>} : memref<320x128xf32, #tpu.memory_space<vmem>>, vector<1x16xf32>,
        %get3A_971 = vector.shape_cast %get3A_970 : vector<1x16xf32> to vector<16xf32>
        %mul3A_972 = arith.mulf %get3A_971, %get3A_223 : vector<16xf32>
        %mul3A_973 = arith.constant 20 : i32
        %mul3A_974 = arith.muli %scan3A_219, %mul3A_973 : i32
        %add3A_975 = arith.constant 9 : i32
        %add3A_976 = arith.addi %mul3A_974, %add3A_975 : i32
        %get3A_977 = arith.index_cast %add3A_976 : i32 to index
        %get3A_978 = arith.constant 16 : index
        %get3A_979 = tpu.vector_load %arg16[%get3A_977, %get3A_978] {strides = array<i32>} : memref<320x128xf32, #tpu.memory_space<vmem>>, vector<1x16xf32>,
        %get3A_980 = vector.shape_cast %get3A_979 : vector<1x16xf32> to vector<16xf32>
        %mul3A_981 = arith.mulf %get3A_980, %get3A_227 : vector<16xf32>
        %add3A_982 = arith.addf %mul3A_972, %mul3A_981 : vector<16xf32>
        %mul3A_983 = arith.constant 20 : i32
        %mul3A_984 = arith.muli %scan3A_219, %mul3A_983 : i32
        %add3A_985 = arith.constant 9 : i32
        %add3A_986 = arith.addi %mul3A_984, %add3A_985 : i32
        %get3A_987 = arith.index_cast %add3A_986 : i32 to index
        %get3A_988 = arith.constant 32 : index
        %get3A_989 = tpu.vector_load %arg16[%get3A_987, %get3A_988] {strides = array<i32>} : memref<320x128xf32, #tpu.memory_space<vmem>>, vector<1x16xf32>,
        %get3A_990 = vector.shape_cast %get3A_989 : vector<1x16xf32> to vector<16xf32>
        %mul3A_991 = arith.mulf %get3A_990, %get3A_231 : vector<16xf32>
        %add3A_992 = arith.addf %add3A_982, %mul3A_991 : vector<16xf32>
        %mul3A_993 = arith.constant 20 : i32
        %mul3A_994 = arith.muli %scan3A_219, %mul3A_993 : i32
        %add3A_995 = arith.constant 9 : i32
        %add3A_996 = arith.addi %mul3A_994, %add3A_995 : i32
        %get3A_997 = arith.index_cast %add3A_996 : i32 to index
        %get3A_998 = arith.constant 48 : index
        %get3A_999 = tpu.vector_load %arg16[%get3A_997, %get3A_998] {strides = array<i32>} : memref<320x128xf32, #tpu.memory_space<vmem>>, vector<1x16xf32>,
        %get3A_1000 = vector.shape_cast %get3A_999 : vector<1x16xf32> to vector<16xf32>
        %mul3A_1001 = arith.mulf %get3A_1000, %get3A_235 : vector<16xf32>
        %add3A_1002 = arith.addf %add3A_992, %mul3A_1001 : vector<16xf32>
        %mul3A_1003 = arith.constant 20 : i32
        %mul3A_1004 = arith.muli %scan3A_219, %mul3A_1003 : i32
        %add3A_1005 = arith.constant 9 : i32
        %add3A_1006 = arith.addi %mul3A_1004, %add3A_1005 : i32
        %get3A_1007 = arith.index_cast %add3A_1006 : i32 to index
        %get3A_1008 = arith.constant 64 : index
        %get3A_1009 = tpu.vector_load %arg16[%get3A_1007, %get3A_1008] {strides = array<i32>} : memref<320x128xf32, #tpu.memory_space<vmem>>, vector<1x16xf32>,
        %get3A_1010 = vector.shape_cast %get3A_1009 : vector<1x16xf32> to vector<16xf32>
        %mul3A_1011 = arith.mulf %get3A_1010, %get3A_239 : vector<16xf32>
        %add3A_1012 = arith.addf %add3A_1002, %mul3A_1011 : vector<16xf32>
        %mul3A_1013 = arith.constant 20 : i32
        %mul3A_1014 = arith.muli %scan3A_219, %mul3A_1013 : i32
        %add3A_1015 = arith.constant 9 : i32
        %add3A_1016 = arith.addi %mul3A_1014, %add3A_1015 : i32
        %get3A_1017 = arith.index_cast %add3A_1016 : i32 to index
        %get3A_1018 = arith.constant 80 : index
        %get3A_1019 = tpu.vector_load %arg16[%get3A_1017, %get3A_1018] {strides = array<i32>} : memref<320x128xf32, #tpu.memory_space<vmem>>, vector<1x16xf32>,
        %get3A_1020 = vector.shape_cast %get3A_1019 : vector<1x16xf32> to vector<16xf32>
        %mul3A_1021 = arith.mulf %get3A_1020, %get3A_243 : vector<16xf32>
        %add3A_1022 = arith.addf %add3A_1012, %mul3A_1021 : vector<16xf32>
        %mul3A_1023 = arith.constant 20 : i32
        %mul3A_1024 = arith.muli %scan3A_219, %mul3A_1023 : i32
        %add3A_1025 = arith.constant 9 : i32
        %add3A_1026 = arith.addi %mul3A_1024, %add3A_1025 : i32
        %get3A_1027 = arith.index_cast %add3A_1026 : i32 to index
        %get3A_1028 = arith.constant 96 : index
        %get3A_1029 = tpu.vector_load %arg16[%get3A_1027, %get3A_1028] {strides = array<i32>} : memref<320x128xf32, #tpu.memory_space<vmem>>, vector<1x16xf32>,
        %get3A_1030 = vector.shape_cast %get3A_1029 : vector<1x16xf32> to vector<16xf32>
        %mul3A_1031 = arith.mulf %get3A_1030, %get3A_247 : vector<16xf32>
        %add3A_1032 = arith.addf %add3A_1022, %mul3A_1031 : vector<16xf32>
        %mul3A_1033 = arith.constant 20 : i32
        %mul3A_1034 = arith.muli %scan3A_219, %mul3A_1033 : i32
        %add3A_1035 = arith.constant 9 : i32
        %add3A_1036 = arith.addi %mul3A_1034, %add3A_1035 : i32
        %get3A_1037 = arith.index_cast %add3A_1036 : i32 to index
        %get3A_1038 = arith.constant 112 : index
        %get3A_1039 = tpu.vector_load %arg16[%get3A_1037, %get3A_1038] {strides = array<i32>} : memref<320x128xf32, #tpu.memory_space<vmem>>, vector<1x16xf32>,
        %get3A_1040 = vector.shape_cast %get3A_1039 : vector<1x16xf32> to vector<16xf32>
        %mul3A_1041 = arith.mulf %get3A_1040, %get3A_251 : vector<16xf32>
        %add3A_1042 = arith.addf %add3A_1032, %mul3A_1041 : vector<16xf32>
        %mul3A_1043 = arith.constant 20 : i32
        %mul3A_1044 = arith.muli %scan3A_219, %mul3A_1043 : i32
        %add3A_1045 = arith.constant 10 : i32
        %add3A_1046 = arith.addi %mul3A_1044, %add3A_1045 : i32
        %get3A_1047 = arith.index_cast %add3A_1046 : i32 to index
        %get3A_1048 = arith.constant 0 : index
        %get3A_1049 = tpu.vector_load %arg16[%get3A_1047, %get3A_1048] {strides = array<i32>} : memref<320x128xf32, #tpu.memory_space<vmem>>, vector<1x16xf32>,
        %get3A_1050 = vector.shape_cast %get3A_1049 : vector<1x16xf32> to vector<16xf32>
        %mul3A_1051 = arith.mulf %get3A_1050, %get3A_223 : vector<16xf32>
        %mul3A_1052 = arith.constant 20 : i32
        %mul3A_1053 = arith.muli %scan3A_219, %mul3A_1052 : i32
        %add3A_1054 = arith.constant 10 : i32
        %add3A_1055 = arith.addi %mul3A_1053, %add3A_1054 : i32
        %get3A_1056 = arith.index_cast %add3A_1055 : i32 to index
        %get3A_1057 = arith.constant 16 : index
        %get3A_1058 = tpu.vector_load %arg16[%get3A_1056, %get3A_1057] {strides = array<i32>} : memref<320x128xf32, #tpu.memory_space<vmem>>, vector<1x16xf32>,
        %get3A_1059 = vector.shape_cast %get3A_1058 : vector<1x16xf32> to vector<16xf32>
        %mul3A_1060 = arith.mulf %get3A_1059, %get3A_227 : vector<16xf32>
        %add3A_1061 = arith.addf %mul3A_1051, %mul3A_1060 : vector<16xf32>
        %mul3A_1062 = arith.constant 20 : i32
        %mul3A_1063 = arith.muli %scan3A_219, %mul3A_1062 : i32
        %add3A_1064 = arith.constant 10 : i32
        %add3A_1065 = arith.addi %mul3A_1063, %add3A_1064 : i32
        %get3A_1066 = arith.index_cast %add3A_1065 : i32 to index
        %get3A_1067 = arith.constant 32 : index
        %get3A_1068 = tpu.vector_load %arg16[%get3A_1066, %get3A_1067] {strides = array<i32>} : memref<320x128xf32, #tpu.memory_space<vmem>>, vector<1x16xf32>,
        %get3A_1069 = vector.shape_cast %get3A_1068 : vector<1x16xf32> to vector<16xf32>
        %mul3A_1070 = arith.mulf %get3A_1069, %get3A_231 : vector<16xf32>
        %add3A_1071 = arith.addf %add3A_1061, %mul3A_1070 : vector<16xf32>
        %mul3A_1072 = arith.constant 20 : i32
        %mul3A_1073 = arith.muli %scan3A_219, %mul3A_1072 : i32
        %add3A_1074 = arith.constant 10 : i32
        %add3A_1075 = arith.addi %mul3A_1073, %add3A_1074 : i32
        %get3A_1076 = arith.index_cast %add3A_1075 : i32 to index
        %get3A_1077 = arith.constant 48 : index
        %get3A_1078 = tpu.vector_load %arg16[%get3A_1076, %get3A_1077] {strides = array<i32>} : memref<320x128xf32, #tpu.memory_space<vmem>>, vector<1x16xf32>,
        %get3A_1079 = vector.shape_cast %get3A_1078 : vector<1x16xf32> to vector<16xf32>
        %mul3A_1080 = arith.mulf %get3A_1079, %get3A_235 : vector<16xf32>
        %add3A_1081 = arith.addf %add3A_1071, %mul3A_1080 : vector<16xf32>
        %mul3A_1082 = arith.constant 20 : i32
        %mul3A_1083 = arith.muli %scan3A_219, %mul3A_1082 : i32
        %add3A_1084 = arith.constant 10 : i32
        %add3A_1085 = arith.addi %mul3A_1083, %add3A_1084 : i32
        %get3A_1086 = arith.index_cast %add3A_1085 : i32 to index
        %get3A_1087 = arith.constant 64 : index
        %get3A_1088 = tpu.vector_load %arg16[%get3A_1086, %get3A_1087] {strides = array<i32>} : memref<320x128xf32, #tpu.memory_space<vmem>>, vector<1x16xf32>,
        %get3A_1089 = vector.shape_cast %get3A_1088 : vector<1x16xf32> to vector<16xf32>
        %mul3A_1090 = arith.mulf %get3A_1089, %get3A_239 : vector<16xf32>
        %add3A_1091 = arith.addf %add3A_1081, %mul3A_1090 : vector<16xf32>
        %mul3A_1092 = arith.constant 20 : i32
        %mul3A_1093 = arith.muli %scan3A_219, %mul3A_1092 : i32
        %add3A_1094 = arith.constant 10 : i32
        %add3A_1095 = arith.addi %mul3A_1093, %add3A_1094 : i32
        %get3A_1096 = arith.index_cast %add3A_1095 : i32 to index
        %get3A_1097 = arith.constant 80 : index
        %get3A_1098 = tpu.vector_load %arg16[%get3A_1096, %get3A_1097] {strides = array<i32>} : memref<320x128xf32, #tpu.memory_space<vmem>>, vector<1x16xf32>,
        %get3A_1099 = vector.shape_cast %get3A_1098 : vector<1x16xf32> to vector<16xf32>
        %mul3A_1100 = arith.mulf %get3A_1099, %get3A_243 : vector<16xf32>
        %add3A_1101 = arith.addf %add3A_1091, %mul3A_1100 : vector<16xf32>
        %mul3A_1102 = arith.constant 20 : i32
        %mul3A_1103 = arith.muli %scan3A_219, %mul3A_1102 : i32
        %add3A_1104 = arith.constant 10 : i32
        %add3A_1105 = arith.addi %mul3A_1103, %add3A_1104 : i32
        %get3A_1106 = arith.index_cast %add3A_1105 : i32 to index
        %get3A_1107 = arith.constant 96 : index
        %get3A_1108 = tpu.vector_load %arg16[%get3A_1106, %get3A_1107] {strides = array<i32>} : memref<320x128xf32, #tpu.memory_space<vmem>>, vector<1x16xf32>,
        %get3A_1109 = vector.shape_cast %get3A_1108 : vector<1x16xf32> to vector<16xf32>
        %mul3A_1110 = arith.mulf %get3A_1109, %get3A_247 : vector<16xf32>
        %add3A_1111 = arith.addf %add3A_1101, %mul3A_1110 : vector<16xf32>
        %mul3A_1112 = arith.constant 20 : i32
        %mul3A_1113 = arith.muli %scan3A_219, %mul3A_1112 : i32
        %add3A_1114 = arith.constant 10 : i32
        %add3A_1115 = arith.addi %mul3A_1113, %add3A_1114 : i32
        %get3A_1116 = arith.index_cast %add3A_1115 : i32 to index
        %get3A_1117 = arith.constant 112 : index
        %get3A_1118 = tpu.vector_load %arg16[%get3A_1116, %get3A_1117] {strides = array<i32>} : memref<320x128xf32, #tpu.memory_space<vmem>>, vector<1x16xf32>,
        %get3A_1119 = vector.shape_cast %get3A_1118 : vector<1x16xf32> to vector<16xf32>
        %mul3A_1120 = arith.mulf %get3A_1119, %get3A_251 : vector<16xf32>
        %add3A_1121 = arith.addf %add3A_1111, %mul3A_1120 : vector<16xf32>
        %mul3A_1122 = arith.constant 20 : i32
        %mul3A_1123 = arith.muli %scan3A_219, %mul3A_1122 : i32
        %add3A_1124 = arith.constant 11 : i32
        %add3A_1125 = arith.addi %mul3A_1123, %add3A_1124 : i32
        %get3A_1126 = arith.index_cast %add3A_1125 : i32 to index
        %get3A_1127 = arith.constant 0 : index
        %get3A_1128 = tpu.vector_load %arg16[%get3A_1126, %get3A_1127] {strides = array<i32>} : memref<320x128xf32, #tpu.memory_space<vmem>>, vector<1x16xf32>,
        %get3A_1129 = vector.shape_cast %get3A_1128 : vector<1x16xf32> to vector<16xf32>
        %mul3A_1130 = arith.mulf %get3A_1129, %get3A_223 : vector<16xf32>
        %mul3A_1131 = arith.constant 20 : i32
        %mul3A_1132 = arith.muli %scan3A_219, %mul3A_1131 : i32
        %add3A_1133 = arith.constant 11 : i32
        %add3A_1134 = arith.addi %mul3A_1132, %add3A_1133 : i32
        %get3A_1135 = arith.index_cast %add3A_1134 : i32 to index
        %get3A_1136 = arith.constant 16 : index
        %get3A_1137 = tpu.vector_load %arg16[%get3A_1135, %get3A_1136] {strides = array<i32>} : memref<320x128xf32, #tpu.memory_space<vmem>>, vector<1x16xf32>,
        %get3A_1138 = vector.shape_cast %get3A_1137 : vector<1x16xf32> to vector<16xf32>
        %mul3A_1139 = arith.mulf %get3A_1138, %get3A_227 : vector<16xf32>
        %add3A_1140 = arith.addf %mul3A_1130, %mul3A_1139 : vector<16xf32>
        %mul3A_1141 = arith.constant 20 : i32
        %mul3A_1142 = arith.muli %scan3A_219, %mul3A_1141 : i32
        %add3A_1143 = arith.constant 11 : i32
        %add3A_1144 = arith.addi %mul3A_1142, %add3A_1143 : i32
        %get3A_1145 = arith.index_cast %add3A_1144 : i32 to index
        %get3A_1146 = arith.constant 32 : index
        %get3A_1147 = tpu.vector_load %arg16[%get3A_1145, %get3A_1146] {strides = array<i32>} : memref<320x128xf32, #tpu.memory_space<vmem>>, vector<1x16xf32>,
        %get3A_1148 = vector.shape_cast %get3A_1147 : vector<1x16xf32> to vector<16xf32>
        %mul3A_1149 = arith.mulf %get3A_1148, %get3A_231 : vector<16xf32>
        %add3A_1150 = arith.addf %add3A_1140, %mul3A_1149 : vector<16xf32>
        %mul3A_1151 = arith.constant 20 : i32
        %mul3A_1152 = arith.muli %scan3A_219, %mul3A_1151 : i32
        %add3A_1153 = arith.constant 11 : i32
        %add3A_1154 = arith.addi %mul3A_1152, %add3A_1153 : i32
        %get3A_1155 = arith.index_cast %add3A_1154 : i32 to index
        %get3A_1156 = arith.constant 48 : index
        %get3A_1157 = tpu.vector_load %arg16[%get3A_1155, %get3A_1156] {strides = array<i32>} : memref<320x128xf32, #tpu.memory_space<vmem>>, vector<1x16xf32>,
        %get3A_1158 = vector.shape_cast %get3A_1157 : vector<1x16xf32> to vector<16xf32>
        %mul3A_1159 = arith.mulf %get3A_1158, %get3A_235 : vector<16xf32>
        %add3A_1160 = arith.addf %add3A_1150, %mul3A_1159 : vector<16xf32>
        %mul3A_1161 = arith.constant 20 : i32
        %mul3A_1162 = arith.muli %scan3A_219, %mul3A_1161 : i32
        %add3A_1163 = arith.constant 11 : i32
        %add3A_1164 = arith.addi %mul3A_1162, %add3A_1163 : i32
        %get3A_1165 = arith.index_cast %add3A_1164 : i32 to index
        %get3A_1166 = arith.constant 64 : index
        %get3A_1167 = tpu.vector_load %arg16[%get3A_1165, %get3A_1166] {strides = array<i32>} : memref<320x128xf32, #tpu.memory_space<vmem>>, vector<1x16xf32>,
        %get3A_1168 = vector.shape_cast %get3A_1167 : vector<1x16xf32> to vector<16xf32>
        %mul3A_1169 = arith.mulf %get3A_1168, %get3A_239 : vector<16xf32>
        %add3A_1170 = arith.addf %add3A_1160, %mul3A_1169 : vector<16xf32>
        %mul3A_1171 = arith.constant 20 : i32
        %mul3A_1172 = arith.muli %scan3A_219, %mul3A_1171 : i32
        %add3A_1173 = arith.constant 11 : i32
        %add3A_1174 = arith.addi %mul3A_1172, %add3A_1173 : i32
        %get3A_1175 = arith.index_cast %add3A_1174 : i32 to index
        %get3A_1176 = arith.constant 80 : index
        %get3A_1177 = tpu.vector_load %arg16[%get3A_1175, %get3A_1176] {strides = array<i32>} : memref<320x128xf32, #tpu.memory_space<vmem>>, vector<1x16xf32>,
        %get3A_1178 = vector.shape_cast %get3A_1177 : vector<1x16xf32> to vector<16xf32>
        %mul3A_1179 = arith.mulf %get3A_1178, %get3A_243 : vector<16xf32>
        %add3A_1180 = arith.addf %add3A_1170, %mul3A_1179 : vector<16xf32>
        %mul3A_1181 = arith.constant 20 : i32
        %mul3A_1182 = arith.muli %scan3A_219, %mul3A_1181 : i32
        %add3A_1183 = arith.constant 11 : i32
        %add3A_1184 = arith.addi %mul3A_1182, %add3A_1183 : i32
        %get3A_1185 = arith.index_cast %add3A_1184 : i32 to index
        %get3A_1186 = arith.constant 96 : index
        %get3A_1187 = tpu.vector_load %arg16[%get3A_1185, %get3A_1186] {strides = array<i32>} : memref<320x128xf32, #tpu.memory_space<vmem>>, vector<1x16xf32>,
        %get3A_1188 = vector.shape_cast %get3A_1187 : vector<1x16xf32> to vector<16xf32>
        %mul3A_1189 = arith.mulf %get3A_1188, %get3A_247 : vector<16xf32>
        %add3A_1190 = arith.addf %add3A_1180, %mul3A_1189 : vector<16xf32>
        %mul3A_1191 = arith.constant 20 : i32
        %mul3A_1192 = arith.muli %scan3A_219, %mul3A_1191 : i32
        %add3A_1193 = arith.constant 11 : i32
        %add3A_1194 = arith.addi %mul3A_1192, %add3A_1193 : i32
        %get3A_1195 = arith.index_cast %add3A_1194 : i32 to index
        %get3A_1196 = arith.constant 112 : index
        %get3A_1197 = tpu.vector_load %arg16[%get3A_1195, %get3A_1196] {strides = array<i32>} : memref<320x128xf32, #tpu.memory_space<vmem>>, vector<1x16xf32>,
        %get3A_1198 = vector.shape_cast %get3A_1197 : vector<1x16xf32> to vector<16xf32>
        %mul3A_1199 = arith.mulf %get3A_1198, %get3A_251 : vector<16xf32>
        %add3A_1200 = arith.addf %add3A_1190, %mul3A_1199 : vector<16xf32>
        %mul3A_1201 = arith.constant 20 : i32
        %mul3A_1202 = arith.muli %scan3A_219, %mul3A_1201 : i32
        %add3A_1203 = arith.constant 12 : i32
        %add3A_1204 = arith.addi %mul3A_1202, %add3A_1203 : i32
        %get3A_1205 = arith.index_cast %add3A_1204 : i32 to index
        %get3A_1206 = arith.constant 0 : index
        %get3A_1207 = tpu.vector_load %arg16[%get3A_1205, %get3A_1206] {strides = array<i32>} : memref<320x128xf32, #tpu.memory_space<vmem>>, vector<1x16xf32>,
        %get3A_1208 = vector.shape_cast %get3A_1207 : vector<1x16xf32> to vector<16xf32>
        %mul3A_1209 = arith.mulf %get3A_1208, %get3A_223 : vector<16xf32>
        %mul3A_1210 = arith.constant 20 : i32
        %mul3A_1211 = arith.muli %scan3A_219, %mul3A_1210 : i32
        %add3A_1212 = arith.constant 12 : i32
        %add3A_1213 = arith.addi %mul3A_1211, %add3A_1212 : i32
        %get3A_1214 = arith.index_cast %add3A_1213 : i32 to index
        %get3A_1215 = arith.constant 16 : index
        %get3A_1216 = tpu.vector_load %arg16[%get3A_1214, %get3A_1215] {strides = array<i32>} : memref<320x128xf32, #tpu.memory_space<vmem>>, vector<1x16xf32>,
        %get3A_1217 = vector.shape_cast %get3A_1216 : vector<1x16xf32> to vector<16xf32>
        %mul3A_1218 = arith.mulf %get3A_1217, %get3A_227 : vector<16xf32>
        %add3A_1219 = arith.addf %mul3A_1209, %mul3A_1218 : vector<16xf32>
        %mul3A_1220 = arith.constant 20 : i32
        %mul3A_1221 = arith.muli %scan3A_219, %mul3A_1220 : i32
        %add3A_1222 = arith.constant 12 : i32
        %add3A_1223 = arith.addi %mul3A_1221, %add3A_1222 : i32
        %get3A_1224 = arith.index_cast %add3A_1223 : i32 to index
        %get3A_1225 = arith.constant 32 : index
        %get3A_1226 = tpu.vector_load %arg16[%get3A_1224, %get3A_1225] {strides = array<i32>} : memref<320x128xf32, #tpu.memory_space<vmem>>, vector<1x16xf32>,
        %get3A_1227 = vector.shape_cast %get3A_1226 : vector<1x16xf32> to vector<16xf32>
        %mul3A_1228 = arith.mulf %get3A_1227, %get3A_231 : vector<16xf32>
        %add3A_1229 = arith.addf %add3A_1219, %mul3A_1228 : vector<16xf32>
        %mul3A_1230 = arith.constant 20 : i32
        %mul3A_1231 = arith.muli %scan3A_219, %mul3A_1230 : i32
        %add3A_1232 = arith.constant 12 : i32
        %add3A_1233 = arith.addi %mul3A_1231, %add3A_1232 : i32
        %get3A_1234 = arith.index_cast %add3A_1233 : i32 to index
        %get3A_1235 = arith.constant 48 : index
        %get3A_1236 = tpu.vector_load %arg16[%get3A_1234, %get3A_1235] {strides = array<i32>} : memref<320x128xf32, #tpu.memory_space<vmem>>, vector<1x16xf32>,
        %get3A_1237 = vector.shape_cast %get3A_1236 : vector<1x16xf32> to vector<16xf32>
        %mul3A_1238 = arith.mulf %get3A_1237, %get3A_235 : vector<16xf32>
        %add3A_1239 = arith.addf %add3A_1229, %mul3A_1238 : vector<16xf32>
        %mul3A_1240 = arith.constant 20 : i32
        %mul3A_1241 = arith.muli %scan3A_219, %mul3A_1240 : i32
        %add3A_1242 = arith.constant 12 : i32
        %add3A_1243 = arith.addi %mul3A_1241, %add3A_1242 : i32
        %get3A_1244 = arith.index_cast %add3A_1243 : i32 to index
        %get3A_1245 = arith.constant 64 : index
        %get3A_1246 = tpu.vector_load %arg16[%get3A_1244, %get3A_1245] {strides = array<i32>} : memref<320x128xf32, #tpu.memory_space<vmem>>, vector<1x16xf32>,
        %get3A_1247 = vector.shape_cast %get3A_1246 : vector<1x16xf32> to vector<16xf32>
        %mul3A_1248 = arith.mulf %get3A_1247, %get3A_239 : vector<16xf32>
        %add3A_1249 = arith.addf %add3A_1239, %mul3A_1248 : vector<16xf32>
        %mul3A_1250 = arith.constant 20 : i32
        %mul3A_1251 = arith.muli %scan3A_219, %mul3A_1250 : i32
        %add3A_1252 = arith.constant 12 : i32
        %add3A_1253 = arith.addi %mul3A_1251, %add3A_1252 : i32
        %get3A_1254 = arith.index_cast %add3A_1253 : i32 to index
        %get3A_1255 = arith.constant 80 : index
        %get3A_1256 = tpu.vector_load %arg16[%get3A_1254, %get3A_1255] {strides = array<i32>} : memref<320x128xf32, #tpu.memory_space<vmem>>, vector<1x16xf32>,
        %get3A_1257 = vector.shape_cast %get3A_1256 : vector<1x16xf32> to vector<16xf32>
        %mul3A_1258 = arith.mulf %get3A_1257, %get3A_243 : vector<16xf32>
        %add3A_1259 = arith.addf %add3A_1249, %mul3A_1258 : vector<16xf32>
        %mul3A_1260 = arith.constant 20 : i32
        %mul3A_1261 = arith.muli %scan3A_219, %mul3A_1260 : i32
        %add3A_1262 = arith.constant 12 : i32
        %add3A_1263 = arith.addi %mul3A_1261, %add3A_1262 : i32
        %get3A_1264 = arith.index_cast %add3A_1263 : i32 to index
        %get3A_1265 = arith.constant 96 : index
        %get3A_1266 = tpu.vector_load %arg16[%get3A_1264, %get3A_1265] {strides = array<i32>} : memref<320x128xf32, #tpu.memory_space<vmem>>, vector<1x16xf32>,
        %get3A_1267 = vector.shape_cast %get3A_1266 : vector<1x16xf32> to vector<16xf32>
        %mul3A_1268 = arith.mulf %get3A_1267, %get3A_247 : vector<16xf32>
        %add3A_1269 = arith.addf %add3A_1259, %mul3A_1268 : vector<16xf32>
        %mul3A_1270 = arith.constant 20 : i32
        %mul3A_1271 = arith.muli %scan3A_219, %mul3A_1270 : i32
        %add3A_1272 = arith.constant 12 : i32
        %add3A_1273 = arith.addi %mul3A_1271, %add3A_1272 : i32
        %get3A_1274 = arith.index_cast %add3A_1273 : i32 to index
        %get3A_1275 = arith.constant 112 : index
        %get3A_1276 = tpu.vector_load %arg16[%get3A_1274, %get3A_1275] {strides = array<i32>} : memref<320x128xf32, #tpu.memory_space<vmem>>, vector<1x16xf32>,
        %get3A_1277 = vector.shape_cast %get3A_1276 : vector<1x16xf32> to vector<16xf32>
        %mul3A_1278 = arith.mulf %get3A_1277, %get3A_251 : vector<16xf32>
        %add3A_1279 = arith.addf %add3A_1269, %mul3A_1278 : vector<16xf32>
        %mul3A_1280 = arith.constant 20 : i32
        %mul3A_1281 = arith.muli %scan3A_219, %mul3A_1280 : i32
        %add3A_1282 = arith.constant 13 : i32
        %add3A_1283 = arith.addi %mul3A_1281, %add3A_1282 : i32
        %get3A_1284 = arith.index_cast %add3A_1283 : i32 to index
        %get3A_1285 = arith.constant 0 : index
        %get3A_1286 = tpu.vector_load %arg16[%get3A_1284, %get3A_1285] {strides = array<i32>} : memref<320x128xf32, #tpu.memory_space<vmem>>, vector<1x16xf32>,
        %get3A_1287 = vector.shape_cast %get3A_1286 : vector<1x16xf32> to vector<16xf32>
        %mul3A_1288 = arith.mulf %get3A_1287, %get3A_223 : vector<16xf32>
        %mul3A_1289 = arith.constant 20 : i32
        %mul3A_1290 = arith.muli %scan3A_219, %mul3A_1289 : i32
        %add3A_1291 = arith.constant 13 : i32
        %add3A_1292 = arith.addi %mul3A_1290, %add3A_1291 : i32
        %get3A_1293 = arith.index_cast %add3A_1292 : i32 to index
        %get3A_1294 = arith.constant 16 : index
        %get3A_1295 = tpu.vector_load %arg16[%get3A_1293, %get3A_1294] {strides = array<i32>} : memref<320x128xf32, #tpu.memory_space<vmem>>, vector<1x16xf32>,
        %get3A_1296 = vector.shape_cast %get3A_1295 : vector<1x16xf32> to vector<16xf32>
        %mul3A_1297 = arith.mulf %get3A_1296, %get3A_227 : vector<16xf32>
        %add3A_1298 = arith.addf %mul3A_1288, %mul3A_1297 : vector<16xf32>
        %mul3A_1299 = arith.constant 20 : i32
        %mul3A_1300 = arith.muli %scan3A_219, %mul3A_1299 : i32
        %add3A_1301 = arith.constant 13 : i32
        %add3A_1302 = arith.addi %mul3A_1300, %add3A_1301 : i32
        %get3A_1303 = arith.index_cast %add3A_1302 : i32 to index
        %get3A_1304 = arith.constant 32 : index
        %get3A_1305 = tpu.vector_load %arg16[%get3A_1303, %get3A_1304] {strides = array<i32>} : memref<320x128xf32, #tpu.memory_space<vmem>>, vector<1x16xf32>,
        %get3A_1306 = vector.shape_cast %get3A_1305 : vector<1x16xf32> to vector<16xf32>
        %mul3A_1307 = arith.mulf %get3A_1306, %get3A_231 : vector<16xf32>
        %add3A_1308 = arith.addf %add3A_1298, %mul3A_1307 : vector<16xf32>
        %mul3A_1309 = arith.constant 20 : i32
        %mul3A_1310 = arith.muli %scan3A_219, %mul3A_1309 : i32
        %add3A_1311 = arith.constant 13 : i32
        %add3A_1312 = arith.addi %mul3A_1310, %add3A_1311 : i32
        %get3A_1313 = arith.index_cast %add3A_1312 : i32 to index
        %get3A_1314 = arith.constant 48 : index
        %get3A_1315 = tpu.vector_load %arg16[%get3A_1313, %get3A_1314] {strides = array<i32>} : memref<320x128xf32, #tpu.memory_space<vmem>>, vector<1x16xf32>,
        %get3A_1316 = vector.shape_cast %get3A_1315 : vector<1x16xf32> to vector<16xf32>
        %mul3A_1317 = arith.mulf %get3A_1316, %get3A_235 : vector<16xf32>
        %add3A_1318 = arith.addf %add3A_1308, %mul3A_1317 : vector<16xf32>
        %mul3A_1319 = arith.constant 20 : i32
        %mul3A_1320 = arith.muli %scan3A_219, %mul3A_1319 : i32
        %add3A_1321 = arith.constant 13 : i32
        %add3A_1322 = arith.addi %mul3A_1320, %add3A_1321 : i32
        %get3A_1323 = arith.index_cast %add3A_1322 : i32 to index
        %get3A_1324 = arith.constant 64 : index
        %get3A_1325 = tpu.vector_load %arg16[%get3A_1323, %get3A_1324] {strides = array<i32>} : memref<320x128xf32, #tpu.memory_space<vmem>>, vector<1x16xf32>,
        %get3A_1326 = vector.shape_cast %get3A_1325 : vector<1x16xf32> to vector<16xf32>
        %mul3A_1327 = arith.mulf %get3A_1326, %get3A_239 : vector<16xf32>
        %add3A_1328 = arith.addf %add3A_1318, %mul3A_1327 : vector<16xf32>
        %mul3A_1329 = arith.constant 20 : i32
        %mul3A_1330 = arith.muli %scan3A_219, %mul3A_1329 : i32
        %add3A_1331 = arith.constant 13 : i32
        %add3A_1332 = arith.addi %mul3A_1330, %add3A_1331 : i32
        %get3A_1333 = arith.index_cast %add3A_1332 : i32 to index
        %get3A_1334 = arith.constant 80 : index
        %get3A_1335 = tpu.vector_load %arg16[%get3A_1333, %get3A_1334] {strides = array<i32>} : memref<320x128xf32, #tpu.memory_space<vmem>>, vector<1x16xf32>,
        %get3A_1336 = vector.shape_cast %get3A_1335 : vector<1x16xf32> to vector<16xf32>
        %mul3A_1337 = arith.mulf %get3A_1336, %get3A_243 : vector<16xf32>
        %add3A_1338 = arith.addf %add3A_1328, %mul3A_1337 : vector<16xf32>
        %mul3A_1339 = arith.constant 20 : i32
        %mul3A_1340 = arith.muli %scan3A_219, %mul3A_1339 : i32
        %add3A_1341 = arith.constant 13 : i32
        %add3A_1342 = arith.addi %mul3A_1340, %add3A_1341 : i32
        %get3A_1343 = arith.index_cast %add3A_1342 : i32 to index
        %get3A_1344 = arith.constant 96 : index
        %get3A_1345 = tpu.vector_load %arg16[%get3A_1343, %get3A_1344] {strides = array<i32>} : memref<320x128xf32, #tpu.memory_space<vmem>>, vector<1x16xf32>,
        %get3A_1346 = vector.shape_cast %get3A_1345 : vector<1x16xf32> to vector<16xf32>
        %mul3A_1347 = arith.mulf %get3A_1346, %get3A_247 : vector<16xf32>
        %add3A_1348 = arith.addf %add3A_1338, %mul3A_1347 : vector<16xf32>
        %mul3A_1349 = arith.constant 20 : i32
        %mul3A_1350 = arith.muli %scan3A_219, %mul3A_1349 : i32
        %add3A_1351 = arith.constant 13 : i32
        %add3A_1352 = arith.addi %mul3A_1350, %add3A_1351 : i32
        %get3A_1353 = arith.index_cast %add3A_1352 : i32 to index
        %get3A_1354 = arith.constant 112 : index
        %get3A_1355 = tpu.vector_load %arg16[%get3A_1353, %get3A_1354] {strides = array<i32>} : memref<320x128xf32, #tpu.memory_space<vmem>>, vector<1x16xf32>,
        %get3A_1356 = vector.shape_cast %get3A_1355 : vector<1x16xf32> to vector<16xf32>
        %mul3A_1357 = arith.mulf %get3A_1356, %get3A_251 : vector<16xf32>
        %add3A_1358 = arith.addf %add3A_1348, %mul3A_1357 : vector<16xf32>
        %mul3A_1359 = arith.constant 20 : i32
        %mul3A_1360 = arith.muli %scan3A_219, %mul3A_1359 : i32
        %add3A_1361 = arith.constant 14 : i32
        %add3A_1362 = arith.addi %mul3A_1360, %add3A_1361 : i32
        %get3A_1363 = arith.index_cast %add3A_1362 : i32 to index
        %get3A_1364 = arith.constant 0 : index
        %get3A_1365 = tpu.vector_load %arg16[%get3A_1363, %get3A_1364] {strides = array<i32>} : memref<320x128xf32, #tpu.memory_space<vmem>>, vector<1x16xf32>,
        %get3A_1366 = vector.shape_cast %get3A_1365 : vector<1x16xf32> to vector<16xf32>
        %mul3A_1367 = arith.mulf %get3A_1366, %get3A_223 : vector<16xf32>
        %mul3A_1368 = arith.constant 20 : i32
        %mul3A_1369 = arith.muli %scan3A_219, %mul3A_1368 : i32
        %add3A_1370 = arith.constant 14 : i32
        %add3A_1371 = arith.addi %mul3A_1369, %add3A_1370 : i32
        %get3A_1372 = arith.index_cast %add3A_1371 : i32 to index
        %get3A_1373 = arith.constant 16 : index
        %get3A_1374 = tpu.vector_load %arg16[%get3A_1372, %get3A_1373] {strides = array<i32>} : memref<320x128xf32, #tpu.memory_space<vmem>>, vector<1x16xf32>,
        %get3A_1375 = vector.shape_cast %get3A_1374 : vector<1x16xf32> to vector<16xf32>
        %mul3A_1376 = arith.mulf %get3A_1375, %get3A_227 : vector<16xf32>
        %add3A_1377 = arith.addf %mul3A_1367, %mul3A_1376 : vector<16xf32>
        %mul3A_1378 = arith.constant 20 : i32
        %mul3A_1379 = arith.muli %scan3A_219, %mul3A_1378 : i32
        %add3A_1380 = arith.constant 14 : i32
        %add3A_1381 = arith.addi %mul3A_1379, %add3A_1380 : i32
        %get3A_1382 = arith.index_cast %add3A_1381 : i32 to index
        %get3A_1383 = arith.constant 32 : index
        %get3A_1384 = tpu.vector_load %arg16[%get3A_1382, %get3A_1383] {strides = array<i32>} : memref<320x128xf32, #tpu.memory_space<vmem>>, vector<1x16xf32>,
        %get3A_1385 = vector.shape_cast %get3A_1384 : vector<1x16xf32> to vector<16xf32>
        %mul3A_1386 = arith.mulf %get3A_1385, %get3A_231 : vector<16xf32>
        %add3A_1387 = arith.addf %add3A_1377, %mul3A_1386 : vector<16xf32>
        %mul3A_1388 = arith.constant 20 : i32
        %mul3A_1389 = arith.muli %scan3A_219, %mul3A_1388 : i32
        %add3A_1390 = arith.constant 14 : i32
        %add3A_1391 = arith.addi %mul3A_1389, %add3A_1390 : i32
        %get3A_1392 = arith.index_cast %add3A_1391 : i32 to index
        %get3A_1393 = arith.constant 48 : index
        %get3A_1394 = tpu.vector_load %arg16[%get3A_1392, %get3A_1393] {strides = array<i32>} : memref<320x128xf32, #tpu.memory_space<vmem>>, vector<1x16xf32>,
        %get3A_1395 = vector.shape_cast %get3A_1394 : vector<1x16xf32> to vector<16xf32>
        %mul3A_1396 = arith.mulf %get3A_1395, %get3A_235 : vector<16xf32>
        %add3A_1397 = arith.addf %add3A_1387, %mul3A_1396 : vector<16xf32>
        %mul3A_1398 = arith.constant 20 : i32
        %mul3A_1399 = arith.muli %scan3A_219, %mul3A_1398 : i32
        %add3A_1400 = arith.constant 14 : i32
        %add3A_1401 = arith.addi %mul3A_1399, %add3A_1400 : i32
        %get3A_1402 = arith.index_cast %add3A_1401 : i32 to index
        %get3A_1403 = arith.constant 64 : index
        %get3A_1404 = tpu.vector_load %arg16[%get3A_1402, %get3A_1403] {strides = array<i32>} : memref<320x128xf32, #tpu.memory_space<vmem>>, vector<1x16xf32>,
        %get3A_1405 = vector.shape_cast %get3A_1404 : vector<1x16xf32> to vector<16xf32>
        %mul3A_1406 = arith.mulf %get3A_1405, %get3A_239 : vector<16xf32>
        %add3A_1407 = arith.addf %add3A_1397, %mul3A_1406 : vector<16xf32>
        %mul3A_1408 = arith.constant 20 : i32
        %mul3A_1409 = arith.muli %scan3A_219, %mul3A_1408 : i32
        %add3A_1410 = arith.constant 14 : i32
        %add3A_1411 = arith.addi %mul3A_1409, %add3A_1410 : i32
        %get3A_1412 = arith.index_cast %add3A_1411 : i32 to index
        %get3A_1413 = arith.constant 80 : index
        %get3A_1414 = tpu.vector_load %arg16[%get3A_1412, %get3A_1413] {strides = array<i32>} : memref<320x128xf32, #tpu.memory_space<vmem>>, vector<1x16xf32>,
        %get3A_1415 = vector.shape_cast %get3A_1414 : vector<1x16xf32> to vector<16xf32>
        %mul3A_1416 = arith.mulf %get3A_1415, %get3A_243 : vector<16xf32>
        %add3A_1417 = arith.addf %add3A_1407, %mul3A_1416 : vector<16xf32>
        %mul3A_1418 = arith.constant 20 : i32
        %mul3A_1419 = arith.muli %scan3A_219, %mul3A_1418 : i32
        %add3A_1420 = arith.constant 14 : i32
        %add3A_1421 = arith.addi %mul3A_1419, %add3A_1420 : i32
        %get3A_1422 = arith.index_cast %add3A_1421 : i32 to index
        %get3A_1423 = arith.constant 96 : index
        %get3A_1424 = tpu.vector_load %arg16[%get3A_1422, %get3A_1423] {strides = array<i32>} : memref<320x128xf32, #tpu.memory_space<vmem>>, vector<1x16xf32>,
        %get3A_1425 = vector.shape_cast %get3A_1424 : vector<1x16xf32> to vector<16xf32>
        %mul3A_1426 = arith.mulf %get3A_1425, %get3A_247 : vector<16xf32>
        %add3A_1427 = arith.addf %add3A_1417, %mul3A_1426 : vector<16xf32>
        %mul3A_1428 = arith.constant 20 : i32
        %mul3A_1429 = arith.muli %scan3A_219, %mul3A_1428 : i32
        %add3A_1430 = arith.constant 14 : i32
        %add3A_1431 = arith.addi %mul3A_1429, %add3A_1430 : i32
        %get3A_1432 = arith.index_cast %add3A_1431 : i32 to index
        %get3A_1433 = arith.constant 112 : index
        %get3A_1434 = tpu.vector_load %arg16[%get3A_1432, %get3A_1433] {strides = array<i32>} : memref<320x128xf32, #tpu.memory_space<vmem>>, vector<1x16xf32>,
        %get3A_1435 = vector.shape_cast %get3A_1434 : vector<1x16xf32> to vector<16xf32>
        %mul3A_1436 = arith.mulf %get3A_1435, %get3A_251 : vector<16xf32>
        %add3A_1437 = arith.addf %add3A_1427, %mul3A_1436 : vector<16xf32>
        %mul3A_1438 = arith.constant 20 : i32
        %mul3A_1439 = arith.muli %scan3A_219, %mul3A_1438 : i32
        %add3A_1440 = arith.constant 15 : i32
        %add3A_1441 = arith.addi %mul3A_1439, %add3A_1440 : i32
        %get3A_1442 = arith.index_cast %add3A_1441 : i32 to index
        %get3A_1443 = arith.constant 0 : index
        %get3A_1444 = tpu.vector_load %arg16[%get3A_1442, %get3A_1443] {strides = array<i32>} : memref<320x128xf32, #tpu.memory_space<vmem>>, vector<1x16xf32>,
        %get3A_1445 = vector.shape_cast %get3A_1444 : vector<1x16xf32> to vector<16xf32>
        %mul3A_1446 = arith.mulf %get3A_1445, %get3A_223 : vector<16xf32>
        %mul3A_1447 = arith.constant 20 : i32
        %mul3A_1448 = arith.muli %scan3A_219, %mul3A_1447 : i32
        %add3A_1449 = arith.constant 15 : i32
        %add3A_1450 = arith.addi %mul3A_1448, %add3A_1449 : i32
        %get3A_1451 = arith.index_cast %add3A_1450 : i32 to index
        %get3A_1452 = arith.constant 16 : index
        %get3A_1453 = tpu.vector_load %arg16[%get3A_1451, %get3A_1452] {strides = array<i32>} : memref<320x128xf32, #tpu.memory_space<vmem>>, vector<1x16xf32>,
        %get3A_1454 = vector.shape_cast %get3A_1453 : vector<1x16xf32> to vector<16xf32>
        %mul3A_1455 = arith.mulf %get3A_1454, %get3A_227 : vector<16xf32>
        %add3A_1456 = arith.addf %mul3A_1446, %mul3A_1455 : vector<16xf32>
        %mul3A_1457 = arith.constant 20 : i32
        %mul3A_1458 = arith.muli %scan3A_219, %mul3A_1457 : i32
        %add3A_1459 = arith.constant 15 : i32
        %add3A_1460 = arith.addi %mul3A_1458, %add3A_1459 : i32
        %get3A_1461 = arith.index_cast %add3A_1460 : i32 to index
        %get3A_1462 = arith.constant 32 : index
        %get3A_1463 = tpu.vector_load %arg16[%get3A_1461, %get3A_1462] {strides = array<i32>} : memref<320x128xf32, #tpu.memory_space<vmem>>, vector<1x16xf32>,
        %get3A_1464 = vector.shape_cast %get3A_1463 : vector<1x16xf32> to vector<16xf32>
        %mul3A_1465 = arith.mulf %get3A_1464, %get3A_231 : vector<16xf32>
        %add3A_1466 = arith.addf %add3A_1456, %mul3A_1465 : vector<16xf32>
        %mul3A_1467 = arith.constant 20 : i32
        %mul3A_1468 = arith.muli %scan3A_219, %mul3A_1467 : i32
        %add3A_1469 = arith.constant 15 : i32
        %add3A_1470 = arith.addi %mul3A_1468, %add3A_1469 : i32
        %get3A_1471 = arith.index_cast %add3A_1470 : i32 to index
        %get3A_1472 = arith.constant 48 : index
        %get3A_1473 = tpu.vector_load %arg16[%get3A_1471, %get3A_1472] {strides = array<i32>} : memref<320x128xf32, #tpu.memory_space<vmem>>, vector<1x16xf32>,
        %get3A_1474 = vector.shape_cast %get3A_1473 : vector<1x16xf32> to vector<16xf32>
        %mul3A_1475 = arith.mulf %get3A_1474, %get3A_235 : vector<16xf32>
        %add3A_1476 = arith.addf %add3A_1466, %mul3A_1475 : vector<16xf32>
        %mul3A_1477 = arith.constant 20 : i32
        %mul3A_1478 = arith.muli %scan3A_219, %mul3A_1477 : i32
        %add3A_1479 = arith.constant 15 : i32
        %add3A_1480 = arith.addi %mul3A_1478, %add3A_1479 : i32
        %get3A_1481 = arith.index_cast %add3A_1480 : i32 to index
        %get3A_1482 = arith.constant 64 : index
        %get3A_1483 = tpu.vector_load %arg16[%get3A_1481, %get3A_1482] {strides = array<i32>} : memref<320x128xf32, #tpu.memory_space<vmem>>, vector<1x16xf32>,
        %get3A_1484 = vector.shape_cast %get3A_1483 : vector<1x16xf32> to vector<16xf32>
        %mul3A_1485 = arith.mulf %get3A_1484, %get3A_239 : vector<16xf32>
        %add3A_1486 = arith.addf %add3A_1476, %mul3A_1485 : vector<16xf32>
        %mul3A_1487 = arith.constant 20 : i32
        %mul3A_1488 = arith.muli %scan3A_219, %mul3A_1487 : i32
        %add3A_1489 = arith.constant 15 : i32
        %add3A_1490 = arith.addi %mul3A_1488, %add3A_1489 : i32
        %get3A_1491 = arith.index_cast %add3A_1490 : i32 to index
        %get3A_1492 = arith.constant 80 : index
        %get3A_1493 = tpu.vector_load %arg16[%get3A_1491, %get3A_1492] {strides = array<i32>} : memref<320x128xf32, #tpu.memory_space<vmem>>, vector<1x16xf32>,
        %get3A_1494 = vector.shape_cast %get3A_1493 : vector<1x16xf32> to vector<16xf32>
        %mul3A_1495 = arith.mulf %get3A_1494, %get3A_243 : vector<16xf32>
        %add3A_1496 = arith.addf %add3A_1486, %mul3A_1495 : vector<16xf32>
        %mul3A_1497 = arith.constant 20 : i32
        %mul3A_1498 = arith.muli %scan3A_219, %mul3A_1497 : i32
        %add3A_1499 = arith.constant 15 : i32
        %add3A_1500 = arith.addi %mul3A_1498, %add3A_1499 : i32
        %get3A_1501 = arith.index_cast %add3A_1500 : i32 to index
        %get3A_1502 = arith.constant 96 : index
        %get3A_1503 = tpu.vector_load %arg16[%get3A_1501, %get3A_1502] {strides = array<i32>} : memref<320x128xf32, #tpu.memory_space<vmem>>, vector<1x16xf32>,
        %get3A_1504 = vector.shape_cast %get3A_1503 : vector<1x16xf32> to vector<16xf32>
        %mul3A_1505 = arith.mulf %get3A_1504, %get3A_247 : vector<16xf32>
        %add3A_1506 = arith.addf %add3A_1496, %mul3A_1505 : vector<16xf32>
        %mul3A_1507 = arith.constant 20 : i32
        %mul3A_1508 = arith.muli %scan3A_219, %mul3A_1507 : i32
        %add3A_1509 = arith.constant 15 : i32
        %add3A_1510 = arith.addi %mul3A_1508, %add3A_1509 : i32
        %get3A_1511 = arith.index_cast %add3A_1510 : i32 to index
        %get3A_1512 = arith.constant 112 : index
        %get3A_1513 = tpu.vector_load %arg16[%get3A_1511, %get3A_1512] {strides = array<i32>} : memref<320x128xf32, #tpu.memory_space<vmem>>, vector<1x16xf32>,
        %get3A_1514 = vector.shape_cast %get3A_1513 : vector<1x16xf32> to vector<16xf32>
        %mul3A_1515 = arith.mulf %get3A_1514, %get3A_251 : vector<16xf32>
        %add3A_1516 = arith.addf %add3A_1506, %mul3A_1515 : vector<16xf32>
        %mul3A_1517 = arith.constant 20 : i32
        %mul3A_1518 = arith.muli %scan3A_219, %mul3A_1517 : i32
        %add3A_1519 = arith.constant 16 : i32
        %add3A_1520 = arith.addi %mul3A_1518, %add3A_1519 : i32
        %get3A_1521 = arith.index_cast %add3A_1520 : i32 to index
        %get3A_1522 = arith.constant 0 : index
        %get3A_1523 = tpu.vector_load %arg16[%get3A_1521, %get3A_1522] {strides = array<i32>} : memref<320x128xf32, #tpu.memory_space<vmem>>, vector<1x16xf32>,
        %get3A_1524 = vector.shape_cast %get3A_1523 : vector<1x16xf32> to vector<16xf32>
        %mul3A_1525 = arith.mulf %get3A_1524, %get3A_223 : vector<16xf32>
        %mul3A_1526 = arith.constant 20 : i32
        %mul3A_1527 = arith.muli %scan3A_219, %mul3A_1526 : i32
        %add3A_1528 = arith.constant 16 : i32
        %add3A_1529 = arith.addi %mul3A_1527, %add3A_1528 : i32
        %get3A_1530 = arith.index_cast %add3A_1529 : i32 to index
        %get3A_1531 = arith.constant 16 : index
        %get3A_1532 = tpu.vector_load %arg16[%get3A_1530, %get3A_1531] {strides = array<i32>} : memref<320x128xf32, #tpu.memory_space<vmem>>, vector<1x16xf32>,
        %get3A_1533 = vector.shape_cast %get3A_1532 : vector<1x16xf32> to vector<16xf32>
        %mul3A_1534 = arith.mulf %get3A_1533, %get3A_227 : vector<16xf32>
        %add3A_1535 = arith.addf %mul3A_1525, %mul3A_1534 : vector<16xf32>
        %mul3A_1536 = arith.constant 20 : i32
        %mul3A_1537 = arith.muli %scan3A_219, %mul3A_1536 : i32
        %add3A_1538 = arith.constant 16 : i32
        %add3A_1539 = arith.addi %mul3A_1537, %add3A_1538 : i32
        %get3A_1540 = arith.index_cast %add3A_1539 : i32 to index
        %get3A_1541 = arith.constant 32 : index
        %get3A_1542 = tpu.vector_load %arg16[%get3A_1540, %get3A_1541] {strides = array<i32>} : memref<320x128xf32, #tpu.memory_space<vmem>>, vector<1x16xf32>,
        %get3A_1543 = vector.shape_cast %get3A_1542 : vector<1x16xf32> to vector<16xf32>
        %mul3A_1544 = arith.mulf %get3A_1543, %get3A_231 : vector<16xf32>
        %add3A_1545 = arith.addf %add3A_1535, %mul3A_1544 : vector<16xf32>
        %mul3A_1546 = arith.constant 20 : i32
        %mul3A_1547 = arith.muli %scan3A_219, %mul3A_1546 : i32
        %add3A_1548 = arith.constant 16 : i32
        %add3A_1549 = arith.addi %mul3A_1547, %add3A_1548 : i32
        %get3A_1550 = arith.index_cast %add3A_1549 : i32 to index
        %get3A_1551 = arith.constant 48 : index
        %get3A_1552 = tpu.vector_load %arg16[%get3A_1550, %get3A_1551] {strides = array<i32>} : memref<320x128xf32, #tpu.memory_space<vmem>>, vector<1x16xf32>,
        %get3A_1553 = vector.shape_cast %get3A_1552 : vector<1x16xf32> to vector<16xf32>
        %mul3A_1554 = arith.mulf %get3A_1553, %get3A_235 : vector<16xf32>
        %add3A_1555 = arith.addf %add3A_1545, %mul3A_1554 : vector<16xf32>
        %mul3A_1556 = arith.constant 20 : i32
        %mul3A_1557 = arith.muli %scan3A_219, %mul3A_1556 : i32
        %add3A_1558 = arith.constant 16 : i32
        %add3A_1559 = arith.addi %mul3A_1557, %add3A_1558 : i32
        %get3A_1560 = arith.index_cast %add3A_1559 : i32 to index
        %get3A_1561 = arith.constant 64 : index
        %get3A_1562 = tpu.vector_load %arg16[%get3A_1560, %get3A_1561] {strides = array<i32>} : memref<320x128xf32, #tpu.memory_space<vmem>>, vector<1x16xf32>,
        %get3A_1563 = vector.shape_cast %get3A_1562 : vector<1x16xf32> to vector<16xf32>
        %mul3A_1564 = arith.mulf %get3A_1563, %get3A_239 : vector<16xf32>
        %add3A_1565 = arith.addf %add3A_1555, %mul3A_1564 : vector<16xf32>
        %mul3A_1566 = arith.constant 20 : i32
        %mul3A_1567 = arith.muli %scan3A_219, %mul3A_1566 : i32
        %add3A_1568 = arith.constant 16 : i32
        %add3A_1569 = arith.addi %mul3A_1567, %add3A_1568 : i32
        %get3A_1570 = arith.index_cast %add3A_1569 : i32 to index
        %get3A_1571 = arith.constant 80 : index
        %get3A_1572 = tpu.vector_load %arg16[%get3A_1570, %get3A_1571] {strides = array<i32>} : memref<320x128xf32, #tpu.memory_space<vmem>>, vector<1x16xf32>,
        %get3A_1573 = vector.shape_cast %get3A_1572 : vector<1x16xf32> to vector<16xf32>
        %mul3A_1574 = arith.mulf %get3A_1573, %get3A_243 : vector<16xf32>
        %add3A_1575 = arith.addf %add3A_1565, %mul3A_1574 : vector<16xf32>
        %mul3A_1576 = arith.constant 20 : i32
        %mul3A_1577 = arith.muli %scan3A_219, %mul3A_1576 : i32
        %add3A_1578 = arith.constant 16 : i32
        %add3A_1579 = arith.addi %mul3A_1577, %add3A_1578 : i32
        %get3A_1580 = arith.index_cast %add3A_1579 : i32 to index
        %get3A_1581 = arith.constant 96 : index
        %get3A_1582 = tpu.vector_load %arg16[%get3A_1580, %get3A_1581] {strides = array<i32>} : memref<320x128xf32, #tpu.memory_space<vmem>>, vector<1x16xf32>,
        %get3A_1583 = vector.shape_cast %get3A_1582 : vector<1x16xf32> to vector<16xf32>
        %mul3A_1584 = arith.mulf %get3A_1583, %get3A_247 : vector<16xf32>
        %add3A_1585 = arith.addf %add3A_1575, %mul3A_1584 : vector<16xf32>
        %mul3A_1586 = arith.constant 20 : i32
        %mul3A_1587 = arith.muli %scan3A_219, %mul3A_1586 : i32
        %add3A_1588 = arith.constant 16 : i32
        %add3A_1589 = arith.addi %mul3A_1587, %add3A_1588 : i32
        %get3A_1590 = arith.index_cast %add3A_1589 : i32 to index
        %get3A_1591 = arith.constant 112 : index
        %get3A_1592 = tpu.vector_load %arg16[%get3A_1590, %get3A_1591] {strides = array<i32>} : memref<320x128xf32, #tpu.memory_space<vmem>>, vector<1x16xf32>,
        %get3A_1593 = vector.shape_cast %get3A_1592 : vector<1x16xf32> to vector<16xf32>
        %mul3A_1594 = arith.mulf %get3A_1593, %get3A_251 : vector<16xf32>
        %add3A_1595 = arith.addf %add3A_1585, %mul3A_1594 : vector<16xf32>
        %mul3A_1596 = arith.constant 20 : i32
        %mul3A_1597 = arith.muli %scan3A_219, %mul3A_1596 : i32
        %add3A_1598 = arith.constant 17 : i32
        %add3A_1599 = arith.addi %mul3A_1597, %add3A_1598 : i32
        %get3A_1600 = arith.index_cast %add3A_1599 : i32 to index
        %get3A_1601 = arith.constant 0 : index
        %get3A_1602 = tpu.vector_load %arg16[%get3A_1600, %get3A_1601] {strides = array<i32>} : memref<320x128xf32, #tpu.memory_space<vmem>>, vector<1x16xf32>,
        %get3A_1603 = vector.shape_cast %get3A_1602 : vector<1x16xf32> to vector<16xf32>
        %mul3A_1604 = arith.mulf %get3A_1603, %get3A_223 : vector<16xf32>
        %mul3A_1605 = arith.constant 20 : i32
        %mul3A_1606 = arith.muli %scan3A_219, %mul3A_1605 : i32
        %add3A_1607 = arith.constant 17 : i32
        %add3A_1608 = arith.addi %mul3A_1606, %add3A_1607 : i32
        %get3A_1609 = arith.index_cast %add3A_1608 : i32 to index
        %get3A_1610 = arith.constant 16 : index
        %get3A_1611 = tpu.vector_load %arg16[%get3A_1609, %get3A_1610] {strides = array<i32>} : memref<320x128xf32, #tpu.memory_space<vmem>>, vector<1x16xf32>,
        %get3A_1612 = vector.shape_cast %get3A_1611 : vector<1x16xf32> to vector<16xf32>
        %mul3A_1613 = arith.mulf %get3A_1612, %get3A_227 : vector<16xf32>
        %add3A_1614 = arith.addf %mul3A_1604, %mul3A_1613 : vector<16xf32>
        %mul3A_1615 = arith.constant 20 : i32
        %mul3A_1616 = arith.muli %scan3A_219, %mul3A_1615 : i32
        %add3A_1617 = arith.constant 17 : i32
        %add3A_1618 = arith.addi %mul3A_1616, %add3A_1617 : i32
        %get3A_1619 = arith.index_cast %add3A_1618 : i32 to index
        %get3A_1620 = arith.constant 32 : index
        %get3A_1621 = tpu.vector_load %arg16[%get3A_1619, %get3A_1620] {strides = array<i32>} : memref<320x128xf32, #tpu.memory_space<vmem>>, vector<1x16xf32>,
        %get3A_1622 = vector.shape_cast %get3A_1621 : vector<1x16xf32> to vector<16xf32>
        %mul3A_1623 = arith.mulf %get3A_1622, %get3A_231 : vector<16xf32>
        %add3A_1624 = arith.addf %add3A_1614, %mul3A_1623 : vector<16xf32>
        %mul3A_1625 = arith.constant 20 : i32
        %mul3A_1626 = arith.muli %scan3A_219, %mul3A_1625 : i32
        %add3A_1627 = arith.constant 17 : i32
        %add3A_1628 = arith.addi %mul3A_1626, %add3A_1627 : i32
        %get3A_1629 = arith.index_cast %add3A_1628 : i32 to index
        %get3A_1630 = arith.constant 48 : index
        %get3A_1631 = tpu.vector_load %arg16[%get3A_1629, %get3A_1630] {strides = array<i32>} : memref<320x128xf32, #tpu.memory_space<vmem>>, vector<1x16xf32>,
        %get3A_1632 = vector.shape_cast %get3A_1631 : vector<1x16xf32> to vector<16xf32>
        %mul3A_1633 = arith.mulf %get3A_1632, %get3A_235 : vector<16xf32>
        %add3A_1634 = arith.addf %add3A_1624, %mul3A_1633 : vector<16xf32>
        %mul3A_1635 = arith.constant 20 : i32
        %mul3A_1636 = arith.muli %scan3A_219, %mul3A_1635 : i32
        %add3A_1637 = arith.constant 17 : i32
        %add3A_1638 = arith.addi %mul3A_1636, %add3A_1637 : i32
        %get3A_1639 = arith.index_cast %add3A_1638 : i32 to index
        %get3A_1640 = arith.constant 64 : index
        %get3A_1641 = tpu.vector_load %arg16[%get3A_1639, %get3A_1640] {strides = array<i32>} : memref<320x128xf32, #tpu.memory_space<vmem>>, vector<1x16xf32>,
        %get3A_1642 = vector.shape_cast %get3A_1641 : vector<1x16xf32> to vector<16xf32>
        %mul3A_1643 = arith.mulf %get3A_1642, %get3A_239 : vector<16xf32>
        %add3A_1644 = arith.addf %add3A_1634, %mul3A_1643 : vector<16xf32>
        %mul3A_1645 = arith.constant 20 : i32
        %mul3A_1646 = arith.muli %scan3A_219, %mul3A_1645 : i32
        %add3A_1647 = arith.constant 17 : i32
        %add3A_1648 = arith.addi %mul3A_1646, %add3A_1647 : i32
        %get3A_1649 = arith.index_cast %add3A_1648 : i32 to index
        %get3A_1650 = arith.constant 80 : index
        %get3A_1651 = tpu.vector_load %arg16[%get3A_1649, %get3A_1650] {strides = array<i32>} : memref<320x128xf32, #tpu.memory_space<vmem>>, vector<1x16xf32>,
        %get3A_1652 = vector.shape_cast %get3A_1651 : vector<1x16xf32> to vector<16xf32>
        %mul3A_1653 = arith.mulf %get3A_1652, %get3A_243 : vector<16xf32>
        %add3A_1654 = arith.addf %add3A_1644, %mul3A_1653 : vector<16xf32>
        %mul3A_1655 = arith.constant 20 : i32
        %mul3A_1656 = arith.muli %scan3A_219, %mul3A_1655 : i32
        %add3A_1657 = arith.constant 17 : i32
        %add3A_1658 = arith.addi %mul3A_1656, %add3A_1657 : i32
        %get3A_1659 = arith.index_cast %add3A_1658 : i32 to index
        %get3A_1660 = arith.constant 96 : index
        %get3A_1661 = tpu.vector_load %arg16[%get3A_1659, %get3A_1660] {strides = array<i32>} : memref<320x128xf32, #tpu.memory_space<vmem>>, vector<1x16xf32>,
        %get3A_1662 = vector.shape_cast %get3A_1661 : vector<1x16xf32> to vector<16xf32>
        %mul3A_1663 = arith.mulf %get3A_1662, %get3A_247 : vector<16xf32>
        %add3A_1664 = arith.addf %add3A_1654, %mul3A_1663 : vector<16xf32>
        %mul3A_1665 = arith.constant 20 : i32
        %mul3A_1666 = arith.muli %scan3A_219, %mul3A_1665 : i32
        %add3A_1667 = arith.constant 17 : i32
        %add3A_1668 = arith.addi %mul3A_1666, %add3A_1667 : i32
        %get3A_1669 = arith.index_cast %add3A_1668 : i32 to index
        %get3A_1670 = arith.constant 112 : index
        %get3A_1671 = tpu.vector_load %arg16[%get3A_1669, %get3A_1670] {strides = array<i32>} : memref<320x128xf32, #tpu.memory_space<vmem>>, vector<1x16xf32>,
        %get3A_1672 = vector.shape_cast %get3A_1671 : vector<1x16xf32> to vector<16xf32>
        %mul3A_1673 = arith.mulf %get3A_1672, %get3A_251 : vector<16xf32>
        %add3A_1674 = arith.addf %add3A_1664, %mul3A_1673 : vector<16xf32>
        %mul3A_1675 = arith.constant 20 : i32
        %mul3A_1676 = arith.muli %scan3A_219, %mul3A_1675 : i32
        %add3A_1677 = arith.constant 18 : i32
        %add3A_1678 = arith.addi %mul3A_1676, %add3A_1677 : i32
        %get3A_1679 = arith.index_cast %add3A_1678 : i32 to index
        %get3A_1680 = arith.constant 0 : index
        %get3A_1681 = tpu.vector_load %arg16[%get3A_1679, %get3A_1680] {strides = array<i32>} : memref<320x128xf32, #tpu.memory_space<vmem>>, vector<1x16xf32>,
        %get3A_1682 = vector.shape_cast %get3A_1681 : vector<1x16xf32> to vector<16xf32>
        %mul3A_1683 = arith.mulf %get3A_1682, %get3A_223 : vector<16xf32>
        %mul3A_1684 = arith.constant 20 : i32
        %mul3A_1685 = arith.muli %scan3A_219, %mul3A_1684 : i32
        %add3A_1686 = arith.constant 18 : i32
        %add3A_1687 = arith.addi %mul3A_1685, %add3A_1686 : i32
        %get3A_1688 = arith.index_cast %add3A_1687 : i32 to index
        %get3A_1689 = arith.constant 16 : index
        %get3A_1690 = tpu.vector_load %arg16[%get3A_1688, %get3A_1689] {strides = array<i32>} : memref<320x128xf32, #tpu.memory_space<vmem>>, vector<1x16xf32>,
        %get3A_1691 = vector.shape_cast %get3A_1690 : vector<1x16xf32> to vector<16xf32>
        %mul3A_1692 = arith.mulf %get3A_1691, %get3A_227 : vector<16xf32>
        %add3A_1693 = arith.addf %mul3A_1683, %mul3A_1692 : vector<16xf32>
        %mul3A_1694 = arith.constant 20 : i32
        %mul3A_1695 = arith.muli %scan3A_219, %mul3A_1694 : i32
        %add3A_1696 = arith.constant 18 : i32
        %add3A_1697 = arith.addi %mul3A_1695, %add3A_1696 : i32
        %get3A_1698 = arith.index_cast %add3A_1697 : i32 to index
        %get3A_1699 = arith.constant 32 : index
        %get3A_1700 = tpu.vector_load %arg16[%get3A_1698, %get3A_1699] {strides = array<i32>} : memref<320x128xf32, #tpu.memory_space<vmem>>, vector<1x16xf32>,
        %get3A_1701 = vector.shape_cast %get3A_1700 : vector<1x16xf32> to vector<16xf32>
        %mul3A_1702 = arith.mulf %get3A_1701, %get3A_231 : vector<16xf32>
        %add3A_1703 = arith.addf %add3A_1693, %mul3A_1702 : vector<16xf32>
        %mul3A_1704 = arith.constant 20 : i32
        %mul3A_1705 = arith.muli %scan3A_219, %mul3A_1704 : i32
        %add3A_1706 = arith.constant 18 : i32
        %add3A_1707 = arith.addi %mul3A_1705, %add3A_1706 : i32
        %get3A_1708 = arith.index_cast %add3A_1707 : i32 to index
        %get3A_1709 = arith.constant 48 : index
        %get3A_1710 = tpu.vector_load %arg16[%get3A_1708, %get3A_1709] {strides = array<i32>} : memref<320x128xf32, #tpu.memory_space<vmem>>, vector<1x16xf32>,
        %get3A_1711 = vector.shape_cast %get3A_1710 : vector<1x16xf32> to vector<16xf32>
        %mul3A_1712 = arith.mulf %get3A_1711, %get3A_235 : vector<16xf32>
        %add3A_1713 = arith.addf %add3A_1703, %mul3A_1712 : vector<16xf32>
        %mul3A_1714 = arith.constant 20 : i32
        %mul3A_1715 = arith.muli %scan3A_219, %mul3A_1714 : i32
        %add3A_1716 = arith.constant 18 : i32
        %add3A_1717 = arith.addi %mul3A_1715, %add3A_1716 : i32
        %get3A_1718 = arith.index_cast %add3A_1717 : i32 to index
        %get3A_1719 = arith.constant 64 : index
        %get3A_1720 = tpu.vector_load %arg16[%get3A_1718, %get3A_1719] {strides = array<i32>} : memref<320x128xf32, #tpu.memory_space<vmem>>, vector<1x16xf32>,
        %get3A_1721 = vector.shape_cast %get3A_1720 : vector<1x16xf32> to vector<16xf32>
        %mul3A_1722 = arith.mulf %get3A_1721, %get3A_239 : vector<16xf32>
        %add3A_1723 = arith.addf %add3A_1713, %mul3A_1722 : vector<16xf32>
        %mul3A_1724 = arith.constant 20 : i32
        %mul3A_1725 = arith.muli %scan3A_219, %mul3A_1724 : i32
        %add3A_1726 = arith.constant 18 : i32
        %add3A_1727 = arith.addi %mul3A_1725, %add3A_1726 : i32
        %get3A_1728 = arith.index_cast %add3A_1727 : i32 to index
        %get3A_1729 = arith.constant 80 : index
        %get3A_1730 = tpu.vector_load %arg16[%get3A_1728, %get3A_1729] {strides = array<i32>} : memref<320x128xf32, #tpu.memory_space<vmem>>, vector<1x16xf32>,
        %get3A_1731 = vector.shape_cast %get3A_1730 : vector<1x16xf32> to vector<16xf32>
        %mul3A_1732 = arith.mulf %get3A_1731, %get3A_243 : vector<16xf32>
        %add3A_1733 = arith.addf %add3A_1723, %mul3A_1732 : vector<16xf32>
        %mul3A_1734 = arith.constant 20 : i32
        %mul3A_1735 = arith.muli %scan3A_219, %mul3A_1734 : i32
        %add3A_1736 = arith.constant 18 : i32
        %add3A_1737 = arith.addi %mul3A_1735, %add3A_1736 : i32
        %get3A_1738 = arith.index_cast %add3A_1737 : i32 to index
        %get3A_1739 = arith.constant 96 : index
        %get3A_1740 = tpu.vector_load %arg16[%get3A_1738, %get3A_1739] {strides = array<i32>} : memref<320x128xf32, #tpu.memory_space<vmem>>, vector<1x16xf32>,
        %get3A_1741 = vector.shape_cast %get3A_1740 : vector<1x16xf32> to vector<16xf32>
        %mul3A_1742 = arith.mulf %get3A_1741, %get3A_247 : vector<16xf32>
        %add3A_1743 = arith.addf %add3A_1733, %mul3A_1742 : vector<16xf32>
        %mul3A_1744 = arith.constant 20 : i32
        %mul3A_1745 = arith.muli %scan3A_219, %mul3A_1744 : i32
        %add3A_1746 = arith.constant 18 : i32
        %add3A_1747 = arith.addi %mul3A_1745, %add3A_1746 : i32
        %get3A_1748 = arith.index_cast %add3A_1747 : i32 to index
        %get3A_1749 = arith.constant 112 : index
        %get3A_1750 = tpu.vector_load %arg16[%get3A_1748, %get3A_1749] {strides = array<i32>} : memref<320x128xf32, #tpu.memory_space<vmem>>, vector<1x16xf32>,
        %get3A_1751 = vector.shape_cast %get3A_1750 : vector<1x16xf32> to vector<16xf32>
        %mul3A_1752 = arith.mulf %get3A_1751, %get3A_251 : vector<16xf32>
        %add3A_1753 = arith.addf %add3A_1743, %mul3A_1752 : vector<16xf32>
        %mul3A_1754 = arith.constant 20 : i32
        %mul3A_1755 = arith.muli %scan3A_219, %mul3A_1754 : i32
        %add3A_1756 = arith.constant 19 : i32
        %add3A_1757 = arith.addi %mul3A_1755, %add3A_1756 : i32
        %get3A_1758 = arith.index_cast %add3A_1757 : i32 to index
        %get3A_1759 = arith.constant 0 : index
        %get3A_1760 = tpu.vector_load %arg16[%get3A_1758, %get3A_1759] {strides = array<i32>} : memref<320x128xf32, #tpu.memory_space<vmem>>, vector<1x16xf32>,
        %get3A_1761 = vector.shape_cast %get3A_1760 : vector<1x16xf32> to vector<16xf32>
        %mul3A_1762 = arith.mulf %get3A_1761, %get3A_223 : vector<16xf32>
        %mul3A_1763 = arith.constant 20 : i32
        %mul3A_1764 = arith.muli %scan3A_219, %mul3A_1763 : i32
        %add3A_1765 = arith.constant 19 : i32
        %add3A_1766 = arith.addi %mul3A_1764, %add3A_1765 : i32
        %get3A_1767 = arith.index_cast %add3A_1766 : i32 to index
        %get3A_1768 = arith.constant 16 : index
        %get3A_1769 = tpu.vector_load %arg16[%get3A_1767, %get3A_1768] {strides = array<i32>} : memref<320x128xf32, #tpu.memory_space<vmem>>, vector<1x16xf32>,
        %get3A_1770 = vector.shape_cast %get3A_1769 : vector<1x16xf32> to vector<16xf32>
        %mul3A_1771 = arith.mulf %get3A_1770, %get3A_227 : vector<16xf32>
        %add3A_1772 = arith.addf %mul3A_1762, %mul3A_1771 : vector<16xf32>
        %mul3A_1773 = arith.constant 20 : i32
        %mul3A_1774 = arith.muli %scan3A_219, %mul3A_1773 : i32
        %add3A_1775 = arith.constant 19 : i32
        %add3A_1776 = arith.addi %mul3A_1774, %add3A_1775 : i32
        %get3A_1777 = arith.index_cast %add3A_1776 : i32 to index
        %get3A_1778 = arith.constant 32 : index
        %get3A_1779 = tpu.vector_load %arg16[%get3A_1777, %get3A_1778] {strides = array<i32>} : memref<320x128xf32, #tpu.memory_space<vmem>>, vector<1x16xf32>,
        %get3A_1780 = vector.shape_cast %get3A_1779 : vector<1x16xf32> to vector<16xf32>
        %mul3A_1781 = arith.mulf %get3A_1780, %get3A_231 : vector<16xf32>
        %add3A_1782 = arith.addf %add3A_1772, %mul3A_1781 : vector<16xf32>
        %mul3A_1783 = arith.constant 20 : i32
        %mul3A_1784 = arith.muli %scan3A_219, %mul3A_1783 : i32
        %add3A_1785 = arith.constant 19 : i32
        %add3A_1786 = arith.addi %mul3A_1784, %add3A_1785 : i32
        %get3A_1787 = arith.index_cast %add3A_1786 : i32 to index
        %get3A_1788 = arith.constant 48 : index
        %get3A_1789 = tpu.vector_load %arg16[%get3A_1787, %get3A_1788] {strides = array<i32>} : memref<320x128xf32, #tpu.memory_space<vmem>>, vector<1x16xf32>,
        %get3A_1790 = vector.shape_cast %get3A_1789 : vector<1x16xf32> to vector<16xf32>
        %mul3A_1791 = arith.mulf %get3A_1790, %get3A_235 : vector<16xf32>
        %add3A_1792 = arith.addf %add3A_1782, %mul3A_1791 : vector<16xf32>
        %mul3A_1793 = arith.constant 20 : i32
        %mul3A_1794 = arith.muli %scan3A_219, %mul3A_1793 : i32
        %add3A_1795 = arith.constant 19 : i32
        %add3A_1796 = arith.addi %mul3A_1794, %add3A_1795 : i32
        %get3A_1797 = arith.index_cast %add3A_1796 : i32 to index
        %get3A_1798 = arith.constant 64 : index
        %get3A_1799 = tpu.vector_load %arg16[%get3A_1797, %get3A_1798] {strides = array<i32>} : memref<320x128xf32, #tpu.memory_space<vmem>>, vector<1x16xf32>,
        %get3A_1800 = vector.shape_cast %get3A_1799 : vector<1x16xf32> to vector<16xf32>
        %mul3A_1801 = arith.mulf %get3A_1800, %get3A_239 : vector<16xf32>
        %add3A_1802 = arith.addf %add3A_1792, %mul3A_1801 : vector<16xf32>
        %mul3A_1803 = arith.constant 20 : i32
        %mul3A_1804 = arith.muli %scan3A_219, %mul3A_1803 : i32
        %add3A_1805 = arith.constant 19 : i32
        %add3A_1806 = arith.addi %mul3A_1804, %add3A_1805 : i32
        %get3A_1807 = arith.index_cast %add3A_1806 : i32 to index
        %get3A_1808 = arith.constant 80 : index
        %get3A_1809 = tpu.vector_load %arg16[%get3A_1807, %get3A_1808] {strides = array<i32>} : memref<320x128xf32, #tpu.memory_space<vmem>>, vector<1x16xf32>,
        %get3A_1810 = vector.shape_cast %get3A_1809 : vector<1x16xf32> to vector<16xf32>
        %mul3A_1811 = arith.mulf %get3A_1810, %get3A_243 : vector<16xf32>
        %add3A_1812 = arith.addf %add3A_1802, %mul3A_1811 : vector<16xf32>
        %mul3A_1813 = arith.constant 20 : i32
        %mul3A_1814 = arith.muli %scan3A_219, %mul3A_1813 : i32
        %add3A_1815 = arith.constant 19 : i32
        %add3A_1816 = arith.addi %mul3A_1814, %add3A_1815 : i32
        %get3A_1817 = arith.index_cast %add3A_1816 : i32 to index
        %get3A_1818 = arith.constant 96 : index
        %get3A_1819 = tpu.vector_load %arg16[%get3A_1817, %get3A_1818] {strides = array<i32>} : memref<320x128xf32, #tpu.memory_space<vmem>>, vector<1x16xf32>,
        %get3A_1820 = vector.shape_cast %get3A_1819 : vector<1x16xf32> to vector<16xf32>
        %mul3A_1821 = arith.mulf %get3A_1820, %get3A_247 : vector<16xf32>
        %add3A_1822 = arith.addf %add3A_1812, %mul3A_1821 : vector<16xf32>
        %mul3A_1823 = arith.constant 20 : i32
        %mul3A_1824 = arith.muli %scan3A_219, %mul3A_1823 : i32
        %add3A_1825 = arith.constant 19 : i32
        %add3A_1826 = arith.addi %mul3A_1824, %add3A_1825 : i32
        %get3A_1827 = arith.index_cast %add3A_1826 : i32 to index
        %get3A_1828 = arith.constant 112 : index
        %get3A_1829 = tpu.vector_load %arg16[%get3A_1827, %get3A_1828] {strides = array<i32>} : memref<320x128xf32, #tpu.memory_space<vmem>>, vector<1x16xf32>,
        %get3A_1830 = vector.shape_cast %get3A_1829 : vector<1x16xf32> to vector<16xf32>
        %mul3A_1831 = arith.mulf %get3A_1830, %get3A_251 : vector<16xf32>
        %add3A_1832 = arith.addf %add3A_1822, %mul3A_1831 : vector<16xf32>
        %get3A_1833 = arith.index_cast %scan3A_219 : i32 to index
        %get3A_1834 = arith.constant 0 : index
        %get3A_1835 = tpu.vector_load %arg14[%get3A_1833, %get3A_1834] {strides = array<i32>} : memref<16x128xf32, #tpu.memory_space<vmem>>, vector<1x16xf32>,
        %get3A_1836 = vector.shape_cast %get3A_1835 : vector<1x16xf32> to vector<16xf32>
        %mul3A_1837 = arith.mulf %get3A_1836, %get3A_223 : vector<16xf32>
        %get3A_1838 = arith.index_cast %scan3A_219 : i32 to index
        %get3A_1839 = arith.constant 16 : index
        %get3A_1840 = tpu.vector_load %arg14[%get3A_1838, %get3A_1839] {strides = array<i32>} : memref<16x128xf32, #tpu.memory_space<vmem>>, vector<1x16xf32>,
        %get3A_1841 = vector.shape_cast %get3A_1840 : vector<1x16xf32> to vector<16xf32>
        %mul3A_1842 = arith.mulf %get3A_1841, %get3A_227 : vector<16xf32>
        %add3A_1843 = arith.addf %mul3A_1837, %mul3A_1842 : vector<16xf32>
        %get3A_1844 = arith.index_cast %scan3A_219 : i32 to index
        %get3A_1845 = arith.constant 32 : index
        %get3A_1846 = tpu.vector_load %arg14[%get3A_1844, %get3A_1845] {strides = array<i32>} : memref<16x128xf32, #tpu.memory_space<vmem>>, vector<1x16xf32>,
        %get3A_1847 = vector.shape_cast %get3A_1846 : vector<1x16xf32> to vector<16xf32>
        %mul3A_1848 = arith.mulf %get3A_1847, %get3A_231 : vector<16xf32>
        %add3A_1849 = arith.addf %add3A_1843, %mul3A_1848 : vector<16xf32>
        %get3A_1850 = arith.index_cast %scan3A_219 : i32 to index
        %get3A_1851 = arith.constant 48 : index
        %get3A_1852 = tpu.vector_load %arg14[%get3A_1850, %get3A_1851] {strides = array<i32>} : memref<16x128xf32, #tpu.memory_space<vmem>>, vector<1x16xf32>,
        %get3A_1853 = vector.shape_cast %get3A_1852 : vector<1x16xf32> to vector<16xf32>
        %mul3A_1854 = arith.mulf %get3A_1853, %get3A_235 : vector<16xf32>
        %add3A_1855 = arith.addf %add3A_1849, %mul3A_1854 : vector<16xf32>
        %get3A_1856 = arith.index_cast %scan3A_219 : i32 to index
        %get3A_1857 = arith.constant 64 : index
        %get3A_1858 = tpu.vector_load %arg14[%get3A_1856, %get3A_1857] {strides = array<i32>} : memref<16x128xf32, #tpu.memory_space<vmem>>, vector<1x16xf32>,
        %get3A_1859 = vector.shape_cast %get3A_1858 : vector<1x16xf32> to vector<16xf32>
        %mul3A_1860 = arith.mulf %get3A_1859, %get3A_239 : vector<16xf32>
        %add3A_1861 = arith.addf %add3A_1855, %mul3A_1860 : vector<16xf32>
        %get3A_1862 = arith.index_cast %scan3A_219 : i32 to index
        %get3A_1863 = arith.constant 80 : index
        %get3A_1864 = tpu.vector_load %arg14[%get3A_1862, %get3A_1863] {strides = array<i32>} : memref<16x128xf32, #tpu.memory_space<vmem>>, vector<1x16xf32>,
        %get3A_1865 = vector.shape_cast %get3A_1864 : vector<1x16xf32> to vector<16xf32>
        %mul3A_1866 = arith.mulf %get3A_1865, %get3A_243 : vector<16xf32>
        %add3A_1867 = arith.addf %add3A_1861, %mul3A_1866 : vector<16xf32>
        %get3A_1868 = arith.index_cast %scan3A_219 : i32 to index
        %get3A_1869 = arith.constant 96 : index
        %get3A_1870 = tpu.vector_load %arg14[%get3A_1868, %get3A_1869] {strides = array<i32>} : memref<16x128xf32, #tpu.memory_space<vmem>>, vector<1x16xf32>,
        %get3A_1871 = vector.shape_cast %get3A_1870 : vector<1x16xf32> to vector<16xf32>
        %mul3A_1872 = arith.mulf %get3A_1871, %get3A_247 : vector<16xf32>
        %add3A_1873 = arith.addf %add3A_1867, %mul3A_1872 : vector<16xf32>
        %get3A_1874 = arith.index_cast %scan3A_219 : i32 to index
        %get3A_1875 = arith.constant 112 : index
        %get3A_1876 = tpu.vector_load %arg14[%get3A_1874, %get3A_1875] {strides = array<i32>} : memref<16x128xf32, #tpu.memory_space<vmem>>, vector<1x16xf32>,
        %get3A_1877 = vector.shape_cast %get3A_1876 : vector<1x16xf32> to vector<16xf32>
        %mul3A_1878 = arith.mulf %get3A_1877, %get3A_251 : vector<16xf32>
        %add3A_1879 = arith.addf %add3A_1873, %mul3A_1878 : vector<16xf32>
        %swap3A = arith.index_cast %scan3A_219 : i32 to index
        %swap3A_1880 = arith.constant 0 : index
        %swap3A_1881 = tpu.vector_load %arg18[%swap3A, %swap3A_1880] {strides = array<i32>} : memref<16x384xf32, #tpu.memory_space<vmem>>, vector<1x16xf32>,
        %swap3A_1882 = vector.shape_cast %swap3A_1881 : vector<1x16xf32> to vector<16xf32>
        %swap3A_1883 = vector.shape_cast %add3A_331 : vector<16xf32> to vector<1x16xf32>
        tpu.vector_store %arg18[%swap3A, %swap3A_1880], %swap3A_1883 {strides = array<i32>} : memref<16x384xf32, #tpu.memory_space<vmem>>, vector<1x16xf32>,
        %swap3A_1884 = arith.index_cast %scan3A_219 : i32 to index
        %swap3A_1885 = arith.constant 16 : index
        %swap3A_1886 = tpu.vector_load %arg18[%swap3A_1884, %swap3A_1885] {strides = array<i32>} : memref<16x384xf32, #tpu.memory_space<vmem>>, vector<1x16xf32>,
        %swap3A_1887 = vector.shape_cast %swap3A_1886 : vector<1x16xf32> to vector<16xf32>
        %swap3A_1888 = vector.shape_cast %add3A_410 : vector<16xf32> to vector<1x16xf32>
        tpu.vector_store %arg18[%swap3A_1884, %swap3A_1885], %swap3A_1888 {strides = array<i32>} : memref<16x384xf32, #tpu.memory_space<vmem>>, vector<1x16xf32>,
        %swap3A_1889 = arith.index_cast %scan3A_219 : i32 to index
        %swap3A_1890 = arith.constant 32 : index
        %swap3A_1891 = tpu.vector_load %arg18[%swap3A_1889, %swap3A_1890] {strides = array<i32>} : memref<16x384xf32, #tpu.memory_space<vmem>>, vector<1x16xf32>,
        %swap3A_1892 = vector.shape_cast %swap3A_1891 : vector<1x16xf32> to vector<16xf32>
        %swap3A_1893 = vector.shape_cast %add3A_489 : vector<16xf32> to vector<1x16xf32>
        tpu.vector_store %arg18[%swap3A_1889, %swap3A_1890], %swap3A_1893 {strides = array<i32>} : memref<16x384xf32, #tpu.memory_space<vmem>>, vector<1x16xf32>,
        %swap3A_1894 = arith.index_cast %scan3A_219 : i32 to index
        %swap3A_1895 = arith.constant 48 : index
        %swap3A_1896 = tpu.vector_load %arg18[%swap3A_1894, %swap3A_1895] {strides = array<i32>} : memref<16x384xf32, #tpu.memory_space<vmem>>, vector<1x16xf32>,
        %swap3A_1897 = vector.shape_cast %swap3A_1896 : vector<1x16xf32> to vector<16xf32>
        %swap3A_1898 = vector.shape_cast %add3A_568 : vector<16xf32> to vector<1x16xf32>
        tpu.vector_store %arg18[%swap3A_1894, %swap3A_1895], %swap3A_1898 {strides = array<i32>} : memref<16x384xf32, #tpu.memory_space<vmem>>, vector<1x16xf32>,
        %swap3A_1899 = arith.index_cast %scan3A_219 : i32 to index
        %swap3A_1900 = arith.constant 64 : index
        %swap3A_1901 = tpu.vector_load %arg18[%swap3A_1899, %swap3A_1900] {strides = array<i32>} : memref<16x384xf32, #tpu.memory_space<vmem>>, vector<1x16xf32>,
        %swap3A_1902 = vector.shape_cast %swap3A_1901 : vector<1x16xf32> to vector<16xf32>
        %swap3A_1903 = vector.shape_cast %add3A_647 : vector<16xf32> to vector<1x16xf32>
        tpu.vector_store %arg18[%swap3A_1899, %swap3A_1900], %swap3A_1903 {strides = array<i32>} : memref<16x384xf32, #tpu.memory_space<vmem>>, vector<1x16xf32>,
        %swap3A_1904 = arith.index_cast %scan3A_219 : i32 to index
        %swap3A_1905 = arith.constant 80 : index
        %swap3A_1906 = tpu.vector_load %arg18[%swap3A_1904, %swap3A_1905] {strides = array<i32>} : memref<16x384xf32, #tpu.memory_space<vmem>>, vector<1x16xf32>,
        %swap3A_1907 = vector.shape_cast %swap3A_1906 : vector<1x16xf32> to vector<16xf32>
        %swap3A_1908 = vector.shape_cast %add3A_726 : vector<16xf32> to vector<1x16xf32>
        tpu.vector_store %arg18[%swap3A_1904, %swap3A_1905], %swap3A_1908 {strides = array<i32>} : memref<16x384xf32, #tpu.memory_space<vmem>>, vector<1x16xf32>,
        %swap3A_1909 = arith.index_cast %scan3A_219 : i32 to index
        %swap3A_1910 = arith.constant 96 : index
        %swap3A_1911 = tpu.vector_load %arg18[%swap3A_1909, %swap3A_1910] {strides = array<i32>} : memref<16x384xf32, #tpu.memory_space<vmem>>, vector<1x16xf32>,
        %swap3A_1912 = vector.shape_cast %swap3A_1911 : vector<1x16xf32> to vector<16xf32>
        %swap3A_1913 = vector.shape_cast %add3A_805 : vector<16xf32> to vector<1x16xf32>
        tpu.vector_store %arg18[%swap3A_1909, %swap3A_1910], %swap3A_1913 {strides = array<i32>} : memref<16x384xf32, #tpu.memory_space<vmem>>, vector<1x16xf32>,
        %swap3A_1914 = arith.index_cast %scan3A_219 : i32 to index
        %swap3A_1915 = arith.constant 112 : index
        %swap3A_1916 = tpu.vector_load %arg18[%swap3A_1914, %swap3A_1915] {strides = array<i32>} : memref<16x384xf32, #tpu.memory_space<vmem>>, vector<1x16xf32>,
        %swap3A_1917 = vector.shape_cast %swap3A_1916 : vector<1x16xf32> to vector<16xf32>
        %swap3A_1918 = vector.shape_cast %add3A_884 : vector<16xf32> to vector<1x16xf32>
        tpu.vector_store %arg18[%swap3A_1914, %swap3A_1915], %swap3A_1918 {strides = array<i32>} : memref<16x384xf32, #tpu.memory_space<vmem>>, vector<1x16xf32>,
        %swap3A_1919 = arith.index_cast %scan3A_219 : i32 to index
        %swap3A_1920 = arith.constant 128 : index
        %swap3A_1921 = tpu.vector_load %arg18[%swap3A_1919, %swap3A_1920] {strides = array<i32>} : memref<16x384xf32, #tpu.memory_space<vmem>>, vector<1x16xf32>,
        %swap3A_1922 = vector.shape_cast %swap3A_1921 : vector<1x16xf32> to vector<16xf32>
        %swap3A_1923 = vector.shape_cast %add3A_963 : vector<16xf32> to vector<1x16xf32>
        tpu.vector_store %arg18[%swap3A_1919, %swap3A_1920], %swap3A_1923 {strides = array<i32>} : memref<16x384xf32, #tpu.memory_space<vmem>>, vector<1x16xf32>,
        %swap3A_1924 = arith.index_cast %scan3A_219 : i32 to index
        %swap3A_1925 = arith.constant 144 : index
        %swap3A_1926 = tpu.vector_load %arg18[%swap3A_1924, %swap3A_1925] {strides = array<i32>} : memref<16x384xf32, #tpu.memory_space<vmem>>, vector<1x16xf32>,
        %swap3A_1927 = vector.shape_cast %swap3A_1926 : vector<1x16xf32> to vector<16xf32>
        %swap3A_1928 = vector.shape_cast %add3A_1042 : vector<16xf32> to vector<1x16xf32>
        tpu.vector_store %arg18[%swap3A_1924, %swap3A_1925], %swap3A_1928 {strides = array<i32>} : memref<16x384xf32, #tpu.memory_space<vmem>>, vector<1x16xf32>,
        %swap3A_1929 = arith.index_cast %scan3A_219 : i32 to index
        %swap3A_1930 = arith.constant 160 : index
        %swap3A_1931 = tpu.vector_load %arg18[%swap3A_1929, %swap3A_1930] {strides = array<i32>} : memref<16x384xf32, #tpu.memory_space<vmem>>, vector<1x16xf32>,
        %swap3A_1932 = vector.shape_cast %swap3A_1931 : vector<1x16xf32> to vector<16xf32>
        %swap3A_1933 = vector.shape_cast %add3A_1121 : vector<16xf32> to vector<1x16xf32>
        tpu.vector_store %arg18[%swap3A_1929, %swap3A_1930], %swap3A_1933 {strides = array<i32>} : memref<16x384xf32, #tpu.memory_space<vmem>>, vector<1x16xf32>,
        %swap3A_1934 = arith.index_cast %scan3A_219 : i32 to index
        %swap3A_1935 = arith.constant 176 : index
        %swap3A_1936 = tpu.vector_load %arg18[%swap3A_1934, %swap3A_1935] {strides = array<i32>} : memref<16x384xf32, #tpu.memory_space<vmem>>, vector<1x16xf32>,
        %swap3A_1937 = vector.shape_cast %swap3A_1936 : vector<1x16xf32> to vector<16xf32>
        %swap3A_1938 = vector.shape_cast %add3A_1200 : vector<16xf32> to vector<1x16xf32>
        tpu.vector_store %arg18[%swap3A_1934, %swap3A_1935], %swap3A_1938 {strides = array<i32>} : memref<16x384xf32, #tpu.memory_space<vmem>>, vector<1x16xf32>,
        %swap3A_1939 = arith.index_cast %scan3A_219 : i32 to index
        %swap3A_1940 = arith.constant 192 : index
        %swap3A_1941 = tpu.vector_load %arg18[%swap3A_1939, %swap3A_1940] {strides = array<i32>} : memref<16x384xf32, #tpu.memory_space<vmem>>, vector<1x16xf32>,
        %swap3A_1942 = vector.shape_cast %swap3A_1941 : vector<1x16xf32> to vector<16xf32>
        %swap3A_1943 = vector.shape_cast %add3A_1279 : vector<16xf32> to vector<1x16xf32>
        tpu.vector_store %arg18[%swap3A_1939, %swap3A_1940], %swap3A_1943 {strides = array<i32>} : memref<16x384xf32, #tpu.memory_space<vmem>>, vector<1x16xf32>,
        %swap3A_1944 = arith.index_cast %scan3A_219 : i32 to index
        %swap3A_1945 = arith.constant 208 : index
        %swap3A_1946 = tpu.vector_load %arg18[%swap3A_1944, %swap3A_1945] {strides = array<i32>} : memref<16x384xf32, #tpu.memory_space<vmem>>, vector<1x16xf32>,
        %swap3A_1947 = vector.shape_cast %swap3A_1946 : vector<1x16xf32> to vector<16xf32>
        %swap3A_1948 = vector.shape_cast %add3A_1358 : vector<16xf32> to vector<1x16xf32>
        tpu.vector_store %arg18[%swap3A_1944, %swap3A_1945], %swap3A_1948 {strides = array<i32>} : memref<16x384xf32, #tpu.memory_space<vmem>>, vector<1x16xf32>,
        %swap3A_1949 = arith.index_cast %scan3A_219 : i32 to index
        %swap3A_1950 = arith.constant 224 : index
        %swap3A_1951 = tpu.vector_load %arg18[%swap3A_1949, %swap3A_1950] {strides = array<i32>} : memref<16x384xf32, #tpu.memory_space<vmem>>, vector<1x16xf32>,
        %swap3A_1952 = vector.shape_cast %swap3A_1951 : vector<1x16xf32> to vector<16xf32>
        %swap3A_1953 = vector.shape_cast %add3A_1437 : vector<16xf32> to vector<1x16xf32>
        tpu.vector_store %arg18[%swap3A_1949, %swap3A_1950], %swap3A_1953 {strides = array<i32>} : memref<16x384xf32, #tpu.memory_space<vmem>>, vector<1x16xf32>,
        %swap3A_1954 = arith.index_cast %scan3A_219 : i32 to index
        %swap3A_1955 = arith.constant 240 : index
        %swap3A_1956 = tpu.vector_load %arg18[%swap3A_1954, %swap3A_1955] {strides = array<i32>} : memref<16x384xf32, #tpu.memory_space<vmem>>, vector<1x16xf32>,
        %swap3A_1957 = vector.shape_cast %swap3A_1956 : vector<1x16xf32> to vector<16xf32>
        %swap3A_1958 = vector.shape_cast %add3A_1516 : vector<16xf32> to vector<1x16xf32>
        tpu.vector_store %arg18[%swap3A_1954, %swap3A_1955], %swap3A_1958 {strides = array<i32>} : memref<16x384xf32, #tpu.memory_space<vmem>>, vector<1x16xf32>,
        %swap3A_1959 = arith.index_cast %scan3A_219 : i32 to index
        %swap3A_1960 = arith.constant 256 : index
        %swap3A_1961 = tpu.vector_load %arg18[%swap3A_1959, %swap3A_1960] {strides = array<i32>} : memref<16x384xf32, #tpu.memory_space<vmem>>, vector<1x16xf32>,
        %swap3A_1962 = vector.shape_cast %swap3A_1961 : vector<1x16xf32> to vector<16xf32>
        %swap3A_1963 = vector.shape_cast %add3A_1595 : vector<16xf32> to vector<1x16xf32>
        tpu.vector_store %arg18[%swap3A_1959, %swap3A_1960], %swap3A_1963 {strides = array<i32>} : memref<16x384xf32, #tpu.memory_space<vmem>>, vector<1x16xf32>,
        %swap3A_1964 = arith.index_cast %scan3A_219 : i32 to index
        %swap3A_1965 = arith.constant 272 : index
        %swap3A_1966 = tpu.vector_load %arg18[%swap3A_1964, %swap3A_1965] {strides = array<i32>} : memref<16x384xf32, #tpu.memory_space<vmem>>, vector<1x16xf32>,
        %swap3A_1967 = vector.shape_cast %swap3A_1966 : vector<1x16xf32> to vector<16xf32>
        %swap3A_1968 = vector.shape_cast %add3A_1674 : vector<16xf32> to vector<1x16xf32>
        tpu.vector_store %arg18[%swap3A_1964, %swap3A_1965], %swap3A_1968 {strides = array<i32>} : memref<16x384xf32, #tpu.memory_space<vmem>>, vector<1x16xf32>,
        %swap3A_1969 = arith.index_cast %scan3A_219 : i32 to index
        %swap3A_1970 = arith.constant 288 : index
        %swap3A_1971 = tpu.vector_load %arg18[%swap3A_1969, %swap3A_1970] {strides = array<i32>} : memref<16x384xf32, #tpu.memory_space<vmem>>, vector<1x16xf32>,
        %swap3A_1972 = vector.shape_cast %swap3A_1971 : vector<1x16xf32> to vector<16xf32>
        %swap3A_1973 = vector.shape_cast %add3A_1753 : vector<16xf32> to vector<1x16xf32>
        tpu.vector_store %arg18[%swap3A_1969, %swap3A_1970], %swap3A_1973 {strides = array<i32>} : memref<16x384xf32, #tpu.memory_space<vmem>>, vector<1x16xf32>,
        %swap3A_1974 = arith.index_cast %scan3A_219 : i32 to index
        %swap3A_1975 = arith.constant 304 : index
        %swap3A_1976 = tpu.vector_load %arg18[%swap3A_1974, %swap3A_1975] {strides = array<i32>} : memref<16x384xf32, #tpu.memory_space<vmem>>, vector<1x16xf32>,
        %swap3A_1977 = vector.shape_cast %swap3A_1976 : vector<1x16xf32> to vector<16xf32>
        %swap3A_1978 = vector.shape_cast %add3A_1832 : vector<16xf32> to vector<1x16xf32>
        tpu.vector_store %arg18[%swap3A_1974, %swap3A_1975], %swap3A_1978 {strides = array<i32>} : memref<16x384xf32, #tpu.memory_space<vmem>>, vector<1x16xf32>,
        %swap3A_1979 = arith.index_cast %scan3A_219 : i32 to index
        %swap3A_1980 = arith.constant 320 : index
        %swap3A_1981 = tpu.vector_load %arg18[%swap3A_1979, %swap3A_1980] {strides = array<i32>} : memref<16x384xf32, #tpu.memory_space<vmem>>, vector<1x16xf32>,
        %swap3A_1982 = vector.shape_cast %swap3A_1981 : vector<1x16xf32> to vector<16xf32>
        %swap3A_1983 = vector.shape_cast %add3A_1879 : vector<16xf32> to vector<1x16xf32>
        tpu.vector_store %arg18[%swap3A_1979, %swap3A_1980], %swap3A_1983 {strides = array<i32>} : memref<16x384xf32, #tpu.memory_space<vmem>>, vector<1x16xf32>,
        %swap3A_1984 = arith.index_cast %scan3A_219 : i32 to index
        %swap3A_1985 = arith.constant 336 : index
        %swap3A_1986 = tpu.vector_load %arg18[%swap3A_1984, %swap3A_1985] {strides = array<i32>} : memref<16x384xf32, #tpu.memory_space<vmem>>, vector<1x16xf32>,
        %swap3A_1987 = vector.shape_cast %swap3A_1986 : vector<1x16xf32> to vector<16xf32>
        %swap3A_1988 = vector.shape_cast %broadcast_in_dim3A_252 : vector<16xf32> to vector<1x16xf32>
        tpu.vector_store %arg18[%swap3A_1984, %swap3A_1985], %swap3A_1988 {strides = array<i32>} : memref<16x384xf32, #tpu.memory_space<vmem>>, vector<1x16xf32>,
        %swap3A_1989 = arith.index_cast %scan3A_219 : i32 to index
        %swap3A_1990 = arith.constant 352 : index
        %swap3A_1991 = tpu.vector_load %arg18[%swap3A_1989, %swap3A_1990] {strides = array<i32>} : memref<16x384xf32, #tpu.memory_space<vmem>>, vector<1x16xf32>,
        %swap3A_1992 = vector.shape_cast %swap3A_1991 : vector<1x16xf32> to vector<16xf32>
        %swap3A_1993 = vector.shape_cast %broadcast_in_dim3A_252 : vector<16xf32> to vector<1x16xf32>
        tpu.vector_store %arg18[%swap3A_1989, %swap3A_1990], %swap3A_1993 {strides = array<i32>} : memref<16x384xf32, #tpu.memory_space<vmem>>, vector<1x16xf32>,
        %swap3A_1994 = arith.index_cast %scan3A_219 : i32 to index
        %swap3A_1995 = arith.constant 368 : index
        %swap3A_1996 = tpu.vector_load %arg18[%swap3A_1994, %swap3A_1995] {strides = array<i32>} : memref<16x384xf32, #tpu.memory_space<vmem>>, vector<1x16xf32>,
        %swap3A_1997 = vector.shape_cast %swap3A_1996 : vector<1x16xf32> to vector<16xf32>
        %swap3A_1998 = vector.shape_cast %broadcast_in_dim3A_252 : vector<16xf32> to vector<1x16xf32>
        tpu.vector_store %arg18[%swap3A_1994, %swap3A_1995], %swap3A_1998 {strides = array<i32>} : memref<16x384xf32, #tpu.memory_space<vmem>>, vector<1x16xf32>,
        %scan3A_1999 = arith.constant 0 : i32
        scf.yield %scan3A_1999 : i32
      }
      %scan3A_210 = arith.constant 16 : i32
      %mul3A_211 = arith.constant 16 : i32
      %mul3A_212 = arith.muli %add3A_86, %mul3A_211 : i32
      %add3A_213 = arith.addi %mul3A_2, %mul3A_212 : i32
      %dma_start3A_214 = arith.constant 0 : i32
      %dma_start3A_215 = tpu.memref_slice %arg7[%add3A_213, %dma_start3A_214] : memref<16384x384xf32, #tpu.memory_space<hbm>> -> memref<16x384xf32, #tpu.memory_space<hbm>>
      %dma_start3A_216 = arith.constant 0 : i32
      %dma_start3A_217 = tpu.memref_slice %arg7[%add3A_213, %dma_start3A_216] : memref<16384x384xf32, #tpu.memory_space<hbm>> -> memref<16x384xf32, #tpu.memory_space<hbm>>
      tpu.enqueue_dma source(%arg18 : memref<16x384xf32, #tpu.memory_space<vmem>>) target(%dma_start3A_217 : memref<16x384xf32, #tpu.memory_space<hbm>>) target_semaphore(%arg23 : memref<!tpu.dma_semaphore, #tpu.memory_space<semaphore_mem>>)
      %scan3A_218 = arith.constant 0 : i32
      scf.yield %scan3A_218 : i32
    }
    %scan3A_68 = arith.constant 16 : i32
    %dma_wait3A_69 = arith.constant 0 : i32
    %dma_wait3A_70 = arith.constant 0 : i32
    %dma_wait3A_71 = tpu.memref_slice %arg7[%dma_wait3A_69, %dma_wait3A_70] : memref<16384x384xf32, #tpu.memory_space<hbm>> -> memref<16x384xf32, #tpu.memory_space<hbm>>
    %dma_wait3A_72 = arith.constant 0 : i32
    %dma_wait3A_73 = arith.constant 0 : i32
    %dma_wait3A_74 = tpu.memref_slice %arg7[%dma_wait3A_72, %dma_wait3A_73] : memref<16384x384xf32, #tpu.memory_space<hbm>> -> memref<16x384xf32, #tpu.memory_space<hbm>>
    tpu.wait_dma2 semaphore(%arg22 : memref<!tpu.dma_semaphore, #tpu.memory_space<semaphore_mem>>) src(%arg17 : memref<16x384xf32, #tpu.memory_space<vmem>>) dst(%dma_wait3A_74 : memref<16x384xf32, #tpu.memory_space<hbm>>)
    %dma_wait3A_75 = arith.constant 0 : i32
    %dma_wait3A_76 = arith.constant 0 : i32
    %dma_wait3A_77 = tpu.memref_slice %arg7[%dma_wait3A_75, %dma_wait3A_76] : memref<16384x384xf32, #tpu.memory_space<hbm>> -> memref<16x384xf32, #tpu.memory_space<hbm>>
    %dma_wait3A_78 = arith.constant 0 : i32
    %dma_wait3A_79 = arith.constant 0 : i32
    %dma_wait3A_80 = tpu.memref_slice %arg7[%dma_wait3A_78, %dma_wait3A_79] : memref<16384x384xf32, #tpu.memory_space<hbm>> -> memref<16x384xf32, #tpu.memory_space<hbm>>
    tpu.wait_dma2 semaphore(%arg23 : memref<!tpu.dma_semaphore, #tpu.memory_space<semaphore_mem>>) src(%arg18 : memref<16x384xf32, #tpu.memory_space<vmem>>) dst(%dma_wait3A_80 : memref<16x384xf32, #tpu.memory_space<hbm>>)
    return
  }
}

module attributes {stable_mosaic.version = 14 : i64} {
  func.func @_tc_loss_body(%arg0: i32, %arg1: memref<4096x384xf32, #tpu.memory_space<vmem>>, %arg2: memref<1x1xf32, #tpu.memory_space<smem>>, %arg3: memref<1xf32, #tpu.memory_space<smem>>) attributes {dimension_semantics = [#tpu.dimension_semantics<arbitrary>], iteration_bounds = array<i64: 4>, scalar_prefetch = 0 : i64, scratch_operands = 1 : i64, tpu.core_type = #tpu.core_type<tc>, window_params = [{transform_indices = @transform_0, window_bounds = array<i64: 4096, 384>}, {transform_indices = @transform_1, window_bounds = array<i64: 1, 1>}]} {
    %eq3A = arith.constant 0 : i32
    %eq3A_0 = arith.cmpi eq, %arg0, %eq3A : i32
    %convert_element_type3A = arith.extui %eq3A_0 : i1 to i32
    %cond3A = arith.constant 0 : i32
    %cond3A_1 = arith.cmpi ne, %convert_element_type3A, %cond3A : i32
    scf.if %cond3A_1 {
      %swap3A_65 = arith.constant 0.000000e+00 : f32
      %swap3A_66 = arith.constant 0 : index
      %swap3A_67 = memref.load %arg3[%swap3A_66] : memref<1xf32, #tpu.memory_space<smem>>
      memref.store %swap3A_65, %arg3[%swap3A_66] : memref<1xf32, #tpu.memory_space<smem>>
    } else {
    }
    %get3A = arith.constant 0 : index
    %get3A_2 = arith.constant 0 : index
    %get3A_3 = vector.load %arg1[%get3A, %get3A_2] : memref<4096x384xf32, #tpu.memory_space<vmem>>, vector<4096x384xf32>
    %convert_element_type3A_4 = arith.truncf %get3A_3 : vector<4096x384xf32> to vector<4096x384xbf16>
    %iota3A = tpu.iota {dimensions = array<i32: 0>} : vector<384x128xi32>
    %iota3A_5 = tpu.iota {dimensions = array<i32: 1>} : vector<384x128xi32>
    %jit3A = arith.constant 16 : i32
    %div3A = vector.broadcast %jit3A : i32 to vector<384x128xi32>
    %div3A_6 = arith.divsi %iota3A, %div3A : vector<384x128xi32>
    %sign3A = arith.constant 0 : i32
    %sign3A_7 = vector.broadcast %sign3A : i32 to vector<384x128xi32>
    %sign3A_8 = arith.cmpi sgt, %iota3A, %sign3A_7 : vector<384x128xi32>
    %sign3A_9 = arith.extui %sign3A_8 : vector<384x128xi1> to vector<384x128xi32>
    %sign3A_10 = arith.constant 0 : i32
    %sign3A_11 = vector.broadcast %sign3A_10 : i32 to vector<384x128xi32>
    %sign3A_12 = arith.cmpi slt, %iota3A, %sign3A_11 : vector<384x128xi32>
    %sign3A_13 = arith.extui %sign3A_12 : vector<384x128xi1> to vector<384x128xi32>
    %sign3A_14 = arith.subi %sign3A_9, %sign3A_13 : vector<384x128xi32>
    %sign3A_15 = arith.constant 0 : i32
    %sign3A_16 = arith.cmpi sgt, %jit3A, %sign3A_15 : i32
    %sign3A_17 = arith.extui %sign3A_16 : i1 to i32
    %sign3A_18 = arith.constant 0 : i32
    %sign3A_19 = arith.cmpi slt, %jit3A, %sign3A_18 : i32
    %sign3A_20 = arith.extui %sign3A_19 : i1 to i32
    %sign3A_21 = arith.subi %sign3A_17, %sign3A_20 : i32
    %ne3A = vector.broadcast %sign3A_21 : i32 to vector<384x128xi32>
    %ne3A_22 = arith.cmpi ne, %sign3A_14, %ne3A : vector<384x128xi32>
    %rem3A = vector.broadcast %jit3A : i32 to vector<384x128xi32>
    %rem3A_23 = arith.remsi %iota3A, %rem3A : vector<384x128xi32>
    %ne3A_24 = arith.constant 0 : i32
    %ne3A_25 = vector.broadcast %ne3A_24 : i32 to vector<384x128xi32>
    %ne3A_26 = arith.cmpi ne, %rem3A_23, %ne3A_25 : vector<384x128xi32>
    %and3A = arith.andi %ne3A_22, %ne3A_26 : vector<384x128xi1>
    %sub3A = arith.constant 1 : i32
    %sub3A_27 = vector.broadcast %sub3A : i32 to vector<384x128xi32>
    %sub3A_28 = arith.subi %div3A_6, %sub3A_27 : vector<384x128xi32>
    %select_n3A = arith.select %and3A, %sub3A_28, %div3A_6 : vector<384x128xi1>, vector<384x128xi32>
    %eq3A_29 = arith.cmpi eq, %select_n3A, %iota3A_5 : vector<384x128xi32>
    %convert_element_type3A_30 = arith.extui %eq3A_29 : vector<384x128xi1> to vector<384x128xi32>
    %convert_element_type3A_31 = arith.sitofp %convert_element_type3A_30 : vector<384x128xi32> to vector<384x128xf32>
    %convert_element_type3A_32 = arith.truncf %convert_element_type3A_31 : vector<384x128xf32> to vector<384x128xbf16>
    %dot_general3A = arith.constant dense<0.000000e+00> : vector<4096x128xf32>
    %dot_general3A_33 = tpu.matmul %convert_element_type3A_4, %convert_element_type3A_32, %dot_general3A {dimension_numbers = #tpu.dot_dimension_numbers<[1], [0], [0], [1], [0, 0, 1, 1], [], []>, transpose_lhs_hint = false} : vector<4096x384xbf16>, vector<384x128xbf16>, vector<4096x128xf32> -> vector<4096x128xf32>
    %iota3A_34 = tpu.iota {dimensions = array<i32: 1>} : vector<4096x128xi32>
    %eq3A_35 = arith.constant 20 : i32
    %eq3A_36 = vector.broadcast %eq3A_35 : i32 to vector<4096x128xi32>
    %eq3A_37 = arith.cmpi eq, %iota3A_34, %eq3A_36 : vector<4096x128xi32>
    %neg3A = arith.constant 0.000000e+00 : f32
    %neg3A_38 = vector.broadcast %neg3A : f32 to vector<4096x128xf32>
    %neg3A_39 = arith.subf %neg3A_38, %dot_general3A_33 : vector<4096x128xf32>
    %select_n3A_40 = arith.select %eq3A_37, %dot_general3A_33, %neg3A_39 : vector<4096x128xi1>, vector<4096x128xf32>
    %le3A = arith.constant 20 : i32
    %le3A_41 = vector.broadcast %le3A : i32 to vector<4096x128xi32>
    %le3A_42 = arith.cmpi sle, %iota3A_34, %le3A_41 : vector<4096x128xi32>
    %logistic3A = arith.negf %select_n3A_40 : vector<4096x128xf32>
    %logistic3A_43 = math.exp %logistic3A : vector<4096x128xf32>
    %logistic3A_44 = arith.constant 1.000000e+00 : f32
    %logistic3A_45 = vector.broadcast %logistic3A_44 : f32 to vector<4096x128xf32>
    %logistic3A_46 = arith.addf %logistic3A_45, %logistic3A_43 : vector<4096x128xf32>
    %logistic3A_47 = arith.divf %logistic3A_45, %logistic3A_46 : vector<4096x128xf32>
    %add3A = arith.constant 1.000000e-10 : f32
    %add3A_48 = vector.broadcast %add3A : f32 to vector<4096x128xf32>
    %add3A_49 = arith.addf %logistic3A_47, %add3A_48 : vector<4096x128xf32>
    %log3A = math.log %add3A_49 : vector<4096x128xf32>
    %jit3A_50 = arith.constant 0.000000e+00 : f32
    %broadcast_in_dim3A = vector.broadcast %jit3A_50 : f32 to vector<4096x128xf32>
    %select_n3A_51 = arith.select %le3A_42, %log3A, %broadcast_in_dim3A : vector<4096x128xi1>, vector<4096x128xf32>
    %get3A_52 = arith.constant 0 : index
    %get3A_53 = memref.load %arg3[%get3A_52] : memref<1xf32, #tpu.memory_space<smem>>
    %reduce_sum3A = vector.shape_cast %select_n3A_51 : vector<4096x128xf32> to vector<1x4096x128xf32>
    %reduce_sum3A_54 = arith.constant dense<0.000000e+00> : vector<1xf32>
    %reduce_sum3A_55 = vector.multi_reduction <add>, %reduce_sum3A, %reduce_sum3A_54 [1, 2] : vector<1x4096x128xf32> to vector<1xf32>
    %reduce_sum3A_56 = vector.shape_cast %reduce_sum3A_55 : vector<1xf32> to vector<1x1x1xf32>
    %reduce_sum3A_57 = vector.extract %reduce_sum3A_56[0, 0, 0] : f32 from vector<1x1x1xf32>
    %add3A_58 = arith.addf %get3A_53, %reduce_sum3A_57 : f32
    %swap3A = arith.constant 0 : index
    %swap3A_59 = memref.load %arg3[%swap3A] : memref<1xf32, #tpu.memory_space<smem>>
    memref.store %add3A_58, %arg3[%swap3A] : memref<1xf32, #tpu.memory_space<smem>>
    %eq3A_60 = arith.constant 3 : i32
    %eq3A_61 = arith.cmpi eq, %arg0, %eq3A_60 : i32
    %convert_element_type3A_62 = arith.extui %eq3A_61 : i1 to i32
    %cond3A_63 = arith.constant 0 : i32
    %cond3A_64 = arith.cmpi ne, %convert_element_type3A_62, %cond3A_63 : i32
    scf.if %cond3A_64 {
      %get3A_65 = arith.constant 0 : index
      %get3A_66 = memref.load %arg3[%get3A_65] : memref<1xf32, #tpu.memory_space<smem>>
      %neg3A_67 = arith.constant 0.000000e+00 : f32
      %neg3A_68 = arith.subf %neg3A_67, %get3A_66 : f32
      %div3A_69 = arith.constant 1.638400e+04 : f32
      %div3A_70 = arith.divf %neg3A_68, %div3A_69 : f32
      %swap3A_71 = arith.constant 0 : index
      %swap3A_72 = arith.constant 0 : index
      %swap3A_73 = memref.load %arg2[%swap3A_71, %swap3A_72] : memref<1x1xf32, #tpu.memory_space<smem>>
      memref.store %div3A_70, %arg2[%swap3A_71, %swap3A_72] : memref<1x1xf32, #tpu.memory_space<smem>>
    } else {
    }
    return
  }
  func.func @transform_0(%arg0: i32) -> (i32, i32) {
    %c0_i32 = arith.constant 0 : i32
    %c0_i32_0 = arith.constant 0 : i32
    return %arg0, %c0_i32 : i32, i32
  }
  func.func @transform_1(%arg0: i32) -> (i32, i32) {
    %c0_i32 = arith.constant 0 : i32
    %c0_i32_0 = arith.constant 0 : i32
    %c0_i32_1 = arith.constant 0 : i32
    return %c0_i32, %c0_i32_0 : i32, i32
  }
}

</mosaic_0001>

<sc_bundles>
// kernel: kernel.4.cloned.1.call-start
scs
__scs_entry_jumppad:
0x0: {  	(pc) =	sbr.rel $0x88, $3  }
0x1: {  	(tag) =	ssettag $0x0;
	lr =	simm.s32 $0x1  }
0x2: {  	[smem:$0x3F9C] =	sst lr;
	_ =	strace $0xD0000000  }
0x3: {  	_ = 	snop  }
0x4: {  	_ = 	snop  }
0x5: {  	_ = 	snop  }
0x6: {  	_ = 	snop  }
0x7: {  	_ = 	snop  }
__scs_overlays_trampoline_lowered:
0x8: {  	[smem:$0x3FAB] =	sst s0  }
0x9: {  	[smem:$0x3FAC] =	sst s1  }
0xa: {  	[smem:$0x3FAD] =	sst s2  }
0xb: {  	[smem:$0x3FAE] =	sst s3  }
0xc: {  	[smem:$0x3FAF] =	sst s4  }
0xd: {  	[smem:$0x3FB0] =	sst s5  }
0xe: {  	[smem:$0x3FB1] =	sst s6  }
0xf: {  	[smem:$0x3FB2] =	sst s7  }
0x10: {  	[smem:$0x3FB3] =	sst s8  }
0x11: {  	[smem:$0x3FB4] =	sst s9;
	s0 =	simm.s32 @!p0 $0x0  }
0x12: {  	s1 =	sld [smem:$0x3F9A];
	s0 =	simm.s32 @p0 $0x1  }
0x13: {  	[smem:$0x3FB5] =	sst s0;
	s0 =	simm.s32 @!p1 $0x0  }
0x14: {  	s2 =	sld [smem:$0x3F99];
	s0 =	simm.s32 @p1 $0x1  }
0x15: {  	[smem:$0x3FB6] =	sst s0;
	s0 =	simm.s32 @!p2 $0x0  }
0x16: {  	s3 =	sld [smem:$0x3FDB];
	s0 =	simm.s32 @p2 $0x1  }
0x17: {  	s4 =	simm.s32 $0x1BF5;
	[smem:$0x3FB8] =	sst s0  }
0x18: {  	s0 =	sld [smem:$0x3F9B];
	_ =	swait.ge [sflag:s4], $0x0  }
0x19: {  	s7 =	sld [smem:$0x3F9C]  }
0x1a: {  	s8 =	sadd.s32 $0xFFFFE003, lr  }
0x1b: {  	s9 =	sadd.s32 $0xFFFFFEF7, lr;
	s5 =	simm.s32 $0xFFFFFFFF;
	p2 =	slt.u32 s8, $0xFFFFF086  }
0x1c: {  	p1 =	slt.u32 s9, $0xF7A;
	s5 =	simm.s32 @!p2 $0x0  }
0x1d: {  	s5 =	simm.s32 @p1 $0x1;
	p0 =	seq.s32 s7, s2  }
0x1e: {  	s7 =	smul.u32 @!p0 $0xF7A, s2;
	p2 =	seq.s32 @!p0 s5, $0x0  }
0x1f: {  	s9 =	smul.u32 $0xF7A, s1;
	s8 =	simm.s32 @!p0 $0x1BF5;
	p2 =	por !p2, p0  }
0x20: {  	[sflag:s8] =	ssyncset.s32 @!p0 $0xFFFFF086;
	s6 =	sadd.s32 @!p0 s3, s7;
	s7 =	simm.s32 @!p0 $0x108  }
0x21: {  	s3 =	sadd.s32 s3, s9;
	s6 =	sadd.s32 @!p0 $0x88, s6;
	s7 =	simm.s32 @p2 $0x1082  }
0x22: {  	[simem:s7], [sflag:s8] =	dma.local @!p0 [hbm:s6], $0xF7A  }
0x23: {  	s9 =	sor.u32 $0xD0000000, s2;
	s6 =	simm.s32 $0x108;
	_ =	swait.ge @!p0 [sflag:s8], $0x0  }
0x24: {  	s3 =	sadd.s32 $0x88, s3;
	s6 =	simm.s32 @!p1 $0x1082;
	[sflag:s4] =	ssyncset.s32 $0xFFFFF086  }
0x25: {  	[simem:s6], [sflag:s4] =	dma.local [hbm:s3], $0xF7A  }
0x26: {  	[smem:$0x3F9C] =	sst s1;
	(tag) =	ssettag s2;
	_ =	strace s9  }
0x27: {  	s1 =	sld [smem:$0x3FAC]  }
0x28: {  	s2 =	sld [smem:$0x3FAD]  }
0x29: {  	s4 =	sld [smem:$0x3FAF]  }
0x2a: {  	p0 =	seq.s32 s5, $0x0;
	s5 =	sld [smem:$0x3FB0]  }
0x2b: {  	s6 =	sld [smem:$0x3FB1]  }
0x2c: {  	s7 =	sld [smem:$0x3FB2]  }
0x2d: {  	s3 =	simm.s32 $0x108;
	s8 =	sld [smem:$0x3FB3]  }
0x2e: {  	s3 =	simm.s32 @!p0 $0x1082;
	s9 =	sld [smem:$0x3FB4]  }
0x2f: {  	lr =	sadd.s32 s0, s3;
	s0 =	sld [smem:$0x3FAB]  }
0x30: {  	s3 =	sld [smem:$0x3FAE]  }
0x31: {  	[smem:$0x3FB7] =	sst s10  }
0x32: {  	s10 =	sld [smem:$0x3FB5];
	_ =	sdelay $0x3  }
0x33: {  	p0 =	seq.s32 s10, $0x1;
	s10 =	sld [smem:$0x3FB7];
	_ =	sdelay $0x3  }
0x34: {  	[smem:$0x3FB7] =	sst s10  }
0x35: {  	s10 =	sld [smem:$0x3FB6];
	_ =	sdelay $0x3  }
0x36: {  	p1 =	seq.s32 s10, $0x1;
	s10 =	sld [smem:$0x3FB7];
	_ =	sdelay $0x3  }
0x37: {  	[smem:$0x3FB7] =	sst s10  }
0x38: {  	s10 =	sld [smem:$0x3FB8]  }
0x39: {  	_ = 	snop;
	(pc) =	sbr.ind lr, $3  }
0x3a: {  	_ = 	snop  }
0x3b: {  	_ = 	snop  }
0x3c: {  	p2 =	seq.s32 s10, $0x1;
	s10 =	sld [smem:$0x3FB7]  }
0x3d: {  	_ =	shalt  }
0x3e: {  	_ =	shalt  }
0x3f: {  	_ =	shalt  }
0x40: {  	_ =	shalt  }
0x41: {  	_ =	shalt  }
0x42: {  	_ =	shalt  }
0x43: {  	_ =	shalt  }
0x44: {  	_ =	shalt  }
0x45: {  	_ =	shalt  }
0x46: {  	_ =	shalt  }
0x47: {  	_ =	shalt  }
0x48: {  	_ =	shalt  }
0x49: {  	_ =	shalt  }
0x4a: {  	_ =	shalt  }
0x4b: {  	_ =	shalt  }
0x4c: {  	_ =	shalt  }
0x4d: {  	_ =	shalt  }
0x4e: {  	_ =	shalt  }
0x4f: {  	_ =	shalt  }
0x50: {  	_ =	shalt  }
0x51: {  	_ =	shalt  }
0x52: {  	_ =	shalt  }
0x53: {  	_ =	shalt  }
0x54: {  	_ =	shalt  }
0x55: {  	_ =	shalt  }
0x56: {  	_ =	shalt  }
0x57: {  	_ =	shalt  }
0x58: {  	_ =	shalt  }
0x59: {  	_ =	shalt  }
0x5a: {  	_ =	shalt  }
0x5b: {  	_ =	shalt  }
0x5c: {  	_ =	shalt  }
0x5d: {  	_ =	shalt  }
0x5e: {  	_ =	shalt  }
0x5f: {  	_ =	shalt  }
0x60: {  	_ =	shalt  }
0x61: {  	_ =	shalt  }
0x62: {  	_ =	shalt  }
0x63: {  	_ =	shalt  }
0x64: {  	_ =	shalt  }
0x65: {  	_ =	shalt  }
0x66: {  	_ =	shalt  }
0x67: {  	_ =	shalt  }
0x68: {  	_ =	shalt  }
0x69: {  	_ =	shalt  }
0x6a: {  	_ =	shalt  }
0x6b: {  	_ =	shalt  }
0x6c: {  	_ =	shalt  }
0x6d: {  	_ =	shalt  }
0x6e: {  	_ =	shalt  }
0x6f: {  	_ =	shalt  }
0x70: {  	_ =	shalt  }
0x71: {  	_ =	shalt  }
0x72: {  	_ =	shalt  }
0x73: {  	_ =	shalt  }
0x74: {  	_ =	shalt  }
0x75: {  	_ =	shalt  }
0x76: {  	_ =	shalt  }
0x77: {  	_ =	shalt  }
0x78: {  	_ =	shalt  }
0x79: {  	_ =	shalt  }
0x7a: {  	_ =	shalt  }
0x7b: {  	_ =	shalt  }
0x7c: {  	_ =	shalt  }
0x7d: {  	_ =	shalt  }
0x7e: {  	_ =	shalt  }
0x7f: {  	_ =	shalt  }
0x80: {  	_ =	shalt  }
0x81: {  	_ =	shalt  }
0x82: {  	_ =	shalt  }
0x83: {  	_ =	shalt  }
0x84: {  	_ =	shalt  }
0x85: {  	_ =	shalt  }
0x86: {  	_ =	shalt  }
0x87: {  	_ =	shalt  }
.Lfunc_end0:
.L_simem_size_0:
called_computation_lowered:
.L_overlay_start_0:
0x88: {  	s2 =	sld [smem:$0x3FD9]  }
0x89: {  	s3 =	sld [smem:$0x3FFE];
	_ =	sdelay $0x1  }
0x8a: {  	s1 =	srdreg.scid  }
0x8b: {  	s0 =	sand.u32 $0x1, s1  }
0x8c: {  	s17 =	sshll.u32 s0, $0xA;
	s2 =	sadd.s32 s3, s2  }
0x8d: {  	s2 =	sadd.s32 s2, s17  }
0x8e: {  	[smem:$0x3FC3] =	sst s2  }
0x8f: {  	_ = 	snop  }
0x90: {  	s2 =	sld [smem:$0x3FC9]  }
0x91: {  	s18 =	sld [smem:$0x3FC8]  }
0x92: {  	s4 =	sld [smem:$0x3FC7]  }
0x93: {  	s5 =	sld [smem:$0x3FC6];
	(tm) =	ssettm $0x1  }
0x94: {  	s6 =	sld [smem:$0x3FFB];
	_ =	sdelay $0x3  }
0x95: {  	_ =	strace s6  }
0x96: {  	s6 =	sld [smem:$0x3FFC];
	_ =	sdelay $0x3  }
0x97: {  	_ =	strace s6  }
0x98: {  	s6 =	sld [smem:$0x3FFD];
	_ =	sdelay $0x3  }
0x99: {  	_ =	strace s6  }
0x9a: {  	_ =	strace $0x8FFFFFFF  }
0x9b: {  	s19 =	sld [smem:$0x3FDB];
	_ =	sdelay $0x1  }
0x9c: {  	s7 =	simm.s32 $_scs_section_size  }
0x9d: {  	s8 =	simm.s32 $_size__tile_overlayer_lowered;
	s9 =	simm.s32 $_tile_overlayer_lowered  }
0x9e: {  	s22 =	simm.s32 $0x1BFF;
	s21 =	sshll.u32 s9, $0x1;
	s6 =	sadd.s32 s7, s19  }
0x9f: {  	s10 =	simm.s32 $0x0;
	s20 =	sshll.u32 s8, $0x1;
	s8 =	sadd.s32 s21, s6  }
0xa0: {  	[timem:s10], [sflag:s22] =	dma.local [hbm:s8], s20  }
0xa1: {  	_ =	swait.ge [sflag:s22], s20  }
0xa2: {  	s7 =	ssub.s32 $0x0, s20;
	[sflag:s22] =	ssyncset.done $0x0  }
0xa3: {  	[sflag:s22] =	ssyncadd.s32 s7;
	_ =	sdelay $0x1  }
0xa4: {  	s23 =	simm.s32 $0x1B8B  }
0xa5: {  	_ =	swait.ge [sflag:s23], $0x1  }
0xa6: {  	[sflag:s23] =	ssyncset.done $0x0  }
0xa7: {  	s25 =	simm.s32 $0x1B8E;
	s24 =	sld [smem:$0x3FFE];
	[sflag:s23] =	ssyncadd.s32 $0xFFFFFFFF  }
0xa8: {  	s26 =	simm.s32 $execute0_lowered;
	[smem:$0x3FD2] =	sst s25  }
0xa9: {  	s8 =	sshll.u32 s26, $0x1;
	_ =	strace $0x80000046;
	[dreg:$0x1] =	wrdreg $0xFFFFFFFF  }
0xaa: {  	s28 =	simm.s32 $_size_execute0_lowered;
	s6 =	sadd.s32 s6, s8;
	[dreg:$0x0] =	wrdreg $0x0  }
0xab: {  	s8 =	sshll.u32 s28, $0x1;
	[dreg:$0x2] =	wrdreg s6  }
0xac: {  	[dreg:$0x3] =	wrdreg s8  }
0xad: {  	[dreg:$0x4] =	wrdreg $0xC0  }
0xae: {  	_ =	task [dreg:s10], $0x5FFFF  }
0xaf: {  	[dreg:$0x1] =	wrdreg $0xFFFFFFFF  }
0xb0: {  	[dreg:$0x0] =	wrdreg $0x60  }
0xb1: {  	[dreg:$0x2] =	wrdreg s2  }
0xb2: {  	[dreg:$0x3] =	wrdreg s18  }
0xb3: {  	[dreg:$0x4] =	wrdreg s4  }
0xb4: {  	[dreg:$0x5] =	wrdreg s5  }
0xb5: {  	[dreg:$0x6] =	wrdreg s24  }
0xb6: {  	[dreg:$0x7] =	wrdreg $0x9  }
0xb7: {  	_ =	task.clear_ibuf [dreg:s10], $0x8FFFF;
	_ =	strace $0x90000046  }
0xb8: {  	s29 =	simm.s32 $0x9;
	_ =	strace $0x80000048  }
0xb9: {  	_ =	swait.ge [sflag:s29], $0x1  }
0xba: {  	[sflag:s29] =	ssyncadd.s32 $0xFFFFFFFF  }
0xbb: {  	_ =	strace $0x90000048  }
0xbc: {  	_ =	sfence  }
0xbd: {  	s30 =	sld [smem:$0x0];
	_ =	sdelay $0x2  }
0xbe: {  	s31 =	sshll.u32 s1, $0xD;
	s1 =	sshrl.u32 s1, $0x2  }
0xbf: {  	s3 =	sand.u32 $0x4000, s31;
	s1 =	sadd.s32 s1, s30  }
0xc0: {  	s0 =	sor.u32 s3, s0;
	s1 =	sshll.u32 s1, $0x11  }
0xc1: {  	s0 =	sor.u32 s1, s0  }
0xc2: {  	s0 =	sadd.s32 $0x8F2B, s0  }
0xc3: {  	[sflag:s0] =	ssyncadd.remote.s32 $0x1  }
0xc4: {  	_ =	sfence.sel $0xFFFF  }
0xc5: {  	[dreg:$0x0] =	wrdreg $0xFFFFFFFF;
	(pc) =	sbr.abs _section_cstart, $3  }
0xc6: {  	[dreg:$0x1] =	wrdreg $0xFFFFFFFF  }
0xc7: {  	_ =	task.clear_ibuf [dreg:s10], $0x2FFFF;
	_ =	strace $0x9FFFFFFF  }
0xc8: {  	(tm) =	ssettm $0x7FFFFFFF  }
0xc9: {  	_ =	shalt  }
tec
execute0_lowered:
.L_overlay_start_1:
0x0: {  	(tag) =	ssettag $0x1  }
0x1: {  	s1 =	rddreg [dreg:$0x0]  }
0x2: {  	s2 =	rddreg [dreg:$0x1]  }
0x3: {  	s0 =	rddreg [dreg:$0x2];
	s3 =	srdreg.scid  }
0x4: {  	s4 =	stileid.u32;
	s7 =	rddreg [dreg:$0x3]  }
0x5: {  	s5 =	rddreg [dreg:$0x4];
	s13 =	simm.s32 $0x1;
	s14 =	simm.s32 $0x10  }
0x6: {  	s17 =	simm.s32 $0x50;
	s28 =	simm.s32 $0xEC00;
	s29 =	simm.s32 $0x11400  }
0x7: {  	s30 =	simm.s32 $0x13C00;
	s31 =	simm.s32 $0x16400;
	s15 =	simm.s32 $0x3  }
0x8: {  	s16 =	simm.s32 $0x1A400;
	s18 =	simm.s32 $0x4;
	s19 =	simm.s32 $0x5  }
0x9: {  	s20 =	simm.s32 $0x0;
	s3 =	sand.u32 $0x1, s3;
	s4 =	sshll.u32 s4, $0x1  }
0xa: {  	s6 =	sor.u32 s3, s4;
	s4 =	simm.s32 $0x0;
	s3 =	ssub.s32 $0x2, s3  }
0xb: {  	s8 =	smul.u32 $0x500, s6;
	[smem:$0x7FF] =	sst s4;
	s9 =	sshrl.u32 s3, $0x1  }
0xc: {  	s10 =	sshll.u32 s6, $0x6;
	s6 =	sshll.u32 s6, $0x9;
	_ =	strace $0x80000047  }
0xd: {  	s3 =	ssub.s32 s3, s9;
	s0 =	sadd.s32 s0, s10;
	s24 =	sadd.s32 s7, s10  }
0xe: {  	s8 =	sadd.s32 s8, s5;
	s5 =	sadd.s32 $0xA400, s5;
	[dreg:$0x6] =	wrdreg s0  }
0xf: {  	[dreg:$0x7] =	wrdreg s24;
	s26 =	smax.u32 s3, $0x1;
	s3 =	simm.s32 $0x2  }
0x10: {  	s0 =	simm.s32 $0x18C00;
	s25 =	sadd.s32 $0x400, s8;
	[dreg:$0x9] =	wrdreg s26  }
0x11: {  	s26 =	simm.s32 $0x4400;
	[dreg:$0x8] =	wrdreg s25;
	s25 =	simm.s32 $0x3400  }
.LBB2_1:
0x12: {  	s7 =	rddreg [dreg:$0x6]  }
0x13: {  	[tilespmem:s4], [sflag:$0x1] =	stream.linear.gather [hbm4b:s7+s4], $0x200, $0x38;
	[tilespmem:$0x1BC00] =	vst v63  }
0x14: {  	s21 =	rddreg [dreg:$0x7];
	s8 =	simm.s32 $0x200  }
0x15: {  	[tilespmem:s8], [sflag:$0x1] =	stream.linear.gather [hbm4b:s21+s4], $0x200, $0x38;
	[tilespmem:$0x1BC00] =	vst v63  }
0x16: {  	s22 =	rddreg [dreg:$0x8];
	s9 =	simm.s32 $0x400  }
0x17: {  	[tilespmem:s9], [sflag:$0x1] =	stream.linear.gather [hbm4b:s22+s4], $0x2800, $0x38;
	[tilespmem:$0x1BC00] =	vst v63  }
0x18: {  	_ =	swait.ge [sflag:s13], $0x200  }
0x19: {  	[sflag:s13] =	ssyncset.done $0x0  }
0x1a: {  	[sflag:s13] =	ssyncadd.s32 $0xFFFFFE00  }
0x1b: {  	_ =	swait.ge [sflag:s13], $0x200  }
0x1c: {  	[sflag:s13] =	ssyncset.done $0x0  }
0x1d: {  	[sflag:s13] =	ssyncadd.s32 $0xFFFFFE00  }
0x1e: {  	_ =	swait.ge [sflag:s13], $0x2800  }
0x1f: {  	[sflag:s13] =	ssyncset.done $0x0  }
0x20: {  	s23 =	simm.s32 $0x2C00;
	[sflag:s13] =	ssyncadd.s32 $0xFFFFD800  }
0x21: {  	[tilespmem:s23], [sflag:$0x2] =	stream.indirect.gather [hbm4b:s1+s14], $0x80, s4, s14, $0xb8;
	[tilespmem:$0x1BC00] =	vst v63  }
0x22: {  	s24 =	simm.s32 $0x3C00  }
0x23: {  	[tilespmem:s24], [sflag:$0x2] =	stream.indirect.gather [hbm4b:s2+s14], $0x80, s8, s14, $0xb8;
	[tilespmem:$0x1BC00] =	vst v63  }
0x24: {  	s10 =	simm.s32 $0x4C00  }
0x25: {  	[tilespmem:s10], [sflag:$0x2] =	stream.indirect.gather [hbm4b:s2+s17], $0x80, s9, s17, $0xb8;
	[tilespmem:$0x1BC00] =	vst v63  }
0x26: {  	s11 =	simm.s32 $0x450;
	s12 =	simm.s32 $0x7400  }
0x27: {  	[tilespmem:s12], [sflag:$0x2] =	stream.indirect.gather [hbm4b:s2+s17], $0x80, s11, s17, $0xb8;
	[tilespmem:$0x1BC00] =	vst v63  }
0x28: {  	s21 =	simm.s32 $0x4A0;
	s22 =	simm.s32 $0x9C00  }
0x29: {  	[tilespmem:s22], [sflag:$0x2] =	stream.indirect.gather [hbm4b:s2+s17], $0x80, s21, s17, $0xb8;
	[tilespmem:$0x1BC00] =	vst v63  }
0x2a: {  	s23 =	simm.s32 $0x4F0;
	s24 =	simm.s32 $0xC400;
	s21 =	simm.s32 $0x0  }
0x2b: {  	[tilespmem:s24], [sflag:$0x2] =	stream.indirect.gather [hbm4b:s2+s17], $0x80, s23, s17, $0xb8;
	[tilespmem:$0x1BC00] =	vst v63  }
.LBB2_2:
0x2c: {  	s7 =	sshllo.u32 s21, $0x1  }
0x2d: {  	s22 =	sshll.u32 s7, $0x4;
	s7 =	smul.u32 $0x500, s7  }
0x2e: {  	[tilespmem:s25], [sflag:$0x3] =	stream.indirect.gather [hbm4b:s1+s14], $0x80, s22, s14, $0xb8;
	[tilespmem:$0x1BC00] =	vst v63  }
0x2f: {  	s8 =	sadd.s32 $0x200, s22;
	s7 =	sshra.s32 s7, $0x2  }
0x30: {  	[tilespmem:s26], [sflag:$0x3] =	stream.indirect.gather [hbm4b:s2+s14], $0x80, s8, s14, $0xb8;
	[tilespmem:$0x1BC00] =	vst v63  }
0x31: {  	s12 =	sadd.s32 $0x400, s7  }
0x32: {  	[tilespmem:s28], [sflag:$0x3] =	stream.indirect.gather [hbm4b:s2+s17], $0x80, s12, s17, $0xb8;
	[tilespmem:$0x1BC00] =	vst v63  }
0x33: {  	s23 =	sadd.s32 $0x450, s7  }
0x34: {  	[tilespmem:s29], [sflag:$0x3] =	stream.indirect.gather [hbm4b:s2+s17], $0x80, s23, s17, $0xb8;
	[tilespmem:$0x1BC00] =	vst v63  }
0x35: {  	s24 =	sadd.s32 $0x4A0, s7  }
0x36: {  	[tilespmem:s30], [sflag:$0x3] =	stream.indirect.gather [hbm4b:s2+s17], $0x80, s24, s17, $0xb8;
	[tilespmem:$0x1BC00] =	vst v63  }
0x37: {  	s7 =	sadd.s32 $0x4F0, s7  }
0x38: {  	[tilespmem:s31], [sflag:$0x3] =	stream.indirect.gather [hbm4b:s2+s17], $0x80, s7, s17, $0xb8;
	[tilespmem:$0x1BC00] =	vst v63  }
0x39: {  	_ =	swait.ge [sflag:s3], $0x800  }
0x3a: {  	[sflag:s3] =	ssyncset.done $0x0  }
0x3b: {  	[sflag:s3] =	ssyncadd.s32 $0xFFFFF800  }
0x3c: {  	_ =	swait.ge [sflag:s3], $0x800  }
0x3d: {  	[sflag:s3] =	ssyncset.done $0x0  }
0x3e: {  	[sflag:s3] =	ssyncadd.s32 $0xFFFFF800  }
0x3f: {  	_ =	swait.ge [sflag:s3], $0xA000  }
0x40: {  	p0 =	seq.s32 s21, $0x0;
	[sflag:s3] =	ssyncset.done $0x0  }
0x41: {  	s7 =	simm.s32 @!p0 $0x4;
	[sflag:s3] =	ssyncadd.s32 $0xFFFF6000  }
0x42: {  	s11 =	simm.s32 $0x5100;
	s8 =	simm.s32 $0x0;
	_ =	swait.ge @!p0 [sflag:s7], $0x1800  }
0x43: {  	s12 =	simm.s32 $0x3C40;
	s23 =	sshll.u32 s21, $0x1;
	[sflag:s7] =	ssyncset.done @!p0 $0x0  }
0x44: {  	s24 =	simm.s32 $0x0;
	[sflag:s7] =	ssyncadd.s32 @!p0 $0xFFFFE800;
	s7 =	simm.s32 $0x2C40  }
.LBB2_3:
0x45: {  	v62 =	vld [tilespmem:s11+$0xFFFFFEC0];
	_ =	sdelay $0x3  }
0x46: {  	v8 =	vld [tilespmem:s7+$0xFFFFFFC0]  }
0x47: {  	[tilespmem:$0x1FE30] =	vst v62;
	v62 =	vld [tilespmem:s11+$0xFFFFFED0]  }
0x48: {  	v7 =	vld [tilespmem:s7+$0xFFFFFFD0]  }
0x49: {  	v6 =	vld [tilespmem:s7+$0xFFFFFFE0]  }
0x4a: {  	v5 =	vld [tilespmem:s7+$0xFFFFFFF0]  }
0x4b: {  	v4 =	vld [tilespmem:s7+$0x0]  }
0x4c: {  	[tilespmem:$0x1FE60] =	vst v62;
	v62 =	vld [tilespmem:s11+$0xFFFFFEE0]  }
0x4d: {  	v3 =	vld [tilespmem:s7+$0x10]  }
0x4e: {  	v2 =	vld [tilespmem:s7+$0x20]  }
0x4f: {  	v1 =	vld [tilespmem:s7+$0x30]  }
0x50: {  	v13 =	vld [tilespmem:s11+$0xFFFFFB00]  }
0x51: {  	[tilespmem:$0x1FE90] =	vst v62;
	v62 =	vld [tilespmem:s11+$0xFFFFFEF0]  }
0x52: {  	v15 =	vld [tilespmem:s11+$0xFFFFFB10]  }
0x53: {  	v23 =	vld [tilespmem:s11+$0xFFFFFB20]  }
0x54: {  	v28 =	vld [tilespmem:s11+$0xFFFFFB30]  }
0x55: {  	v30 =	vld [tilespmem:s11+$0xFFFFFB40]  }
0x56: {  	[tilespmem:$0x1FEE0] =	vst v62;
	v62 =	vld [tilespmem:s11+$0xFFFFFF20]  }
0x57: {  	v31 =	vld [tilespmem:s11+$0xFFFFFB50]  }
0x58: {  	v38 =	vld [tilespmem:s11+$0xFFFFFB60]  }
0x59: {  	v42 =	vld [tilespmem:s11+$0xFFFFFB70]  }
0x5a: {  	v33 =	vld [tilespmem:s11+$0xFFFFFB80]  }
0x5b: {  	[tilespmem:$0x1FE20] =	vst v62;
	v62 =	vld [tilespmem:s11+$0xFFFFFF30]  }
0x5c: {  	v39 =	vld [tilespmem:s11+$0xFFFFFB90]  }
0x5d: {  	v47 =	vld [tilespmem:s11+$0xFFFFFBA0]  }
0x5e: {  	v48 =	vld [tilespmem:s11+$0xFFFFFBB0]  }
0x5f: {  	v53 =	vld [tilespmem:s11+$0xFFFFFBC0]  }
0x60: {  	[tilespmem:$0x1FE40] =	vst v62;
	v62 =	vld [tilespmem:s11+$0xFFFFFF40]  }
0x61: {  	v63 =	vld [tilespmem:s11+$0xFFFFFBD0]  }
0x62: {  	v29 =	vld [tilespmem:s11+$0xFFFFFBE0]  }
0x63: {  	v55 =	vld [tilespmem:s11+$0xFFFFFBF0]  }
0x64: {  	v0 =	vld [tilespmem:s11+$0xFFFFFC00]  }
0x65: {  	[tilespmem:$0x1FE80] =	vst v62;
	v62 =	vld [tilespmem:s11+$0xFFFFFF50]  }
0x66: {  	v9 =	vld [tilespmem:s11+$0xFFFFFC10]  }
0x67: {  	v10 =	vld [tilespmem:s11+$0xFFFFFC20]  }
0x68: {  	v11 =	vld [tilespmem:s11+$0xFFFFFC30]  }
0x69: {  	v16 =	vld [tilespmem:s11+$0xFFFFFC40]  }
0x6a: {  	[tilespmem:$0x1FEA0] =	vst v62;
	v62 =	vld [tilespmem:s11+$0xFFFFFF60]  }
0x6b: {  	v20 =	vld [tilespmem:s11+$0xFFFFFC50]  }
0x6c: {  	v26 =	vld [tilespmem:s11+$0xFFFFFC60]  }
0x6d: {  	v59 =	vld [tilespmem:s11+$0xFFFFFC70]  }
0x6e: {  	v12 =	vld [tilespmem:s11+$0xFFFFFC80]  }
0x6f: {  	[tilespmem:$0x1FF00] =	vst v62;
	v62 =	vld [tilespmem:s11+$0xFFFFFF70]  }
0x70: {  	v14 =	vld [tilespmem:s11+$0xFFFFFC90]  }
0x71: {  	v19 =	vld [tilespmem:s11+$0xFFFFFCA0]  }
0x72: {  	v22 =	vld [tilespmem:s11+$0xFFFFFCB0]  }
0x73: {  	v25 =	vld [tilespmem:s11+$0xFFFFFCC0]  }
0x74: {  	[tilespmem:$0x1FF20] =	vst v62;
	v62 =	vld [tilespmem:s11+$0xFFFFFF80]  }
0x75: {  	v32 =	vld [tilespmem:s11+$0xFFFFFCD0]  }
0x76: {  	v43 =	vld [tilespmem:s11+$0xFFFFFCE0]  }
0x77: {  	v51 =	vld [tilespmem:s11+$0xFFFFFCF0]  }
0x78: {  	v17 =	vld [tilespmem:s11+$0xFFFFFD00]  }
0x79: {  	[tilespmem:$0x1FEB0] =	vst v62;
	v62 =	vld [tilespmem:s11+$0xFFFFFF90]  }
0x7a: {  	v18 =	vld [tilespmem:s11+$0xFFFFFD10]  }
0x7b: {  	v21 =	vld [tilespmem:s11+$0xFFFFFD20]  }
0x7c: {  	v24 =	vld [tilespmem:s11+$0xFFFFFD30]  }
0x7d: {  	v27 =	vld [tilespmem:s11+$0xFFFFFD40]  }
0x7e: {  	[tilespmem:$0x1FEC0] =	vst v62;
	v62 =	vld [tilespmem:s11+$0xFFFFFFA0]  }
0x7f: {  	v36 =	vld [tilespmem:s11+$0xFFFFFD50]  }
0x80: {  	v45 =	vld [tilespmem:s11+$0xFFFFFD60]  }
0x81: {  	v34 =	vld [tilespmem:s11+$0xFFFFFD70]  }
0x82: {  	v37 =	vld [tilespmem:s11+$0xFFFFFD80]  }
0x83: {  	[tilespmem:$0x1FEF0] =	vst v62;
	v62 =	vld [tilespmem:s11+$0xFFFFFFB0]  }
0x84: {  	v40 =	vld [tilespmem:s11+$0xFFFFFD90]  }
0x85: {  	v60 =	vld [tilespmem:s11+$0xFFFFFDA0]  }
0x86: {  	v56 =	vld [tilespmem:s11+$0xFFFFFDB0]  }
0x87: {  	v57 =	vld [tilespmem:s11+$0xFFFFFDC0]  }
0x88: {  	[tilespmem:$0x1FF10] =	vst v62;
	v62 =	vld [tilespmem:s11+$0xFFFFFFC0]  }
0x89: {  	v58 =	vld [tilespmem:s11+$0xFFFFFDD0]  }
0x8a: {  	v50 =	vld [tilespmem:s11+$0xFFFFFDE0]  }
0x8b: {  	v52 =	vld [tilespmem:s11+$0xFFFFFDF0]  }
0x8c: {  	v35 =	vld [tilespmem:s11+$0xFFFFFE10]  }
0x8d: {  	[tilespmem:$0x1FF30] =	vst v62;
	v62 =	vld [tilespmem:s11+$0xFFFFFFD0]  }
0x8e: {  	v41 =	vld [tilespmem:s11+$0xFFFFFE20]  }
0x8f: {  	v44 =	vld [tilespmem:s11+$0xFFFFFE30]  }
0x90: {  	v46 =	vld [tilespmem:s11+$0xFFFFFE50]  }
0x91: {  	v54 =	vld [tilespmem:s11+$0xFFFFFE60]  }
0x92: {  	[tilespmem:$0x1FF40] =	vst v62;
	v62 =	vld [tilespmem:s11+$0xFFFFFFE0]  }
0x93: {  	v61 =	vld [tilespmem:s11+$0xFFFFFE70]  }
0x94: {  	v49 =	vld [tilespmem:s11+$0xFFFFFE80]  }
0x95: {  	[tilespmem:$0x1FDD0] =	vst v34;
	v34 =	vld [tilespmem:s11+$0xFFFFFE00]  }
0x96: {  	[tilespmem:$0x1FDF0] =	vst v50;
	v50 =	vld [tilespmem:s11+$0xFFFFFE40];
	v13 =	vmul.f32 v13, v8;
	v15 =	vmul.f32 v15, v7  }
0x97: {  	[tilespmem:$0x1FF60] =	vst v62;
	v62 =	vld [tilespmem:s11+$0xFFFFFFF0]  }
0x98: {  	[tilespmem:$0x1FE50] =	vst v52;
	v52 =	vld [tilespmem:s11+$0xFFFFFEB0];
	v13 =	vadd.f32 v15, v13;
	v15 =	vmul.f32 v23, v6  }
0x99: {  	[tilespmem:$0x1FDE0] =	vst v46;
	v46 =	vld [tilespmem:s11+$0xFFFFFE90]  }
0x9a: {  	[tilespmem:$0x1FE10] =	vst v54;
	v13 =	vadd.f32 v15, v13;
	v15 =	vmul.f32 v28, v5;
	v28 =	vld [tilespmem:s11+$0x0]  }
0x9b: {  	[tilespmem:$0x1FE70] =	vst v61;
	v61 =	vld [tilespmem:s11+$0xFFFFFEA0]  }
0x9c: {  	v54 =	vld [tilespmem:s11+$0xFFFFFF10];
	v0 =	vmul.f32 v0, v8;
	v13 =	vadd.f32 v15, v13;
	[tilespmem:$0x1FF80] =	vst v62;
	v62 =	vmul.f32 v30, v4  }
0x9d: {  	v9 =	vmul.f32 v9, v7;
	v23 =	vmul.f32 v31, v3;
	[tilespmem:$0x1FE00] =	vst v52;
	v52 =	vld [tilespmem:s11+$0xFFFFFF00]  }
0x9e: {  	v15 =	vmul.f32 v33, v8;
	v33 =	vld [tilespmem:s11+$0x40];
	v13 =	vadd.f32 v62, v13;
	v62 =	vmul.f32 v39, v7  }
0x9f: {  	v10 =	vmul.f32 v10, v6;
	v0 =	vadd.f32 v9, v0;
	[tilespmem:$0x1FED0] =	vst v28;
	v28 =	vld [tilespmem:s11+$0x10]  }
0xa0: {  	v30 =	vld [tilespmem:s11+$0x20];
	v13 =	vadd.f32 v23, v13;
	v15 =	vadd.f32 v62, v15;
	v62 =	vmul.f32 v38, v2  }
0xa1: {  	v16 =	vmul.f32 v16, v4;
	v23 =	vmul.f32 v47, v6;
	v47 =	vld [tilespmem:s11+$0x50]  }
0xa2: {  	v0 =	vadd.f32 v10, v0;
	v38 =	vld [tilespmem:s11+$0x60];
	v9 =	vadd.f32 v62, v13;
	v62 =	vmul.f32 v11, v5  }
0xa3: {  	v12 =	vmul.f32 v12, v8;
	v14 =	vmul.f32 v14, v7;
	v39 =	vld [tilespmem:s11+$0x30]  }
0xa4: {  	v37 =	vmul.f32 v37, v8;
	v13 =	vld [tilespmem:s11+$0x110];
	v0 =	vadd.f32 v62, v0;
	v62 =	vmul.f32 v63, v3  }
0xa5: {  	v63 =	vmul.f32 v20, v3;
	v20 =	vmul.f32 v19, v6;
	v19 =	vld [tilespmem:s11+$0x1E0]  }
0xa6: {  	v40 =	vmul.f32 v40, v7;
	[tilespmem:$0x1FF50] =	vst v47;
	v47 =	vmul.f32 v48, v5;
	v48 =	vld [tilespmem:s11+$0x70]  }
0xa7: {  	v15 =	vadd.f32 v23, v15;
	[tilespmem:$0x1FF70] =	vst v38;
	v38 =	vmul.f32 v42, v1;
	v42 =	vmul.f32 v53, v4;
	v53 =	vld [tilespmem:s11+$0x90]  }
0xa8: {  	v0 =	vadd.f32 v16, v0;
	v16 =	vadd.f32 v14, v12;
	v14 =	vld [tilespmem:s11+$0xE0]  }
0xa9: {  	v12 =	vadd.f32 v40, v37;
	v37 =	vld [tilespmem:$0x1FDD0]  }
0xaa: {  	v31 =	vadd.f32 v47, v15;
	v47 =	vld [tilespmem:s11+$0xA0]  }
0xab: {  	v9 =	vadd.f32 v38, v9;
	v38 =	vld [tilespmem:s11+$0xC0]  }
0xac: {  	v15 =	vld [tilespmem:s11+$0x100];
	v0 =	vadd.f32 v63, v0;
	v63 =	vmul.f32 v22, v5;
	v22 =	vmul.f32 v26, v2  }
0xad: {  	v26 =	vmul.f32 v25, v4;
	v25 =	vmul.f32 v59, v1;
	v59 =	vld [tilespmem:s11+$0x140]  }
0xae: {  	v11 =	vadd.f32 v42, v31;
	v42 =	vld [tilespmem:s11+$0xB0]  }
0xaf: {  	v31 =	vld [tilespmem:s11+$0xD0]  }
0xb0: {  	[tilespmem:$0x1FFB0] =	vst v9;
	v9 =	vmul.f32 v17, v8;
	v17 =	vld [tilespmem:s11+$0x1F0]  }
0xb1: {  	v23 =	vmul.f32 v18, v7;
	[tilespmem:$0x1FF90] =	vst v48;
	v48 =	vld [tilespmem:s11+$0x80];
	v0 =	vadd.f32 v22, v0  }
0xb2: {  	v22 =	vmul.f32 v55, v1;
	v55 =	vld [tilespmem:s11+$0x150];
	v10 =	vadd.f32 v62, v11;
	v11 =	vadd.f32 v20, v16  }
0xb3: {  	v20 =	vld [tilespmem:s11+$0xF0];
	v9 =	vadd.f32 v23, v9;
	v23 =	vmul.f32 v21, v6  }
0xb4: {  	v62 =	vmul.f32 v29, v2;
	v0 =	vadd.f32 v25, v0;
	v25 =	vld [tilespmem:s11+$0x170];
	v11 =	vadd.f32 v63, v11  }
0xb5: {  	v29 =	vmul.f32 v24, v5;
	v9 =	vadd.f32 v23, v9;
	v23 =	vld [tilespmem:s11+$0x120]  }
0xb6: {  	v10 =	vadd.f32 v62, v10;
	v63 =	vld [tilespmem:s11+$0x130];
	v11 =	vadd.f32 v26, v11  }
0xb7: {  	v9 =	vadd.f32 v29, v9;
	v26 =	vmul.f32 v27, v4;
	v29 =	vmul.f32 v43, v2;
	v43 =	vld [tilespmem:s11+$0x160]  }
0xb8: {  	v24 =	vmul.f32 v32, v3;
	v10 =	vadd.f32 v22, v10;
	[tilespmem:$0x1FFA0] =	vst v20;
	v20 =	vld [tilespmem:s11+$0x180]  }
0xb9: {  	v32 =	vadd.f32 v26, v9;
	v9 =	vld [tilespmem:s11+$0x190]  }
0xba: {  	v36 =	vmul.f32 v36, v3;
	[tilespmem:$0x1FFC0] =	vst v10;
	v27 =	vadd.f32 v24, v11;
	v10 =	vld [tilespmem:s11+$0x1A0]  }
0xbb: {  	v24 =	vmul.f32 v35, v7;
	v35 =	vmul.f32 v56, v5;
	v56 =	vld [tilespmem:s11+$0x1C0]  }
0xbc: {  	v62 =	vmul.f32 v34, v8;
	v11 =	vadd.f32 v29, v27;
	v27 =	vmul.f32 v60, v6;
	v60 =	vld [tilespmem:s11+$0x1B0]  }
0xbd: {  	[tilespmem:$0x1FFD0] =	vst v0;
	v0 =	vadd.f32 v36, v32;
	v36 =	vmul.f32 v44, v5;
	v44 =	vmul.f32 v50, v4;
	v50 =	vld [tilespmem:$0x1FDE0]  }
0xbe: {  	v26 =	vmul.f32 v51, v1;
	v16 =	vadd.f32 v24, v62;
	v62 =	vld [tilespmem:s11+$0x230]  }
0xbf: {  	v24 =	vmul.f32 v54, v7;
	v54 =	vld [tilespmem:$0x1FE80]  }
0xc0: {  	v29 =	vmul.f32 v45, v2;
	v11 =	vadd.f32 v26, v11;
	v26 =	vld [tilespmem:s11+$0x1D0]  }
0xc1: {  	v34 =	vadd.f32 v27, v12;
	v27 =	vld [tilespmem:s11+$0x200]  }
0xc2: {  	v46 =	vmul.f32 v46, v7;
	v45 =	vmul.f32 v49, v8;
	v0 =	vadd.f32 v29, v0;
	v29 =	vld [tilespmem:s11+$0x210]  }
0xc3: {  	v32 =	vmul.f32 v41, v6;
	v12 =	vmul.f32 v37, v1;
	v37 =	vld [tilespmem:$0x1FE00]  }
0xc4: {  	v51 =	vadd.f32 v46, v45;
	v45 =	vld [tilespmem:$0x1FE40]  }
0xc5: {  	v16 =	vadd.f32 v32, v16;
	v46 =	vld [tilespmem:$0x1FE50]  }
0xc6: {  	[tilespmem:$0x1FFE0] =	vst v11;
	v11 =	vadd.f32 v35, v34;
	v34 =	vld [tilespmem:s11+$0x220]  }
0xc7: {  	v16 =	vadd.f32 v36, v16;
	v36 =	vld [tilespmem:$0x1FDF0]  }
0xc8: {  	v40 =	vmul.f32 v57, v4;
	v35 =	vld [tilespmem:s11+$0x2A0]  }
0xc9: {  	v57 =	vmul.f32 v61, v6;
	v0 =	vadd.f32 v12, v0;
	v12 =	vmul.f32 v50, v3;
	v50 =	vld [tilespmem:$0x1FE60]  }
0xca: {  	v11 =	vadd.f32 v40, v11;
	v40 =	vld [tilespmem:$0x1FE10]  }
0xcb: {  	v49 =	vadd.f32 v44, v16;
	v16 =	vadd.f32 v57, v51;
	v57 =	vld [tilespmem:s11+$0x240]  }
0xcc: {  	v44 =	vld [tilespmem:$0x1FE30]  }
0xcd: {  	v41 =	vmul.f32 v58, v3;
	v51 =	vld [tilespmem:$0x1FE70]  }
0xce: {  	v22 =	vmul.f32 v37, v5;
	v37 =	vld [tilespmem:s11+$0x290]  }
0xcf: {  	v11 =	vadd.f32 v41, v11;
	v41 =	vld [tilespmem:$0x1FE20]  }
0xd0: {  	[tilespmem:$0x1FFF0] =	vst v0;
	v27 =	vmul.f32 v27, v8;
	v29 =	vmul.f32 v29, v7;
	v0 =	vadd.f32 v12, v49;
	v49 =	vld [tilespmem:s11+$0x250]  }
0xd1: {  	v18 =	vmul.f32 v36, v2;
	v36 =	vld [tilespmem:s11+$0x280]  }
0xd2: {  	v27 =	vadd.f32 v29, v27;
	v29 =	vld [tilespmem:s11+$0x480]  }
0xd3: {  	v16 =	vadd.f32 v22, v16;
	v22 =	vmul.f32 v50, v3;
	v50 =	vld [tilespmem:$0x1FEC0]  }
0xd4: {  	v58 =	vmul.f32 v52, v8;
	v11 =	vadd.f32 v18, v11;
	v18 =	vmul.f32 v44, v4;
	v44 =	vld [tilespmem:s11+$0x260]  }
0xd5: {  	v34 =	vmul.f32 v34, v6;
	v21 =	vmul.f32 v40, v2;
	v40 =	vld [tilespmem:s11+$0x2B0]  }
0xd6: {  	v12 =	vadd.f32 v24, v58;
	v52 =	vmul.f32 v51, v1;
	v51 =	vld [tilespmem:$0x1FED0]  }
0xd7: {  	v27 =	vadd.f32 v34, v27;
	v34 =	vld [tilespmem:s11+$0x440];
	v24 =	vmul.f32 v41, v6;
	v16 =	vadd.f32 v18, v16  }
0xd8: {  	v0 =	vadd.f32 v21, v0;
	v21 =	vmul.f32 v45, v5;
	v45 =	vld [tilespmem:$0x1FEA0]  }
0xd9: {  	v12 =	vadd.f32 v24, v12;
	v61 =	vadd.f32 v22, v16;
	v22 =	vld [tilespmem:$0x1FE90]  }
0xda: {  	v58 =	vmul.f32 v54, v4;
	v41 =	vld [tilespmem:s11+$0x270]  }
0xdb: {  	v18 =	vmul.f32 v46, v1;
	v32 =	vadd.f32 v52, v0;
	v52 =	vld [tilespmem:$0x1FEE0];
	v21 =	vadd.f32 v21, v12  }
0xdc: {  	v46 =	vld [tilespmem:$0x1FEB0]  }
0xdd: {  	v12 =	vadd.f32 v18, v11;
	v18 =	vmul.f32 v45, v3;
	v24 =	vadd.f32 v58, v21;
	v58 =	vld [tilespmem:$0x1FEF0]  }
0xde: {  	v21 =	vmul.f32 v50, v7;
	v50 =	vld [tilespmem:s11+$0x310];
	v16 =	vmul.f32 v22, v2  }
0xdf: {  	v0 =	vadd.f32 v18, v24;
	v18 =	vmul.f32 v51, v8;
	v51 =	vld [tilespmem:$0x1FF00]  }
0xe0: {  	v54 =	vmul.f32 v52, v1;
	v22 =	vld [tilespmem:s11+$0x2D0];
	v11 =	vadd.f32 v16, v61  }
0xe1: {  	v28 =	vmul.f32 v28, v7;
	v24 =	vld [tilespmem:s11+$0x2C0];
	v16 =	vmul.f32 v46, v8  }
0xe2: {  	v30 =	vmul.f32 v30, v6;
	v11 =	vadd.f32 v54, v11;
	v54 =	vld [tilespmem:$0x1FF10]  }
0xe3: {  	v28 =	vadd.f32 v28, v18;
	v18 =	vld [tilespmem:s11+$0x2F0];
	v16 =	vadd.f32 v21, v16;
	v61 =	vmul.f32 v58, v6  }
0xe4: {  	v21 =	vld [tilespmem:s11+$0x2E0];
	v52 =	vmul.f32 v51, v2  }
0xe5: {  	v28 =	vadd.f32 v30, v28;
	v16 =	vadd.f32 v61, v16;
	v61 =	vmul.f32 v39, v5;
	v51 =	vld [tilespmem:$0x1FF20]  }
0xe6: {  	v0 =	vadd.f32 v52, v0;
	v52 =	vld [tilespmem:$0x1FF30]  }
0xe7: {  	v33 =	vmul.f32 v33, v4;
	v28 =	vadd.f32 v61, v28;
	v58 =	vmul.f32 v54, v5;
	v54 =	vld [tilespmem:$0x1FF40]  }
0xe8: {  	v48 =	vmul.f32 v48, v8;
	v39 =	vld [tilespmem:s11+$0x300]  }
0xe9: {  	v61 =	vadd.f32 v33, v28;
	v33 =	vld [tilespmem:s11+$0x340];
	v16 =	vadd.f32 v58, v16;
	v58 =	vmul.f32 v53, v7  }
0xea: {  	v45 =	vmul.f32 v51, v1;
	v51 =	vld [tilespmem:s11+$0x320]  }
0xeb: {  	v46 =	vmul.f32 v52, v4;
	v48 =	vadd.f32 v58, v48;
	v58 =	vld [tilespmem:$0x1FF70]  }
0xec: {  	v30 =	vmul.f32 v54, v3;
	v54 =	vld [tilespmem:$0x1FF60]  }
0xed: {  	v46 =	vadd.f32 v46, v16;
	v16 =	vadd.f32 v45, v0;
	v45 =	vld [tilespmem:$0x1FF50]  }
0xee: {  	v13 =	vmul.f32 v13, v7;
	v15 =	vmul.f32 v15, v8;
	v53 =	vld [tilespmem:s11+$0x330]  }
0xef: {  	v52 =	vmul.f32 v47, v6;
	v47 =	vld [tilespmem:s11+$0x350]  }
0xf0: {  	v13 =	vadd.f32 v13, v15;
	v15 =	vmul.f32 v58, v2;
	v58 =	vld [tilespmem:$0x1FF90]  }
0xf1: {  	v30 =	vadd.f32 v30, v46;
	v46 =	vmul.f32 v54, v2;
	v54 =	vld [tilespmem:$0x1FF80]  }
0xf2: {  	v28 =	vmul.f32 v45, v3;
	v45 =	vadd.f32 v52, v48;
	v48 =	vld [tilespmem:s11+$0x370]  }
0xf3: {  	v42 =	vmul.f32 v42, v5;
	v52 =	vld [tilespmem:s11+$0x380]  }
0xf4: {  	v23 =	vmul.f32 v23, v6;
	v30 =	vadd.f32 v46, v30;
	v46 =	vld [tilespmem:s11+$0x3B0]  }
0xf5: {  	v38 =	vmul.f32 v38, v4;
	v0 =	vadd.f32 v28, v61;
	v28 =	vld [tilespmem:s11+$0x360];
	v42 =	vadd.f32 v42, v45  }
0xf6: {  	v31 =	vmul.f32 v31, v3;
	v63 =	vmul.f32 v63, v5;
	v45 =	vld [tilespmem:s11+$0x390];
	v61 =	vadd.f32 v23, v13  }
0xf7: {  	v23 =	vld [tilespmem:s11+$0x3A0];
	v15 =	vadd.f32 v15, v0;
	v38 =	vadd.f32 v38, v42;
	v42 =	vmul.f32 v54, v1  }
0xf8: {  	v13 =	vadd.f32 v63, v61;
	v54 =	vmul.f32 v58, v1;
	v58 =	vmul.f32 v59, v4;
	v59 =	vld [tilespmem:s11+$0x3C0]  }
0xf9: {  	v61 =	vadd.f32 v31, v38;
	v38 =	vld [tilespmem:s11+$0x3D0]  }
0xfa: {  	v63 =	vmul.f32 v14, v2;
	v14 =	vadd.f32 v54, v15;
	v54 =	vadd.f32 v58, v13;
	v13 =	vld [tilespmem:s11+$0x3E0]  }
0xfb: {  	v58 =	vmul.f32 v9, v7;
	v9 =	vld [tilespmem:s11+$0x3F0]  }
0xfc: {  	v55 =	vmul.f32 v55, v3;
	v20 =	vmul.f32 v20, v8;
	v0 =	vadd.f32 v42, v30;
	v42 =	vld [tilespmem:s11+$0x400]  }
0xfd: {  	v30 =	vadd.f32 v63, v61;
	v61 =	vld [tilespmem:$0x1FFA0]  }
0xfe: {  	v15 =	vadd.f32 v55, v54;
	v20 =	vadd.f32 v58, v20;
	v63 =	vmul.f32 v10, v6;
	v55 =	vld [tilespmem:s11+$0x410]  }
0xff: {  	v58 =	vmul.f32 v43, v2;
	v43 =	vld [tilespmem:s11+$0x420]  }
0x100: {  	v60 =	vmul.f32 v60, v5;
	v54 =	vld [tilespmem:s11+$0x450];
	v20 =	vadd.f32 v63, v20  }
0x101: {  	v15 =	vadd.f32 v58, v15;
	v63 =	vmul.f32 v57, v4;
	v57 =	vmul.f32 v35, v6;
	v35 =	vld [tilespmem:s11+$0x490]  }
0x102: {  	v58 =	vmul.f32 v39, v8;
	v39 =	vld [tilespmem:s11+$0x4A0];
	v20 =	vadd.f32 v60, v20;
	v60 =	vmul.f32 v36, v8  }
0x103: {  	v36 =	vld [tilespmem:s11+$0x4E0];
	v31 =	vmul.f32 v61, v1;
	v61 =	vmul.f32 v62, v5  }
0x104: {  	v62 =	vmul.f32 v56, v4;
	v56 =	vld [tilespmem:s11+$0x460]  }
0x105: {  	v10 =	vadd.f32 v31, v30;
	v31 =	vld [tilespmem:s11+$0x430];
	v27 =	vadd.f32 v61, v27;
	v61 =	vmul.f32 v37, v7  }
0x106: {  	v25 =	vmul.f32 v25, v1;
	v26 =	vmul.f32 v26, v3;
	v20 =	vadd.f32 v62, v20;
	v37 =	vld [tilespmem:s11+$0x470]  }
0x107: {  	v30 =	vld [tilespmem:s12+$0xFFFFFFE0];
	v62 =	vadd.f32 v63, v27;
	v63 =	vmul.f32 v49, v3;
	v49 =	vadd.f32 v61, v60  }
0x108: {  	v15 =	vadd.f32 v25, v15;
	v61 =	vmul.f32 v40, v5;
	v40 =	vld [tilespmem:s11+$0x4B0]  }
0x109: {  	v20 =	vadd.f32 v26, v20;
	v60 =	vmul.f32 v50, v7;
	v26 =	vadd.f32 v57, v49;
	v49 =	vld [tilespmem:s11+$0x4C0]  }
0x10a: {  	v25 =	vadd.f32 v63, v62;
	v62 =	vmul.f32 v51, v6;
	v51 =	vmul.f32 v33, v4;
	v33 =	vld [tilespmem:s12+$0xFFFFFFC0]  }
0x10b: {  	v19 =	vmul.f32 v19, v2;
	v57 =	vmul.f32 v21, v2;
	v21 =	vld [tilespmem:s12+$0xFFFFFFD0]  }
0x10c: {  	v44 =	vmul.f32 v44, v2;
	v27 =	vadd.f32 v60, v58;
	v60 =	vmul.f32 v47, v3;
	v47 =	vld [tilespmem:s12+$0x20]  }
0x10d: {  	v41 =	vmul.f32 v41, v1;
	v24 =	vmul.f32 v24, v4;
	v63 =	vadd.f32 v61, v26;
	v26 =	vld [tilespmem:s11+$0x4D0]  }
0x10e: {  	v50 =	vmul.f32 v53, v5;
	v25 =	vadd.f32 v44, v25;
	v27 =	vadd.f32 v62, v27;
	v44 =	vld [tilespmem:s12+$0xFFFFFFF0]  }
0x10f: {  	s9 =	sshrl.u32 s8, $0x3;
	v22 =	vmul.f32 v22, v3;
	v19 =	vadd.f32 v19, v20;
	v20 =	vadd.f32 v24, v63;
	v24 =	vld [tilespmem:s11+$0x4F0]  }
0x110: {  	s9 =	smul.u32 $0x3000, s9;
	v61 =	vmul.f32 v52, v8;
	v27 =	vadd.f32 v50, v27;
	v63 =	vmul.f32 v28, v2;
	v28 =	vld [tilespmem:s12+$0x0]  }
0x111: {  	v62 =	vmul.f32 v45, v7;
	v53 =	vadd.f32 v22, v20;
	v22 =	vadd.f32 v41, v25;
	v41 =	vld [tilespmem:s12+$0x10]  }
0x112: {  	s10 =	sand.u32 $0x380, s24;
	s9 =	sshra.s32 s9, $0x2;
	v17 =	vmul.f32 v17, v1;
	v58 =	vadd.f32 v51, v27;
	v51 =	vmul.f32 v55, v7;
	v55 =	vld [tilespmem:$0x1FFB0]  }
0x113: {  	s9 =	sor.u32 s10, s9;
	v29 =	vmul.f32 v29, v8;
	v23 =	vmul.f32 v23, v6;
	v20 =	vadd.f32 v62, v61;
	v61 =	vld [tilespmem:$0x1FFE0]  }
0x114: {  	s10 =	sadd.s32 $0x18C00, s9;
	v18 =	vmul.f32 v18, v1;
	v62 =	vmul.f32 v38, v3;
	v38 =	vld [tilespmem:$0x1FFF0]  }
0x115: {  	v48 =	vmul.f32 v48, v1;
	v59 =	vmul.f32 v59, v4;
	v52 =	vadd.f32 v23, v20;
	v23 =	vld [tilespmem:s12+$0x30];
	[tilespmem:s10+$0x50] =	vst v12  }
0x116: {  	v9 =	vmul.f32 v9, v1;
	v31 =	vmul.f32 v31, v5;
	v25 =	vadd.f32 v60, v58;
	v58 =	vld [tilespmem:$0x1FFC0];
	[tilespmem:s10+$0x60] =	vst v32  }
0x117: {  	v45 =	vmul.f32 v39, v6;
	v50 =	vmul.f32 v42, v8;
	v60 =	vld [tilespmem:$0x1FFD0];
	[tilespmem:s10+$0x70] =	vst v11  }
0x118: {  	v17 =	vadd.f32 v17, v19;
	v42 =	vmul.f32 v34, v4;
	v8 =	vmul.f32 v33, v8;
	[tilespmem:s9+$0x18C00] =	vst v55  }
0x119: {  	v19 =	vadd.f32 v57, v53;
	v53 =	vmul.f32 v46, v5;
	v57 =	vmul.f32 v43, v6;
	[tilespmem:s10+$0x40] =	vst v38  }
0x11a: {  	v27 =	vadd.f32 v51, v50;
	v6 =	vmul.f32 v30, v6;
	v50 =	vmul.f32 v40, v5;
	[tilespmem:s10+$0x30] =	vst v61  }
0x11b: {  	v5 =	vmul.f32 v44, v5;
	v25 =	vadd.f32 v63, v25;
	v63 =	vmul.f32 v35, v7;
	[tilespmem:s10+$0x10] =	vst v58  }
0x11c: {  	v51 =	vmul.f32 v54, v3;
	v18 =	vadd.f32 v18, v19;
	v7 =	vmul.f32 v21, v7;
	[tilespmem:s10+$0x20] =	vst v60  }
0x11d: {  	v54 =	vmul.f32 v56, v2;
	v19 =	vadd.f32 v53, v52;
	v43 =	vadd.f32 v63, v29;
	s10 =	sadd.s32 $0x19000, s9;
	[tilespmem:s9+$0x19000] =	vst v16  }
0x11e: {  	v56 =	vmul.f32 v26, v3;
	v27 =	vadd.f32 v57, v27;
	v7 =	vadd.f32 v7, v8;
	[tilespmem:s10+$0x40] =	vst v15  }
0x11f: {  	v52 =	vmul.f32 v49, v4;
	v25 =	vadd.f32 v48, v25;
	v46 =	vadd.f32 v45, v43;
	[tilespmem:s10+$0x50] =	vst v17  }
0x120: {  	v4 =	vmul.f32 v28, v4;
	v27 =	vadd.f32 v31, v27;
	v6 =	vadd.f32 v6, v7;
	[tilespmem:s10+$0x60] =	vst v22  }
0x121: {  	v3 =	vmul.f32 v41, v3;
	v19 =	vadd.f32 v59, v19;
	[tilespmem:s10+$0x70] =	vst v18;
	v8 =	vadd.f32 v50, v46  }
0x122: {  	v48 =	vmul.f32 v13, v2;
	v21 =	vadd.f32 v42, v27;
	[tilespmem:s10+$0x10] =	vst v0;
	v5 =	vadd.f32 v5, v6  }
0x123: {  	v59 =	vmul.f32 v37, v1;
	v19 =	vadd.f32 v62, v19;
	[tilespmem:s10+$0x20] =	vst v14;
	v55 =	vadd.f32 v52, v8  }
0x124: {  	v63 =	vimm.f32 $0.0e+00;
	[tilespmem:s10+$0x30] =	vst v10;
	v53 =	vadd.f32 v51, v21;
	v4 =	vadd.f32 v4, v5  }
0x125: {  	v58 =	vmul.f32 v36, v2;
	s10 =	sadd.s32 $0x19400, s9;
	v11 =	vadd.f32 v48, v19;
	[tilespmem:s9+$0x19400] =	vst v25;
	v57 =	vadd.f32 v56, v55  }
0x126: {  	v2 =	vmul.f32 v47, v2;
	[tilespmem:s10+$0x50] =	vst v63;
	v0 =	vadd.f32 v54, v53;
	v3 =	vadd.f32 v3, v4  }
0x127: {  	p1 =	sne.s32 s8, $0xF;
	v61 =	vmul.f32 v24, v1;
	[tilespmem:s10+$0x60] =	vst v63;
	v60 =	vadd.f32 v9, v11;
	v5 =	vadd.f32 v58, v57  }
.Ltmp0:
0x128: {  	v1 =	vmul.f32 v23, v1;
	[tilespmem:s10+$0x70] =	vst v63;
	v0 =	vadd.f32 v59, v0;
	v2 =	vadd.f32 v2, v3;
	(pc) =	sbr.rel @p1 .LBB2_3-.Ltmp0, $4  }
0x129: {  	[tilespmem:s10+$0x10] =	vst v60;
	v62 =	vadd.f32 v61, v5  }
0x12a: {  	[tilespmem:s10+$0x20] =	vst v0;
	v1 =	vadd.f32 v1, v2  }
0x12b: {  	s24 =	sadd.s32 $0x80, s24;
	s7 =	sadd.s32 $0x80, s7;
	[tilespmem:s10+$0x30] =	vst v62  }
0x12c: {  	s8 =	sadd.s32 $0x1, s8;
	s11 =	sadd.s32 $0xA00, s11;
	s12 =	sadd.s32 $0x80, s12;
	[tilespmem:s10+$0x40] =	vst v1  }
0x12d: {  	s7 =	sshll.u32 s21, $0x5  }
0x12e: {  	s7 =	sadd.s32 s6, s7  }
0x12f: {  	s7 =	sshrl.u32 s7, $0x3  }
0x130: {  	s7 =	smul.u32 $0x180, s7;
	_ =	sdelay $0x1  }
0x131: {  	p1 =	seq.s32 s21, $0xF;
	s7 =	sadd.s32 s5, s7  }
0x132: {  	[hbm4b:s7+s4] =	stream.linear.scatter [tilespmem:s0], [sflag:$0x4], $0x1800, $0x38;
	[tilespmem:$0x1BC00] =	vst v63  }
0x133: {  	s9 =	simm.s32 @!p1 $0x10;
	s7 =	sadd.s32 @!p1 $0x2, s23  }
0x134: {  	s10 =	simm.s32 @!p1 $0x2C00;
	s8 =	sshll.u32 @!p1 s7, $0x4;
	s7 =	smul.u32 @!p1 $0x500, s7  }
0x135: {  	[tilespmem:s10], [sflag:$0x2] =	stream.indirect.gather @!p1 [hbm4b:s1+s9], $0x80, s8, s9, $0xb8;
	[tilespmem:$0x1BC00] =	vst v63  }
0x136: {  	s8 =	sadd.s32 @!p1 $0x200, s8;
	s10 =	simm.s32 @!p1 $0x3C00;
	s7 =	sshra.s32 @!p1 s7, $0x2  }
0x137: {  	[tilespmem:s10], [sflag:$0x2] =	stream.indirect.gather @!p1 [hbm4b:s2+s9], $0x80, s8, s9, $0xb8;
	[tilespmem:$0x1BC00] =	vst v63  }
0x138: {  	s8 =	sadd.s32 @!p1 $0x400, s7;
	s9 =	simm.s32 @!p1 $0x50;
	s10 =	simm.s32 @!p1 $0x4C00  }
0x139: {  	[tilespmem:s10], [sflag:$0x2] =	stream.indirect.gather @!p1 [hbm4b:s2+s9], $0x80, s8, s9, $0xb8;
	[tilespmem:$0x1BC00] =	vst v63  }
0x13a: {  	s8 =	sadd.s32 @!p1 $0x450, s7;
	s10 =	simm.s32 @!p1 $0x7400  }
0x13b: {  	[tilespmem:s10], [sflag:$0x2] =	stream.indirect.gather @!p1 [hbm4b:s2+s9], $0x80, s8, s9, $0xb8;
	[tilespmem:$0x1BC00] =	vst v63  }
0x13c: {  	s8 =	sadd.s32 @!p1 $0x4A0, s7;
	s10 =	simm.s32 @!p1 $0x9C00  }
0x13d: {  	[tilespmem:s10], [sflag:$0x2] =	stream.indirect.gather @!p1 [hbm4b:s2+s9], $0x80, s8, s9, $0xb8;
	[tilespmem:$0x1BC00] =	vst v63  }
0x13e: {  	s7 =	sadd.s32 @!p1 $0x4F0, s7;
	s8 =	simm.s32 @!p1 $0xC400  }
0x13f: {  	[tilespmem:s8], [sflag:$0x2] =	stream.indirect.gather @!p1 [hbm4b:s2+s9], $0x80, s7, s9, $0xb8;
	[tilespmem:$0x1BC00] =	vst v63  }
0x140: {  	_ =	swait.ge [sflag:s15], $0x800  }
0x141: {  	[sflag:s15] =	ssyncset.done $0x0  }
0x142: {  	[sflag:s15] =	ssyncadd.s32 $0xFFFFF800  }
0x143: {  	_ =	swait.ge [sflag:s15], $0x800  }
0x144: {  	[sflag:s15] =	ssyncset.done $0x0  }
0x145: {  	[sflag:s15] =	ssyncadd.s32 $0xFFFFF800  }
0x146: {  	_ =	swait.ge [sflag:s15], $0xA000  }
0x147: {  	[sflag:s15] =	ssyncset.done $0x0  }
0x148: {  	s7 =	simm.s32 @!p0 $0x5;
	[sflag:s15] =	ssyncadd.s32 $0xFFFF6000  }
0x149: {  	s11 =	simm.s32 $0xF100;
	_ =	swait.ge @!p0 [sflag:s7], $0x1800  }
0x14a: {  	s12 =	simm.s32 $0x4440;
	s23 =	simm.s32 $0x0;
	[sflag:s7] =	ssyncset.done @!p0 $0x0  }
0x14b: {  	s8 =	simm.s32 $0x0;
	[sflag:s7] =	ssyncadd.s32 @!p0 $0xFFFFE800;
	s7 =	simm.s32 $0x3440  }
.LBB2_5:
0x14c: {  	v8 =	vld [tilespmem:s7+$0xFFFFFFC0]  }
0x14d: {  	v7 =	vld [tilespmem:s7+$0xFFFFFFD0]  }
0x14e: {  	v6 =	vld [tilespmem:s7+$0xFFFFFFE0]  }
0x14f: {  	v5 =	vld [tilespmem:s7+$0xFFFFFFF0]  }
0x150: {  	v4 =	vld [tilespmem:s7+$0x0]  }
0x151: {  	v3 =	vld [tilespmem:s7+$0x10]  }
0x152: {  	v2 =	vld [tilespmem:s7+$0x20]  }
0x153: {  	v9 =	vld [tilespmem:s7+$0x30]  }
0x154: {  	v13 =	vld [tilespmem:s11+$0xFFFFFB00]  }
0x155: {  	v15 =	vld [tilespmem:s11+$0xFFFFFB10]  }
0x156: {  	v19 =	vld [tilespmem:s11+$0xFFFFFB20]  }
0x157: {  	v28 =	vld [tilespmem:s11+$0xFFFFFB30]  }
0x158: {  	v30 =	vld [tilespmem:s11+$0xFFFFFB40]  }
0x159: {  	v31 =	vld [tilespmem:s11+$0xFFFFFB50]  }
0x15a: {  	v38 =	vld [tilespmem:s11+$0xFFFFFB60]  }
0x15b: {  	v42 =	vld [tilespmem:s11+$0xFFFFFB70]  }
0x15c: {  	v33 =	vld [tilespmem:s11+$0xFFFFFB80]  }
0x15d: {  	v39 =	vld [tilespmem:s11+$0xFFFFFB90]  }
0x15e: {  	v47 =	vld [tilespmem:s11+$0xFFFFFBA0]  }
0x15f: {  	v48 =	vld [tilespmem:s11+$0xFFFFFBB0]  }
0x160: {  	v53 =	vld [tilespmem:s11+$0xFFFFFBC0]  }
0x161: {  	v62 =	vld [tilespmem:s11+$0xFFFFFBD0]  }
0x162: {  	v32 =	vld [tilespmem:s11+$0xFFFFFBE0]  }
0x163: {  	v1 =	vld [tilespmem:s11+$0xFFFFFD70]  }
0x164: {  	v55 =	vld [tilespmem:s11+$0xFFFFFBF0]  }
0x165: {  	v0 =	vld [tilespmem:s11+$0xFFFFFC00]  }
0x166: {  	v10 =	vld [tilespmem:s11+$0xFFFFFC10]  }
0x167: {  	v11 =	vld [tilespmem:s11+$0xFFFFFC20]  }
0x168: {  	[tilespmem:$0x1FBA0] =	vst v1;
	v1 =	vld [tilespmem:s11+$0xFFFFFF20]  }
0x169: {  	v12 =	vld [tilespmem:s11+$0xFFFFFC30]  }
0x16a: {  	v17 =	vld [tilespmem:s11+$0xFFFFFC40]  }
0x16b: {  	v22 =	vld [tilespmem:s11+$0xFFFFFC50]  }
0x16c: {  	v27 =	vld [tilespmem:s11+$0xFFFFFC60]  }
0x16d: {  	[tilespmem:$0x1FBF0] =	vst v1;
	v1 =	vld [tilespmem:s11+$0xFFFFFF30]  }
0x16e: {  	v59 =	vld [tilespmem:s11+$0xFFFFFC70]  }
0x16f: {  	v16 =	vld [tilespmem:s11+$0xFFFFFC80]  }
0x170: {  	v14 =	vld [tilespmem:s11+$0xFFFFFC90]  }
0x171: {  	v21 =	vld [tilespmem:s11+$0xFFFFFCA0]  }
0x172: {  	[tilespmem:$0x1FC10] =	vst v1;
	v1 =	vld [tilespmem:s11+$0xFFFFFF40]  }
0x173: {  	v24 =	vld [tilespmem:s11+$0xFFFFFCB0]  }
0x174: {  	v26 =	vld [tilespmem:s11+$0xFFFFFCC0]  }
0x175: {  	v36 =	vld [tilespmem:s11+$0xFFFFFCD0]  }
0x176: {  	v43 =	vld [tilespmem:s11+$0xFFFFFCE0]  }
0x177: {  	[tilespmem:$0x1FC50] =	vst v1;
	v1 =	vld [tilespmem:s11+$0xFFFFFF50]  }
0x178: {  	v50 =	vld [tilespmem:s11+$0xFFFFFCF0]  }
0x179: {  	v20 =	vld [tilespmem:s11+$0xFFFFFD00]  }
0x17a: {  	v18 =	vld [tilespmem:s11+$0xFFFFFD10]  }
0x17b: {  	v23 =	vld [tilespmem:s11+$0xFFFFFD20]  }
0x17c: {  	[tilespmem:$0x1FC70] =	vst v1;
	v1 =	vld [tilespmem:s11+$0xFFFFFF60]  }
0x17d: {  	v25 =	vld [tilespmem:s11+$0xFFFFFD30]  }
0x17e: {  	v29 =	vld [tilespmem:s11+$0xFFFFFD40]  }
0x17f: {  	v41 =	vld [tilespmem:s11+$0xFFFFFD50]  }
0x180: {  	v56 =	vld [tilespmem:s11+$0xFFFFFD60]  }
0x181: {  	[tilespmem:$0x1FCD0] =	vst v1;
	v1 =	vld [tilespmem:s11+$0xFFFFFF70]  }
0x182: {  	v37 =	vld [tilespmem:s11+$0xFFFFFD80]  }
0x183: {  	v40 =	vld [tilespmem:s11+$0xFFFFFD90]  }
0x184: {  	v63 =	vld [tilespmem:s11+$0xFFFFFDA0]  }
0x185: {  	v60 =	vld [tilespmem:s11+$0xFFFFFDB0]  }
0x186: {  	[tilespmem:$0x1FCF0] =	vst v1;
	v1 =	vld [tilespmem:s11+$0xFFFFFF80]  }
0x187: {  	v57 =	vld [tilespmem:s11+$0xFFFFFDC0]  }
0x188: {  	v58 =	vld [tilespmem:s11+$0xFFFFFDD0]  }
0x189: {  	v44 =	vld [tilespmem:s11+$0xFFFFFDE0]  }
0x18a: {  	v45 =	vld [tilespmem:s11+$0xFFFFFDF0]  }
0x18b: {  	[tilespmem:$0x1FC80] =	vst v1;
	v1 =	vld [tilespmem:s11+$0xFFFFFF90]  }
0x18c: {  	v34 =	vld [tilespmem:s11+$0xFFFFFE00]  }
0x18d: {  	v35 =	vld [tilespmem:s11+$0xFFFFFE10]  }
0x18e: {  	v51 =	vld [tilespmem:s11+$0xFFFFFE40]  }
0x18f: {  	v46 =	vld [tilespmem:s11+$0xFFFFFE50]  }
0x190: {  	v13 =	vmul.f32 v13, v8;
	v15 =	vmul.f32 v15, v7;
	[tilespmem:$0x1FC90] =	vst v1;
	v1 =	vld [tilespmem:s11+$0xFFFFFFA0]  }
0x191: {  	v49 =	vld [tilespmem:s11+$0xFFFFFE60]  }
0x192: {  	v13 =	vadd.f32 v15, v13;
	v15 =	vmul.f32 v19, v6;
	v19 =	vld [tilespmem:s11+$0xFFFFFFD0]  }
0x193: {  	v52 =	vld [tilespmem:s11+$0xFFFFFE70]  }
0x194: {  	v61 =	vld [tilespmem:s11+$0xFFFFFEA0]  }
0x195: {  	[tilespmem:$0x1FCC0] =	vst v1;
	v1 =	vld [tilespmem:s11+$0xFFFFFFB0]  }
0x196: {  	v54 =	vld [tilespmem:s11+$0xFFFFFEB0];
	[tilespmem:$0x1FBC0] =	vst v44  }
0x197: {  	[tilespmem:$0x1FD10] =	vst v19;
	v19 =	vld [tilespmem:s11+$0xFFFFFFE0]  }
0x198: {  	[tilespmem:$0x1FC20] =	vst v45;
	v44 =	vld [tilespmem:s11+$0xFFFFFE20]  }
0x199: {  	[tilespmem:$0x1FC40] =	vst v52;
	v52 =	vld [tilespmem:s11+$0xFFFFFEC0]  }
0x19a: {  	[tilespmem:$0x1FCE0] =	vst v1;
	v1 =	vld [tilespmem:s11+$0xFFFFFFC0]  }
0x19b: {  	[tilespmem:$0x1FBD0] =	vst v54;
	v54 =	vld [tilespmem:s11+$0xFFFFFED0]  }
0x19c: {  	[tilespmem:$0x1FD30] =	vst v19;
	v19 =	vld [tilespmem:s11+$0xFFFFFFF0]  }
0x19d: {  	v45 =	vld [tilespmem:s11+$0xFFFFFE30];
	[tilespmem:$0x1FBB0] =	vst v46;
	v13 =	vadd.f32 v15, v13;
	v15 =	vmul.f32 v28, v5  }
0x19e: {  	v46 =	vld [tilespmem:s11+$0xFFFFFE80];
	[tilespmem:$0x1FC00] =	vst v52  }
0x19f: {  	v28 =	vld [tilespmem:s11+$0x0];
	v13 =	vadd.f32 v15, v13;
	[tilespmem:$0x1FD00] =	vst v1;
	v1 =	vmul.f32 v30, v4  }
0x1a0: {  	[tilespmem:$0x1FC30] =	vst v54;
	v52 =	vld [tilespmem:s11+$0xFFFFFEE0];
	v15 =	vmul.f32 v33, v8  }
0x1a1: {  	v54 =	vld [tilespmem:s11+$0xFFFFFEF0];
	[tilespmem:$0x1FD50] =	vst v19;
	v19 =	vmul.f32 v31, v3;
	v31 =	vmul.f32 v39, v7;
	v13 =	vadd.f32 v1, v13  }
0x1a2: {  	[tilespmem:$0x1FBE0] =	vst v49;
	v49 =	vld [tilespmem:s11+$0xFFFFFE90];
	v1 =	vmul.f32 v0, v8;
	v0 =	vmul.f32 v10, v7  }
0x1a3: {  	v11 =	vmul.f32 v11, v6;
	v33 =	vld [tilespmem:s11+$0x40];
	v10 =	vadd.f32 v19, v13  }
0x1a4: {  	[tilespmem:$0x1FCA0] =	vst v28;
	v28 =	vld [tilespmem:s11+$0x10];
	v13 =	vadd.f32 v31, v15;
	v0 =	vadd.f32 v0, v1;
	v31 =	vmul.f32 v38, v2  }
0x1a5: {  	[tilespmem:$0x1FC60] =	vst v52;
	v52 =	vld [tilespmem:s11+$0xFFFFFF00]  }
0x1a6: {  	[tilespmem:$0x1FCB0] =	vst v54;
	v54 =	vld [tilespmem:s11+$0xFFFFFF10];
	v1 =	vadd.f32 v31, v10;
	v0 =	vadd.f32 v11, v0;
	v31 =	vmul.f32 v12, v5  }
0x1a7: {  	v39 =	vld [tilespmem:s11+$0x30];
	v15 =	vmul.f32 v47, v6  }
0x1a8: {  	v30 =	vld [tilespmem:s11+$0x20];
	v19 =	vmul.f32 v53, v4;
	v0 =	vadd.f32 v31, v0;
	v31 =	vmul.f32 v62, v3  }
0x1a9: {  	v47 =	vld [tilespmem:s11+$0x50];
	v62 =	vmul.f32 v17, v4;
	v17 =	vmul.f32 v22, v3  }
0x1aa: {  	v38 =	vld [tilespmem:s11+$0x60];
	v22 =	vmul.f32 v21, v6;
	v21 =	vmul.f32 v32, v2  }
0x1ab: {  	v53 =	vld [tilespmem:s11+$0x90];
	v32 =	vmul.f32 v23, v6;
	v23 =	vmul.f32 v36, v3  }
0x1ac: {  	v13 =	vadd.f32 v15, v13;
	v15 =	vld [tilespmem:s11+$0x100];
	v36 =	vmul.f32 v37, v8;
	v37 =	vmul.f32 v40, v7  }
0x1ad: {  	v40 =	vmul.f32 v34, v8;
	v34 =	vmul.f32 v60, v5;
	v60 =	vld [tilespmem:s11+$0x1B0]  }
0x1ae: {  	[tilespmem:$0x1FD20] =	vst v47;
	v47 =	vmul.f32 v48, v5;
	v48 =	vld [tilespmem:s11+$0x70]  }
0x1af: {  	[tilespmem:$0x1FD40] =	vst v38;
	v38 =	vmul.f32 v42, v9;
	v42 =	vld [tilespmem:s11+$0xB0]  }
0x1b0: {  	v0 =	vadd.f32 v62, v0;
	v62 =	vmul.f32 v20, v8;
	v20 =	vmul.f32 v18, v7;
	v18 =	vld [tilespmem:s11+$0x180]  }
0x1b1: {  	v12 =	vadd.f32 v37, v36;
	v36 =	vld [tilespmem:$0x1FBA0]  }
0x1b2: {  	v37 =	vmul.f32 v57, v4;
	v57 =	vld [tilespmem:s11+$0x230]  }
0x1b3: {  	v11 =	vadd.f32 v47, v13;
	v47 =	vld [tilespmem:s11+$0xA0]  }
0x1b4: {  	v1 =	vadd.f32 v38, v1;
	v38 =	vld [tilespmem:s11+$0xC0]  }
0x1b5: {  	v16 =	vmul.f32 v16, v8;
	v14 =	vmul.f32 v14, v7;
	v13 =	vld [tilespmem:s11+$0x110]  }
0x1b6: {  	v0 =	vadd.f32 v17, v0;
	v17 =	vld [tilespmem:s11+$0x1F0]  }
0x1b7: {  	v27 =	vmul.f32 v27, v2;
	v11 =	vadd.f32 v19, v11;
	[tilespmem:$0x1FD80] =	vst v1;
	v19 =	vadd.f32 v14, v16;
	v14 =	vld [tilespmem:s11+$0xE0]  }
0x1b8: {  	v1 =	vadd.f32 v20, v62;
	[tilespmem:$0x1FD60] =	vst v48;
	v48 =	vld [tilespmem:s11+$0x80]  }
0x1b9: {  	v62 =	vmul.f32 v26, v4;
	v0 =	vadd.f32 v27, v0;
	v27 =	vmul.f32 v43, v2;
	v43 =	vld [tilespmem:s11+$0x160]  }
0x1ba: {  	v10 =	vadd.f32 v31, v11;
	v31 =	vld [tilespmem:s11+$0xD0];
	v11 =	vadd.f32 v22, v19;
	v22 =	vmul.f32 v24, v5  }
0x1bb: {  	v24 =	vld [tilespmem:s11+$0xF0];
	v1 =	vadd.f32 v32, v1;
	v32 =	vmul.f32 v41, v3;
	v41 =	vmul.f32 v35, v7  }
0x1bc: {  	v19 =	vld [tilespmem:s11+$0x120];
	v35 =	vmul.f32 v45, v5;
	v45 =	vmul.f32 v49, v7  }
0x1bd: {  	v49 =	vld [tilespmem:$0x1FBB0];
	v10 =	vadd.f32 v21, v10;
	v11 =	vadd.f32 v22, v11;
	v22 =	vmul.f32 v55, v9  }
0x1be: {  	v21 =	vmul.f32 v25, v5;
	v55 =	vld [tilespmem:s11+$0x150]  }
0x1bf: {  	v11 =	vadd.f32 v62, v11;
	v62 =	vld [tilespmem:s11+$0x130];
	v10 =	vadd.f32 v22, v10  }
0x1c0: {  	v25 =	vmul.f32 v29, v4;
	v1 =	vadd.f32 v21, v1;
	[tilespmem:$0x1FD70] =	vst v24;
	v24 =	vmul.f32 v59, v9;
	v59 =	vld [tilespmem:s11+$0x140]  }
0x1c1: {  	[tilespmem:$0x1FD90] =	vst v10;
	v10 =	vld [tilespmem:s11+$0x190]  }
0x1c2: {  	v29 =	vadd.f32 v25, v1;
	v25 =	vmul.f32 v63, v6;
	v63 =	vld [tilespmem:s11+$0x1A0]  }
0x1c3: {  	v26 =	vadd.f32 v23, v11;
	v1 =	vadd.f32 v41, v40;
	v41 =	vmul.f32 v51, v4;
	v23 =	vld [tilespmem:$0x1FBC0]  }
0x1c4: {  	v51 =	vmul.f32 v61, v6;
	v61 =	vmul.f32 v54, v7;
	v54 =	vld [tilespmem:$0x1FC40]  }
0x1c5: {  	v40 =	vmul.f32 v58, v3;
	v58 =	vld [tilespmem:$0x1FC50]  }
0x1c6: {  	v0 =	vadd.f32 v24, v0;
	v11 =	vadd.f32 v27, v26;
	v26 =	vld [tilespmem:s11+$0x170]  }
0x1c7: {  	v27 =	vmul.f32 v56, v2;
	v56 =	vld [tilespmem:s11+$0x1C0]  }
0x1c8: {  	v24 =	vmul.f32 v50, v9;
	[tilespmem:$0x1FDA0] =	vst v0;
	v0 =	vadd.f32 v32, v29;
	v32 =	vadd.f32 v25, v12;
	v25 =	vld [tilespmem:s11+$0x1E0]  }
0x1c9: {  	v12 =	vmul.f32 v36, v9;
	v36 =	vld [tilespmem:$0x1FBF0]  }
0x1ca: {  	v29 =	vmul.f32 v44, v6;
	v11 =	vadd.f32 v24, v11;
	v24 =	vld [tilespmem:$0x1FBD0]  }
0x1cb: {  	v44 =	vmul.f32 v46, v8;
	v0 =	vadd.f32 v27, v0;
	v27 =	vld [tilespmem:s11+$0x1D0]  }
0x1cc: {  	v1 =	vadd.f32 v29, v1;
	v29 =	vld [tilespmem:s11+$0x200]  }
0x1cd: {  	v50 =	vadd.f32 v45, v44;
	v44 =	vld [tilespmem:s11+$0x250]  }
0x1ce: {  	v45 =	vld [tilespmem:s11+$0x2B0]  }
0x1cf: {  	[tilespmem:$0x1FDB0] =	vst v11;
	v11 =	vadd.f32 v34, v32;
	v34 =	vld [tilespmem:s11+$0x210]  }
0x1d0: {  	v32 =	vld [tilespmem:$0x1FBE0]  }
0x1d1: {  	v1 =	vadd.f32 v35, v1;
	v35 =	vld [tilespmem:s11+$0x220]  }
0x1d2: {  	v0 =	vadd.f32 v12, v0;
	v12 =	vadd.f32 v51, v50;
	v51 =	vld [tilespmem:$0x1FC20]  }
0x1d3: {  	v11 =	vadd.f32 v37, v11;
	v22 =	vmul.f32 v36, v6;
	v36 =	vld [tilespmem:s11+$0x280]  }
0x1d4: {  	v46 =	vadd.f32 v41, v1;
	v1 =	vmul.f32 v49, v3;
	v49 =	vld [tilespmem:s11+$0x240]  }
0x1d5: {  	v21 =	vmul.f32 v24, v5;
	v11 =	vadd.f32 v40, v11;
	v40 =	vld [tilespmem:$0x1FC00]  }
0x1d6: {  	v52 =	vmul.f32 v52, v8;
	[tilespmem:$0x1FDC0] =	vst v0;
	v0 =	vadd.f32 v1, v46;
	v46 =	vld [tilespmem:$0x1FC10]  }
0x1d7: {  	v37 =	vadd.f32 v21, v12;
	v12 =	vld [tilespmem:s11+$0x260]  }
0x1d8: {  	v1 =	vadd.f32 v61, v52;
	v52 =	vld [tilespmem:$0x1FC30]  }
0x1d9: {  	v61 =	vld [tilespmem:$0x1FC60]  }
0x1da: {  	v16 =	vmul.f32 v23, v2;
	v21 =	vmul.f32 v51, v9;
	v51 =	vld [tilespmem:$0x1FC90]  }
0x1db: {  	v41 =	vmul.f32 v40, v4;
	v40 =	vld [tilespmem:s11+$0x2A0]  }
0x1dc: {  	v11 =	vadd.f32 v16, v11;
	v50 =	vmul.f32 v46, v5;
	v46 =	vld [tilespmem:$0x1FC70]  }
0x1dd: {  	v1 =	vadd.f32 v22, v1;
	v22 =	vmul.f32 v52, v3;
	v52 =	vld [tilespmem:$0x1FCA0];
	v16 =	vadd.f32 v41, v37  }
0x1de: {  	v11 =	vadd.f32 v21, v11;
	v21 =	vmul.f32 v61, v2;
	v61 =	vld [tilespmem:$0x1FCB0]  }
0x1df: {  	v20 =	vmul.f32 v32, v2;
	v41 =	vld [tilespmem:s11+$0x270];
	v16 =	vadd.f32 v22, v16  }
0x1e0: {  	v23 =	vmul.f32 v58, v4;
	v1 =	vadd.f32 v50, v1;
	v50 =	vld [tilespmem:$0x1FC80]  }
0x1e1: {  	v0 =	vadd.f32 v20, v0;
	v16 =	vadd.f32 v21, v16;
	v21 =	vmul.f32 v51, v7;
	v51 =	vld [tilespmem:$0x1FCD0]  }
0x1e2: {  	v20 =	vmul.f32 v54, v9;
	v37 =	vld [tilespmem:s11+$0x290];
	v24 =	vadd.f32 v23, v1;
	v1 =	vmul.f32 v46, v3  }
0x1e3: {  	v54 =	vmul.f32 v28, v7;
	v22 =	vld [tilespmem:s11+$0x2D0]  }
0x1e4: {  	v32 =	vadd.f32 v20, v0;
	v46 =	vld [tilespmem:$0x1FCC0];
	v0 =	vadd.f32 v1, v24;
	v1 =	vmul.f32 v52, v8  }
0x1e5: {  	v24 =	vld [tilespmem:s11+$0x2C0]  }
0x1e6: {  	v20 =	vmul.f32 v50, v8;
	v1 =	vadd.f32 v54, v1;
	v54 =	vld [tilespmem:$0x1FCE0];
	v52 =	vmul.f32 v51, v2  }
0x1e7: {  	v30 =	vmul.f32 v30, v6;
	v51 =	vld [tilespmem:$0x1FCF0]  }
0x1e8: {  	v58 =	vadd.f32 v21, v20;
	v20 =	vmul.f32 v61, v9;
	v0 =	vadd.f32 v52, v0;
	v52 =	vld [tilespmem:$0x1FD00]  }
0x1e9: {  	v21 =	vld [tilespmem:s11+$0x2E0];
	v50 =	vmul.f32 v46, v6  }
0x1ea: {  	v61 =	vmul.f32 v39, v5;
	v20 =	vadd.f32 v20, v16;
	v16 =	vld [tilespmem:s11+$0x2F0];
	v1 =	vadd.f32 v30, v1  }
0x1eb: {  	v30 =	vld [tilespmem:s11+$0x300];
	v28 =	vadd.f32 v50, v58;
	v58 =	vmul.f32 v54, v5  }
0x1ec: {  	v33 =	vmul.f32 v33, v4;
	v1 =	vadd.f32 v61, v1;
	v54 =	vld [tilespmem:$0x1FD10];
	v39 =	vmul.f32 v51, v9  }
0x1ed: {  	v50 =	vld [tilespmem:s11+$0x310];
	v28 =	vadd.f32 v58, v28;
	v46 =	vmul.f32 v52, v4  }
0x1ee: {  	v61 =	vadd.f32 v33, v1;
	v23 =	vadd.f32 v39, v0;
	v39 =	vld [tilespmem:$0x1FD20]  }
0x1ef: {  	v33 =	vld [tilespmem:s11+$0x340];
	v58 =	vmul.f32 v53, v7;
	v28 =	vadd.f32 v46, v28;
	v46 =	vmul.f32 v48, v8  }
0x1f0: {  	v53 =	vld [tilespmem:s11+$0x330]  }
0x1f1: {  	v52 =	vld [tilespmem:s11+$0x320];
	v51 =	vmul.f32 v54, v3;
	v54 =	vadd.f32 v58, v46;
	v58 =	vmul.f32 v47, v6  }
0x1f2: {  	v48 =	vld [tilespmem:s11+$0x370]  }
0x1f3: {  	v1 =	vmul.f32 v39, v3;
	v39 =	vadd.f32 v58, v54;
	v54 =	vld [tilespmem:$0x1FD30]  }
0x1f4: {  	v58 =	vld [tilespmem:$0x1FD40]  }
0x1f5: {  	v13 =	vmul.f32 v13, v7;
	v47 =	vld [tilespmem:s11+$0x350];
	v0 =	vadd.f32 v1, v61;
	v61 =	vmul.f32 v15, v8  }
0x1f6: {  	v42 =	vmul.f32 v42, v5;
	v28 =	vadd.f32 v51, v28;
	v51 =	vld [tilespmem:s11+$0x380]  }
0x1f7: {  	v19 =	vmul.f32 v19, v6;
	v15 =	vld [tilespmem:s11+$0x360];
	v1 =	vadd.f32 v13, v61  }
0x1f8: {  	v39 =	vadd.f32 v42, v39;
	v42 =	vld [tilespmem:s11+$0x390];
	v46 =	vmul.f32 v54, v2  }
0x1f9: {  	v13 =	vmul.f32 v58, v2;
	v61 =	vadd.f32 v19, v1;
	v54 =	vmul.f32 v62, v5;
	v58 =	vld [tilespmem:$0x1FD50]  }
0x1fa: {  	v19 =	vld [tilespmem:s11+$0x3A0]  }
0x1fb: {  	v62 =	vmul.f32 v59, v4;
	v59 =	vld [tilespmem:s11+$0x3C0];
	v54 =	vadd.f32 v54, v61  }
0x1fc: {  	v18 =	vmul.f32 v18, v8;
	v38 =	vmul.f32 v38, v4;
	v28 =	vadd.f32 v46, v28;
	v61 =	vld [tilespmem:$0x1FD60]  }
0x1fd: {  	v46 =	vld [tilespmem:s11+$0x3B0];
	v62 =	vadd.f32 v62, v54;
	v54 =	vmul.f32 v55, v3;
	v55 =	vmul.f32 v10, v7  }
0x1fe: {  	v31 =	vmul.f32 v31, v3;
	v38 =	vadd.f32 v38, v39;
	v10 =	vld [tilespmem:s11+$0x3F0];
	v39 =	vmul.f32 v58, v9  }
0x1ff: {  	v13 =	vadd.f32 v13, v0;
	v18 =	vadd.f32 v55, v18;
	v55 =	vld [tilespmem:s11+$0x410]  }
0x200: {  	v0 =	vadd.f32 v39, v28;
	v28 =	vadd.f32 v31, v38;
	v38 =	vld [tilespmem:s11+$0x3D0]  }
0x201: {  	v1 =	vmul.f32 v61, v9;
	v61 =	vmul.f32 v14, v2;
	v14 =	vld [tilespmem:s11+$0x3E0]  }
0x202: {  	v63 =	vmul.f32 v63, v6;
	v39 =	vadd.f32 v54, v62;
	v62 =	vld [tilespmem:$0x1FD70];
	v54 =	vmul.f32 v60, v5  }
0x203: {  	v60 =	vmul.f32 v56, v4;
	v56 =	vmul.f32 v44, v3;
	v44 =	vld [tilespmem:s11+$0x4B0]  }
0x204: {  	v43 =	vmul.f32 v43, v2;
	v18 =	vadd.f32 v63, v18;
	v63 =	vmul.f32 v37, v7;
	v37 =	vld [tilespmem:s11+$0x470]  }
0x205: {  	v28 =	vadd.f32 v61, v28;
	v61 =	vmul.f32 v34, v7;
	v34 =	vld [tilespmem:s11+$0x400]  }
0x206: {  	v58 =	vmul.f32 v29, v8;
	v39 =	vadd.f32 v43, v39;
	v43 =	vld [tilespmem:s11+$0x440]  }
0x207: {  	v18 =	vadd.f32 v54, v18;
	v54 =	vld [tilespmem:s11+$0x450]  }
0x208: {  	v26 =	vmul.f32 v26, v9;
	v29 =	vadd.f32 v61, v58;
	v58 =	vld [tilespmem:s11+$0x420]  }
0x209: {  	v57 =	vmul.f32 v57, v5;
	v61 =	vmul.f32 v49, v4;
	v49 =	vld [tilespmem:s11+$0x460]  }
0x20a: {  	v27 =	vmul.f32 v27, v3;
	v35 =	vmul.f32 v35, v6;
	v26 =	vadd.f32 v26, v39;
	v39 =	vld [tilespmem:s11+$0x480]  }
0x20b: {  	v31 =	vmul.f32 v62, v9;
	v18 =	vadd.f32 v60, v18;
	v62 =	vmul.f32 v36, v8;
	v36 =	vld [tilespmem:s11+$0x490]  }
0x20c: {  	v1 =	vadd.f32 v1, v13;
	v60 =	vmul.f32 v40, v6;
	v40 =	vld [tilespmem:s11+$0x4A0];
	v29 =	vadd.f32 v35, v29  }
0x20d: {  	v25 =	vmul.f32 v25, v2;
	v35 =	vld [tilespmem:s12+$0x10];
	v13 =	vadd.f32 v31, v28;
	v18 =	vadd.f32 v27, v18  }
0x20e: {  	v12 =	vmul.f32 v12, v2;
	v31 =	vld [tilespmem:s11+$0x430];
	v29 =	vadd.f32 v57, v29;
	v57 =	vadd.f32 v63, v62  }
0x20f: {  	v30 =	vmul.f32 v30, v8;
	v62 =	vmul.f32 v45, v5;
	v45 =	vld [tilespmem:s11+$0x4C0];
	v18 =	vadd.f32 v25, v18  }
0x210: {  	v25 =	vld [tilespmem:s11+$0x4F0];
	v29 =	vadd.f32 v61, v29;
	v61 =	vmul.f32 v50, v7;
	v27 =	vadd.f32 v60, v57  }
0x211: {  	v24 =	vmul.f32 v24, v4;
	v57 =	vmul.f32 v33, v4;
	v33 =	vld [tilespmem:s12+$0xFFFFFFC0]  }
0x212: {  	v63 =	vmul.f32 v52, v6;
	v30 =	vadd.f32 v61, v30;
	v50 =	vadd.f32 v62, v27;
	v27 =	vld [tilespmem:s11+$0x4D0]  }
0x213: {  	v22 =	vmul.f32 v22, v3;
	v29 =	vadd.f32 v56, v29;
	v56 =	vmul.f32 v41, v9;
	v41 =	vld [tilespmem:s12+$0xFFFFFFF0]  }
0x214: {  	v53 =	vmul.f32 v53, v5;
	v52 =	vadd.f32 v63, v30;
	v30 =	vld [tilespmem:s11+$0x4E0];
	v24 =	vadd.f32 v24, v50  }
0x215: {  	v17 =	vmul.f32 v17, v9;
	v21 =	vmul.f32 v21, v2;
	v12 =	vadd.f32 v12, v29;
	v29 =	vld [tilespmem:s12+$0xFFFFFFE0]  }
0x216: {  	s9 =	sshrl.u32 s8, $0x3;
	v62 =	vmul.f32 v47, v3;
	v28 =	vadd.f32 v53, v52;
	v60 =	vadd.f32 v22, v24;
	v22 =	vld [tilespmem:s12+$0xFFFFFFD0]  }
0x217: {  	s9 =	smul.u32 $0x3000, s9;
	v47 =	vmul.f32 v42, v7;
	v63 =	vmul.f32 v51, v8;
	v12 =	vadd.f32 v56, v12;
	v56 =	vld [tilespmem:$0x1FD80]  }
0x218: {  	v16 =	vmul.f32 v16, v9;
	v17 =	vadd.f32 v17, v18;
	v61 =	vadd.f32 v57, v28;
	v28 =	vld [tilespmem:s12+$0x0]  }
0x219: {  	s10 =	sand.u32 $0x380, s23;
	s9 =	sshra.s32 s9, $0x2;
	v15 =	vmul.f32 v15, v2;
	v18 =	vadd.f32 v21, v60;
	v21 =	vadd.f32 v47, v63;
	v47 =	vld [tilespmem:s12+$0x20]  }
0x21a: {  	s9 =	sor.u32 s10, s9;
	v19 =	vmul.f32 v19, v6;
	v57 =	vmul.f32 v58, v6;
	v58 =	vld [tilespmem:$0x1FD90]  }
0x21b: {  	s10 =	sadd.s32 $0x1A400, s9;
	v59 =	vmul.f32 v59, v4;
	v39 =	vmul.f32 v39, v8;
	v60 =	vld [tilespmem:$0x1FDA0]  }
0x21c: {  	v31 =	vmul.f32 v31, v5;
	v42 =	vmul.f32 v40, v6;
	v53 =	vadd.f32 v19, v21;
	v21 =	vld [tilespmem:s12+$0x30];
	[tilespmem:s10+$0x50] =	vst v11  }
0x21d: {  	v50 =	vmul.f32 v48, v9;
	v63 =	vmul.f32 v36, v7;
	v36 =	vld [tilespmem:$0x1FDC0];
	[tilespmem:s10+$0x60] =	vst v32  }
0x21e: {  	v51 =	vmul.f32 v34, v8;
	v48 =	vmul.f32 v44, v5;
	v24 =	vadd.f32 v62, v61;
	v61 =	vld [tilespmem:$0x1FDB0];
	[tilespmem:s10+$0x70] =	vst v20  }
0x21f: {  	v8 =	vmul.f32 v33, v8;
	v52 =	vmul.f32 v55, v7;
	[tilespmem:s9+$0x1A400] =	vst v56  }
0x220: {  	v55 =	vmul.f32 v46, v5;
	v46 =	vmul.f32 v14, v2;
	[tilespmem:s10+$0x10] =	vst v58  }
0x221: {  	v5 =	vmul.f32 v41, v5;
	v6 =	vmul.f32 v29, v6;
	v16 =	vadd.f32 v16, v18;
	[tilespmem:s10+$0x20] =	vst v60  }
0x222: {  	v62 =	vmul.f32 v38, v3;
	v38 =	vmul.f32 v43, v4;
	v39 =	vadd.f32 v63, v39;
	[tilespmem:s10+$0x40] =	vst v36  }
0x223: {  	v63 =	vimm.f32 $0.0e+00;
	v7 =	vmul.f32 v22, v7;
	v15 =	vadd.f32 v15, v24;
	[tilespmem:s10+$0x30] =	vst v61  }
0x224: {  	s24 =	sadd.s32 $0x1A800, s9;
	v56 =	vmul.f32 v10, v9;
	v24 =	vadd.f32 v52, v51;
	v18 =	vadd.f32 v55, v53;
	[tilespmem:s9+$0x1A800] =	vst v23  }
0x225: {  	v43 =	vadd.f32 v42, v39;
	v51 =	vmul.f32 v45, v4;
	v7 =	vadd.f32 v7, v8;
	[tilespmem:s24+$0x40] =	vst v26  }
0x226: {  	v53 =	vmul.f32 v49, v2;
	v15 =	vadd.f32 v50, v15;
	v24 =	vadd.f32 v57, v24;
	[tilespmem:s24+$0x50] =	vst v17  }
0x227: {  	v55 =	vmul.f32 v27, v3;
	v8 =	vadd.f32 v48, v43;
	v6 =	vadd.f32 v6, v7;
	[tilespmem:s24+$0x60] =	vst v12  }
0x228: {  	v4 =	vmul.f32 v28, v4;
	v18 =	vadd.f32 v59, v18;
	v24 =	vadd.f32 v31, v24;
	[tilespmem:s24+$0x70] =	vst v16  }
0x229: {  	v50 =	vmul.f32 v54, v3;
	v54 =	vadd.f32 v51, v8;
	[tilespmem:s24+$0x10] =	vst v0;
	v5 =	vadd.f32 v5, v6  }
0x22a: {  	v58 =	vmul.f32 v30, v2;
	v18 =	vadd.f32 v62, v18;
	[tilespmem:s24+$0x20] =	vst v1;
	v22 =	vadd.f32 v38, v24  }
0x22b: {  	v3 =	vmul.f32 v35, v3;
	[tilespmem:s24+$0x30] =	vst v13;
	v57 =	vadd.f32 v55, v54;
	v4 =	vadd.f32 v4, v5  }
0x22c: {  	v2 =	vmul.f32 v47, v2;
	s24 =	sadd.s32 $0x1AC00, s9;
	v11 =	vadd.f32 v46, v18;
	[tilespmem:s9+$0x1AC00] =	vst v15;
	v52 =	vadd.f32 v50, v22  }
0x22d: {  	v61 =	vmul.f32 v25, v9;
	[tilespmem:s24+$0x50] =	vst v63;
	v1 =	vadd.f32 v58, v57;
	v3 =	vadd.f32 v3, v4  }
0x22e: {  	p0 =	sne.s32 s8, $0xF;
	v59 =	vmul.f32 v37, v9;
	[tilespmem:s24+$0x60] =	vst v63;
	v60 =	vadd.f32 v56, v11;
	v0 =	vadd.f32 v53, v52  }
.Ltmp1:
0x22f: {  	v62 =	vmul.f32 v21, v9;
	[tilespmem:s24+$0x70] =	vst v63;
	v1 =	vadd.f32 v61, v1;
	v2 =	vadd.f32 v2, v3;
	(pc) =	sbr.rel @p0 .LBB2_5-.Ltmp1, $4  }
0x230: {  	[tilespmem:s24+$0x10] =	vst v60;
	v0 =	vadd.f32 v59, v0  }
0x231: {  	[tilespmem:s24+$0x30] =	vst v1;
	v2 =	vadd.f32 v62, v2  }
0x232: {  	s23 =	sadd.s32 $0x80, s23;
	s7 =	sadd.s32 $0x80, s7;
	[tilespmem:s24+$0x20] =	vst v0  }
0x233: {  	s8 =	sadd.s32 $0x1, s8;
	s11 =	sadd.s32 $0xA00, s11;
	s12 =	sadd.s32 $0x80, s12;
	[tilespmem:s24+$0x40] =	vst v2  }
0x234: {  	s21 =	sadd.s32 $0x1, s21  }
0x235: {  	s7 =	sor.u32 s6, s22;
	p0 =	sne.s32 s21, $0x10  }
.Ltmp2:
0x236: {  	s7 =	sshrl.u32 s7, $0x3;
	(pc) =	sbr.rel @p0 .LBB2_2-.Ltmp2, $3  }
0x237: {  	s7 =	smul.u32 $0x180, s7;
	_ =	sdelay $0x1  }
0x238: {  	s7 =	sadd.s32 s5, s7  }
0x239: {  	[hbm4b:s7+s4] =	stream.linear.scatter [tilespmem:s16], [sflag:$0x5], $0x1800, $0x38;
	[tilespmem:$0x1BC00] =	vst v63  }
0x23a: {  	_ =	swait.ge [sflag:s18], $0x1800  }
0x23b: {  	[sflag:s18] =	ssyncset.done $0x0  }
0x23c: {  	[sflag:s18] =	ssyncadd.s32 $0xFFFFE800  }
0x23d: {  	_ =	swait.ge [sflag:s19], $0x1800  }
0x23e: {  	s20 =	sadd.s32 $0x1, s20;
	s7 =	rddreg [dreg:$0x9]  }
0x23f: {  	p0 =	sne.s32 s20, s7  }
.Ltmp3:
0x240: {  	_ = 	snop;
	(pc) =	sbr.rel @p0 .LBB2_1-.Ltmp3, $3  }
0x241: {  	_ =	sdelay $0x1  }
0x242: {  	[sflag:s19] =	ssyncset.done $0x0  }
0x243: {  	[sflag:s19] =	ssyncadd.s32 $0xFFFFE800  }
0x244: {  	_ =	sfence.sel $0x180000  }
0x245: {  	[bflag:$0x0] =	sbarrier.arrive $0xFFFF  }
0x246: {  	_ =	strace $0x90000047  }
0x247: {  	s0 =	stileid.u32;
	[bflag:$0x2] =	sbarrier.arrive $0xFFFF  }
0x248: {  	p0 =	sne.s32 s0, $0x0;
	s0 =	rddreg [dreg:$0x5]  }
0x249: {  	s0 =	sadd.s32 @!p0 $0x100000, s0  }
0x24a: {  	[sflag:s0] =	ssyncadd.tile.s32 @!p0 $0x1;
	_ =	shalt  }
.Lfunc_end2:
_tile_overlayer_lowered:
.L_overlay_start_2:
0x24b: {  	(tag) =	ssettag $0x2  }
0x24c: {  	s0 =	rddreg [dreg:$0x0];
	s2 =	stileid.u32  }
0x24d: {  	s1 =	rddreg [dreg:$0x1];
	p0 =	sne.s32 s2, $0x0  }
0x24e: {  	s3 =	rddreg [dreg:$0x2];
	[bflag:$0x3] =	sbarrier.arrive $0xFFFF;
	s2 =	simm.s32 @!p0 $0x1C06  }
0x24f: {  	[timem:s3], [sflag:s2] =	dma.local @!p0 [hbm:s0], s1  }
0x250: {  	s0 =	simm.s32 @!p0 $0x6  }
0x251: {  	_ =	swait.ge @!p0 [sflag:s0], s1  }
0x252: {  	s1 =	ssub.s32 @!p0 $0x0, s1;
	[sflag:s0] =	ssyncset.done @!p0 $0x0  }
0x253: {  	[sflag:s0] =	ssyncadd.s32 @!p0 s1  }
0x254: {  	[bflag:$0x3] =	sbarrier.arrive $0xFFFF  }
0x255: {  	_ =	shalt  }

</sc_bundles>
